<compile_context>
chip_gen: v7x
topology: tpu7x:2x2x1
jax: 0.10.2.dev20260603
libtpu: 0.0.44.dev20260713+nightly
codegen_flags: <defaults>
</compile_context>

<pallas_src>
import functools

import jax
import jax.numpy as jnp
import numpy as np
from jax import lax
from jax.experimental import pallas as pl
from jax.experimental.pallas import tpu as pltpu
from jax.experimental.pallas import tpu_sc as plsc

NC = 2
NS = 16
L = 16
NW = NC * NS

CPAD = 1024
LOG = 10
CHUNK = CPAD // NW

_mesh = plsc.VectorSubcoreMesh(core_axis_name="c", subcore_axis_name="s")
_params = pltpu.CompilerParams(needs_layout_passes=False)


def _bitrev_np(x):
    x = ((x & 0x5555) << 1) | ((x >> 1) & 0x5555)
    x = ((x & 0x3333) << 2) | ((x >> 2) & 0x3333)
    x = ((x & 0x0F0F) << 4) | ((x >> 4) & 0x0F0F)
    x = ((x & 0x00FF) << 8) | ((x >> 8) & 0x00FF)
    return x >> (16 - LOG)


_BRTABLE = _bitrev_np(np.arange(CPAD)).astype(np.int32)


def _pad_centers(c_hbm, c_v):
    c = c_hbm.shape[0]
    pltpu.sync_copy(c_hbm, c_v.at[pl.ds(0, c)])
    inf = jnp.full((L,), jnp.inf, jnp.float32)
    for off in range(c, CPAD, L):
        c_v[pl.ds(min(off, CPAD - L), L)] = inf


@functools.partial(
    pl.kernel,
    out_type=jax.ShapeDtypeStruct((CPAD,), jnp.int32),
    mesh=_mesh,
    compiler_params=_params,
    scratch_types=[
        pltpu.VMEM((CPAD,), jnp.float32),
        pltpu.VMEM((CHUNK,), jnp.int32),
    ],
)
def _sort_centers(c_hbm, rank_hbm, c_v, rank_v):
    wid = lax.axis_index("s") * NC + lax.axis_index("c")
    _pad_centers(c_hbm, c_v)
    base = wid * CHUNK
    iota = lax.iota(jnp.int32, L)
    rots = [(iota + r) & (L - 1) for r in range(L)]
    j0 = base + iota
    j1 = base + L + iota
    v0 = c_v[pl.ds(base, L)]
    v1 = c_v[pl.ds(base + L, L)]

    def _block(g, r, strict):
        r0, r1 = r
        kb = g * L
        for rot in rots:
            ck = plsc.load_gather(c_v, [kb + rot])
            c0 = (ck < v0) if strict else (ck <= v0)
            c1 = (ck < v1) if strict else (ck <= v1)
            r0 = r0 + c0.astype(jnp.int32)
            r1 = r1 + c1.astype(jnp.int32)
        return r0, r1

    zero = (jnp.zeros((L,), jnp.int32),) * 2
    r = lax.fori_loop(0, 2 * wid, lambda g, r: _block(g, r, False), zero)
    r0, r1 = r
    for o in (0, L):
        for rot in rots:
            kidx = base + o + rot
            ck = plsc.load_gather(c_v, [kidx])
            inc0 = jnp.where(kidx < j0, ck <= v0, ck < v0)
            inc1 = jnp.where(kidx < j1, ck <= v1, ck < v1)
            r0 = r0 + inc0.astype(jnp.int32)
            r1 = r1 + inc1.astype(jnp.int32)
    r = lax.fori_loop(2 * wid + 2, 2 * NW, lambda g, r: _block(g, r, True),
                      (r0, r1))
    r0, r1 = r

    rank_v[pl.ds(0, L)] = r0
    rank_v[pl.ds(L, L)] = r1
    pltpu.sync_copy(rank_v, rank_hbm.at[pl.ds(base, CHUNK)])


def _make_main(bpw: int, unroll: int):
    @functools.partial(
        pl.kernel,
        out_type=jax.ShapeDtypeStruct((NW, L), jnp.float32),
        mesh=_mesh,
        compiler_params=_params,
        scratch_types=[
            pltpu.VMEM((CPAD,), jnp.int32),
            pltpu.VMEM((CPAD,), jnp.int32),
            pltpu.VMEM((CPAD,), jnp.float32),
            pltpu.VMEM((CPAD,), jnp.float32),
            pltpu.VMEM((CPAD,), jnp.float32),
            pltpu.VMEM((bpw,), jnp.float32),
            pltpu.VMEM((bpw,), jnp.int32),
            pltpu.VMEM((L,), jnp.float32),
            pltpu.SemaphoreType.DMA,
        ],
    )
    def _main(rank_hbm, brt_hbm, c_hbm, x_hbm, t_hbm, out_hbm,
              rank_v, brt_v, c_v, s_v, sbr_v, x_v, t_v, acc_v, sem):
        wid = lax.axis_index("s") * NC + lax.axis_index("c")
        base = wid * bpw
        cps = [
            pltpu.async_copy(rank_hbm, rank_v, sem),
            pltpu.async_copy(brt_hbm, brt_v, sem),
            pltpu.async_copy(x_hbm.at[pl.ds(base, bpw)], x_v, sem),
            pltpu.async_copy(t_hbm.at[pl.ds(base, bpw)], t_v, sem),
        ]
        _pad_centers(c_hbm, c_v)
        for cp in cps:
            cp.wait()

        for b in range(CPAD // L):
            rv = rank_v[pl.ds(b * L, L)]
            cv = c_v[pl.ds(b * L, L)]
            plsc.store_scatter(s_v, [rv], cv)
            rbr = plsc.load_gather(brt_v, [rv])
            plsc.store_scatter(sbr_v, [rbr], cv)

        def _splat(ref, a):
            return plsc.load_gather(ref, [jnp.full((L,), a, jnp.int32)])

        a1 = _splat(sbr_v, 1022)
        a2 = [_splat(sbr_v, 1020 + i) for i in range(2)]
        a3 = [_splat(sbr_v, 1016 + i) for i in range(4)]

        def one_vec(xv, tv):
            c1 = a1 <= xv
            q = c1.astype(jnp.int32)
            c2 = jnp.where(c1, a2[1], a2[0]) <= xv
            q = q | (c2.astype(jnp.int32) << 1)
            sv3 = jnp.where(c2,
                            jnp.where(c1, a3[3], a3[2]),
                            jnp.where(c1, a3[1], a3[0]))
            q = q | ((sv3 <= xv).astype(jnp.int32) << 2)
            for lvl in range(4, LOG + 1):
                addr = q + (((1 << (LOG - lvl)) - 1) << lvl)
                b = (plsc.load_gather(sbr_v, [addr]) <= xv).astype(jnp.int32)
                q = q | (b << (lvl - 1))
            p = plsc.load_gather(brt_v, [q])
            i0 = p - 2
            i1 = p - 1
            d0 = jnp.abs(xv - plsc.load_gather(s_v, [jnp.maximum(i0, 0)]))
            d1 = jnp.abs(xv - plsc.load_gather(s_v, [jnp.maximum(i1, 0)]))
            d0 = jnp.where(i0 >= 0, d0, jnp.inf)
            d1 = jnp.where(i1 >= 0, d1, jnp.inf)
            d2 = jnp.abs(xv - plsc.load_gather(s_v, [p]))
            d3 = jnp.abs(xv - plsc.load_gather(s_v, [p + 1]))
            m1 = jnp.minimum(d1, d2)
            m2 = jnp.minimum(jnp.maximum(d1, d2), jnp.where(d1 <= d2, d0, d3))
            pull = jnp.abs(xv - plsc.load_gather(c_v, [tv]))
            push = jnp.where(pull > m1, m1, m2)
            return jnp.maximum(pull - push, 0.0)

        def body(i, acc):
            for u in range(unroll):
                off = (i * unroll + u) * L
                acc = acc + one_vec(x_v[pl.ds(off, L)], t_v[pl.ds(off, L)])
            return acc

        acc = lax.fori_loop(0, bpw // (L * unroll),
                            body, jnp.zeros((L,), jnp.float32))
        acc_v[...] = acc
        pltpu.sync_copy(acc_v, out_hbm.at[wid])

    return _main


def kernel(x, centers, transform_inds):
    b = x.shape[0]
    c = centers.shape[0]
    bpw = b // NW
    ranks = _sort_centers(centers.reshape(c))
    partials = _make_main(bpw, 2)(
        ranks, jnp.asarray(_BRTABLE), centers.reshape(c),
        x.reshape(b), transform_inds)
    return jnp.sum(partials).reshape(1) / b

# --- scband reference (transcript-rebuilt; emitter-appended) ---
"""Pipeline reference for scband-center-triplet-loss-47244640256460 (READ-ONLY COPY).

The authoritative reference and input builder live on the scoring server;
editing this copy changes nothing except your own understanding.
"""

import jax, jax.numpy as jnp
import numpy as np

B = 16384
C = 1000

def setup_inputs(seed: int = 0) -> dict:
    key = jax.random.key(seed)
    k1, k2, k3 = jax.random.split(key, 3)
    x = jax.random.normal(k1, (B, 1), dtype=jnp.float32)
    # learned parameter self.centers of shape [num_classes, 1]; the forward arg
    # 'centers' is immediately shadowed by self.centers in the original module,
    # so we materialize the parameter here and pass it as 'centers'.
    centers = jax.random.normal(k2, (C, 1), dtype=jnp.float32)
    transform_inds = jax.random.randint(k3, (B,), 0, C, dtype=jnp.int32)
    return {"x": x, "centers": centers, "transform_inds": transform_inds}

def reference(x, centers, transform_inds):
    n = x.shape[0]
    num_classes = centers.shape[0]
    # dist_mat = sqrt((x - centers.T)^2) = |x - centers.T|, shape [B, C]
    dist_mat = jnp.sqrt(jnp.square(x - centers.T))
    # same_center_mask: one-hot scatter of transform_inds
    mask = jnp.zeros((n, num_classes), dtype=jnp.float32)
    mask = mask.at[jnp.arange(n), transform_inds].set(1.0)
    pull = jnp.sum(dist_mat * mask, axis=1)
    # push: min over the (num_classes - 1) non-same-center distances per row;
    # equivalent to masking the same-center entry with +inf and taking min.
    push = jnp.min(jnp.where(mask > 0, jnp.inf, dist_mat), axis=1)
    loss = jnp.sum(jax.nn.relu(pull - push)) / n
    return jnp.reshape(loss, (1,))

if __name__ == "__main__":
    import jax
    _d = setup_inputs()
    print(jax.jit(kernel)(*tuple(_d.values())))

</pallas_src>

<mosaic_0001>
#map = affine_map<(d0, d1) -> (0)>
module attributes {stable_mosaic.version = 14 : i64} {
  func.func @_sort_centers(%arg0: i32, %arg1: i32, %arg2: memref<1000xf32, #tpu.memory_space<hbm>>, %arg3: memref<1024xi32, #tpu.memory_space<hbm>>, %arg4: memref<1024xf32, #tpu.memory_space<vmem>>, %arg5: memref<32xi32, #tpu.memory_space<vmem>>) attributes {dimension_semantics = [#tpu.dimension_semantics<core_parallel>, #tpu.dimension_semantics<subcore_parallel>], iteration_bounds = array<i64: 2, 16>, scalar_prefetch = 0 : i64, scratch_operands = 2 : i64, tpu.core_type = #tpu.core_type<sc_vector_subcore>, window_params = [{transform_indices = #map}, {transform_indices = #map}]} {
    %mul3A = arith.constant 2 : i32
    %mul3A_0 = arith.muli %arg1, %mul3A : i32
    %add3A = arith.addi %mul3A_0, %arg0 : i32
    "tpu.region"() ({
      %run_scoped3A = tpu.sem_alloc : memref<!tpu.dma_semaphore, #tpu.memory_space<semaphore_mem>>
      %dma_start3A = arith.constant 0 : i32
      %dma_start3A_685 = tpu.memref_slice %arg4[%dma_start3A] : memref<1024xf32, #tpu.memory_space<vmem>> -> memref<1000xf32, #tpu.memory_space<vmem>>
      %dma_start3A_686 = arith.constant 0 : i32
      %dma_start3A_687 = tpu.memref_slice %arg4[%dma_start3A_686] : memref<1024xf32, #tpu.memory_space<vmem>> -> memref<1000xf32, #tpu.memory_space<vmem>>
      tpu.enqueue_dma source(%arg2 : memref<1000xf32, #tpu.memory_space<hbm>>) target(%dma_start3A_687 : memref<1000xf32, #tpu.memory_space<vmem>>) target_semaphore(%run_scoped3A : memref<!tpu.dma_semaphore, #tpu.memory_space<semaphore_mem>>)
      %dma_wait3A = arith.constant 0 : i32
      %dma_wait3A_688 = tpu.memref_slice %arg4[%dma_wait3A] : memref<1024xf32, #tpu.memory_space<vmem>> -> memref<1000xf32, #tpu.memory_space<vmem>>
      %dma_wait3A_689 = arith.constant 0 : i32
      %dma_wait3A_690 = tpu.memref_slice %arg4[%dma_wait3A_689] : memref<1024xf32, #tpu.memory_space<vmem>> -> memref<1000xf32, #tpu.memory_space<vmem>>
      tpu.wait_dma2 semaphore(%run_scoped3A : memref<!tpu.dma_semaphore, #tpu.memory_space<semaphore_mem>>) src(%arg2 : memref<1000xf32, #tpu.memory_space<hbm>>) dst(%dma_wait3A_690 : memref<1000xf32, #tpu.memory_space<vmem>>)
      tpu.yield
    }) : () -> ()
    %broadcast_in_dim3A = arith.constant 0x7F800000 : f32
    %broadcast_in_dim3A_1 = vector.broadcast %broadcast_in_dim3A : f32 to vector<16xf32>
    %swap3A = arith.constant 1000 : index
    %swap3A_2 = tpu.vector_load %arg4[%swap3A] {strides = array<i32>} : memref<1024xf32, #tpu.memory_space<vmem>>, vector<16xf32>,
    tpu.vector_store %arg4[%swap3A], %broadcast_in_dim3A_1 {strides = array<i32>} : memref<1024xf32, #tpu.memory_space<vmem>>, vector<16xf32>,
    %swap3A_3 = arith.constant 1008 : index
    %swap3A_4 = tpu.vector_load %arg4[%swap3A_3] {strides = array<i32>} : memref<1024xf32, #tpu.memory_space<vmem>>, vector<16xf32>,
    tpu.vector_store %arg4[%swap3A_3], %broadcast_in_dim3A_1 {strides = array<i32>} : memref<1024xf32, #tpu.memory_space<vmem>>, vector<16xf32>,
    %mul3A_5 = arith.constant 32 : i32
    %mul3A_6 = arith.muli %add3A, %mul3A_5 : i32
    %iota3A = tpu.iota {dimensions = array<i32: 0>} : vector<16xi32>
    %add3A_7 = arith.constant 0 : i32
    %add3A_8 = vector.broadcast %add3A_7 : i32 to vector<16xi32>
    %add3A_9 = arith.addi %iota3A, %add3A_8 : vector<16xi32>
    %and3A = arith.constant 15 : i32
    %and3A_10 = vector.broadcast %and3A : i32 to vector<16xi32>
    %and3A_11 = arith.andi %add3A_9, %and3A_10 : vector<16xi32>
    %add3A_12 = arith.constant 1 : i32
    %add3A_13 = vector.broadcast %add3A_12 : i32 to vector<16xi32>
    %add3A_14 = arith.addi %iota3A, %add3A_13 : vector<16xi32>
    %and3A_15 = arith.constant 15 : i32
    %and3A_16 = vector.broadcast %and3A_15 : i32 to vector<16xi32>
    %and3A_17 = arith.andi %add3A_14, %and3A_16 : vector<16xi32>
    %add3A_18 = arith.constant 2 : i32
    %add3A_19 = vector.broadcast %add3A_18 : i32 to vector<16xi32>
    %add3A_20 = arith.addi %iota3A, %add3A_19 : vector<16xi32>
    %and3A_21 = arith.constant 15 : i32
    %and3A_22 = vector.broadcast %and3A_21 : i32 to vector<16xi32>
    %and3A_23 = arith.andi %add3A_20, %and3A_22 : vector<16xi32>
    %add3A_24 = arith.constant 3 : i32
    %add3A_25 = vector.broadcast %add3A_24 : i32 to vector<16xi32>
    %add3A_26 = arith.addi %iota3A, %add3A_25 : vector<16xi32>
    %and3A_27 = arith.constant 15 : i32
    %and3A_28 = vector.broadcast %and3A_27 : i32 to vector<16xi32>
    %and3A_29 = arith.andi %add3A_26, %and3A_28 : vector<16xi32>
    %add3A_30 = arith.constant 4 : i32
    %add3A_31 = vector.broadcast %add3A_30 : i32 to vector<16xi32>
    %add3A_32 = arith.addi %iota3A, %add3A_31 : vector<16xi32>
    %and3A_33 = arith.constant 15 : i32
    %and3A_34 = vector.broadcast %and3A_33 : i32 to vector<16xi32>
    %and3A_35 = arith.andi %add3A_32, %and3A_34 : vector<16xi32>
    %add3A_36 = arith.constant 5 : i32
    %add3A_37 = vector.broadcast %add3A_36 : i32 to vector<16xi32>
    %add3A_38 = arith.addi %iota3A, %add3A_37 : vector<16xi32>
    %and3A_39 = arith.constant 15 : i32
    %and3A_40 = vector.broadcast %and3A_39 : i32 to vector<16xi32>
    %and3A_41 = arith.andi %add3A_38, %and3A_40 : vector<16xi32>
    %add3A_42 = arith.constant 6 : i32
    %add3A_43 = vector.broadcast %add3A_42 : i32 to vector<16xi32>
    %add3A_44 = arith.addi %iota3A, %add3A_43 : vector<16xi32>
    %and3A_45 = arith.constant 15 : i32
    %and3A_46 = vector.broadcast %and3A_45 : i32 to vector<16xi32>
    %and3A_47 = arith.andi %add3A_44, %and3A_46 : vector<16xi32>
    %add3A_48 = arith.constant 7 : i32
    %add3A_49 = vector.broadcast %add3A_48 : i32 to vector<16xi32>
    %add3A_50 = arith.addi %iota3A, %add3A_49 : vector<16xi32>
    %and3A_51 = arith.constant 15 : i32
    %and3A_52 = vector.broadcast %and3A_51 : i32 to vector<16xi32>
    %and3A_53 = arith.andi %add3A_50, %and3A_52 : vector<16xi32>
    %add3A_54 = arith.constant 8 : i32
    %add3A_55 = vector.broadcast %add3A_54 : i32 to vector<16xi32>
    %add3A_56 = arith.addi %iota3A, %add3A_55 : vector<16xi32>
    %and3A_57 = arith.constant 15 : i32
    %and3A_58 = vector.broadcast %and3A_57 : i32 to vector<16xi32>
    %and3A_59 = arith.andi %add3A_56, %and3A_58 : vector<16xi32>
    %add3A_60 = arith.constant 9 : i32
    %add3A_61 = vector.broadcast %add3A_60 : i32 to vector<16xi32>
    %add3A_62 = arith.addi %iota3A, %add3A_61 : vector<16xi32>
    %and3A_63 = arith.constant 15 : i32
    %and3A_64 = vector.broadcast %and3A_63 : i32 to vector<16xi32>
    %and3A_65 = arith.andi %add3A_62, %and3A_64 : vector<16xi32>
    %add3A_66 = arith.constant 10 : i32
    %add3A_67 = vector.broadcast %add3A_66 : i32 to vector<16xi32>
    %add3A_68 = arith.addi %iota3A, %add3A_67 : vector<16xi32>
    %and3A_69 = arith.constant 15 : i32
    %and3A_70 = vector.broadcast %and3A_69 : i32 to vector<16xi32>
    %and3A_71 = arith.andi %add3A_68, %and3A_70 : vector<16xi32>
    %add3A_72 = arith.constant 11 : i32
    %add3A_73 = vector.broadcast %add3A_72 : i32 to vector<16xi32>
    %add3A_74 = arith.addi %iota3A, %add3A_73 : vector<16xi32>
    %and3A_75 = arith.constant 15 : i32
    %and3A_76 = vector.broadcast %and3A_75 : i32 to vector<16xi32>
    %and3A_77 = arith.andi %add3A_74, %and3A_76 : vector<16xi32>
    %add3A_78 = arith.constant 12 : i32
    %add3A_79 = vector.broadcast %add3A_78 : i32 to vector<16xi32>
    %add3A_80 = arith.addi %iota3A, %add3A_79 : vector<16xi32>
    %and3A_81 = arith.constant 15 : i32
    %and3A_82 = vector.broadcast %and3A_81 : i32 to vector<16xi32>
    %and3A_83 = arith.andi %add3A_80, %and3A_82 : vector<16xi32>
    %add3A_84 = arith.constant 13 : i32
    %add3A_85 = vector.broadcast %add3A_84 : i32 to vector<16xi32>
    %add3A_86 = arith.addi %iota3A, %add3A_85 : vector<16xi32>
    %and3A_87 = arith.constant 15 : i32
    %and3A_88 = vector.broadcast %and3A_87 : i32 to vector<16xi32>
    %and3A_89 = arith.andi %add3A_86, %and3A_88 : vector<16xi32>
    %add3A_90 = arith.constant 14 : i32
    %add3A_91 = vector.broadcast %add3A_90 : i32 to vector<16xi32>
    %add3A_92 = arith.addi %iota3A, %add3A_91 : vector<16xi32>
    %and3A_93 = arith.constant 15 : i32
    %and3A_94 = vector.broadcast %and3A_93 : i32 to vector<16xi32>
    %and3A_95 = arith.andi %add3A_92, %and3A_94 : vector<16xi32>
    %add3A_96 = arith.constant 15 : i32
    %add3A_97 = vector.broadcast %add3A_96 : i32 to vector<16xi32>
    %add3A_98 = arith.addi %iota3A, %add3A_97 : vector<16xi32>
    %and3A_99 = arith.constant 15 : i32
    %and3A_100 = vector.broadcast %and3A_99 : i32 to vector<16xi32>
    %and3A_101 = arith.andi %add3A_98, %and3A_100 : vector<16xi32>
    %add3A_102 = vector.broadcast %mul3A_6 : i32 to vector<16xi32>
    %add3A_103 = arith.addi %add3A_102, %iota3A : vector<16xi32>
    %add3A_104 = arith.constant 16 : i32
    %add3A_105 = arith.addi %mul3A_6, %add3A_104 : i32
    %add3A_106 = vector.broadcast %add3A_105 : i32 to vector<16xi32>
    %add3A_107 = arith.addi %add3A_106, %iota3A : vector<16xi32>
    %get3A = arith.index_cast %mul3A_6 : i32 to index
    %get3A_108 = tpu.vector_load %arg4[%get3A] {strides = array<i32>} : memref<1024xf32, #tpu.memory_space<vmem>>, vector<16xf32>,
    %add3A_109 = arith.constant 16 : i32
    %add3A_110 = arith.addi %mul3A_6, %add3A_109 : i32
    %get3A_111 = arith.index_cast %add3A_110 : i32 to index
    %get3A_112 = tpu.vector_load %arg4[%get3A_111] {strides = array<i32>} : memref<1024xf32, #tpu.memory_space<vmem>>, vector<16xf32>,
    %broadcast_in_dim3A_113 = arith.constant 0 : i32
    %broadcast_in_dim3A_114 = vector.broadcast %broadcast_in_dim3A_113 : i32 to vector<16xi32>
    %mul3A_115 = arith.constant 2 : i32
    %mul3A_116 = arith.muli %mul3A_115, %add3A : i32
    %while3A = arith.constant 0 : i32
    %while3A_117 = arith.subi %mul3A_116, %while3A : i32
    %while3A_118 = arith.addi %while3A, %while3A_117 : i32
    %while3A_119 = arith.constant 1 : i32
    %while3A_120 = arith.divsi %while3A_117, %while3A_119 : i32
    %while3A_121 = arith.muli %while3A_120, %while3A_119 : i32
    %while3A_122 = arith.addi %while3A, %while3A_121 : i32
    %while3A_123 = arith.constant 1 : i32
    %while3A_124:2 = scf.for %while3A_685 = %while3A to %while3A_122 step %while3A_123 iter_args(%while3A_686 = %broadcast_in_dim3A_114, %while3A_687 = %broadcast_in_dim3A_114) -> (vector<16xi32>, vector<16xi32>)  : i32 {
      %mul3A_688 = arith.constant 16 : i32
      %mul3A_689 = arith.muli %while3A_685, %mul3A_688 : i32
      %add3A_690 = vector.broadcast %mul3A_689 : i32 to vector<16xi32>
      %add3A_691 = arith.addi %add3A_690, %and3A_11 : vector<16xi32>
      %gather3A_692 = tpu.vector_load_idx %arg4[%add3A_691] : memref<1024xf32, #tpu.memory_space<vmem>>[vector<16xi32>], vector<16xf32>,
      %le3A_693 = arith.cmpf ole, %gather3A_692, %get3A_108 : vector<16xf32>
      %le3A_694 = arith.cmpf ole, %gather3A_692, %get3A_112 : vector<16xf32>
      %convert_element_type3A_695 = arith.extui %le3A_693 : vector<16xi1> to vector<16xi32>
      %add3A_696 = arith.addi %while3A_686, %convert_element_type3A_695 : vector<16xi32>
      %convert_element_type3A_697 = arith.extui %le3A_694 : vector<16xi1> to vector<16xi32>
      %add3A_698 = arith.addi %while3A_687, %convert_element_type3A_697 : vector<16xi32>
      %add3A_699 = vector.broadcast %mul3A_689 : i32 to vector<16xi32>
      %add3A_700 = arith.addi %add3A_699, %and3A_17 : vector<16xi32>
      %gather3A_701 = tpu.vector_load_idx %arg4[%add3A_700] : memref<1024xf32, #tpu.memory_space<vmem>>[vector<16xi32>], vector<16xf32>,
      %le3A_702 = arith.cmpf ole, %gather3A_701, %get3A_108 : vector<16xf32>
      %le3A_703 = arith.cmpf ole, %gather3A_701, %get3A_112 : vector<16xf32>
      %convert_element_type3A_704 = arith.extui %le3A_702 : vector<16xi1> to vector<16xi32>
      %add3A_705 = arith.addi %add3A_696, %convert_element_type3A_704 : vector<16xi32>
      %convert_element_type3A_706 = arith.extui %le3A_703 : vector<16xi1> to vector<16xi32>
      %add3A_707 = arith.addi %add3A_698, %convert_element_type3A_706 : vector<16xi32>
      %add3A_708 = vector.broadcast %mul3A_689 : i32 to vector<16xi32>
      %add3A_709 = arith.addi %add3A_708, %and3A_23 : vector<16xi32>
      %gather3A_710 = tpu.vector_load_idx %arg4[%add3A_709] : memref<1024xf32, #tpu.memory_space<vmem>>[vector<16xi32>], vector<16xf32>,
      %le3A_711 = arith.cmpf ole, %gather3A_710, %get3A_108 : vector<16xf32>
      %le3A_712 = arith.cmpf ole, %gather3A_710, %get3A_112 : vector<16xf32>
      %convert_element_type3A_713 = arith.extui %le3A_711 : vector<16xi1> to vector<16xi32>
      %add3A_714 = arith.addi %add3A_705, %convert_element_type3A_713 : vector<16xi32>
      %convert_element_type3A_715 = arith.extui %le3A_712 : vector<16xi1> to vector<16xi32>
      %add3A_716 = arith.addi %add3A_707, %convert_element_type3A_715 : vector<16xi32>
      %add3A_717 = vector.broadcast %mul3A_689 : i32 to vector<16xi32>
      %add3A_718 = arith.addi %add3A_717, %and3A_29 : vector<16xi32>
      %gather3A_719 = tpu.vector_load_idx %arg4[%add3A_718] : memref<1024xf32, #tpu.memory_space<vmem>>[vector<16xi32>], vector<16xf32>,
      %le3A_720 = arith.cmpf ole, %gather3A_719, %get3A_108 : vector<16xf32>
      %le3A_721 = arith.cmpf ole, %gather3A_719, %get3A_112 : vector<16xf32>
      %convert_element_type3A_722 = arith.extui %le3A_720 : vector<16xi1> to vector<16xi32>
      %add3A_723 = arith.addi %add3A_714, %convert_element_type3A_722 : vector<16xi32>
      %convert_element_type3A_724 = arith.extui %le3A_721 : vector<16xi1> to vector<16xi32>
      %add3A_725 = arith.addi %add3A_716, %convert_element_type3A_724 : vector<16xi32>
      %add3A_726 = vector.broadcast %mul3A_689 : i32 to vector<16xi32>
      %add3A_727 = arith.addi %add3A_726, %and3A_35 : vector<16xi32>
      %gather3A_728 = tpu.vector_load_idx %arg4[%add3A_727] : memref<1024xf32, #tpu.memory_space<vmem>>[vector<16xi32>], vector<16xf32>,
      %le3A_729 = arith.cmpf ole, %gather3A_728, %get3A_108 : vector<16xf32>
      %le3A_730 = arith.cmpf ole, %gather3A_728, %get3A_112 : vector<16xf32>
      %convert_element_type3A_731 = arith.extui %le3A_729 : vector<16xi1> to vector<16xi32>
      %add3A_732 = arith.addi %add3A_723, %convert_element_type3A_731 : vector<16xi32>
      %convert_element_type3A_733 = arith.extui %le3A_730 : vector<16xi1> to vector<16xi32>
      %add3A_734 = arith.addi %add3A_725, %convert_element_type3A_733 : vector<16xi32>
      %add3A_735 = vector.broadcast %mul3A_689 : i32 to vector<16xi32>
      %add3A_736 = arith.addi %add3A_735, %and3A_41 : vector<16xi32>
      %gather3A_737 = tpu.vector_load_idx %arg4[%add3A_736] : memref<1024xf32, #tpu.memory_space<vmem>>[vector<16xi32>], vector<16xf32>,
      %le3A_738 = arith.cmpf ole, %gather3A_737, %get3A_108 : vector<16xf32>
      %le3A_739 = arith.cmpf ole, %gather3A_737, %get3A_112 : vector<16xf32>
      %convert_element_type3A_740 = arith.extui %le3A_738 : vector<16xi1> to vector<16xi32>
      %add3A_741 = arith.addi %add3A_732, %convert_element_type3A_740 : vector<16xi32>
      %convert_element_type3A_742 = arith.extui %le3A_739 : vector<16xi1> to vector<16xi32>
      %add3A_743 = arith.addi %add3A_734, %convert_element_type3A_742 : vector<16xi32>
      %add3A_744 = vector.broadcast %mul3A_689 : i32 to vector<16xi32>
      %add3A_745 = arith.addi %add3A_744, %and3A_47 : vector<16xi32>
      %gather3A_746 = tpu.vector_load_idx %arg4[%add3A_745] : memref<1024xf32, #tpu.memory_space<vmem>>[vector<16xi32>], vector<16xf32>,
      %le3A_747 = arith.cmpf ole, %gather3A_746, %get3A_108 : vector<16xf32>
      %le3A_748 = arith.cmpf ole, %gather3A_746, %get3A_112 : vector<16xf32>
      %convert_element_type3A_749 = arith.extui %le3A_747 : vector<16xi1> to vector<16xi32>
      %add3A_750 = arith.addi %add3A_741, %convert_element_type3A_749 : vector<16xi32>
      %convert_element_type3A_751 = arith.extui %le3A_748 : vector<16xi1> to vector<16xi32>
      %add3A_752 = arith.addi %add3A_743, %convert_element_type3A_751 : vector<16xi32>
      %add3A_753 = vector.broadcast %mul3A_689 : i32 to vector<16xi32>
      %add3A_754 = arith.addi %add3A_753, %and3A_53 : vector<16xi32>
      %gather3A_755 = tpu.vector_load_idx %arg4[%add3A_754] : memref<1024xf32, #tpu.memory_space<vmem>>[vector<16xi32>], vector<16xf32>,
      %le3A_756 = arith.cmpf ole, %gather3A_755, %get3A_108 : vector<16xf32>
      %le3A_757 = arith.cmpf ole, %gather3A_755, %get3A_112 : vector<16xf32>
      %convert_element_type3A_758 = arith.extui %le3A_756 : vector<16xi1> to vector<16xi32>
      %add3A_759 = arith.addi %add3A_750, %convert_element_type3A_758 : vector<16xi32>
      %convert_element_type3A_760 = arith.extui %le3A_757 : vector<16xi1> to vector<16xi32>
      %add3A_761 = arith.addi %add3A_752, %convert_element_type3A_760 : vector<16xi32>
      %add3A_762 = vector.broadcast %mul3A_689 : i32 to vector<16xi32>
      %add3A_763 = arith.addi %add3A_762, %and3A_59 : vector<16xi32>
      %gather3A_764 = tpu.vector_load_idx %arg4[%add3A_763] : memref<1024xf32, #tpu.memory_space<vmem>>[vector<16xi32>], vector<16xf32>,
      %le3A_765 = arith.cmpf ole, %gather3A_764, %get3A_108 : vector<16xf32>
      %le3A_766 = arith.cmpf ole, %gather3A_764, %get3A_112 : vector<16xf32>
      %convert_element_type3A_767 = arith.extui %le3A_765 : vector<16xi1> to vector<16xi32>
      %add3A_768 = arith.addi %add3A_759, %convert_element_type3A_767 : vector<16xi32>
      %convert_element_type3A_769 = arith.extui %le3A_766 : vector<16xi1> to vector<16xi32>
      %add3A_770 = arith.addi %add3A_761, %convert_element_type3A_769 : vector<16xi32>
      %add3A_771 = vector.broadcast %mul3A_689 : i32 to vector<16xi32>
      %add3A_772 = arith.addi %add3A_771, %and3A_65 : vector<16xi32>
      %gather3A_773 = tpu.vector_load_idx %arg4[%add3A_772] : memref<1024xf32, #tpu.memory_space<vmem>>[vector<16xi32>], vector<16xf32>,
      %le3A_774 = arith.cmpf ole, %gather3A_773, %get3A_108 : vector<16xf32>
      %le3A_775 = arith.cmpf ole, %gather3A_773, %get3A_112 : vector<16xf32>
      %convert_element_type3A_776 = arith.extui %le3A_774 : vector<16xi1> to vector<16xi32>
      %add3A_777 = arith.addi %add3A_768, %convert_element_type3A_776 : vector<16xi32>
      %convert_element_type3A_778 = arith.extui %le3A_775 : vector<16xi1> to vector<16xi32>
      %add3A_779 = arith.addi %add3A_770, %convert_element_type3A_778 : vector<16xi32>
      %add3A_780 = vector.broadcast %mul3A_689 : i32 to vector<16xi32>
      %add3A_781 = arith.addi %add3A_780, %and3A_71 : vector<16xi32>
      %gather3A_782 = tpu.vector_load_idx %arg4[%add3A_781] : memref<1024xf32, #tpu.memory_space<vmem>>[vector<16xi32>], vector<16xf32>,
      %le3A_783 = arith.cmpf ole, %gather3A_782, %get3A_108 : vector<16xf32>
      %le3A_784 = arith.cmpf ole, %gather3A_782, %get3A_112 : vector<16xf32>
      %convert_element_type3A_785 = arith.extui %le3A_783 : vector<16xi1> to vector<16xi32>
      %add3A_786 = arith.addi %add3A_777, %convert_element_type3A_785 : vector<16xi32>
      %convert_element_type3A_787 = arith.extui %le3A_784 : vector<16xi1> to vector<16xi32>
      %add3A_788 = arith.addi %add3A_779, %convert_element_type3A_787 : vector<16xi32>
      %add3A_789 = vector.broadcast %mul3A_689 : i32 to vector<16xi32>
      %add3A_790 = arith.addi %add3A_789, %and3A_77 : vector<16xi32>
      %gather3A_791 = tpu.vector_load_idx %arg4[%add3A_790] : memref<1024xf32, #tpu.memory_space<vmem>>[vector<16xi32>], vector<16xf32>,
      %le3A_792 = arith.cmpf ole, %gather3A_791, %get3A_108 : vector<16xf32>
      %le3A_793 = arith.cmpf ole, %gather3A_791, %get3A_112 : vector<16xf32>
      %convert_element_type3A_794 = arith.extui %le3A_792 : vector<16xi1> to vector<16xi32>
      %add3A_795 = arith.addi %add3A_786, %convert_element_type3A_794 : vector<16xi32>
      %convert_element_type3A_796 = arith.extui %le3A_793 : vector<16xi1> to vector<16xi32>
      %add3A_797 = arith.addi %add3A_788, %convert_element_type3A_796 : vector<16xi32>
      %add3A_798 = vector.broadcast %mul3A_689 : i32 to vector<16xi32>
      %add3A_799 = arith.addi %add3A_798, %and3A_83 : vector<16xi32>
      %gather3A_800 = tpu.vector_load_idx %arg4[%add3A_799] : memref<1024xf32, #tpu.memory_space<vmem>>[vector<16xi32>], vector<16xf32>,
      %le3A_801 = arith.cmpf ole, %gather3A_800, %get3A_108 : vector<16xf32>
      %le3A_802 = arith.cmpf ole, %gather3A_800, %get3A_112 : vector<16xf32>
      %convert_element_type3A_803 = arith.extui %le3A_801 : vector<16xi1> to vector<16xi32>
      %add3A_804 = arith.addi %add3A_795, %convert_element_type3A_803 : vector<16xi32>
      %convert_element_type3A_805 = arith.extui %le3A_802 : vector<16xi1> to vector<16xi32>
      %add3A_806 = arith.addi %add3A_797, %convert_element_type3A_805 : vector<16xi32>
      %add3A_807 = vector.broadcast %mul3A_689 : i32 to vector<16xi32>
      %add3A_808 = arith.addi %add3A_807, %and3A_89 : vector<16xi32>
      %gather3A_809 = tpu.vector_load_idx %arg4[%add3A_808] : memref<1024xf32, #tpu.memory_space<vmem>>[vector<16xi32>], vector<16xf32>,
      %le3A_810 = arith.cmpf ole, %gather3A_809, %get3A_108 : vector<16xf32>
      %le3A_811 = arith.cmpf ole, %gather3A_809, %get3A_112 : vector<16xf32>
      %convert_element_type3A_812 = arith.extui %le3A_810 : vector<16xi1> to vector<16xi32>
      %add3A_813 = arith.addi %add3A_804, %convert_element_type3A_812 : vector<16xi32>
      %convert_element_type3A_814 = arith.extui %le3A_811 : vector<16xi1> to vector<16xi32>
      %add3A_815 = arith.addi %add3A_806, %convert_element_type3A_814 : vector<16xi32>
      %add3A_816 = vector.broadcast %mul3A_689 : i32 to vector<16xi32>
      %add3A_817 = arith.addi %add3A_816, %and3A_95 : vector<16xi32>
      %gather3A_818 = tpu.vector_load_idx %arg4[%add3A_817] : memref<1024xf32, #tpu.memory_space<vmem>>[vector<16xi32>], vector<16xf32>,
      %le3A_819 = arith.cmpf ole, %gather3A_818, %get3A_108 : vector<16xf32>
      %le3A_820 = arith.cmpf ole, %gather3A_818, %get3A_112 : vector<16xf32>
      %convert_element_type3A_821 = arith.extui %le3A_819 : vector<16xi1> to vector<16xi32>
      %add3A_822 = arith.addi %add3A_813, %convert_element_type3A_821 : vector<16xi32>
      %convert_element_type3A_823 = arith.extui %le3A_820 : vector<16xi1> to vector<16xi32>
      %add3A_824 = arith.addi %add3A_815, %convert_element_type3A_823 : vector<16xi32>
      %add3A_825 = vector.broadcast %mul3A_689 : i32 to vector<16xi32>
      %add3A_826 = arith.addi %add3A_825, %and3A_101 : vector<16xi32>
      %gather3A_827 = tpu.vector_load_idx %arg4[%add3A_826] : memref<1024xf32, #tpu.memory_space<vmem>>[vector<16xi32>], vector<16xf32>,
      %le3A_828 = arith.cmpf ole, %gather3A_827, %get3A_108 : vector<16xf32>
      %le3A_829 = arith.cmpf ole, %gather3A_827, %get3A_112 : vector<16xf32>
      %convert_element_type3A_830 = arith.extui %le3A_828 : vector<16xi1> to vector<16xi32>
      %add3A_831 = arith.addi %add3A_822, %convert_element_type3A_830 : vector<16xi32>
      %convert_element_type3A_832 = arith.extui %le3A_829 : vector<16xi1> to vector<16xi32>
      %add3A_833 = arith.addi %add3A_824, %convert_element_type3A_832 : vector<16xi32>
      scf.yield %add3A_831, %add3A_833 : vector<16xi32>, vector<16xi32>
    }
    %while3A_125 = arith.constant 1 : i32
    %while3A_126:2 = scf.for %while3A_685 = %while3A_122 to %while3A_118 step %while3A_125 iter_args(%while3A_686 = %while3A_124#0, %while3A_687 = %while3A_124#1) -> (vector<16xi32>, vector<16xi32>)  : i32 {
      %mul3A_688 = arith.constant 16 : i32
      %mul3A_689 = arith.muli %while3A_685, %mul3A_688 : i32
      %add3A_690 = vector.broadcast %mul3A_689 : i32 to vector<16xi32>
      %add3A_691 = arith.addi %add3A_690, %and3A_11 : vector<16xi32>
      %gather3A_692 = tpu.vector_load_idx %arg4[%add3A_691] : memref<1024xf32, #tpu.memory_space<vmem>>[vector<16xi32>], vector<16xf32>,
      %le3A_693 = arith.cmpf ole, %gather3A_692, %get3A_108 : vector<16xf32>
      %le3A_694 = arith.cmpf ole, %gather3A_692, %get3A_112 : vector<16xf32>
      %convert_element_type3A_695 = arith.extui %le3A_693 : vector<16xi1> to vector<16xi32>
      %add3A_696 = arith.addi %while3A_686, %convert_element_type3A_695 : vector<16xi32>
      %convert_element_type3A_697 = arith.extui %le3A_694 : vector<16xi1> to vector<16xi32>
      %add3A_698 = arith.addi %while3A_687, %convert_element_type3A_697 : vector<16xi32>
      %add3A_699 = vector.broadcast %mul3A_689 : i32 to vector<16xi32>
      %add3A_700 = arith.addi %add3A_699, %and3A_17 : vector<16xi32>
      %gather3A_701 = tpu.vector_load_idx %arg4[%add3A_700] : memref<1024xf32, #tpu.memory_space<vmem>>[vector<16xi32>], vector<16xf32>,
      %le3A_702 = arith.cmpf ole, %gather3A_701, %get3A_108 : vector<16xf32>
      %le3A_703 = arith.cmpf ole, %gather3A_701, %get3A_112 : vector<16xf32>
      %convert_element_type3A_704 = arith.extui %le3A_702 : vector<16xi1> to vector<16xi32>
      %add3A_705 = arith.addi %add3A_696, %convert_element_type3A_704 : vector<16xi32>
      %convert_element_type3A_706 = arith.extui %le3A_703 : vector<16xi1> to vector<16xi32>
      %add3A_707 = arith.addi %add3A_698, %convert_element_type3A_706 : vector<16xi32>
      %add3A_708 = vector.broadcast %mul3A_689 : i32 to vector<16xi32>
      %add3A_709 = arith.addi %add3A_708, %and3A_23 : vector<16xi32>
      %gather3A_710 = tpu.vector_load_idx %arg4[%add3A_709] : memref<1024xf32, #tpu.memory_space<vmem>>[vector<16xi32>], vector<16xf32>,
      %le3A_711 = arith.cmpf ole, %gather3A_710, %get3A_108 : vector<16xf32>
      %le3A_712 = arith.cmpf ole, %gather3A_710, %get3A_112 : vector<16xf32>
      %convert_element_type3A_713 = arith.extui %le3A_711 : vector<16xi1> to vector<16xi32>
      %add3A_714 = arith.addi %add3A_705, %convert_element_type3A_713 : vector<16xi32>
      %convert_element_type3A_715 = arith.extui %le3A_712 : vector<16xi1> to vector<16xi32>
      %add3A_716 = arith.addi %add3A_707, %convert_element_type3A_715 : vector<16xi32>
      %add3A_717 = vector.broadcast %mul3A_689 : i32 to vector<16xi32>
      %add3A_718 = arith.addi %add3A_717, %and3A_29 : vector<16xi32>
      %gather3A_719 = tpu.vector_load_idx %arg4[%add3A_718] : memref<1024xf32, #tpu.memory_space<vmem>>[vector<16xi32>], vector<16xf32>,
      %le3A_720 = arith.cmpf ole, %gather3A_719, %get3A_108 : vector<16xf32>
      %le3A_721 = arith.cmpf ole, %gather3A_719, %get3A_112 : vector<16xf32>
      %convert_element_type3A_722 = arith.extui %le3A_720 : vector<16xi1> to vector<16xi32>
      %add3A_723 = arith.addi %add3A_714, %convert_element_type3A_722 : vector<16xi32>
      %convert_element_type3A_724 = arith.extui %le3A_721 : vector<16xi1> to vector<16xi32>
      %add3A_725 = arith.addi %add3A_716, %convert_element_type3A_724 : vector<16xi32>
      %add3A_726 = vector.broadcast %mul3A_689 : i32 to vector<16xi32>
      %add3A_727 = arith.addi %add3A_726, %and3A_35 : vector<16xi32>
      %gather3A_728 = tpu.vector_load_idx %arg4[%add3A_727] : memref<1024xf32, #tpu.memory_space<vmem>>[vector<16xi32>], vector<16xf32>,
      %le3A_729 = arith.cmpf ole, %gather3A_728, %get3A_108 : vector<16xf32>
      %le3A_730 = arith.cmpf ole, %gather3A_728, %get3A_112 : vector<16xf32>
      %convert_element_type3A_731 = arith.extui %le3A_729 : vector<16xi1> to vector<16xi32>
      %add3A_732 = arith.addi %add3A_723, %convert_element_type3A_731 : vector<16xi32>
      %convert_element_type3A_733 = arith.extui %le3A_730 : vector<16xi1> to vector<16xi32>
      %add3A_734 = arith.addi %add3A_725, %convert_element_type3A_733 : vector<16xi32>
      %add3A_735 = vector.broadcast %mul3A_689 : i32 to vector<16xi32>
      %add3A_736 = arith.addi %add3A_735, %and3A_41 : vector<16xi32>
      %gather3A_737 = tpu.vector_load_idx %arg4[%add3A_736] : memref<1024xf32, #tpu.memory_space<vmem>>[vector<16xi32>], vector<16xf32>,
      %le3A_738 = arith.cmpf ole, %gather3A_737, %get3A_108 : vector<16xf32>
      %le3A_739 = arith.cmpf ole, %gather3A_737, %get3A_112 : vector<16xf32>
      %convert_element_type3A_740 = arith.extui %le3A_738 : vector<16xi1> to vector<16xi32>
      %add3A_741 = arith.addi %add3A_732, %convert_element_type3A_740 : vector<16xi32>
      %convert_element_type3A_742 = arith.extui %le3A_739 : vector<16xi1> to vector<16xi32>
      %add3A_743 = arith.addi %add3A_734, %convert_element_type3A_742 : vector<16xi32>
      %add3A_744 = vector.broadcast %mul3A_689 : i32 to vector<16xi32>
      %add3A_745 = arith.addi %add3A_744, %and3A_47 : vector<16xi32>
      %gather3A_746 = tpu.vector_load_idx %arg4[%add3A_745] : memref<1024xf32, #tpu.memory_space<vmem>>[vector<16xi32>], vector<16xf32>,
      %le3A_747 = arith.cmpf ole, %gather3A_746, %get3A_108 : vector<16xf32>
      %le3A_748 = arith.cmpf ole, %gather3A_746, %get3A_112 : vector<16xf32>
      %convert_element_type3A_749 = arith.extui %le3A_747 : vector<16xi1> to vector<16xi32>
      %add3A_750 = arith.addi %add3A_741, %convert_element_type3A_749 : vector<16xi32>
      %convert_element_type3A_751 = arith.extui %le3A_748 : vector<16xi1> to vector<16xi32>
      %add3A_752 = arith.addi %add3A_743, %convert_element_type3A_751 : vector<16xi32>
      %add3A_753 = vector.broadcast %mul3A_689 : i32 to vector<16xi32>
      %add3A_754 = arith.addi %add3A_753, %and3A_53 : vector<16xi32>
      %gather3A_755 = tpu.vector_load_idx %arg4[%add3A_754] : memref<1024xf32, #tpu.memory_space<vmem>>[vector<16xi32>], vector<16xf32>,
      %le3A_756 = arith.cmpf ole, %gather3A_755, %get3A_108 : vector<16xf32>
      %le3A_757 = arith.cmpf ole, %gather3A_755, %get3A_112 : vector<16xf32>
      %convert_element_type3A_758 = arith.extui %le3A_756 : vector<16xi1> to vector<16xi32>
      %add3A_759 = arith.addi %add3A_750, %convert_element_type3A_758 : vector<16xi32>
      %convert_element_type3A_760 = arith.extui %le3A_757 : vector<16xi1> to vector<16xi32>
      %add3A_761 = arith.addi %add3A_752, %convert_element_type3A_760 : vector<16xi32>
      %add3A_762 = vector.broadcast %mul3A_689 : i32 to vector<16xi32>
      %add3A_763 = arith.addi %add3A_762, %and3A_59 : vector<16xi32>
      %gather3A_764 = tpu.vector_load_idx %arg4[%add3A_763] : memref<1024xf32, #tpu.memory_space<vmem>>[vector<16xi32>], vector<16xf32>,
      %le3A_765 = arith.cmpf ole, %gather3A_764, %get3A_108 : vector<16xf32>
      %le3A_766 = arith.cmpf ole, %gather3A_764, %get3A_112 : vector<16xf32>
      %convert_element_type3A_767 = arith.extui %le3A_765 : vector<16xi1> to vector<16xi32>
      %add3A_768 = arith.addi %add3A_759, %convert_element_type3A_767 : vector<16xi32>
      %convert_element_type3A_769 = arith.extui %le3A_766 : vector<16xi1> to vector<16xi32>
      %add3A_770 = arith.addi %add3A_761, %convert_element_type3A_769 : vector<16xi32>
      %add3A_771 = vector.broadcast %mul3A_689 : i32 to vector<16xi32>
      %add3A_772 = arith.addi %add3A_771, %and3A_65 : vector<16xi32>
      %gather3A_773 = tpu.vector_load_idx %arg4[%add3A_772] : memref<1024xf32, #tpu.memory_space<vmem>>[vector<16xi32>], vector<16xf32>,
      %le3A_774 = arith.cmpf ole, %gather3A_773, %get3A_108 : vector<16xf32>
      %le3A_775 = arith.cmpf ole, %gather3A_773, %get3A_112 : vector<16xf32>
      %convert_element_type3A_776 = arith.extui %le3A_774 : vector<16xi1> to vector<16xi32>
      %add3A_777 = arith.addi %add3A_768, %convert_element_type3A_776 : vector<16xi32>
      %convert_element_type3A_778 = arith.extui %le3A_775 : vector<16xi1> to vector<16xi32>
      %add3A_779 = arith.addi %add3A_770, %convert_element_type3A_778 : vector<16xi32>
      %add3A_780 = vector.broadcast %mul3A_689 : i32 to vector<16xi32>
      %add3A_781 = arith.addi %add3A_780, %and3A_71 : vector<16xi32>
      %gather3A_782 = tpu.vector_load_idx %arg4[%add3A_781] : memref<1024xf32, #tpu.memory_space<vmem>>[vector<16xi32>], vector<16xf32>,
      %le3A_783 = arith.cmpf ole, %gather3A_782, %get3A_108 : vector<16xf32>
      %le3A_784 = arith.cmpf ole, %gather3A_782, %get3A_112 : vector<16xf32>
      %convert_element_type3A_785 = arith.extui %le3A_783 : vector<16xi1> to vector<16xi32>
      %add3A_786 = arith.addi %add3A_777, %convert_element_type3A_785 : vector<16xi32>
      %convert_element_type3A_787 = arith.extui %le3A_784 : vector<16xi1> to vector<16xi32>
      %add3A_788 = arith.addi %add3A_779, %convert_element_type3A_787 : vector<16xi32>
      %add3A_789 = vector.broadcast %mul3A_689 : i32 to vector<16xi32>
      %add3A_790 = arith.addi %add3A_789, %and3A_77 : vector<16xi32>
      %gather3A_791 = tpu.vector_load_idx %arg4[%add3A_790] : memref<1024xf32, #tpu.memory_space<vmem>>[vector<16xi32>], vector<16xf32>,
      %le3A_792 = arith.cmpf ole, %gather3A_791, %get3A_108 : vector<16xf32>
      %le3A_793 = arith.cmpf ole, %gather3A_791, %get3A_112 : vector<16xf32>
      %convert_element_type3A_794 = arith.extui %le3A_792 : vector<16xi1> to vector<16xi32>
      %add3A_795 = arith.addi %add3A_786, %convert_element_type3A_794 : vector<16xi32>
      %convert_element_type3A_796 = arith.extui %le3A_793 : vector<16xi1> to vector<16xi32>
      %add3A_797 = arith.addi %add3A_788, %convert_element_type3A_796 : vector<16xi32>
      %add3A_798 = vector.broadcast %mul3A_689 : i32 to vector<16xi32>
      %add3A_799 = arith.addi %add3A_798, %and3A_83 : vector<16xi32>
      %gather3A_800 = tpu.vector_load_idx %arg4[%add3A_799] : memref<1024xf32, #tpu.memory_space<vmem>>[vector<16xi32>], vector<16xf32>,
      %le3A_801 = arith.cmpf ole, %gather3A_800, %get3A_108 : vector<16xf32>
      %le3A_802 = arith.cmpf ole, %gather3A_800, %get3A_112 : vector<16xf32>
      %convert_element_type3A_803 = arith.extui %le3A_801 : vector<16xi1> to vector<16xi32>
      %add3A_804 = arith.addi %add3A_795, %convert_element_type3A_803 : vector<16xi32>
      %convert_element_type3A_805 = arith.extui %le3A_802 : vector<16xi1> to vector<16xi32>
      %add3A_806 = arith.addi %add3A_797, %convert_element_type3A_805 : vector<16xi32>
      %add3A_807 = vector.broadcast %mul3A_689 : i32 to vector<16xi32>
      %add3A_808 = arith.addi %add3A_807, %and3A_89 : vector<16xi32>
      %gather3A_809 = tpu.vector_load_idx %arg4[%add3A_808] : memref<1024xf32, #tpu.memory_space<vmem>>[vector<16xi32>], vector<16xf32>,
      %le3A_810 = arith.cmpf ole, %gather3A_809, %get3A_108 : vector<16xf32>
      %le3A_811 = arith.cmpf ole, %gather3A_809, %get3A_112 : vector<16xf32>
      %convert_element_type3A_812 = arith.extui %le3A_810 : vector<16xi1> to vector<16xi32>
      %add3A_813 = arith.addi %add3A_804, %convert_element_type3A_812 : vector<16xi32>
      %convert_element_type3A_814 = arith.extui %le3A_811 : vector<16xi1> to vector<16xi32>
      %add3A_815 = arith.addi %add3A_806, %convert_element_type3A_814 : vector<16xi32>
      %add3A_816 = vector.broadcast %mul3A_689 : i32 to vector<16xi32>
      %add3A_817 = arith.addi %add3A_816, %and3A_95 : vector<16xi32>
      %gather3A_818 = tpu.vector_load_idx %arg4[%add3A_817] : memref<1024xf32, #tpu.memory_space<vmem>>[vector<16xi32>], vector<16xf32>,
      %le3A_819 = arith.cmpf ole, %gather3A_818, %get3A_108 : vector<16xf32>
      %le3A_820 = arith.cmpf ole, %gather3A_818, %get3A_112 : vector<16xf32>
      %convert_element_type3A_821 = arith.extui %le3A_819 : vector<16xi1> to vector<16xi32>
      %add3A_822 = arith.addi %add3A_813, %convert_element_type3A_821 : vector<16xi32>
      %convert_element_type3A_823 = arith.extui %le3A_820 : vector<16xi1> to vector<16xi32>
      %add3A_824 = arith.addi %add3A_815, %convert_element_type3A_823 : vector<16xi32>
      %add3A_825 = vector.broadcast %mul3A_689 : i32 to vector<16xi32>
      %add3A_826 = arith.addi %add3A_825, %and3A_101 : vector<16xi32>
      %gather3A_827 = tpu.vector_load_idx %arg4[%add3A_826] : memref<1024xf32, #tpu.memory_space<vmem>>[vector<16xi32>], vector<16xf32>,
      %le3A_828 = arith.cmpf ole, %gather3A_827, %get3A_108 : vector<16xf32>
      %le3A_829 = arith.cmpf ole, %gather3A_827, %get3A_112 : vector<16xf32>
      %convert_element_type3A_830 = arith.extui %le3A_828 : vector<16xi1> to vector<16xi32>
      %add3A_831 = arith.addi %add3A_822, %convert_element_type3A_830 : vector<16xi32>
      %convert_element_type3A_832 = arith.extui %le3A_829 : vector<16xi1> to vector<16xi32>
      %add3A_833 = arith.addi %add3A_824, %convert_element_type3A_832 : vector<16xi32>
      scf.yield %add3A_831, %add3A_833 : vector<16xi32>, vector<16xi32>
    }
    %add3A_127 = arith.constant 0 : i32
    %add3A_128 = arith.addi %mul3A_6, %add3A_127 : i32
    %add3A_129 = vector.broadcast %add3A_128 : i32 to vector<16xi32>
    %add3A_130 = arith.addi %add3A_129, %and3A_11 : vector<16xi32>
    %gather3A = tpu.vector_load_idx %arg4[%add3A_130] : memref<1024xf32, #tpu.memory_space<vmem>>[vector<16xi32>], vector<16xf32>,
    %lt3A = arith.cmpi slt, %add3A_130, %add3A_103 : vector<16xi32>
    %le3A = arith.cmpf ole, %gather3A, %get3A_108 : vector<16xf32>
    %lt3A_131 = arith.cmpf olt, %gather3A, %get3A_108 : vector<16xf32>
    %select_n3A = arith.select %lt3A, %le3A, %lt3A_131 : vector<16xi1>, vector<16xi1>
    %lt3A_132 = arith.cmpi slt, %add3A_130, %add3A_107 : vector<16xi32>
    %le3A_133 = arith.cmpf ole, %gather3A, %get3A_112 : vector<16xf32>
    %lt3A_134 = arith.cmpf olt, %gather3A, %get3A_112 : vector<16xf32>
    %select_n3A_135 = arith.select %lt3A_132, %le3A_133, %lt3A_134 : vector<16xi1>, vector<16xi1>
    %convert_element_type3A = arith.extui %select_n3A : vector<16xi1> to vector<16xi32>
    %add3A_136 = arith.addi %while3A_126#0, %convert_element_type3A : vector<16xi32>
    %convert_element_type3A_137 = arith.extui %select_n3A_135 : vector<16xi1> to vector<16xi32>
    %add3A_138 = arith.addi %while3A_126#1, %convert_element_type3A_137 : vector<16xi32>
    %add3A_139 = arith.constant 0 : i32
    %add3A_140 = arith.addi %mul3A_6, %add3A_139 : i32
    %add3A_141 = vector.broadcast %add3A_140 : i32 to vector<16xi32>
    %add3A_142 = arith.addi %add3A_141, %and3A_17 : vector<16xi32>
    %gather3A_143 = tpu.vector_load_idx %arg4[%add3A_142] : memref<1024xf32, #tpu.memory_space<vmem>>[vector<16xi32>], vector<16xf32>,
    %lt3A_144 = arith.cmpi slt, %add3A_142, %add3A_103 : vector<16xi32>
    %le3A_145 = arith.cmpf ole, %gather3A_143, %get3A_108 : vector<16xf32>
    %lt3A_146 = arith.cmpf olt, %gather3A_143, %get3A_108 : vector<16xf32>
    %select_n3A_147 = arith.select %lt3A_144, %le3A_145, %lt3A_146 : vector<16xi1>, vector<16xi1>
    %lt3A_148 = arith.cmpi slt, %add3A_142, %add3A_107 : vector<16xi32>
    %le3A_149 = arith.cmpf ole, %gather3A_143, %get3A_112 : vector<16xf32>
    %lt3A_150 = arith.cmpf olt, %gather3A_143, %get3A_112 : vector<16xf32>
    %select_n3A_151 = arith.select %lt3A_148, %le3A_149, %lt3A_150 : vector<16xi1>, vector<16xi1>
    %convert_element_type3A_152 = arith.extui %select_n3A_147 : vector<16xi1> to vector<16xi32>
    %add3A_153 = arith.addi %add3A_136, %convert_element_type3A_152 : vector<16xi32>
    %convert_element_type3A_154 = arith.extui %select_n3A_151 : vector<16xi1> to vector<16xi32>
    %add3A_155 = arith.addi %add3A_138, %convert_element_type3A_154 : vector<16xi32>
    %add3A_156 = arith.constant 0 : i32
    %add3A_157 = arith.addi %mul3A_6, %add3A_156 : i32
    %add3A_158 = vector.broadcast %add3A_157 : i32 to vector<16xi32>
    %add3A_159 = arith.addi %add3A_158, %and3A_23 : vector<16xi32>
    %gather3A_160 = tpu.vector_load_idx %arg4[%add3A_159] : memref<1024xf32, #tpu.memory_space<vmem>>[vector<16xi32>], vector<16xf32>,
    %lt3A_161 = arith.cmpi slt, %add3A_159, %add3A_103 : vector<16xi32>
    %le3A_162 = arith.cmpf ole, %gather3A_160, %get3A_108 : vector<16xf32>
    %lt3A_163 = arith.cmpf olt, %gather3A_160, %get3A_108 : vector<16xf32>
    %select_n3A_164 = arith.select %lt3A_161, %le3A_162, %lt3A_163 : vector<16xi1>, vector<16xi1>
    %lt3A_165 = arith.cmpi slt, %add3A_159, %add3A_107 : vector<16xi32>
    %le3A_166 = arith.cmpf ole, %gather3A_160, %get3A_112 : vector<16xf32>
    %lt3A_167 = arith.cmpf olt, %gather3A_160, %get3A_112 : vector<16xf32>
    %select_n3A_168 = arith.select %lt3A_165, %le3A_166, %lt3A_167 : vector<16xi1>, vector<16xi1>
    %convert_element_type3A_169 = arith.extui %select_n3A_164 : vector<16xi1> to vector<16xi32>
    %add3A_170 = arith.addi %add3A_153, %convert_element_type3A_169 : vector<16xi32>
    %convert_element_type3A_171 = arith.extui %select_n3A_168 : vector<16xi1> to vector<16xi32>
    %add3A_172 = arith.addi %add3A_155, %convert_element_type3A_171 : vector<16xi32>
    %add3A_173 = arith.constant 0 : i32
    %add3A_174 = arith.addi %mul3A_6, %add3A_173 : i32
    %add3A_175 = vector.broadcast %add3A_174 : i32 to vector<16xi32>
    %add3A_176 = arith.addi %add3A_175, %and3A_29 : vector<16xi32>
    %gather3A_177 = tpu.vector_load_idx %arg4[%add3A_176] : memref<1024xf32, #tpu.memory_space<vmem>>[vector<16xi32>], vector<16xf32>,
    %lt3A_178 = arith.cmpi slt, %add3A_176, %add3A_103 : vector<16xi32>
    %le3A_179 = arith.cmpf ole, %gather3A_177, %get3A_108 : vector<16xf32>
    %lt3A_180 = arith.cmpf olt, %gather3A_177, %get3A_108 : vector<16xf32>
    %select_n3A_181 = arith.select %lt3A_178, %le3A_179, %lt3A_180 : vector<16xi1>, vector<16xi1>
    %lt3A_182 = arith.cmpi slt, %add3A_176, %add3A_107 : vector<16xi32>
    %le3A_183 = arith.cmpf ole, %gather3A_177, %get3A_112 : vector<16xf32>
    %lt3A_184 = arith.cmpf olt, %gather3A_177, %get3A_112 : vector<16xf32>
    %select_n3A_185 = arith.select %lt3A_182, %le3A_183, %lt3A_184 : vector<16xi1>, vector<16xi1>
    %convert_element_type3A_186 = arith.extui %select_n3A_181 : vector<16xi1> to vector<16xi32>
    %add3A_187 = arith.addi %add3A_170, %convert_element_type3A_186 : vector<16xi32>
    %convert_element_type3A_188 = arith.extui %select_n3A_185 : vector<16xi1> to vector<16xi32>
    %add3A_189 = arith.addi %add3A_172, %convert_element_type3A_188 : vector<16xi32>
    %add3A_190 = arith.constant 0 : i32
    %add3A_191 = arith.addi %mul3A_6, %add3A_190 : i32
    %add3A_192 = vector.broadcast %add3A_191 : i32 to vector<16xi32>
    %add3A_193 = arith.addi %add3A_192, %and3A_35 : vector<16xi32>
    %gather3A_194 = tpu.vector_load_idx %arg4[%add3A_193] : memref<1024xf32, #tpu.memory_space<vmem>>[vector<16xi32>], vector<16xf32>,
    %lt3A_195 = arith.cmpi slt, %add3A_193, %add3A_103 : vector<16xi32>
    %le3A_196 = arith.cmpf ole, %gather3A_194, %get3A_108 : vector<16xf32>
    %lt3A_197 = arith.cmpf olt, %gather3A_194, %get3A_108 : vector<16xf32>
    %select_n3A_198 = arith.select %lt3A_195, %le3A_196, %lt3A_197 : vector<16xi1>, vector<16xi1>
    %lt3A_199 = arith.cmpi slt, %add3A_193, %add3A_107 : vector<16xi32>
    %le3A_200 = arith.cmpf ole, %gather3A_194, %get3A_112 : vector<16xf32>
    %lt3A_201 = arith.cmpf olt, %gather3A_194, %get3A_112 : vector<16xf32>
    %select_n3A_202 = arith.select %lt3A_199, %le3A_200, %lt3A_201 : vector<16xi1>, vector<16xi1>
    %convert_element_type3A_203 = arith.extui %select_n3A_198 : vector<16xi1> to vector<16xi32>
    %add3A_204 = arith.addi %add3A_187, %convert_element_type3A_203 : vector<16xi32>
    %convert_element_type3A_205 = arith.extui %select_n3A_202 : vector<16xi1> to vector<16xi32>
    %add3A_206 = arith.addi %add3A_189, %convert_element_type3A_205 : vector<16xi32>
    %add3A_207 = arith.constant 0 : i32
    %add3A_208 = arith.addi %mul3A_6, %add3A_207 : i32
    %add3A_209 = vector.broadcast %add3A_208 : i32 to vector<16xi32>
    %add3A_210 = arith.addi %add3A_209, %and3A_41 : vector<16xi32>
    %gather3A_211 = tpu.vector_load_idx %arg4[%add3A_210] : memref<1024xf32, #tpu.memory_space<vmem>>[vector<16xi32>], vector<16xf32>,
    %lt3A_212 = arith.cmpi slt, %add3A_210, %add3A_103 : vector<16xi32>
    %le3A_213 = arith.cmpf ole, %gather3A_211, %get3A_108 : vector<16xf32>
    %lt3A_214 = arith.cmpf olt, %gather3A_211, %get3A_108 : vector<16xf32>
    %select_n3A_215 = arith.select %lt3A_212, %le3A_213, %lt3A_214 : vector<16xi1>, vector<16xi1>
    %lt3A_216 = arith.cmpi slt, %add3A_210, %add3A_107 : vector<16xi32>
    %le3A_217 = arith.cmpf ole, %gather3A_211, %get3A_112 : vector<16xf32>
    %lt3A_218 = arith.cmpf olt, %gather3A_211, %get3A_112 : vector<16xf32>
    %select_n3A_219 = arith.select %lt3A_216, %le3A_217, %lt3A_218 : vector<16xi1>, vector<16xi1>
    %convert_element_type3A_220 = arith.extui %select_n3A_215 : vector<16xi1> to vector<16xi32>
    %add3A_221 = arith.addi %add3A_204, %convert_element_type3A_220 : vector<16xi32>
    %convert_element_type3A_222 = arith.extui %select_n3A_219 : vector<16xi1> to vector<16xi32>
    %add3A_223 = arith.addi %add3A_206, %convert_element_type3A_222 : vector<16xi32>
    %add3A_224 = arith.constant 0 : i32
    %add3A_225 = arith.addi %mul3A_6, %add3A_224 : i32
    %add3A_226 = vector.broadcast %add3A_225 : i32 to vector<16xi32>
    %add3A_227 = arith.addi %add3A_226, %and3A_47 : vector<16xi32>
    %gather3A_228 = tpu.vector_load_idx %arg4[%add3A_227] : memref<1024xf32, #tpu.memory_space<vmem>>[vector<16xi32>], vector<16xf32>,
    %lt3A_229 = arith.cmpi slt, %add3A_227, %add3A_103 : vector<16xi32>
    %le3A_230 = arith.cmpf ole, %gather3A_228, %get3A_108 : vector<16xf32>
    %lt3A_231 = arith.cmpf olt, %gather3A_228, %get3A_108 : vector<16xf32>
    %select_n3A_232 = arith.select %lt3A_229, %le3A_230, %lt3A_231 : vector<16xi1>, vector<16xi1>
    %lt3A_233 = arith.cmpi slt, %add3A_227, %add3A_107 : vector<16xi32>
    %le3A_234 = arith.cmpf ole, %gather3A_228, %get3A_112 : vector<16xf32>
    %lt3A_235 = arith.cmpf olt, %gather3A_228, %get3A_112 : vector<16xf32>
    %select_n3A_236 = arith.select %lt3A_233, %le3A_234, %lt3A_235 : vector<16xi1>, vector<16xi1>
    %convert_element_type3A_237 = arith.extui %select_n3A_232 : vector<16xi1> to vector<16xi32>
    %add3A_238 = arith.addi %add3A_221, %convert_element_type3A_237 : vector<16xi32>
    %convert_element_type3A_239 = arith.extui %select_n3A_236 : vector<16xi1> to vector<16xi32>
    %add3A_240 = arith.addi %add3A_223, %convert_element_type3A_239 : vector<16xi32>
    %add3A_241 = arith.constant 0 : i32
    %add3A_242 = arith.addi %mul3A_6, %add3A_241 : i32
    %add3A_243 = vector.broadcast %add3A_242 : i32 to vector<16xi32>
    %add3A_244 = arith.addi %add3A_243, %and3A_53 : vector<16xi32>
    %gather3A_245 = tpu.vector_load_idx %arg4[%add3A_244] : memref<1024xf32, #tpu.memory_space<vmem>>[vector<16xi32>], vector<16xf32>,
    %lt3A_246 = arith.cmpi slt, %add3A_244, %add3A_103 : vector<16xi32>
    %le3A_247 = arith.cmpf ole, %gather3A_245, %get3A_108 : vector<16xf32>
    %lt3A_248 = arith.cmpf olt, %gather3A_245, %get3A_108 : vector<16xf32>
    %select_n3A_249 = arith.select %lt3A_246, %le3A_247, %lt3A_248 : vector<16xi1>, vector<16xi1>
    %lt3A_250 = arith.cmpi slt, %add3A_244, %add3A_107 : vector<16xi32>
    %le3A_251 = arith.cmpf ole, %gather3A_245, %get3A_112 : vector<16xf32>
    %lt3A_252 = arith.cmpf olt, %gather3A_245, %get3A_112 : vector<16xf32>
    %select_n3A_253 = arith.select %lt3A_250, %le3A_251, %lt3A_252 : vector<16xi1>, vector<16xi1>
    %convert_element_type3A_254 = arith.extui %select_n3A_249 : vector<16xi1> to vector<16xi32>
    %add3A_255 = arith.addi %add3A_238, %convert_element_type3A_254 : vector<16xi32>
    %convert_element_type3A_256 = arith.extui %select_n3A_253 : vector<16xi1> to vector<16xi32>
    %add3A_257 = arith.addi %add3A_240, %convert_element_type3A_256 : vector<16xi32>
    %add3A_258 = arith.constant 0 : i32
    %add3A_259 = arith.addi %mul3A_6, %add3A_258 : i32
    %add3A_260 = vector.broadcast %add3A_259 : i32 to vector<16xi32>
    %add3A_261 = arith.addi %add3A_260, %and3A_59 : vector<16xi32>
    %gather3A_262 = tpu.vector_load_idx %arg4[%add3A_261] : memref<1024xf32, #tpu.memory_space<vmem>>[vector<16xi32>], vector<16xf32>,
    %lt3A_263 = arith.cmpi slt, %add3A_261, %add3A_103 : vector<16xi32>
    %le3A_264 = arith.cmpf ole, %gather3A_262, %get3A_108 : vector<16xf32>
    %lt3A_265 = arith.cmpf olt, %gather3A_262, %get3A_108 : vector<16xf32>
    %select_n3A_266 = arith.select %lt3A_263, %le3A_264, %lt3A_265 : vector<16xi1>, vector<16xi1>
    %lt3A_267 = arith.cmpi slt, %add3A_261, %add3A_107 : vector<16xi32>
    %le3A_268 = arith.cmpf ole, %gather3A_262, %get3A_112 : vector<16xf32>
    %lt3A_269 = arith.cmpf olt, %gather3A_262, %get3A_112 : vector<16xf32>
    %select_n3A_270 = arith.select %lt3A_267, %le3A_268, %lt3A_269 : vector<16xi1>, vector<16xi1>
    %convert_element_type3A_271 = arith.extui %select_n3A_266 : vector<16xi1> to vector<16xi32>
    %add3A_272 = arith.addi %add3A_255, %convert_element_type3A_271 : vector<16xi32>
    %convert_element_type3A_273 = arith.extui %select_n3A_270 : vector<16xi1> to vector<16xi32>
    %add3A_274 = arith.addi %add3A_257, %convert_element_type3A_273 : vector<16xi32>
    %add3A_275 = arith.constant 0 : i32
    %add3A_276 = arith.addi %mul3A_6, %add3A_275 : i32
    %add3A_277 = vector.broadcast %add3A_276 : i32 to vector<16xi32>
    %add3A_278 = arith.addi %add3A_277, %and3A_65 : vector<16xi32>
    %gather3A_279 = tpu.vector_load_idx %arg4[%add3A_278] : memref<1024xf32, #tpu.memory_space<vmem>>[vector<16xi32>], vector<16xf32>,
    %lt3A_280 = arith.cmpi slt, %add3A_278, %add3A_103 : vector<16xi32>
    %le3A_281 = arith.cmpf ole, %gather3A_279, %get3A_108 : vector<16xf32>
    %lt3A_282 = arith.cmpf olt, %gather3A_279, %get3A_108 : vector<16xf32>
    %select_n3A_283 = arith.select %lt3A_280, %le3A_281, %lt3A_282 : vector<16xi1>, vector<16xi1>
    %lt3A_284 = arith.cmpi slt, %add3A_278, %add3A_107 : vector<16xi32>
    %le3A_285 = arith.cmpf ole, %gather3A_279, %get3A_112 : vector<16xf32>
    %lt3A_286 = arith.cmpf olt, %gather3A_279, %get3A_112 : vector<16xf32>
    %select_n3A_287 = arith.select %lt3A_284, %le3A_285, %lt3A_286 : vector<16xi1>, vector<16xi1>
    %convert_element_type3A_288 = arith.extui %select_n3A_283 : vector<16xi1> to vector<16xi32>
    %add3A_289 = arith.addi %add3A_272, %convert_element_type3A_288 : vector<16xi32>
    %convert_element_type3A_290 = arith.extui %select_n3A_287 : vector<16xi1> to vector<16xi32>
    %add3A_291 = arith.addi %add3A_274, %convert_element_type3A_290 : vector<16xi32>
    %add3A_292 = arith.constant 0 : i32
    %add3A_293 = arith.addi %mul3A_6, %add3A_292 : i32
    %add3A_294 = vector.broadcast %add3A_293 : i32 to vector<16xi32>
    %add3A_295 = arith.addi %add3A_294, %and3A_71 : vector<16xi32>
    %gather3A_296 = tpu.vector_load_idx %arg4[%add3A_295] : memref<1024xf32, #tpu.memory_space<vmem>>[vector<16xi32>], vector<16xf32>,
    %lt3A_297 = arith.cmpi slt, %add3A_295, %add3A_103 : vector<16xi32>
    %le3A_298 = arith.cmpf ole, %gather3A_296, %get3A_108 : vector<16xf32>
    %lt3A_299 = arith.cmpf olt, %gather3A_296, %get3A_108 : vector<16xf32>
    %select_n3A_300 = arith.select %lt3A_297, %le3A_298, %lt3A_299 : vector<16xi1>, vector<16xi1>
    %lt3A_301 = arith.cmpi slt, %add3A_295, %add3A_107 : vector<16xi32>
    %le3A_302 = arith.cmpf ole, %gather3A_296, %get3A_112 : vector<16xf32>
    %lt3A_303 = arith.cmpf olt, %gather3A_296, %get3A_112 : vector<16xf32>
    %select_n3A_304 = arith.select %lt3A_301, %le3A_302, %lt3A_303 : vector<16xi1>, vector<16xi1>
    %convert_element_type3A_305 = arith.extui %select_n3A_300 : vector<16xi1> to vector<16xi32>
    %add3A_306 = arith.addi %add3A_289, %convert_element_type3A_305 : vector<16xi32>
    %convert_element_type3A_307 = arith.extui %select_n3A_304 : vector<16xi1> to vector<16xi32>
    %add3A_308 = arith.addi %add3A_291, %convert_element_type3A_307 : vector<16xi32>
    %add3A_309 = arith.constant 0 : i32
    %add3A_310 = arith.addi %mul3A_6, %add3A_309 : i32
    %add3A_311 = vector.broadcast %add3A_310 : i32 to vector<16xi32>
    %add3A_312 = arith.addi %add3A_311, %and3A_77 : vector<16xi32>
    %gather3A_313 = tpu.vector_load_idx %arg4[%add3A_312] : memref<1024xf32, #tpu.memory_space<vmem>>[vector<16xi32>], vector<16xf32>,
    %lt3A_314 = arith.cmpi slt, %add3A_312, %add3A_103 : vector<16xi32>
    %le3A_315 = arith.cmpf ole, %gather3A_313, %get3A_108 : vector<16xf32>
    %lt3A_316 = arith.cmpf olt, %gather3A_313, %get3A_108 : vector<16xf32>
    %select_n3A_317 = arith.select %lt3A_314, %le3A_315, %lt3A_316 : vector<16xi1>, vector<16xi1>
    %lt3A_318 = arith.cmpi slt, %add3A_312, %add3A_107 : vector<16xi32>
    %le3A_319 = arith.cmpf ole, %gather3A_313, %get3A_112 : vector<16xf32>
    %lt3A_320 = arith.cmpf olt, %gather3A_313, %get3A_112 : vector<16xf32>
    %select_n3A_321 = arith.select %lt3A_318, %le3A_319, %lt3A_320 : vector<16xi1>, vector<16xi1>
    %convert_element_type3A_322 = arith.extui %select_n3A_317 : vector<16xi1> to vector<16xi32>
    %add3A_323 = arith.addi %add3A_306, %convert_element_type3A_322 : vector<16xi32>
    %convert_element_type3A_324 = arith.extui %select_n3A_321 : vector<16xi1> to vector<16xi32>
    %add3A_325 = arith.addi %add3A_308, %convert_element_type3A_324 : vector<16xi32>
    %add3A_326 = arith.constant 0 : i32
    %add3A_327 = arith.addi %mul3A_6, %add3A_326 : i32
    %add3A_328 = vector.broadcast %add3A_327 : i32 to vector<16xi32>
    %add3A_329 = arith.addi %add3A_328, %and3A_83 : vector<16xi32>
    %gather3A_330 = tpu.vector_load_idx %arg4[%add3A_329] : memref<1024xf32, #tpu.memory_space<vmem>>[vector<16xi32>], vector<16xf32>,
    %lt3A_331 = arith.cmpi slt, %add3A_329, %add3A_103 : vector<16xi32>
    %le3A_332 = arith.cmpf ole, %gather3A_330, %get3A_108 : vector<16xf32>
    %lt3A_333 = arith.cmpf olt, %gather3A_330, %get3A_108 : vector<16xf32>
    %select_n3A_334 = arith.select %lt3A_331, %le3A_332, %lt3A_333 : vector<16xi1>, vector<16xi1>
    %lt3A_335 = arith.cmpi slt, %add3A_329, %add3A_107 : vector<16xi32>
    %le3A_336 = arith.cmpf ole, %gather3A_330, %get3A_112 : vector<16xf32>
    %lt3A_337 = arith.cmpf olt, %gather3A_330, %get3A_112 : vector<16xf32>
    %select_n3A_338 = arith.select %lt3A_335, %le3A_336, %lt3A_337 : vector<16xi1>, vector<16xi1>
    %convert_element_type3A_339 = arith.extui %select_n3A_334 : vector<16xi1> to vector<16xi32>
    %add3A_340 = arith.addi %add3A_323, %convert_element_type3A_339 : vector<16xi32>
    %convert_element_type3A_341 = arith.extui %select_n3A_338 : vector<16xi1> to vector<16xi32>
    %add3A_342 = arith.addi %add3A_325, %convert_element_type3A_341 : vector<16xi32>
    %add3A_343 = arith.constant 0 : i32
    %add3A_344 = arith.addi %mul3A_6, %add3A_343 : i32
    %add3A_345 = vector.broadcast %add3A_344 : i32 to vector<16xi32>
    %add3A_346 = arith.addi %add3A_345, %and3A_89 : vector<16xi32>
    %gather3A_347 = tpu.vector_load_idx %arg4[%add3A_346] : memref<1024xf32, #tpu.memory_space<vmem>>[vector<16xi32>], vector<16xf32>,
    %lt3A_348 = arith.cmpi slt, %add3A_346, %add3A_103 : vector<16xi32>
    %le3A_349 = arith.cmpf ole, %gather3A_347, %get3A_108 : vector<16xf32>
    %lt3A_350 = arith.cmpf olt, %gather3A_347, %get3A_108 : vector<16xf32>
    %select_n3A_351 = arith.select %lt3A_348, %le3A_349, %lt3A_350 : vector<16xi1>, vector<16xi1>
    %lt3A_352 = arith.cmpi slt, %add3A_346, %add3A_107 : vector<16xi32>
    %le3A_353 = arith.cmpf ole, %gather3A_347, %get3A_112 : vector<16xf32>
    %lt3A_354 = arith.cmpf olt, %gather3A_347, %get3A_112 : vector<16xf32>
    %select_n3A_355 = arith.select %lt3A_352, %le3A_353, %lt3A_354 : vector<16xi1>, vector<16xi1>
    %convert_element_type3A_356 = arith.extui %select_n3A_351 : vector<16xi1> to vector<16xi32>
    %add3A_357 = arith.addi %add3A_340, %convert_element_type3A_356 : vector<16xi32>
    %convert_element_type3A_358 = arith.extui %select_n3A_355 : vector<16xi1> to vector<16xi32>
    %add3A_359 = arith.addi %add3A_342, %convert_element_type3A_358 : vector<16xi32>
    %add3A_360 = arith.constant 0 : i32
    %add3A_361 = arith.addi %mul3A_6, %add3A_360 : i32
    %add3A_362 = vector.broadcast %add3A_361 : i32 to vector<16xi32>
    %add3A_363 = arith.addi %add3A_362, %and3A_95 : vector<16xi32>
    %gather3A_364 = tpu.vector_load_idx %arg4[%add3A_363] : memref<1024xf32, #tpu.memory_space<vmem>>[vector<16xi32>], vector<16xf32>,
    %lt3A_365 = arith.cmpi slt, %add3A_363, %add3A_103 : vector<16xi32>
    %le3A_366 = arith.cmpf ole, %gather3A_364, %get3A_108 : vector<16xf32>
    %lt3A_367 = arith.cmpf olt, %gather3A_364, %get3A_108 : vector<16xf32>
    %select_n3A_368 = arith.select %lt3A_365, %le3A_366, %lt3A_367 : vector<16xi1>, vector<16xi1>
    %lt3A_369 = arith.cmpi slt, %add3A_363, %add3A_107 : vector<16xi32>
    %le3A_370 = arith.cmpf ole, %gather3A_364, %get3A_112 : vector<16xf32>
    %lt3A_371 = arith.cmpf olt, %gather3A_364, %get3A_112 : vector<16xf32>
    %select_n3A_372 = arith.select %lt3A_369, %le3A_370, %lt3A_371 : vector<16xi1>, vector<16xi1>
    %convert_element_type3A_373 = arith.extui %select_n3A_368 : vector<16xi1> to vector<16xi32>
    %add3A_374 = arith.addi %add3A_357, %convert_element_type3A_373 : vector<16xi32>
    %convert_element_type3A_375 = arith.extui %select_n3A_372 : vector<16xi1> to vector<16xi32>
    %add3A_376 = arith.addi %add3A_359, %convert_element_type3A_375 : vector<16xi32>
    %add3A_377 = arith.constant 0 : i32
    %add3A_378 = arith.addi %mul3A_6, %add3A_377 : i32
    %add3A_379 = vector.broadcast %add3A_378 : i32 to vector<16xi32>
    %add3A_380 = arith.addi %add3A_379, %and3A_101 : vector<16xi32>
    %gather3A_381 = tpu.vector_load_idx %arg4[%add3A_380] : memref<1024xf32, #tpu.memory_space<vmem>>[vector<16xi32>], vector<16xf32>,
    %lt3A_382 = arith.cmpi slt, %add3A_380, %add3A_103 : vector<16xi32>
    %le3A_383 = arith.cmpf ole, %gather3A_381, %get3A_108 : vector<16xf32>
    %lt3A_384 = arith.cmpf olt, %gather3A_381, %get3A_108 : vector<16xf32>
    %select_n3A_385 = arith.select %lt3A_382, %le3A_383, %lt3A_384 : vector<16xi1>, vector<16xi1>
    %lt3A_386 = arith.cmpi slt, %add3A_380, %add3A_107 : vector<16xi32>
    %le3A_387 = arith.cmpf ole, %gather3A_381, %get3A_112 : vector<16xf32>
    %lt3A_388 = arith.cmpf olt, %gather3A_381, %get3A_112 : vector<16xf32>
    %select_n3A_389 = arith.select %lt3A_386, %le3A_387, %lt3A_388 : vector<16xi1>, vector<16xi1>
    %convert_element_type3A_390 = arith.extui %select_n3A_385 : vector<16xi1> to vector<16xi32>
    %add3A_391 = arith.addi %add3A_374, %convert_element_type3A_390 : vector<16xi32>
    %convert_element_type3A_392 = arith.extui %select_n3A_389 : vector<16xi1> to vector<16xi32>
    %add3A_393 = arith.addi %add3A_376, %convert_element_type3A_392 : vector<16xi32>
    %add3A_394 = arith.constant 16 : i32
    %add3A_395 = arith.addi %mul3A_6, %add3A_394 : i32
    %add3A_396 = vector.broadcast %add3A_395 : i32 to vector<16xi32>
    %add3A_397 = arith.addi %add3A_396, %and3A_11 : vector<16xi32>
    %gather3A_398 = tpu.vector_load_idx %arg4[%add3A_397] : memref<1024xf32, #tpu.memory_space<vmem>>[vector<16xi32>], vector<16xf32>,
    %lt3A_399 = arith.cmpi slt, %add3A_397, %add3A_103 : vector<16xi32>
    %le3A_400 = arith.cmpf ole, %gather3A_398, %get3A_108 : vector<16xf32>
    %lt3A_401 = arith.cmpf olt, %gather3A_398, %get3A_108 : vector<16xf32>
    %select_n3A_402 = arith.select %lt3A_399, %le3A_400, %lt3A_401 : vector<16xi1>, vector<16xi1>
    %lt3A_403 = arith.cmpi slt, %add3A_397, %add3A_107 : vector<16xi32>
    %le3A_404 = arith.cmpf ole, %gather3A_398, %get3A_112 : vector<16xf32>
    %lt3A_405 = arith.cmpf olt, %gather3A_398, %get3A_112 : vector<16xf32>
    %select_n3A_406 = arith.select %lt3A_403, %le3A_404, %lt3A_405 : vector<16xi1>, vector<16xi1>
    %convert_element_type3A_407 = arith.extui %select_n3A_402 : vector<16xi1> to vector<16xi32>
    %add3A_408 = arith.addi %add3A_391, %convert_element_type3A_407 : vector<16xi32>
    %convert_element_type3A_409 = arith.extui %select_n3A_406 : vector<16xi1> to vector<16xi32>
    %add3A_410 = arith.addi %add3A_393, %convert_element_type3A_409 : vector<16xi32>
    %add3A_411 = arith.constant 16 : i32
    %add3A_412 = arith.addi %mul3A_6, %add3A_411 : i32
    %add3A_413 = vector.broadcast %add3A_412 : i32 to vector<16xi32>
    %add3A_414 = arith.addi %add3A_413, %and3A_17 : vector<16xi32>
    %gather3A_415 = tpu.vector_load_idx %arg4[%add3A_414] : memref<1024xf32, #tpu.memory_space<vmem>>[vector<16xi32>], vector<16xf32>,
    %lt3A_416 = arith.cmpi slt, %add3A_414, %add3A_103 : vector<16xi32>
    %le3A_417 = arith.cmpf ole, %gather3A_415, %get3A_108 : vector<16xf32>
    %lt3A_418 = arith.cmpf olt, %gather3A_415, %get3A_108 : vector<16xf32>
    %select_n3A_419 = arith.select %lt3A_416, %le3A_417, %lt3A_418 : vector<16xi1>, vector<16xi1>
    %lt3A_420 = arith.cmpi slt, %add3A_414, %add3A_107 : vector<16xi32>
    %le3A_421 = arith.cmpf ole, %gather3A_415, %get3A_112 : vector<16xf32>
    %lt3A_422 = arith.cmpf olt, %gather3A_415, %get3A_112 : vector<16xf32>
    %select_n3A_423 = arith.select %lt3A_420, %le3A_421, %lt3A_422 : vector<16xi1>, vector<16xi1>
    %convert_element_type3A_424 = arith.extui %select_n3A_419 : vector<16xi1> to vector<16xi32>
    %add3A_425 = arith.addi %add3A_408, %convert_element_type3A_424 : vector<16xi32>
    %convert_element_type3A_426 = arith.extui %select_n3A_423 : vector<16xi1> to vector<16xi32>
    %add3A_427 = arith.addi %add3A_410, %convert_element_type3A_426 : vector<16xi32>
    %add3A_428 = arith.constant 16 : i32
    %add3A_429 = arith.addi %mul3A_6, %add3A_428 : i32
    %add3A_430 = vector.broadcast %add3A_429 : i32 to vector<16xi32>
    %add3A_431 = arith.addi %add3A_430, %and3A_23 : vector<16xi32>
    %gather3A_432 = tpu.vector_load_idx %arg4[%add3A_431] : memref<1024xf32, #tpu.memory_space<vmem>>[vector<16xi32>], vector<16xf32>,
    %lt3A_433 = arith.cmpi slt, %add3A_431, %add3A_103 : vector<16xi32>
    %le3A_434 = arith.cmpf ole, %gather3A_432, %get3A_108 : vector<16xf32>
    %lt3A_435 = arith.cmpf olt, %gather3A_432, %get3A_108 : vector<16xf32>
    %select_n3A_436 = arith.select %lt3A_433, %le3A_434, %lt3A_435 : vector<16xi1>, vector<16xi1>
    %lt3A_437 = arith.cmpi slt, %add3A_431, %add3A_107 : vector<16xi32>
    %le3A_438 = arith.cmpf ole, %gather3A_432, %get3A_112 : vector<16xf32>
    %lt3A_439 = arith.cmpf olt, %gather3A_432, %get3A_112 : vector<16xf32>
    %select_n3A_440 = arith.select %lt3A_437, %le3A_438, %lt3A_439 : vector<16xi1>, vector<16xi1>
    %convert_element_type3A_441 = arith.extui %select_n3A_436 : vector<16xi1> to vector<16xi32>
    %add3A_442 = arith.addi %add3A_425, %convert_element_type3A_441 : vector<16xi32>
    %convert_element_type3A_443 = arith.extui %select_n3A_440 : vector<16xi1> to vector<16xi32>
    %add3A_444 = arith.addi %add3A_427, %convert_element_type3A_443 : vector<16xi32>
    %add3A_445 = arith.constant 16 : i32
    %add3A_446 = arith.addi %mul3A_6, %add3A_445 : i32
    %add3A_447 = vector.broadcast %add3A_446 : i32 to vector<16xi32>
    %add3A_448 = arith.addi %add3A_447, %and3A_29 : vector<16xi32>
    %gather3A_449 = tpu.vector_load_idx %arg4[%add3A_448] : memref<1024xf32, #tpu.memory_space<vmem>>[vector<16xi32>], vector<16xf32>,
    %lt3A_450 = arith.cmpi slt, %add3A_448, %add3A_103 : vector<16xi32>
    %le3A_451 = arith.cmpf ole, %gather3A_449, %get3A_108 : vector<16xf32>
    %lt3A_452 = arith.cmpf olt, %gather3A_449, %get3A_108 : vector<16xf32>
    %select_n3A_453 = arith.select %lt3A_450, %le3A_451, %lt3A_452 : vector<16xi1>, vector<16xi1>
    %lt3A_454 = arith.cmpi slt, %add3A_448, %add3A_107 : vector<16xi32>
    %le3A_455 = arith.cmpf ole, %gather3A_449, %get3A_112 : vector<16xf32>
    %lt3A_456 = arith.cmpf olt, %gather3A_449, %get3A_112 : vector<16xf32>
    %select_n3A_457 = arith.select %lt3A_454, %le3A_455, %lt3A_456 : vector<16xi1>, vector<16xi1>
    %convert_element_type3A_458 = arith.extui %select_n3A_453 : vector<16xi1> to vector<16xi32>
    %add3A_459 = arith.addi %add3A_442, %convert_element_type3A_458 : vector<16xi32>
    %convert_element_type3A_460 = arith.extui %select_n3A_457 : vector<16xi1> to vector<16xi32>
    %add3A_461 = arith.addi %add3A_444, %convert_element_type3A_460 : vector<16xi32>
    %add3A_462 = arith.constant 16 : i32
    %add3A_463 = arith.addi %mul3A_6, %add3A_462 : i32
    %add3A_464 = vector.broadcast %add3A_463 : i32 to vector<16xi32>
    %add3A_465 = arith.addi %add3A_464, %and3A_35 : vector<16xi32>
    %gather3A_466 = tpu.vector_load_idx %arg4[%add3A_465] : memref<1024xf32, #tpu.memory_space<vmem>>[vector<16xi32>], vector<16xf32>,
    %lt3A_467 = arith.cmpi slt, %add3A_465, %add3A_103 : vector<16xi32>
    %le3A_468 = arith.cmpf ole, %gather3A_466, %get3A_108 : vector<16xf32>
    %lt3A_469 = arith.cmpf olt, %gather3A_466, %get3A_108 : vector<16xf32>
    %select_n3A_470 = arith.select %lt3A_467, %le3A_468, %lt3A_469 : vector<16xi1>, vector<16xi1>
    %lt3A_471 = arith.cmpi slt, %add3A_465, %add3A_107 : vector<16xi32>
    %le3A_472 = arith.cmpf ole, %gather3A_466, %get3A_112 : vector<16xf32>
    %lt3A_473 = arith.cmpf olt, %gather3A_466, %get3A_112 : vector<16xf32>
    %select_n3A_474 = arith.select %lt3A_471, %le3A_472, %lt3A_473 : vector<16xi1>, vector<16xi1>
    %convert_element_type3A_475 = arith.extui %select_n3A_470 : vector<16xi1> to vector<16xi32>
    %add3A_476 = arith.addi %add3A_459, %convert_element_type3A_475 : vector<16xi32>
    %convert_element_type3A_477 = arith.extui %select_n3A_474 : vector<16xi1> to vector<16xi32>
    %add3A_478 = arith.addi %add3A_461, %convert_element_type3A_477 : vector<16xi32>
    %add3A_479 = arith.constant 16 : i32
    %add3A_480 = arith.addi %mul3A_6, %add3A_479 : i32
    %add3A_481 = vector.broadcast %add3A_480 : i32 to vector<16xi32>
    %add3A_482 = arith.addi %add3A_481, %and3A_41 : vector<16xi32>
    %gather3A_483 = tpu.vector_load_idx %arg4[%add3A_482] : memref<1024xf32, #tpu.memory_space<vmem>>[vector<16xi32>], vector<16xf32>,
    %lt3A_484 = arith.cmpi slt, %add3A_482, %add3A_103 : vector<16xi32>
    %le3A_485 = arith.cmpf ole, %gather3A_483, %get3A_108 : vector<16xf32>
    %lt3A_486 = arith.cmpf olt, %gather3A_483, %get3A_108 : vector<16xf32>
    %select_n3A_487 = arith.select %lt3A_484, %le3A_485, %lt3A_486 : vector<16xi1>, vector<16xi1>
    %lt3A_488 = arith.cmpi slt, %add3A_482, %add3A_107 : vector<16xi32>
    %le3A_489 = arith.cmpf ole, %gather3A_483, %get3A_112 : vector<16xf32>
    %lt3A_490 = arith.cmpf olt, %gather3A_483, %get3A_112 : vector<16xf32>
    %select_n3A_491 = arith.select %lt3A_488, %le3A_489, %lt3A_490 : vector<16xi1>, vector<16xi1>
    %convert_element_type3A_492 = arith.extui %select_n3A_487 : vector<16xi1> to vector<16xi32>
    %add3A_493 = arith.addi %add3A_476, %convert_element_type3A_492 : vector<16xi32>
    %convert_element_type3A_494 = arith.extui %select_n3A_491 : vector<16xi1> to vector<16xi32>
    %add3A_495 = arith.addi %add3A_478, %convert_element_type3A_494 : vector<16xi32>
    %add3A_496 = arith.constant 16 : i32
    %add3A_497 = arith.addi %mul3A_6, %add3A_496 : i32
    %add3A_498 = vector.broadcast %add3A_497 : i32 to vector<16xi32>
    %add3A_499 = arith.addi %add3A_498, %and3A_47 : vector<16xi32>
    %gather3A_500 = tpu.vector_load_idx %arg4[%add3A_499] : memref<1024xf32, #tpu.memory_space<vmem>>[vector<16xi32>], vector<16xf32>,
    %lt3A_501 = arith.cmpi slt, %add3A_499, %add3A_103 : vector<16xi32>
    %le3A_502 = arith.cmpf ole, %gather3A_500, %get3A_108 : vector<16xf32>
    %lt3A_503 = arith.cmpf olt, %gather3A_500, %get3A_108 : vector<16xf32>
    %select_n3A_504 = arith.select %lt3A_501, %le3A_502, %lt3A_503 : vector<16xi1>, vector<16xi1>
    %lt3A_505 = arith.cmpi slt, %add3A_499, %add3A_107 : vector<16xi32>
    %le3A_506 = arith.cmpf ole, %gather3A_500, %get3A_112 : vector<16xf32>
    %lt3A_507 = arith.cmpf olt, %gather3A_500, %get3A_112 : vector<16xf32>
    %select_n3A_508 = arith.select %lt3A_505, %le3A_506, %lt3A_507 : vector<16xi1>, vector<16xi1>
    %convert_element_type3A_509 = arith.extui %select_n3A_504 : vector<16xi1> to vector<16xi32>
    %add3A_510 = arith.addi %add3A_493, %convert_element_type3A_509 : vector<16xi32>
    %convert_element_type3A_511 = arith.extui %select_n3A_508 : vector<16xi1> to vector<16xi32>
    %add3A_512 = arith.addi %add3A_495, %convert_element_type3A_511 : vector<16xi32>
    %add3A_513 = arith.constant 16 : i32
    %add3A_514 = arith.addi %mul3A_6, %add3A_513 : i32
    %add3A_515 = vector.broadcast %add3A_514 : i32 to vector<16xi32>
    %add3A_516 = arith.addi %add3A_515, %and3A_53 : vector<16xi32>
    %gather3A_517 = tpu.vector_load_idx %arg4[%add3A_516] : memref<1024xf32, #tpu.memory_space<vmem>>[vector<16xi32>], vector<16xf32>,
    %lt3A_518 = arith.cmpi slt, %add3A_516, %add3A_103 : vector<16xi32>
    %le3A_519 = arith.cmpf ole, %gather3A_517, %get3A_108 : vector<16xf32>
    %lt3A_520 = arith.cmpf olt, %gather3A_517, %get3A_108 : vector<16xf32>
    %select_n3A_521 = arith.select %lt3A_518, %le3A_519, %lt3A_520 : vector<16xi1>, vector<16xi1>
    %lt3A_522 = arith.cmpi slt, %add3A_516, %add3A_107 : vector<16xi32>
    %le3A_523 = arith.cmpf ole, %gather3A_517, %get3A_112 : vector<16xf32>
    %lt3A_524 = arith.cmpf olt, %gather3A_517, %get3A_112 : vector<16xf32>
    %select_n3A_525 = arith.select %lt3A_522, %le3A_523, %lt3A_524 : vector<16xi1>, vector<16xi1>
    %convert_element_type3A_526 = arith.extui %select_n3A_521 : vector<16xi1> to vector<16xi32>
    %add3A_527 = arith.addi %add3A_510, %convert_element_type3A_526 : vector<16xi32>
    %convert_element_type3A_528 = arith.extui %select_n3A_525 : vector<16xi1> to vector<16xi32>
    %add3A_529 = arith.addi %add3A_512, %convert_element_type3A_528 : vector<16xi32>
    %add3A_530 = arith.constant 16 : i32
    %add3A_531 = arith.addi %mul3A_6, %add3A_530 : i32
    %add3A_532 = vector.broadcast %add3A_531 : i32 to vector<16xi32>
    %add3A_533 = arith.addi %add3A_532, %and3A_59 : vector<16xi32>
    %gather3A_534 = tpu.vector_load_idx %arg4[%add3A_533] : memref<1024xf32, #tpu.memory_space<vmem>>[vector<16xi32>], vector<16xf32>,
    %lt3A_535 = arith.cmpi slt, %add3A_533, %add3A_103 : vector<16xi32>
    %le3A_536 = arith.cmpf ole, %gather3A_534, %get3A_108 : vector<16xf32>
    %lt3A_537 = arith.cmpf olt, %gather3A_534, %get3A_108 : vector<16xf32>
    %select_n3A_538 = arith.select %lt3A_535, %le3A_536, %lt3A_537 : vector<16xi1>, vector<16xi1>
    %lt3A_539 = arith.cmpi slt, %add3A_533, %add3A_107 : vector<16xi32>
    %le3A_540 = arith.cmpf ole, %gather3A_534, %get3A_112 : vector<16xf32>
    %lt3A_541 = arith.cmpf olt, %gather3A_534, %get3A_112 : vector<16xf32>
    %select_n3A_542 = arith.select %lt3A_539, %le3A_540, %lt3A_541 : vector<16xi1>, vector<16xi1>
    %convert_element_type3A_543 = arith.extui %select_n3A_538 : vector<16xi1> to vector<16xi32>
    %add3A_544 = arith.addi %add3A_527, %convert_element_type3A_543 : vector<16xi32>
    %convert_element_type3A_545 = arith.extui %select_n3A_542 : vector<16xi1> to vector<16xi32>
    %add3A_546 = arith.addi %add3A_529, %convert_element_type3A_545 : vector<16xi32>
    %add3A_547 = arith.constant 16 : i32
    %add3A_548 = arith.addi %mul3A_6, %add3A_547 : i32
    %add3A_549 = vector.broadcast %add3A_548 : i32 to vector<16xi32>
    %add3A_550 = arith.addi %add3A_549, %and3A_65 : vector<16xi32>
    %gather3A_551 = tpu.vector_load_idx %arg4[%add3A_550] : memref<1024xf32, #tpu.memory_space<vmem>>[vector<16xi32>], vector<16xf32>,
    %lt3A_552 = arith.cmpi slt, %add3A_550, %add3A_103 : vector<16xi32>
    %le3A_553 = arith.cmpf ole, %gather3A_551, %get3A_108 : vector<16xf32>
    %lt3A_554 = arith.cmpf olt, %gather3A_551, %get3A_108 : vector<16xf32>
    %select_n3A_555 = arith.select %lt3A_552, %le3A_553, %lt3A_554 : vector<16xi1>, vector<16xi1>
    %lt3A_556 = arith.cmpi slt, %add3A_550, %add3A_107 : vector<16xi32>
    %le3A_557 = arith.cmpf ole, %gather3A_551, %get3A_112 : vector<16xf32>
    %lt3A_558 = arith.cmpf olt, %gather3A_551, %get3A_112 : vector<16xf32>
    %select_n3A_559 = arith.select %lt3A_556, %le3A_557, %lt3A_558 : vector<16xi1>, vector<16xi1>
    %convert_element_type3A_560 = arith.extui %select_n3A_555 : vector<16xi1> to vector<16xi32>
    %add3A_561 = arith.addi %add3A_544, %convert_element_type3A_560 : vector<16xi32>
    %convert_element_type3A_562 = arith.extui %select_n3A_559 : vector<16xi1> to vector<16xi32>
    %add3A_563 = arith.addi %add3A_546, %convert_element_type3A_562 : vector<16xi32>
    %add3A_564 = arith.constant 16 : i32
    %add3A_565 = arith.addi %mul3A_6, %add3A_564 : i32
    %add3A_566 = vector.broadcast %add3A_565 : i32 to vector<16xi32>
    %add3A_567 = arith.addi %add3A_566, %and3A_71 : vector<16xi32>
    %gather3A_568 = tpu.vector_load_idx %arg4[%add3A_567] : memref<1024xf32, #tpu.memory_space<vmem>>[vector<16xi32>], vector<16xf32>,
    %lt3A_569 = arith.cmpi slt, %add3A_567, %add3A_103 : vector<16xi32>
    %le3A_570 = arith.cmpf ole, %gather3A_568, %get3A_108 : vector<16xf32>
    %lt3A_571 = arith.cmpf olt, %gather3A_568, %get3A_108 : vector<16xf32>
    %select_n3A_572 = arith.select %lt3A_569, %le3A_570, %lt3A_571 : vector<16xi1>, vector<16xi1>
    %lt3A_573 = arith.cmpi slt, %add3A_567, %add3A_107 : vector<16xi32>
    %le3A_574 = arith.cmpf ole, %gather3A_568, %get3A_112 : vector<16xf32>
    %lt3A_575 = arith.cmpf olt, %gather3A_568, %get3A_112 : vector<16xf32>
    %select_n3A_576 = arith.select %lt3A_573, %le3A_574, %lt3A_575 : vector<16xi1>, vector<16xi1>
    %convert_element_type3A_577 = arith.extui %select_n3A_572 : vector<16xi1> to vector<16xi32>
    %add3A_578 = arith.addi %add3A_561, %convert_element_type3A_577 : vector<16xi32>
    %convert_element_type3A_579 = arith.extui %select_n3A_576 : vector<16xi1> to vector<16xi32>
    %add3A_580 = arith.addi %add3A_563, %convert_element_type3A_579 : vector<16xi32>
    %add3A_581 = arith.constant 16 : i32
    %add3A_582 = arith.addi %mul3A_6, %add3A_581 : i32
    %add3A_583 = vector.broadcast %add3A_582 : i32 to vector<16xi32>
    %add3A_584 = arith.addi %add3A_583, %and3A_77 : vector<16xi32>
    %gather3A_585 = tpu.vector_load_idx %arg4[%add3A_584] : memref<1024xf32, #tpu.memory_space<vmem>>[vector<16xi32>], vector<16xf32>,
    %lt3A_586 = arith.cmpi slt, %add3A_584, %add3A_103 : vector<16xi32>
    %le3A_587 = arith.cmpf ole, %gather3A_585, %get3A_108 : vector<16xf32>
    %lt3A_588 = arith.cmpf olt, %gather3A_585, %get3A_108 : vector<16xf32>
    %select_n3A_589 = arith.select %lt3A_586, %le3A_587, %lt3A_588 : vector<16xi1>, vector<16xi1>
    %lt3A_590 = arith.cmpi slt, %add3A_584, %add3A_107 : vector<16xi32>
    %le3A_591 = arith.cmpf ole, %gather3A_585, %get3A_112 : vector<16xf32>
    %lt3A_592 = arith.cmpf olt, %gather3A_585, %get3A_112 : vector<16xf32>
    %select_n3A_593 = arith.select %lt3A_590, %le3A_591, %lt3A_592 : vector<16xi1>, vector<16xi1>
    %convert_element_type3A_594 = arith.extui %select_n3A_589 : vector<16xi1> to vector<16xi32>
    %add3A_595 = arith.addi %add3A_578, %convert_element_type3A_594 : vector<16xi32>
    %convert_element_type3A_596 = arith.extui %select_n3A_593 : vector<16xi1> to vector<16xi32>
    %add3A_597 = arith.addi %add3A_580, %convert_element_type3A_596 : vector<16xi32>
    %add3A_598 = arith.constant 16 : i32
    %add3A_599 = arith.addi %mul3A_6, %add3A_598 : i32
    %add3A_600 = vector.broadcast %add3A_599 : i32 to vector<16xi32>
    %add3A_601 = arith.addi %add3A_600, %and3A_83 : vector<16xi32>
    %gather3A_602 = tpu.vector_load_idx %arg4[%add3A_601] : memref<1024xf32, #tpu.memory_space<vmem>>[vector<16xi32>], vector<16xf32>,
    %lt3A_603 = arith.cmpi slt, %add3A_601, %add3A_103 : vector<16xi32>
    %le3A_604 = arith.cmpf ole, %gather3A_602, %get3A_108 : vector<16xf32>
    %lt3A_605 = arith.cmpf olt, %gather3A_602, %get3A_108 : vector<16xf32>
    %select_n3A_606 = arith.select %lt3A_603, %le3A_604, %lt3A_605 : vector<16xi1>, vector<16xi1>
    %lt3A_607 = arith.cmpi slt, %add3A_601, %add3A_107 : vector<16xi32>
    %le3A_608 = arith.cmpf ole, %gather3A_602, %get3A_112 : vector<16xf32>
    %lt3A_609 = arith.cmpf olt, %gather3A_602, %get3A_112 : vector<16xf32>
    %select_n3A_610 = arith.select %lt3A_607, %le3A_608, %lt3A_609 : vector<16xi1>, vector<16xi1>
    %convert_element_type3A_611 = arith.extui %select_n3A_606 : vector<16xi1> to vector<16xi32>
    %add3A_612 = arith.addi %add3A_595, %convert_element_type3A_611 : vector<16xi32>
    %convert_element_type3A_613 = arith.extui %select_n3A_610 : vector<16xi1> to vector<16xi32>
    %add3A_614 = arith.addi %add3A_597, %convert_element_type3A_613 : vector<16xi32>
    %add3A_615 = arith.constant 16 : i32
    %add3A_616 = arith.addi %mul3A_6, %add3A_615 : i32
    %add3A_617 = vector.broadcast %add3A_616 : i32 to vector<16xi32>
    %add3A_618 = arith.addi %add3A_617, %and3A_89 : vector<16xi32>
    %gather3A_619 = tpu.vector_load_idx %arg4[%add3A_618] : memref<1024xf32, #tpu.memory_space<vmem>>[vector<16xi32>], vector<16xf32>,
    %lt3A_620 = arith.cmpi slt, %add3A_618, %add3A_103 : vector<16xi32>
    %le3A_621 = arith.cmpf ole, %gather3A_619, %get3A_108 : vector<16xf32>
    %lt3A_622 = arith.cmpf olt, %gather3A_619, %get3A_108 : vector<16xf32>
    %select_n3A_623 = arith.select %lt3A_620, %le3A_621, %lt3A_622 : vector<16xi1>, vector<16xi1>
    %lt3A_624 = arith.cmpi slt, %add3A_618, %add3A_107 : vector<16xi32>
    %le3A_625 = arith.cmpf ole, %gather3A_619, %get3A_112 : vector<16xf32>
    %lt3A_626 = arith.cmpf olt, %gather3A_619, %get3A_112 : vector<16xf32>
    %select_n3A_627 = arith.select %lt3A_624, %le3A_625, %lt3A_626 : vector<16xi1>, vector<16xi1>
    %convert_element_type3A_628 = arith.extui %select_n3A_623 : vector<16xi1> to vector<16xi32>
    %add3A_629 = arith.addi %add3A_612, %convert_element_type3A_628 : vector<16xi32>
    %convert_element_type3A_630 = arith.extui %select_n3A_627 : vector<16xi1> to vector<16xi32>
    %add3A_631 = arith.addi %add3A_614, %convert_element_type3A_630 : vector<16xi32>
    %add3A_632 = arith.constant 16 : i32
    %add3A_633 = arith.addi %mul3A_6, %add3A_632 : i32
    %add3A_634 = vector.broadcast %add3A_633 : i32 to vector<16xi32>
    %add3A_635 = arith.addi %add3A_634, %and3A_95 : vector<16xi32>
    %gather3A_636 = tpu.vector_load_idx %arg4[%add3A_635] : memref<1024xf32, #tpu.memory_space<vmem>>[vector<16xi32>], vector<16xf32>,
    %lt3A_637 = arith.cmpi slt, %add3A_635, %add3A_103 : vector<16xi32>
    %le3A_638 = arith.cmpf ole, %gather3A_636, %get3A_108 : vector<16xf32>
    %lt3A_639 = arith.cmpf olt, %gather3A_636, %get3A_108 : vector<16xf32>
    %select_n3A_640 = arith.select %lt3A_637, %le3A_638, %lt3A_639 : vector<16xi1>, vector<16xi1>
    %lt3A_641 = arith.cmpi slt, %add3A_635, %add3A_107 : vector<16xi32>
    %le3A_642 = arith.cmpf ole, %gather3A_636, %get3A_112 : vector<16xf32>
    %lt3A_643 = arith.cmpf olt, %gather3A_636, %get3A_112 : vector<16xf32>
    %select_n3A_644 = arith.select %lt3A_641, %le3A_642, %lt3A_643 : vector<16xi1>, vector<16xi1>
    %convert_element_type3A_645 = arith.extui %select_n3A_640 : vector<16xi1> to vector<16xi32>
    %add3A_646 = arith.addi %add3A_629, %convert_element_type3A_645 : vector<16xi32>
    %convert_element_type3A_647 = arith.extui %select_n3A_644 : vector<16xi1> to vector<16xi32>
    %add3A_648 = arith.addi %add3A_631, %convert_element_type3A_647 : vector<16xi32>
    %add3A_649 = arith.constant 16 : i32
    %add3A_650 = arith.addi %mul3A_6, %add3A_649 : i32
    %add3A_651 = vector.broadcast %add3A_650 : i32 to vector<16xi32>
    %add3A_652 = arith.addi %add3A_651, %and3A_101 : vector<16xi32>
    %gather3A_653 = tpu.vector_load_idx %arg4[%add3A_652] : memref<1024xf32, #tpu.memory_space<vmem>>[vector<16xi32>], vector<16xf32>,
    %lt3A_654 = arith.cmpi slt, %add3A_652, %add3A_103 : vector<16xi32>
    %le3A_655 = arith.cmpf ole, %gather3A_653, %get3A_108 : vector<16xf32>
    %lt3A_656 = arith.cmpf olt, %gather3A_653, %get3A_108 : vector<16xf32>
    %select_n3A_657 = arith.select %lt3A_654, %le3A_655, %lt3A_656 : vector<16xi1>, vector<16xi1>
    %lt3A_658 = arith.cmpi slt, %add3A_652, %add3A_107 : vector<16xi32>
    %le3A_659 = arith.cmpf ole, %gather3A_653, %get3A_112 : vector<16xf32>
    %lt3A_660 = arith.cmpf olt, %gather3A_653, %get3A_112 : vector<16xf32>
    %select_n3A_661 = arith.select %lt3A_658, %le3A_659, %lt3A_660 : vector<16xi1>, vector<16xi1>
    %convert_element_type3A_662 = arith.extui %select_n3A_657 : vector<16xi1> to vector<16xi32>
    %add3A_663 = arith.addi %add3A_646, %convert_element_type3A_662 : vector<16xi32>
    %convert_element_type3A_664 = arith.extui %select_n3A_661 : vector<16xi1> to vector<16xi32>
    %add3A_665 = arith.addi %add3A_648, %convert_element_type3A_664 : vector<16xi32>
    %mul3A_666 = arith.constant 2 : i32
    %mul3A_667 = arith.muli %mul3A_666, %add3A : i32
    %add3A_668 = arith.constant 2 : i32
    %add3A_669 = arith.addi %mul3A_667, %add3A_668 : i32
    %while3A_670 = arith.constant 64 : i32
    %while3A_671 = arith.subi %while3A_670, %add3A_669 : i32
    %while3A_672 = arith.addi %add3A_669, %while3A_671 : i32
    %while3A_673 = arith.constant 1 : i32
    %while3A_674 = arith.divsi %while3A_671, %while3A_673 : i32
    %while3A_675 = arith.muli %while3A_674, %while3A_673 : i32
    %while3A_676 = arith.addi %add3A_669, %while3A_675 : i32
    %while3A_677 = arith.constant 1 : i32
    %while3A_678:2 = scf.for %while3A_685 = %add3A_669 to %while3A_676 step %while3A_677 iter_args(%while3A_686 = %add3A_663, %while3A_687 = %add3A_665) -> (vector<16xi32>, vector<16xi32>)  : i32 {
      %mul3A_688 = arith.constant 16 : i32
      %mul3A_689 = arith.muli %while3A_685, %mul3A_688 : i32
      %add3A_690 = vector.broadcast %mul3A_689 : i32 to vector<16xi32>
      %add3A_691 = arith.addi %add3A_690, %and3A_11 : vector<16xi32>
      %gather3A_692 = tpu.vector_load_idx %arg4[%add3A_691] : memref<1024xf32, #tpu.memory_space<vmem>>[vector<16xi32>], vector<16xf32>,
      %lt3A_693 = arith.cmpf olt, %gather3A_692, %get3A_108 : vector<16xf32>
      %lt3A_694 = arith.cmpf olt, %gather3A_692, %get3A_112 : vector<16xf32>
      %convert_element_type3A_695 = arith.extui %lt3A_693 : vector<16xi1> to vector<16xi32>
      %add3A_696 = arith.addi %while3A_686, %convert_element_type3A_695 : vector<16xi32>
      %convert_element_type3A_697 = arith.extui %lt3A_694 : vector<16xi1> to vector<16xi32>
      %add3A_698 = arith.addi %while3A_687, %convert_element_type3A_697 : vector<16xi32>
      %add3A_699 = vector.broadcast %mul3A_689 : i32 to vector<16xi32>
      %add3A_700 = arith.addi %add3A_699, %and3A_17 : vector<16xi32>
      %gather3A_701 = tpu.vector_load_idx %arg4[%add3A_700] : memref<1024xf32, #tpu.memory_space<vmem>>[vector<16xi32>], vector<16xf32>,
      %lt3A_702 = arith.cmpf olt, %gather3A_701, %get3A_108 : vector<16xf32>
      %lt3A_703 = arith.cmpf olt, %gather3A_701, %get3A_112 : vector<16xf32>
      %convert_element_type3A_704 = arith.extui %lt3A_702 : vector<16xi1> to vector<16xi32>
      %add3A_705 = arith.addi %add3A_696, %convert_element_type3A_704 : vector<16xi32>
      %convert_element_type3A_706 = arith.extui %lt3A_703 : vector<16xi1> to vector<16xi32>
      %add3A_707 = arith.addi %add3A_698, %convert_element_type3A_706 : vector<16xi32>
      %add3A_708 = vector.broadcast %mul3A_689 : i32 to vector<16xi32>
      %add3A_709 = arith.addi %add3A_708, %and3A_23 : vector<16xi32>
      %gather3A_710 = tpu.vector_load_idx %arg4[%add3A_709] : memref<1024xf32, #tpu.memory_space<vmem>>[vector<16xi32>], vector<16xf32>,
      %lt3A_711 = arith.cmpf olt, %gather3A_710, %get3A_108 : vector<16xf32>
      %lt3A_712 = arith.cmpf olt, %gather3A_710, %get3A_112 : vector<16xf32>
      %convert_element_type3A_713 = arith.extui %lt3A_711 : vector<16xi1> to vector<16xi32>
      %add3A_714 = arith.addi %add3A_705, %convert_element_type3A_713 : vector<16xi32>
      %convert_element_type3A_715 = arith.extui %lt3A_712 : vector<16xi1> to vector<16xi32>
      %add3A_716 = arith.addi %add3A_707, %convert_element_type3A_715 : vector<16xi32>
      %add3A_717 = vector.broadcast %mul3A_689 : i32 to vector<16xi32>
      %add3A_718 = arith.addi %add3A_717, %and3A_29 : vector<16xi32>
      %gather3A_719 = tpu.vector_load_idx %arg4[%add3A_718] : memref<1024xf32, #tpu.memory_space<vmem>>[vector<16xi32>], vector<16xf32>,
      %lt3A_720 = arith.cmpf olt, %gather3A_719, %get3A_108 : vector<16xf32>
      %lt3A_721 = arith.cmpf olt, %gather3A_719, %get3A_112 : vector<16xf32>
      %convert_element_type3A_722 = arith.extui %lt3A_720 : vector<16xi1> to vector<16xi32>
      %add3A_723 = arith.addi %add3A_714, %convert_element_type3A_722 : vector<16xi32>
      %convert_element_type3A_724 = arith.extui %lt3A_721 : vector<16xi1> to vector<16xi32>
      %add3A_725 = arith.addi %add3A_716, %convert_element_type3A_724 : vector<16xi32>
      %add3A_726 = vector.broadcast %mul3A_689 : i32 to vector<16xi32>
      %add3A_727 = arith.addi %add3A_726, %and3A_35 : vector<16xi32>
      %gather3A_728 = tpu.vector_load_idx %arg4[%add3A_727] : memref<1024xf32, #tpu.memory_space<vmem>>[vector<16xi32>], vector<16xf32>,
      %lt3A_729 = arith.cmpf olt, %gather3A_728, %get3A_108 : vector<16xf32>
      %lt3A_730 = arith.cmpf olt, %gather3A_728, %get3A_112 : vector<16xf32>
      %convert_element_type3A_731 = arith.extui %lt3A_729 : vector<16xi1> to vector<16xi32>
      %add3A_732 = arith.addi %add3A_723, %convert_element_type3A_731 : vector<16xi32>
      %convert_element_type3A_733 = arith.extui %lt3A_730 : vector<16xi1> to vector<16xi32>
      %add3A_734 = arith.addi %add3A_725, %convert_element_type3A_733 : vector<16xi32>
      %add3A_735 = vector.broadcast %mul3A_689 : i32 to vector<16xi32>
      %add3A_736 = arith.addi %add3A_735, %and3A_41 : vector<16xi32>
      %gather3A_737 = tpu.vector_load_idx %arg4[%add3A_736] : memref<1024xf32, #tpu.memory_space<vmem>>[vector<16xi32>], vector<16xf32>,
      %lt3A_738 = arith.cmpf olt, %gather3A_737, %get3A_108 : vector<16xf32>
      %lt3A_739 = arith.cmpf olt, %gather3A_737, %get3A_112 : vector<16xf32>
      %convert_element_type3A_740 = arith.extui %lt3A_738 : vector<16xi1> to vector<16xi32>
      %add3A_741 = arith.addi %add3A_732, %convert_element_type3A_740 : vector<16xi32>
      %convert_element_type3A_742 = arith.extui %lt3A_739 : vector<16xi1> to vector<16xi32>
      %add3A_743 = arith.addi %add3A_734, %convert_element_type3A_742 : vector<16xi32>
      %add3A_744 = vector.broadcast %mul3A_689 : i32 to vector<16xi32>
      %add3A_745 = arith.addi %add3A_744, %and3A_47 : vector<16xi32>
      %gather3A_746 = tpu.vector_load_idx %arg4[%add3A_745] : memref<1024xf32, #tpu.memory_space<vmem>>[vector<16xi32>], vector<16xf32>,
      %lt3A_747 = arith.cmpf olt, %gather3A_746, %get3A_108 : vector<16xf32>
      %lt3A_748 = arith.cmpf olt, %gather3A_746, %get3A_112 : vector<16xf32>
      %convert_element_type3A_749 = arith.extui %lt3A_747 : vector<16xi1> to vector<16xi32>
      %add3A_750 = arith.addi %add3A_741, %convert_element_type3A_749 : vector<16xi32>
      %convert_element_type3A_751 = arith.extui %lt3A_748 : vector<16xi1> to vector<16xi32>
      %add3A_752 = arith.addi %add3A_743, %convert_element_type3A_751 : vector<16xi32>
      %add3A_753 = vector.broadcast %mul3A_689 : i32 to vector<16xi32>
      %add3A_754 = arith.addi %add3A_753, %and3A_53 : vector<16xi32>
      %gather3A_755 = tpu.vector_load_idx %arg4[%add3A_754] : memref<1024xf32, #tpu.memory_space<vmem>>[vector<16xi32>], vector<16xf32>,
      %lt3A_756 = arith.cmpf olt, %gather3A_755, %get3A_108 : vector<16xf32>
      %lt3A_757 = arith.cmpf olt, %gather3A_755, %get3A_112 : vector<16xf32>
      %convert_element_type3A_758 = arith.extui %lt3A_756 : vector<16xi1> to vector<16xi32>
      %add3A_759 = arith.addi %add3A_750, %convert_element_type3A_758 : vector<16xi32>
      %convert_element_type3A_760 = arith.extui %lt3A_757 : vector<16xi1> to vector<16xi32>
      %add3A_761 = arith.addi %add3A_752, %convert_element_type3A_760 : vector<16xi32>
      %add3A_762 = vector.broadcast %mul3A_689 : i32 to vector<16xi32>
      %add3A_763 = arith.addi %add3A_762, %and3A_59 : vector<16xi32>
      %gather3A_764 = tpu.vector_load_idx %arg4[%add3A_763] : memref<1024xf32, #tpu.memory_space<vmem>>[vector<16xi32>], vector<16xf32>,
      %lt3A_765 = arith.cmpf olt, %gather3A_764, %get3A_108 : vector<16xf32>
      %lt3A_766 = arith.cmpf olt, %gather3A_764, %get3A_112 : vector<16xf32>
      %convert_element_type3A_767 = arith.extui %lt3A_765 : vector<16xi1> to vector<16xi32>
      %add3A_768 = arith.addi %add3A_759, %convert_element_type3A_767 : vector<16xi32>
      %convert_element_type3A_769 = arith.extui %lt3A_766 : vector<16xi1> to vector<16xi32>
      %add3A_770 = arith.addi %add3A_761, %convert_element_type3A_769 : vector<16xi32>
      %add3A_771 = vector.broadcast %mul3A_689 : i32 to vector<16xi32>
      %add3A_772 = arith.addi %add3A_771, %and3A_65 : vector<16xi32>
      %gather3A_773 = tpu.vector_load_idx %arg4[%add3A_772] : memref<1024xf32, #tpu.memory_space<vmem>>[vector<16xi32>], vector<16xf32>,
      %lt3A_774 = arith.cmpf olt, %gather3A_773, %get3A_108 : vector<16xf32>
      %lt3A_775 = arith.cmpf olt, %gather3A_773, %get3A_112 : vector<16xf32>
      %convert_element_type3A_776 = arith.extui %lt3A_774 : vector<16xi1> to vector<16xi32>
      %add3A_777 = arith.addi %add3A_768, %convert_element_type3A_776 : vector<16xi32>
      %convert_element_type3A_778 = arith.extui %lt3A_775 : vector<16xi1> to vector<16xi32>
      %add3A_779 = arith.addi %add3A_770, %convert_element_type3A_778 : vector<16xi32>
      %add3A_780 = vector.broadcast %mul3A_689 : i32 to vector<16xi32>
      %add3A_781 = arith.addi %add3A_780, %and3A_71 : vector<16xi32>
      %gather3A_782 = tpu.vector_load_idx %arg4[%add3A_781] : memref<1024xf32, #tpu.memory_space<vmem>>[vector<16xi32>], vector<16xf32>,
      %lt3A_783 = arith.cmpf olt, %gather3A_782, %get3A_108 : vector<16xf32>
      %lt3A_784 = arith.cmpf olt, %gather3A_782, %get3A_112 : vector<16xf32>
      %convert_element_type3A_785 = arith.extui %lt3A_783 : vector<16xi1> to vector<16xi32>
      %add3A_786 = arith.addi %add3A_777, %convert_element_type3A_785 : vector<16xi32>
      %convert_element_type3A_787 = arith.extui %lt3A_784 : vector<16xi1> to vector<16xi32>
      %add3A_788 = arith.addi %add3A_779, %convert_element_type3A_787 : vector<16xi32>
      %add3A_789 = vector.broadcast %mul3A_689 : i32 to vector<16xi32>
      %add3A_790 = arith.addi %add3A_789, %and3A_77 : vector<16xi32>
      %gather3A_791 = tpu.vector_load_idx %arg4[%add3A_790] : memref<1024xf32, #tpu.memory_space<vmem>>[vector<16xi32>], vector<16xf32>,
      %lt3A_792 = arith.cmpf olt, %gather3A_791, %get3A_108 : vector<16xf32>
      %lt3A_793 = arith.cmpf olt, %gather3A_791, %get3A_112 : vector<16xf32>
      %convert_element_type3A_794 = arith.extui %lt3A_792 : vector<16xi1> to vector<16xi32>
      %add3A_795 = arith.addi %add3A_786, %convert_element_type3A_794 : vector<16xi32>
      %convert_element_type3A_796 = arith.extui %lt3A_793 : vector<16xi1> to vector<16xi32>
      %add3A_797 = arith.addi %add3A_788, %convert_element_type3A_796 : vector<16xi32>
      %add3A_798 = vector.broadcast %mul3A_689 : i32 to vector<16xi32>
      %add3A_799 = arith.addi %add3A_798, %and3A_83 : vector<16xi32>
      %gather3A_800 = tpu.vector_load_idx %arg4[%add3A_799] : memref<1024xf32, #tpu.memory_space<vmem>>[vector<16xi32>], vector<16xf32>,
      %lt3A_801 = arith.cmpf olt, %gather3A_800, %get3A_108 : vector<16xf32>
      %lt3A_802 = arith.cmpf olt, %gather3A_800, %get3A_112 : vector<16xf32>
      %convert_element_type3A_803 = arith.extui %lt3A_801 : vector<16xi1> to vector<16xi32>
      %add3A_804 = arith.addi %add3A_795, %convert_element_type3A_803 : vector<16xi32>
      %convert_element_type3A_805 = arith.extui %lt3A_802 : vector<16xi1> to vector<16xi32>
      %add3A_806 = arith.addi %add3A_797, %convert_element_type3A_805 : vector<16xi32>
      %add3A_807 = vector.broadcast %mul3A_689 : i32 to vector<16xi32>
      %add3A_808 = arith.addi %add3A_807, %and3A_89 : vector<16xi32>
      %gather3A_809 = tpu.vector_load_idx %arg4[%add3A_808] : memref<1024xf32, #tpu.memory_space<vmem>>[vector<16xi32>], vector<16xf32>,
      %lt3A_810 = arith.cmpf olt, %gather3A_809, %get3A_108 : vector<16xf32>
      %lt3A_811 = arith.cmpf olt, %gather3A_809, %get3A_112 : vector<16xf32>
      %convert_element_type3A_812 = arith.extui %lt3A_810 : vector<16xi1> to vector<16xi32>
      %add3A_813 = arith.addi %add3A_804, %convert_element_type3A_812 : vector<16xi32>
      %convert_element_type3A_814 = arith.extui %lt3A_811 : vector<16xi1> to vector<16xi32>
      %add3A_815 = arith.addi %add3A_806, %convert_element_type3A_814 : vector<16xi32>
      %add3A_816 = vector.broadcast %mul3A_689 : i32 to vector<16xi32>
      %add3A_817 = arith.addi %add3A_816, %and3A_95 : vector<16xi32>
      %gather3A_818 = tpu.vector_load_idx %arg4[%add3A_817] : memref<1024xf32, #tpu.memory_space<vmem>>[vector<16xi32>], vector<16xf32>,
      %lt3A_819 = arith.cmpf olt, %gather3A_818, %get3A_108 : vector<16xf32>
      %lt3A_820 = arith.cmpf olt, %gather3A_818, %get3A_112 : vector<16xf32>
      %convert_element_type3A_821 = arith.extui %lt3A_819 : vector<16xi1> to vector<16xi32>
      %add3A_822 = arith.addi %add3A_813, %convert_element_type3A_821 : vector<16xi32>
      %convert_element_type3A_823 = arith.extui %lt3A_820 : vector<16xi1> to vector<16xi32>
      %add3A_824 = arith.addi %add3A_815, %convert_element_type3A_823 : vector<16xi32>
      %add3A_825 = vector.broadcast %mul3A_689 : i32 to vector<16xi32>
      %add3A_826 = arith.addi %add3A_825, %and3A_101 : vector<16xi32>
      %gather3A_827 = tpu.vector_load_idx %arg4[%add3A_826] : memref<1024xf32, #tpu.memory_space<vmem>>[vector<16xi32>], vector<16xf32>,
      %lt3A_828 = arith.cmpf olt, %gather3A_827, %get3A_108 : vector<16xf32>
      %lt3A_829 = arith.cmpf olt, %gather3A_827, %get3A_112 : vector<16xf32>
      %convert_element_type3A_830 = arith.extui %lt3A_828 : vector<16xi1> to vector<16xi32>
      %add3A_831 = arith.addi %add3A_822, %convert_element_type3A_830 : vector<16xi32>
      %convert_element_type3A_832 = arith.extui %lt3A_829 : vector<16xi1> to vector<16xi32>
      %add3A_833 = arith.addi %add3A_824, %convert_element_type3A_832 : vector<16xi32>
      scf.yield %add3A_831, %add3A_833 : vector<16xi32>, vector<16xi32>
    }
    %while3A_679 = arith.constant 1 : i32
    %while3A_680:2 = scf.for %while3A_685 = %while3A_676 to %while3A_672 step %while3A_679 iter_args(%while3A_686 = %while3A_678#0, %while3A_687 = %while3A_678#1) -> (vector<16xi32>, vector<16xi32>)  : i32 {
      %mul3A_688 = arith.constant 16 : i32
      %mul3A_689 = arith.muli %while3A_685, %mul3A_688 : i32
      %add3A_690 = vector.broadcast %mul3A_689 : i32 to vector<16xi32>
      %add3A_691 = arith.addi %add3A_690, %and3A_11 : vector<16xi32>
      %gather3A_692 = tpu.vector_load_idx %arg4[%add3A_691] : memref<1024xf32, #tpu.memory_space<vmem>>[vector<16xi32>], vector<16xf32>,
      %lt3A_693 = arith.cmpf olt, %gather3A_692, %get3A_108 : vector<16xf32>
      %lt3A_694 = arith.cmpf olt, %gather3A_692, %get3A_112 : vector<16xf32>
      %convert_element_type3A_695 = arith.extui %lt3A_693 : vector<16xi1> to vector<16xi32>
      %add3A_696 = arith.addi %while3A_686, %convert_element_type3A_695 : vector<16xi32>
      %convert_element_type3A_697 = arith.extui %lt3A_694 : vector<16xi1> to vector<16xi32>
      %add3A_698 = arith.addi %while3A_687, %convert_element_type3A_697 : vector<16xi32>
      %add3A_699 = vector.broadcast %mul3A_689 : i32 to vector<16xi32>
      %add3A_700 = arith.addi %add3A_699, %and3A_17 : vector<16xi32>
      %gather3A_701 = tpu.vector_load_idx %arg4[%add3A_700] : memref<1024xf32, #tpu.memory_space<vmem>>[vector<16xi32>], vector<16xf32>,
      %lt3A_702 = arith.cmpf olt, %gather3A_701, %get3A_108 : vector<16xf32>
      %lt3A_703 = arith.cmpf olt, %gather3A_701, %get3A_112 : vector<16xf32>
      %convert_element_type3A_704 = arith.extui %lt3A_702 : vector<16xi1> to vector<16xi32>
      %add3A_705 = arith.addi %add3A_696, %convert_element_type3A_704 : vector<16xi32>
      %convert_element_type3A_706 = arith.extui %lt3A_703 : vector<16xi1> to vector<16xi32>
      %add3A_707 = arith.addi %add3A_698, %convert_element_type3A_706 : vector<16xi32>
      %add3A_708 = vector.broadcast %mul3A_689 : i32 to vector<16xi32>
      %add3A_709 = arith.addi %add3A_708, %and3A_23 : vector<16xi32>
      %gather3A_710 = tpu.vector_load_idx %arg4[%add3A_709] : memref<1024xf32, #tpu.memory_space<vmem>>[vector<16xi32>], vector<16xf32>,
      %lt3A_711 = arith.cmpf olt, %gather3A_710, %get3A_108 : vector<16xf32>
      %lt3A_712 = arith.cmpf olt, %gather3A_710, %get3A_112 : vector<16xf32>
      %convert_element_type3A_713 = arith.extui %lt3A_711 : vector<16xi1> to vector<16xi32>
      %add3A_714 = arith.addi %add3A_705, %convert_element_type3A_713 : vector<16xi32>
      %convert_element_type3A_715 = arith.extui %lt3A_712 : vector<16xi1> to vector<16xi32>
      %add3A_716 = arith.addi %add3A_707, %convert_element_type3A_715 : vector<16xi32>
      %add3A_717 = vector.broadcast %mul3A_689 : i32 to vector<16xi32>
      %add3A_718 = arith.addi %add3A_717, %and3A_29 : vector<16xi32>
      %gather3A_719 = tpu.vector_load_idx %arg4[%add3A_718] : memref<1024xf32, #tpu.memory_space<vmem>>[vector<16xi32>], vector<16xf32>,
      %lt3A_720 = arith.cmpf olt, %gather3A_719, %get3A_108 : vector<16xf32>
      %lt3A_721 = arith.cmpf olt, %gather3A_719, %get3A_112 : vector<16xf32>
      %convert_element_type3A_722 = arith.extui %lt3A_720 : vector<16xi1> to vector<16xi32>
      %add3A_723 = arith.addi %add3A_714, %convert_element_type3A_722 : vector<16xi32>
      %convert_element_type3A_724 = arith.extui %lt3A_721 : vector<16xi1> to vector<16xi32>
      %add3A_725 = arith.addi %add3A_716, %convert_element_type3A_724 : vector<16xi32>
      %add3A_726 = vector.broadcast %mul3A_689 : i32 to vector<16xi32>
      %add3A_727 = arith.addi %add3A_726, %and3A_35 : vector<16xi32>
      %gather3A_728 = tpu.vector_load_idx %arg4[%add3A_727] : memref<1024xf32, #tpu.memory_space<vmem>>[vector<16xi32>], vector<16xf32>,
      %lt3A_729 = arith.cmpf olt, %gather3A_728, %get3A_108 : vector<16xf32>
      %lt3A_730 = arith.cmpf olt, %gather3A_728, %get3A_112 : vector<16xf32>
      %convert_element_type3A_731 = arith.extui %lt3A_729 : vector<16xi1> to vector<16xi32>
      %add3A_732 = arith.addi %add3A_723, %convert_element_type3A_731 : vector<16xi32>
      %convert_element_type3A_733 = arith.extui %lt3A_730 : vector<16xi1> to vector<16xi32>
      %add3A_734 = arith.addi %add3A_725, %convert_element_type3A_733 : vector<16xi32>
      %add3A_735 = vector.broadcast %mul3A_689 : i32 to vector<16xi32>
      %add3A_736 = arith.addi %add3A_735, %and3A_41 : vector<16xi32>
      %gather3A_737 = tpu.vector_load_idx %arg4[%add3A_736] : memref<1024xf32, #tpu.memory_space<vmem>>[vector<16xi32>], vector<16xf32>,
      %lt3A_738 = arith.cmpf olt, %gather3A_737, %get3A_108 : vector<16xf32>
      %lt3A_739 = arith.cmpf olt, %gather3A_737, %get3A_112 : vector<16xf32>
      %convert_element_type3A_740 = arith.extui %lt3A_738 : vector<16xi1> to vector<16xi32>
      %add3A_741 = arith.addi %add3A_732, %convert_element_type3A_740 : vector<16xi32>
      %convert_element_type3A_742 = arith.extui %lt3A_739 : vector<16xi1> to vector<16xi32>
      %add3A_743 = arith.addi %add3A_734, %convert_element_type3A_742 : vector<16xi32>
      %add3A_744 = vector.broadcast %mul3A_689 : i32 to vector<16xi32>
      %add3A_745 = arith.addi %add3A_744, %and3A_47 : vector<16xi32>
      %gather3A_746 = tpu.vector_load_idx %arg4[%add3A_745] : memref<1024xf32, #tpu.memory_space<vmem>>[vector<16xi32>], vector<16xf32>,
      %lt3A_747 = arith.cmpf olt, %gather3A_746, %get3A_108 : vector<16xf32>
      %lt3A_748 = arith.cmpf olt, %gather3A_746, %get3A_112 : vector<16xf32>
      %convert_element_type3A_749 = arith.extui %lt3A_747 : vector<16xi1> to vector<16xi32>
      %add3A_750 = arith.addi %add3A_741, %convert_element_type3A_749 : vector<16xi32>
      %convert_element_type3A_751 = arith.extui %lt3A_748 : vector<16xi1> to vector<16xi32>
      %add3A_752 = arith.addi %add3A_743, %convert_element_type3A_751 : vector<16xi32>
      %add3A_753 = vector.broadcast %mul3A_689 : i32 to vector<16xi32>
      %add3A_754 = arith.addi %add3A_753, %and3A_53 : vector<16xi32>
      %gather3A_755 = tpu.vector_load_idx %arg4[%add3A_754] : memref<1024xf32, #tpu.memory_space<vmem>>[vector<16xi32>], vector<16xf32>,
      %lt3A_756 = arith.cmpf olt, %gather3A_755, %get3A_108 : vector<16xf32>
      %lt3A_757 = arith.cmpf olt, %gather3A_755, %get3A_112 : vector<16xf32>
      %convert_element_type3A_758 = arith.extui %lt3A_756 : vector<16xi1> to vector<16xi32>
      %add3A_759 = arith.addi %add3A_750, %convert_element_type3A_758 : vector<16xi32>
      %convert_element_type3A_760 = arith.extui %lt3A_757 : vector<16xi1> to vector<16xi32>
      %add3A_761 = arith.addi %add3A_752, %convert_element_type3A_760 : vector<16xi32>
      %add3A_762 = vector.broadcast %mul3A_689 : i32 to vector<16xi32>
      %add3A_763 = arith.addi %add3A_762, %and3A_59 : vector<16xi32>
      %gather3A_764 = tpu.vector_load_idx %arg4[%add3A_763] : memref<1024xf32, #tpu.memory_space<vmem>>[vector<16xi32>], vector<16xf32>,
      %lt3A_765 = arith.cmpf olt, %gather3A_764, %get3A_108 : vector<16xf32>
      %lt3A_766 = arith.cmpf olt, %gather3A_764, %get3A_112 : vector<16xf32>
      %convert_element_type3A_767 = arith.extui %lt3A_765 : vector<16xi1> to vector<16xi32>
      %add3A_768 = arith.addi %add3A_759, %convert_element_type3A_767 : vector<16xi32>
      %convert_element_type3A_769 = arith.extui %lt3A_766 : vector<16xi1> to vector<16xi32>
      %add3A_770 = arith.addi %add3A_761, %convert_element_type3A_769 : vector<16xi32>
      %add3A_771 = vector.broadcast %mul3A_689 : i32 to vector<16xi32>
      %add3A_772 = arith.addi %add3A_771, %and3A_65 : vector<16xi32>
      %gather3A_773 = tpu.vector_load_idx %arg4[%add3A_772] : memref<1024xf32, #tpu.memory_space<vmem>>[vector<16xi32>], vector<16xf32>,
      %lt3A_774 = arith.cmpf olt, %gather3A_773, %get3A_108 : vector<16xf32>
      %lt3A_775 = arith.cmpf olt, %gather3A_773, %get3A_112 : vector<16xf32>
      %convert_element_type3A_776 = arith.extui %lt3A_774 : vector<16xi1> to vector<16xi32>
      %add3A_777 = arith.addi %add3A_768, %convert_element_type3A_776 : vector<16xi32>
      %convert_element_type3A_778 = arith.extui %lt3A_775 : vector<16xi1> to vector<16xi32>
      %add3A_779 = arith.addi %add3A_770, %convert_element_type3A_778 : vector<16xi32>
      %add3A_780 = vector.broadcast %mul3A_689 : i32 to vector<16xi32>
      %add3A_781 = arith.addi %add3A_780, %and3A_71 : vector<16xi32>
      %gather3A_782 = tpu.vector_load_idx %arg4[%add3A_781] : memref<1024xf32, #tpu.memory_space<vmem>>[vector<16xi32>], vector<16xf32>,
      %lt3A_783 = arith.cmpf olt, %gather3A_782, %get3A_108 : vector<16xf32>
      %lt3A_784 = arith.cmpf olt, %gather3A_782, %get3A_112 : vector<16xf32>
      %convert_element_type3A_785 = arith.extui %lt3A_783 : vector<16xi1> to vector<16xi32>
      %add3A_786 = arith.addi %add3A_777, %convert_element_type3A_785 : vector<16xi32>
      %convert_element_type3A_787 = arith.extui %lt3A_784 : vector<16xi1> to vector<16xi32>
      %add3A_788 = arith.addi %add3A_779, %convert_element_type3A_787 : vector<16xi32>
      %add3A_789 = vector.broadcast %mul3A_689 : i32 to vector<16xi32>
      %add3A_790 = arith.addi %add3A_789, %and3A_77 : vector<16xi32>
      %gather3A_791 = tpu.vector_load_idx %arg4[%add3A_790] : memref<1024xf32, #tpu.memory_space<vmem>>[vector<16xi32>], vector<16xf32>,
      %lt3A_792 = arith.cmpf olt, %gather3A_791, %get3A_108 : vector<16xf32>
      %lt3A_793 = arith.cmpf olt, %gather3A_791, %get3A_112 : vector<16xf32>
      %convert_element_type3A_794 = arith.extui %lt3A_792 : vector<16xi1> to vector<16xi32>
      %add3A_795 = arith.addi %add3A_786, %convert_element_type3A_794 : vector<16xi32>
      %convert_element_type3A_796 = arith.extui %lt3A_793 : vector<16xi1> to vector<16xi32>
      %add3A_797 = arith.addi %add3A_788, %convert_element_type3A_796 : vector<16xi32>
      %add3A_798 = vector.broadcast %mul3A_689 : i32 to vector<16xi32>
      %add3A_799 = arith.addi %add3A_798, %and3A_83 : vector<16xi32>
      %gather3A_800 = tpu.vector_load_idx %arg4[%add3A_799] : memref<1024xf32, #tpu.memory_space<vmem>>[vector<16xi32>], vector<16xf32>,
      %lt3A_801 = arith.cmpf olt, %gather3A_800, %get3A_108 : vector<16xf32>
      %lt3A_802 = arith.cmpf olt, %gather3A_800, %get3A_112 : vector<16xf32>
      %convert_element_type3A_803 = arith.extui %lt3A_801 : vector<16xi1> to vector<16xi32>
      %add3A_804 = arith.addi %add3A_795, %convert_element_type3A_803 : vector<16xi32>
      %convert_element_type3A_805 = arith.extui %lt3A_802 : vector<16xi1> to vector<16xi32>
      %add3A_806 = arith.addi %add3A_797, %convert_element_type3A_805 : vector<16xi32>
      %add3A_807 = vector.broadcast %mul3A_689 : i32 to vector<16xi32>
      %add3A_808 = arith.addi %add3A_807, %and3A_89 : vector<16xi32>
      %gather3A_809 = tpu.vector_load_idx %arg4[%add3A_808] : memref<1024xf32, #tpu.memory_space<vmem>>[vector<16xi32>], vector<16xf32>,
      %lt3A_810 = arith.cmpf olt, %gather3A_809, %get3A_108 : vector<16xf32>
      %lt3A_811 = arith.cmpf olt, %gather3A_809, %get3A_112 : vector<16xf32>
      %convert_element_type3A_812 = arith.extui %lt3A_810 : vector<16xi1> to vector<16xi32>
      %add3A_813 = arith.addi %add3A_804, %convert_element_type3A_812 : vector<16xi32>
      %convert_element_type3A_814 = arith.extui %lt3A_811 : vector<16xi1> to vector<16xi32>
      %add3A_815 = arith.addi %add3A_806, %convert_element_type3A_814 : vector<16xi32>
      %add3A_816 = vector.broadcast %mul3A_689 : i32 to vector<16xi32>
      %add3A_817 = arith.addi %add3A_816, %and3A_95 : vector<16xi32>
      %gather3A_818 = tpu.vector_load_idx %arg4[%add3A_817] : memref<1024xf32, #tpu.memory_space<vmem>>[vector<16xi32>], vector<16xf32>,
      %lt3A_819 = arith.cmpf olt, %gather3A_818, %get3A_108 : vector<16xf32>
      %lt3A_820 = arith.cmpf olt, %gather3A_818, %get3A_112 : vector<16xf32>
      %convert_element_type3A_821 = arith.extui %lt3A_819 : vector<16xi1> to vector<16xi32>
      %add3A_822 = arith.addi %add3A_813, %convert_element_type3A_821 : vector<16xi32>
      %convert_element_type3A_823 = arith.extui %lt3A_820 : vector<16xi1> to vector<16xi32>
      %add3A_824 = arith.addi %add3A_815, %convert_element_type3A_823 : vector<16xi32>
      %add3A_825 = vector.broadcast %mul3A_689 : i32 to vector<16xi32>
      %add3A_826 = arith.addi %add3A_825, %and3A_101 : vector<16xi32>
      %gather3A_827 = tpu.vector_load_idx %arg4[%add3A_826] : memref<1024xf32, #tpu.memory_space<vmem>>[vector<16xi32>], vector<16xf32>,
      %lt3A_828 = arith.cmpf olt, %gather3A_827, %get3A_108 : vector<16xf32>
      %lt3A_829 = arith.cmpf olt, %gather3A_827, %get3A_112 : vector<16xf32>
      %convert_element_type3A_830 = arith.extui %lt3A_828 : vector<16xi1> to vector<16xi32>
      %add3A_831 = arith.addi %add3A_822, %convert_element_type3A_830 : vector<16xi32>
      %convert_element_type3A_832 = arith.extui %lt3A_829 : vector<16xi1> to vector<16xi32>
      %add3A_833 = arith.addi %add3A_824, %convert_element_type3A_832 : vector<16xi32>
      scf.yield %add3A_831, %add3A_833 : vector<16xi32>, vector<16xi32>
    }
    %swap3A_681 = arith.constant 0 : index
    %swap3A_682 = tpu.vector_load %arg5[%swap3A_681] {strides = array<i32>} : memref<32xi32, #tpu.memory_space<vmem>>, vector<16xi32>,
    tpu.vector_store %arg5[%swap3A_681], %while3A_680#0 {strides = array<i32>} : memref<32xi32, #tpu.memory_space<vmem>>, vector<16xi32>,
    %swap3A_683 = arith.constant 16 : index
    %swap3A_684 = tpu.vector_load %arg5[%swap3A_683] {strides = array<i32>} : memref<32xi32, #tpu.memory_space<vmem>>, vector<16xi32>,
    tpu.vector_store %arg5[%swap3A_683], %while3A_680#1 {strides = array<i32>} : memref<32xi32, #tpu.memory_space<vmem>>, vector<16xi32>,
    "tpu.region"() ({
      %run_scoped3A = tpu.sem_alloc : memref<!tpu.dma_semaphore, #tpu.memory_space<semaphore_mem>>
      %dma_start3A = tpu.memref_slice %arg3[%mul3A_6] : memref<1024xi32, #tpu.memory_space<hbm>> -> memref<32xi32, #tpu.memory_space<hbm>>
      %dma_start3A_685 = tpu.memref_slice %arg3[%mul3A_6] : memref<1024xi32, #tpu.memory_space<hbm>> -> memref<32xi32, #tpu.memory_space<hbm>>
      tpu.enqueue_dma source(%arg5 : memref<32xi32, #tpu.memory_space<vmem>>) target(%dma_start3A_685 : memref<32xi32, #tpu.memory_space<hbm>>) target_semaphore(%run_scoped3A : memref<!tpu.dma_semaphore, #tpu.memory_space<semaphore_mem>>)
      %dma_wait3A = tpu.memref_slice %arg3[%mul3A_6] : memref<1024xi32, #tpu.memory_space<hbm>> -> memref<32xi32, #tpu.memory_space<hbm>>
      %dma_wait3A_686 = tpu.memref_slice %arg3[%mul3A_6] : memref<1024xi32, #tpu.memory_space<hbm>> -> memref<32xi32, #tpu.memory_space<hbm>>
      tpu.wait_dma2 semaphore(%run_scoped3A : memref<!tpu.dma_semaphore, #tpu.memory_space<semaphore_mem>>) src(%arg5 : memref<32xi32, #tpu.memory_space<vmem>>) dst(%dma_wait3A_686 : memref<32xi32, #tpu.memory_space<hbm>>)
      tpu.yield
    }) : () -> ()
    return
  }
}

#map = affine_map<(d0, d1) -> (0)>
#map1 = affine_map<(d0, d1) -> (0, 0)>
module attributes {stable_mosaic.version = 14 : i64} {
  func.func @_main(%arg0: i32, %arg1: i32, %arg2: memref<1024xi32, #tpu.memory_space<hbm>>, %arg3: memref<1024xi32, #tpu.memory_space<hbm>>, %arg4: memref<1000xf32, #tpu.memory_space<hbm>>, %arg5: memref<16384xf32, #tpu.memory_space<hbm>>, %arg6: memref<16384xi32, #tpu.memory_space<hbm>>, %arg7: memref<32x16xf32, #tpu.memory_space<hbm>>, %arg8: memref<1024xi32, #tpu.memory_space<vmem>>, %arg9: memref<1024xi32, #tpu.memory_space<vmem>>, %arg10: memref<1024xf32, #tpu.memory_space<vmem>>, %arg11: memref<1024xf32, #tpu.memory_space<vmem>>, %arg12: memref<1024xf32, #tpu.memory_space<vmem>>, %arg13: memref<512xf32, #tpu.memory_space<vmem>>, %arg14: memref<512xi32, #tpu.memory_space<vmem>>, %arg15: memref<16xf32, #tpu.memory_space<vmem>>, %arg16: memref<!tpu.dma_semaphore, #tpu.memory_space<semaphore_mem>>) attributes {dimension_semantics = [#tpu.dimension_semantics<core_parallel>, #tpu.dimension_semantics<subcore_parallel>], iteration_bounds = array<i64: 2, 16>, scalar_prefetch = 0 : i64, scratch_operands = 9 : i64, tpu.core_type = #tpu.core_type<sc_vector_subcore>, window_params = [{transform_indices = #map}, {transform_indices = #map}, {transform_indices = #map}, {transform_indices = #map}, {transform_indices = #map}, {transform_indices = #map1}]} {
    %mul3A = arith.constant 2 : i32
    %mul3A_0 = arith.muli %arg1, %mul3A : i32
    %add3A = arith.addi %mul3A_0, %arg0 : i32
    %mul3A_1 = arith.constant 512 : i32
    %mul3A_2 = arith.muli %add3A, %mul3A_1 : i32
    tpu.enqueue_dma source(%arg2 : memref<1024xi32, #tpu.memory_space<hbm>>) target(%arg8 : memref<1024xi32, #tpu.memory_space<vmem>>) target_semaphore(%arg16 : memref<!tpu.dma_semaphore, #tpu.memory_space<semaphore_mem>>)
    tpu.enqueue_dma source(%arg3 : memref<1024xi32, #tpu.memory_space<hbm>>) target(%arg9 : memref<1024xi32, #tpu.memory_space<vmem>>) target_semaphore(%arg16 : memref<!tpu.dma_semaphore, #tpu.memory_space<semaphore_mem>>)
    %dma_start3A = tpu.memref_slice %arg5[%mul3A_2] : memref<16384xf32, #tpu.memory_space<hbm>> -> memref<512xf32, #tpu.memory_space<hbm>>
    %dma_start3A_3 = tpu.memref_slice %arg5[%mul3A_2] : memref<16384xf32, #tpu.memory_space<hbm>> -> memref<512xf32, #tpu.memory_space<hbm>>
    tpu.enqueue_dma source(%dma_start3A_3 : memref<512xf32, #tpu.memory_space<hbm>>) target(%arg13 : memref<512xf32, #tpu.memory_space<vmem>>) target_semaphore(%arg16 : memref<!tpu.dma_semaphore, #tpu.memory_space<semaphore_mem>>)
    %dma_start3A_4 = tpu.memref_slice %arg6[%mul3A_2] : memref<16384xi32, #tpu.memory_space<hbm>> -> memref<512xi32, #tpu.memory_space<hbm>>
    %dma_start3A_5 = tpu.memref_slice %arg6[%mul3A_2] : memref<16384xi32, #tpu.memory_space<hbm>> -> memref<512xi32, #tpu.memory_space<hbm>>
    tpu.enqueue_dma source(%dma_start3A_5 : memref<512xi32, #tpu.memory_space<hbm>>) target(%arg14 : memref<512xi32, #tpu.memory_space<vmem>>) target_semaphore(%arg16 : memref<!tpu.dma_semaphore, #tpu.memory_space<semaphore_mem>>)
    "tpu.region"() ({
      %run_scoped3A = tpu.sem_alloc : memref<!tpu.dma_semaphore, #tpu.memory_space<semaphore_mem>>
      %dma_start3A_361 = arith.constant 0 : i32
      %dma_start3A_362 = tpu.memref_slice %arg10[%dma_start3A_361] : memref<1024xf32, #tpu.memory_space<vmem>> -> memref<1000xf32, #tpu.memory_space<vmem>>
      %dma_start3A_363 = arith.constant 0 : i32
      %dma_start3A_364 = tpu.memref_slice %arg10[%dma_start3A_363] : memref<1024xf32, #tpu.memory_space<vmem>> -> memref<1000xf32, #tpu.memory_space<vmem>>
      tpu.enqueue_dma source(%arg4 : memref<1000xf32, #tpu.memory_space<hbm>>) target(%dma_start3A_364 : memref<1000xf32, #tpu.memory_space<vmem>>) target_semaphore(%run_scoped3A : memref<!tpu.dma_semaphore, #tpu.memory_space<semaphore_mem>>)
      %dma_wait3A_365 = arith.constant 0 : i32
      %dma_wait3A_366 = tpu.memref_slice %arg10[%dma_wait3A_365] : memref<1024xf32, #tpu.memory_space<vmem>> -> memref<1000xf32, #tpu.memory_space<vmem>>
      %dma_wait3A_367 = arith.constant 0 : i32
      %dma_wait3A_368 = tpu.memref_slice %arg10[%dma_wait3A_367] : memref<1024xf32, #tpu.memory_space<vmem>> -> memref<1000xf32, #tpu.memory_space<vmem>>
      tpu.wait_dma2 semaphore(%run_scoped3A : memref<!tpu.dma_semaphore, #tpu.memory_space<semaphore_mem>>) src(%arg4 : memref<1000xf32, #tpu.memory_space<hbm>>) dst(%dma_wait3A_368 : memref<1000xf32, #tpu.memory_space<vmem>>)
      tpu.yield
    }) : () -> ()
    %broadcast_in_dim3A = arith.constant 0x7F800000 : f32
    %broadcast_in_dim3A_6 = vector.broadcast %broadcast_in_dim3A : f32 to vector<16xf32>
    %swap3A = arith.constant 1000 : index
    %swap3A_7 = tpu.vector_load %arg10[%swap3A] {strides = array<i32>} : memref<1024xf32, #tpu.memory_space<vmem>>, vector<16xf32>,
    tpu.vector_store %arg10[%swap3A], %broadcast_in_dim3A_6 {strides = array<i32>} : memref<1024xf32, #tpu.memory_space<vmem>>, vector<16xf32>,
    %swap3A_8 = arith.constant 1008 : index
    %swap3A_9 = tpu.vector_load %arg10[%swap3A_8] {strides = array<i32>} : memref<1024xf32, #tpu.memory_space<vmem>>, vector<16xf32>,
    tpu.vector_store %arg10[%swap3A_8], %broadcast_in_dim3A_6 {strides = array<i32>} : memref<1024xf32, #tpu.memory_space<vmem>>, vector<16xf32>,
    tpu.wait_dma2 semaphore(%arg16 : memref<!tpu.dma_semaphore, #tpu.memory_space<semaphore_mem>>) src(%arg2 : memref<1024xi32, #tpu.memory_space<hbm>>) dst(%arg8 : memref<1024xi32, #tpu.memory_space<vmem>>)
    tpu.wait_dma2 semaphore(%arg16 : memref<!tpu.dma_semaphore, #tpu.memory_space<semaphore_mem>>) src(%arg3 : memref<1024xi32, #tpu.memory_space<hbm>>) dst(%arg9 : memref<1024xi32, #tpu.memory_space<vmem>>)
    %dma_wait3A = tpu.memref_slice %arg5[%mul3A_2] : memref<16384xf32, #tpu.memory_space<hbm>> -> memref<512xf32, #tpu.memory_space<hbm>>
    %dma_wait3A_10 = tpu.memref_slice %arg5[%mul3A_2] : memref<16384xf32, #tpu.memory_space<hbm>> -> memref<512xf32, #tpu.memory_space<hbm>>
    tpu.wait_dma2 semaphore(%arg16 : memref<!tpu.dma_semaphore, #tpu.memory_space<semaphore_mem>>) src(%dma_wait3A_10 : memref<512xf32, #tpu.memory_space<hbm>>) dst(%arg13 : memref<512xf32, #tpu.memory_space<vmem>>)
    %dma_wait3A_11 = tpu.memref_slice %arg6[%mul3A_2] : memref<16384xi32, #tpu.memory_space<hbm>> -> memref<512xi32, #tpu.memory_space<hbm>>
    %dma_wait3A_12 = tpu.memref_slice %arg6[%mul3A_2] : memref<16384xi32, #tpu.memory_space<hbm>> -> memref<512xi32, #tpu.memory_space<hbm>>
    tpu.wait_dma2 semaphore(%arg16 : memref<!tpu.dma_semaphore, #tpu.memory_space<semaphore_mem>>) src(%dma_wait3A_12 : memref<512xi32, #tpu.memory_space<hbm>>) dst(%arg14 : memref<512xi32, #tpu.memory_space<vmem>>)
    %get3A = arith.constant 0 : index
    %get3A_13 = tpu.vector_load %arg8[%get3A] {strides = array<i32>} : memref<1024xi32, #tpu.memory_space<vmem>>, vector<16xi32>,
    %get3A_14 = arith.constant 0 : index
    %get3A_15 = tpu.vector_load %arg10[%get3A_14] {strides = array<i32>} : memref<1024xf32, #tpu.memory_space<vmem>>, vector<16xf32>,
    tpu.vector_store_idx %arg11[%get3A_13], %get3A_15 : memref<1024xf32, #tpu.memory_space<vmem>>[vector<16xi32>], vector<16xf32>,
    %gather3A = tpu.vector_load_idx %arg9[%get3A_13] : memref<1024xi32, #tpu.memory_space<vmem>>[vector<16xi32>], vector<16xi32>,
    tpu.vector_store_idx %arg12[%gather3A], %get3A_15 : memref<1024xf32, #tpu.memory_space<vmem>>[vector<16xi32>], vector<16xf32>,
    %get3A_16 = arith.constant 16 : index
    %get3A_17 = tpu.vector_load %arg8[%get3A_16] {strides = array<i32>} : memref<1024xi32, #tpu.memory_space<vmem>>, vector<16xi32>,
    %get3A_18 = arith.constant 16 : index
    %get3A_19 = tpu.vector_load %arg10[%get3A_18] {strides = array<i32>} : memref<1024xf32, #tpu.memory_space<vmem>>, vector<16xf32>,
    tpu.vector_store_idx %arg11[%get3A_17], %get3A_19 : memref<1024xf32, #tpu.memory_space<vmem>>[vector<16xi32>], vector<16xf32>,
    %gather3A_20 = tpu.vector_load_idx %arg9[%get3A_17] : memref<1024xi32, #tpu.memory_space<vmem>>[vector<16xi32>], vector<16xi32>,
    tpu.vector_store_idx %arg12[%gather3A_20], %get3A_19 : memref<1024xf32, #tpu.memory_space<vmem>>[vector<16xi32>], vector<16xf32>,
    %get3A_21 = arith.constant 32 : index
    %get3A_22 = tpu.vector_load %arg8[%get3A_21] {strides = array<i32>} : memref<1024xi32, #tpu.memory_space<vmem>>, vector<16xi32>,
    %get3A_23 = arith.constant 32 : index
    %get3A_24 = tpu.vector_load %arg10[%get3A_23] {strides = array<i32>} : memref<1024xf32, #tpu.memory_space<vmem>>, vector<16xf32>,
    tpu.vector_store_idx %arg11[%get3A_22], %get3A_24 : memref<1024xf32, #tpu.memory_space<vmem>>[vector<16xi32>], vector<16xf32>,
    %gather3A_25 = tpu.vector_load_idx %arg9[%get3A_22] : memref<1024xi32, #tpu.memory_space<vmem>>[vector<16xi32>], vector<16xi32>,
    tpu.vector_store_idx %arg12[%gather3A_25], %get3A_24 : memref<1024xf32, #tpu.memory_space<vmem>>[vector<16xi32>], vector<16xf32>,
    %get3A_26 = arith.constant 48 : index
    %get3A_27 = tpu.vector_load %arg8[%get3A_26] {strides = array<i32>} : memref<1024xi32, #tpu.memory_space<vmem>>, vector<16xi32>,
    %get3A_28 = arith.constant 48 : index
    %get3A_29 = tpu.vector_load %arg10[%get3A_28] {strides = array<i32>} : memref<1024xf32, #tpu.memory_space<vmem>>, vector<16xf32>,
    tpu.vector_store_idx %arg11[%get3A_27], %get3A_29 : memref<1024xf32, #tpu.memory_space<vmem>>[vector<16xi32>], vector<16xf32>,
    %gather3A_30 = tpu.vector_load_idx %arg9[%get3A_27] : memref<1024xi32, #tpu.memory_space<vmem>>[vector<16xi32>], vector<16xi32>,
    tpu.vector_store_idx %arg12[%gather3A_30], %get3A_29 : memref<1024xf32, #tpu.memory_space<vmem>>[vector<16xi32>], vector<16xf32>,
    %get3A_31 = arith.constant 64 : index
    %get3A_32 = tpu.vector_load %arg8[%get3A_31] {strides = array<i32>} : memref<1024xi32, #tpu.memory_space<vmem>>, vector<16xi32>,
    %get3A_33 = arith.constant 64 : index
    %get3A_34 = tpu.vector_load %arg10[%get3A_33] {strides = array<i32>} : memref<1024xf32, #tpu.memory_space<vmem>>, vector<16xf32>,
    tpu.vector_store_idx %arg11[%get3A_32], %get3A_34 : memref<1024xf32, #tpu.memory_space<vmem>>[vector<16xi32>], vector<16xf32>,
    %gather3A_35 = tpu.vector_load_idx %arg9[%get3A_32] : memref<1024xi32, #tpu.memory_space<vmem>>[vector<16xi32>], vector<16xi32>,
    tpu.vector_store_idx %arg12[%gather3A_35], %get3A_34 : memref<1024xf32, #tpu.memory_space<vmem>>[vector<16xi32>], vector<16xf32>,
    %get3A_36 = arith.constant 80 : index
    %get3A_37 = tpu.vector_load %arg8[%get3A_36] {strides = array<i32>} : memref<1024xi32, #tpu.memory_space<vmem>>, vector<16xi32>,
    %get3A_38 = arith.constant 80 : index
    %get3A_39 = tpu.vector_load %arg10[%get3A_38] {strides = array<i32>} : memref<1024xf32, #tpu.memory_space<vmem>>, vector<16xf32>,
    tpu.vector_store_idx %arg11[%get3A_37], %get3A_39 : memref<1024xf32, #tpu.memory_space<vmem>>[vector<16xi32>], vector<16xf32>,
    %gather3A_40 = tpu.vector_load_idx %arg9[%get3A_37] : memref<1024xi32, #tpu.memory_space<vmem>>[vector<16xi32>], vector<16xi32>,
    tpu.vector_store_idx %arg12[%gather3A_40], %get3A_39 : memref<1024xf32, #tpu.memory_space<vmem>>[vector<16xi32>], vector<16xf32>,
    %get3A_41 = arith.constant 96 : index
    %get3A_42 = tpu.vector_load %arg8[%get3A_41] {strides = array<i32>} : memref<1024xi32, #tpu.memory_space<vmem>>, vector<16xi32>,
    %get3A_43 = arith.constant 96 : index
    %get3A_44 = tpu.vector_load %arg10[%get3A_43] {strides = array<i32>} : memref<1024xf32, #tpu.memory_space<vmem>>, vector<16xf32>,
    tpu.vector_store_idx %arg11[%get3A_42], %get3A_44 : memref<1024xf32, #tpu.memory_space<vmem>>[vector<16xi32>], vector<16xf32>,
    %gather3A_45 = tpu.vector_load_idx %arg9[%get3A_42] : memref<1024xi32, #tpu.memory_space<vmem>>[vector<16xi32>], vector<16xi32>,
    tpu.vector_store_idx %arg12[%gather3A_45], %get3A_44 : memref<1024xf32, #tpu.memory_space<vmem>>[vector<16xi32>], vector<16xf32>,
    %get3A_46 = arith.constant 112 : index
    %get3A_47 = tpu.vector_load %arg8[%get3A_46] {strides = array<i32>} : memref<1024xi32, #tpu.memory_space<vmem>>, vector<16xi32>,
    %get3A_48 = arith.constant 112 : index
    %get3A_49 = tpu.vector_load %arg10[%get3A_48] {strides = array<i32>} : memref<1024xf32, #tpu.memory_space<vmem>>, vector<16xf32>,
    tpu.vector_store_idx %arg11[%get3A_47], %get3A_49 : memref<1024xf32, #tpu.memory_space<vmem>>[vector<16xi32>], vector<16xf32>,
    %gather3A_50 = tpu.vector_load_idx %arg9[%get3A_47] : memref<1024xi32, #tpu.memory_space<vmem>>[vector<16xi32>], vector<16xi32>,
    tpu.vector_store_idx %arg12[%gather3A_50], %get3A_49 : memref<1024xf32, #tpu.memory_space<vmem>>[vector<16xi32>], vector<16xf32>,
    %get3A_51 = arith.constant 128 : index
    %get3A_52 = tpu.vector_load %arg8[%get3A_51] {strides = array<i32>} : memref<1024xi32, #tpu.memory_space<vmem>>, vector<16xi32>,
    %get3A_53 = arith.constant 128 : index
    %get3A_54 = tpu.vector_load %arg10[%get3A_53] {strides = array<i32>} : memref<1024xf32, #tpu.memory_space<vmem>>, vector<16xf32>,
    tpu.vector_store_idx %arg11[%get3A_52], %get3A_54 : memref<1024xf32, #tpu.memory_space<vmem>>[vector<16xi32>], vector<16xf32>,
    %gather3A_55 = tpu.vector_load_idx %arg9[%get3A_52] : memref<1024xi32, #tpu.memory_space<vmem>>[vector<16xi32>], vector<16xi32>,
    tpu.vector_store_idx %arg12[%gather3A_55], %get3A_54 : memref<1024xf32, #tpu.memory_space<vmem>>[vector<16xi32>], vector<16xf32>,
    %get3A_56 = arith.constant 144 : index
    %get3A_57 = tpu.vector_load %arg8[%get3A_56] {strides = array<i32>} : memref<1024xi32, #tpu.memory_space<vmem>>, vector<16xi32>,
    %get3A_58 = arith.constant 144 : index
    %get3A_59 = tpu.vector_load %arg10[%get3A_58] {strides = array<i32>} : memref<1024xf32, #tpu.memory_space<vmem>>, vector<16xf32>,
    tpu.vector_store_idx %arg11[%get3A_57], %get3A_59 : memref<1024xf32, #tpu.memory_space<vmem>>[vector<16xi32>], vector<16xf32>,
    %gather3A_60 = tpu.vector_load_idx %arg9[%get3A_57] : memref<1024xi32, #tpu.memory_space<vmem>>[vector<16xi32>], vector<16xi32>,
    tpu.vector_store_idx %arg12[%gather3A_60], %get3A_59 : memref<1024xf32, #tpu.memory_space<vmem>>[vector<16xi32>], vector<16xf32>,
    %get3A_61 = arith.constant 160 : index
    %get3A_62 = tpu.vector_load %arg8[%get3A_61] {strides = array<i32>} : memref<1024xi32, #tpu.memory_space<vmem>>, vector<16xi32>,
    %get3A_63 = arith.constant 160 : index
    %get3A_64 = tpu.vector_load %arg10[%get3A_63] {strides = array<i32>} : memref<1024xf32, #tpu.memory_space<vmem>>, vector<16xf32>,
    tpu.vector_store_idx %arg11[%get3A_62], %get3A_64 : memref<1024xf32, #tpu.memory_space<vmem>>[vector<16xi32>], vector<16xf32>,
    %gather3A_65 = tpu.vector_load_idx %arg9[%get3A_62] : memref<1024xi32, #tpu.memory_space<vmem>>[vector<16xi32>], vector<16xi32>,
    tpu.vector_store_idx %arg12[%gather3A_65], %get3A_64 : memref<1024xf32, #tpu.memory_space<vmem>>[vector<16xi32>], vector<16xf32>,
    %get3A_66 = arith.constant 176 : index
    %get3A_67 = tpu.vector_load %arg8[%get3A_66] {strides = array<i32>} : memref<1024xi32, #tpu.memory_space<vmem>>, vector<16xi32>,
    %get3A_68 = arith.constant 176 : index
    %get3A_69 = tpu.vector_load %arg10[%get3A_68] {strides = array<i32>} : memref<1024xf32, #tpu.memory_space<vmem>>, vector<16xf32>,
    tpu.vector_store_idx %arg11[%get3A_67], %get3A_69 : memref<1024xf32, #tpu.memory_space<vmem>>[vector<16xi32>], vector<16xf32>,
    %gather3A_70 = tpu.vector_load_idx %arg9[%get3A_67] : memref<1024xi32, #tpu.memory_space<vmem>>[vector<16xi32>], vector<16xi32>,
    tpu.vector_store_idx %arg12[%gather3A_70], %get3A_69 : memref<1024xf32, #tpu.memory_space<vmem>>[vector<16xi32>], vector<16xf32>,
    %get3A_71 = arith.constant 192 : index
    %get3A_72 = tpu.vector_load %arg8[%get3A_71] {strides = array<i32>} : memref<1024xi32, #tpu.memory_space<vmem>>, vector<16xi32>,
    %get3A_73 = arith.constant 192 : index
    %get3A_74 = tpu.vector_load %arg10[%get3A_73] {strides = array<i32>} : memref<1024xf32, #tpu.memory_space<vmem>>, vector<16xf32>,
    tpu.vector_store_idx %arg11[%get3A_72], %get3A_74 : memref<1024xf32, #tpu.memory_space<vmem>>[vector<16xi32>], vector<16xf32>,
    %gather3A_75 = tpu.vector_load_idx %arg9[%get3A_72] : memref<1024xi32, #tpu.memory_space<vmem>>[vector<16xi32>], vector<16xi32>,
    tpu.vector_store_idx %arg12[%gather3A_75], %get3A_74 : memref<1024xf32, #tpu.memory_space<vmem>>[vector<16xi32>], vector<16xf32>,
    %get3A_76 = arith.constant 208 : index
    %get3A_77 = tpu.vector_load %arg8[%get3A_76] {strides = array<i32>} : memref<1024xi32, #tpu.memory_space<vmem>>, vector<16xi32>,
    %get3A_78 = arith.constant 208 : index
    %get3A_79 = tpu.vector_load %arg10[%get3A_78] {strides = array<i32>} : memref<1024xf32, #tpu.memory_space<vmem>>, vector<16xf32>,
    tpu.vector_store_idx %arg11[%get3A_77], %get3A_79 : memref<1024xf32, #tpu.memory_space<vmem>>[vector<16xi32>], vector<16xf32>,
    %gather3A_80 = tpu.vector_load_idx %arg9[%get3A_77] : memref<1024xi32, #tpu.memory_space<vmem>>[vector<16xi32>], vector<16xi32>,
    tpu.vector_store_idx %arg12[%gather3A_80], %get3A_79 : memref<1024xf32, #tpu.memory_space<vmem>>[vector<16xi32>], vector<16xf32>,
    %get3A_81 = arith.constant 224 : index
    %get3A_82 = tpu.vector_load %arg8[%get3A_81] {strides = array<i32>} : memref<1024xi32, #tpu.memory_space<vmem>>, vector<16xi32>,
    %get3A_83 = arith.constant 224 : index
    %get3A_84 = tpu.vector_load %arg10[%get3A_83] {strides = array<i32>} : memref<1024xf32, #tpu.memory_space<vmem>>, vector<16xf32>,
    tpu.vector_store_idx %arg11[%get3A_82], %get3A_84 : memref<1024xf32, #tpu.memory_space<vmem>>[vector<16xi32>], vector<16xf32>,
    %gather3A_85 = tpu.vector_load_idx %arg9[%get3A_82] : memref<1024xi32, #tpu.memory_space<vmem>>[vector<16xi32>], vector<16xi32>,
    tpu.vector_store_idx %arg12[%gather3A_85], %get3A_84 : memref<1024xf32, #tpu.memory_space<vmem>>[vector<16xi32>], vector<16xf32>,
    %get3A_86 = arith.constant 240 : index
    %get3A_87 = tpu.vector_load %arg8[%get3A_86] {strides = array<i32>} : memref<1024xi32, #tpu.memory_space<vmem>>, vector<16xi32>,
    %get3A_88 = arith.constant 240 : index
    %get3A_89 = tpu.vector_load %arg10[%get3A_88] {strides = array<i32>} : memref<1024xf32, #tpu.memory_space<vmem>>, vector<16xf32>,
    tpu.vector_store_idx %arg11[%get3A_87], %get3A_89 : memref<1024xf32, #tpu.memory_space<vmem>>[vector<16xi32>], vector<16xf32>,
    %gather3A_90 = tpu.vector_load_idx %arg9[%get3A_87] : memref<1024xi32, #tpu.memory_space<vmem>>[vector<16xi32>], vector<16xi32>,
    tpu.vector_store_idx %arg12[%gather3A_90], %get3A_89 : memref<1024xf32, #tpu.memory_space<vmem>>[vector<16xi32>], vector<16xf32>,
    %get3A_91 = arith.constant 256 : index
    %get3A_92 = tpu.vector_load %arg8[%get3A_91] {strides = array<i32>} : memref<1024xi32, #tpu.memory_space<vmem>>, vector<16xi32>,
    %get3A_93 = arith.constant 256 : index
    %get3A_94 = tpu.vector_load %arg10[%get3A_93] {strides = array<i32>} : memref<1024xf32, #tpu.memory_space<vmem>>, vector<16xf32>,
    tpu.vector_store_idx %arg11[%get3A_92], %get3A_94 : memref<1024xf32, #tpu.memory_space<vmem>>[vector<16xi32>], vector<16xf32>,
    %gather3A_95 = tpu.vector_load_idx %arg9[%get3A_92] : memref<1024xi32, #tpu.memory_space<vmem>>[vector<16xi32>], vector<16xi32>,
    tpu.vector_store_idx %arg12[%gather3A_95], %get3A_94 : memref<1024xf32, #tpu.memory_space<vmem>>[vector<16xi32>], vector<16xf32>,
    %get3A_96 = arith.constant 272 : index
    %get3A_97 = tpu.vector_load %arg8[%get3A_96] {strides = array<i32>} : memref<1024xi32, #tpu.memory_space<vmem>>, vector<16xi32>,
    %get3A_98 = arith.constant 272 : index
    %get3A_99 = tpu.vector_load %arg10[%get3A_98] {strides = array<i32>} : memref<1024xf32, #tpu.memory_space<vmem>>, vector<16xf32>,
    tpu.vector_store_idx %arg11[%get3A_97], %get3A_99 : memref<1024xf32, #tpu.memory_space<vmem>>[vector<16xi32>], vector<16xf32>,
    %gather3A_100 = tpu.vector_load_idx %arg9[%get3A_97] : memref<1024xi32, #tpu.memory_space<vmem>>[vector<16xi32>], vector<16xi32>,
    tpu.vector_store_idx %arg12[%gather3A_100], %get3A_99 : memref<1024xf32, #tpu.memory_space<vmem>>[vector<16xi32>], vector<16xf32>,
    %get3A_101 = arith.constant 288 : index
    %get3A_102 = tpu.vector_load %arg8[%get3A_101] {strides = array<i32>} : memref<1024xi32, #tpu.memory_space<vmem>>, vector<16xi32>,
    %get3A_103 = arith.constant 288 : index
    %get3A_104 = tpu.vector_load %arg10[%get3A_103] {strides = array<i32>} : memref<1024xf32, #tpu.memory_space<vmem>>, vector<16xf32>,
    tpu.vector_store_idx %arg11[%get3A_102], %get3A_104 : memref<1024xf32, #tpu.memory_space<vmem>>[vector<16xi32>], vector<16xf32>,
    %gather3A_105 = tpu.vector_load_idx %arg9[%get3A_102] : memref<1024xi32, #tpu.memory_space<vmem>>[vector<16xi32>], vector<16xi32>,
    tpu.vector_store_idx %arg12[%gather3A_105], %get3A_104 : memref<1024xf32, #tpu.memory_space<vmem>>[vector<16xi32>], vector<16xf32>,
    %get3A_106 = arith.constant 304 : index
    %get3A_107 = tpu.vector_load %arg8[%get3A_106] {strides = array<i32>} : memref<1024xi32, #tpu.memory_space<vmem>>, vector<16xi32>,
    %get3A_108 = arith.constant 304 : index
    %get3A_109 = tpu.vector_load %arg10[%get3A_108] {strides = array<i32>} : memref<1024xf32, #tpu.memory_space<vmem>>, vector<16xf32>,
    tpu.vector_store_idx %arg11[%get3A_107], %get3A_109 : memref<1024xf32, #tpu.memory_space<vmem>>[vector<16xi32>], vector<16xf32>,
    %gather3A_110 = tpu.vector_load_idx %arg9[%get3A_107] : memref<1024xi32, #tpu.memory_space<vmem>>[vector<16xi32>], vector<16xi32>,
    tpu.vector_store_idx %arg12[%gather3A_110], %get3A_109 : memref<1024xf32, #tpu.memory_space<vmem>>[vector<16xi32>], vector<16xf32>,
    %get3A_111 = arith.constant 320 : index
    %get3A_112 = tpu.vector_load %arg8[%get3A_111] {strides = array<i32>} : memref<1024xi32, #tpu.memory_space<vmem>>, vector<16xi32>,
    %get3A_113 = arith.constant 320 : index
    %get3A_114 = tpu.vector_load %arg10[%get3A_113] {strides = array<i32>} : memref<1024xf32, #tpu.memory_space<vmem>>, vector<16xf32>,
    tpu.vector_store_idx %arg11[%get3A_112], %get3A_114 : memref<1024xf32, #tpu.memory_space<vmem>>[vector<16xi32>], vector<16xf32>,
    %gather3A_115 = tpu.vector_load_idx %arg9[%get3A_112] : memref<1024xi32, #tpu.memory_space<vmem>>[vector<16xi32>], vector<16xi32>,
    tpu.vector_store_idx %arg12[%gather3A_115], %get3A_114 : memref<1024xf32, #tpu.memory_space<vmem>>[vector<16xi32>], vector<16xf32>,
    %get3A_116 = arith.constant 336 : index
    %get3A_117 = tpu.vector_load %arg8[%get3A_116] {strides = array<i32>} : memref<1024xi32, #tpu.memory_space<vmem>>, vector<16xi32>,
    %get3A_118 = arith.constant 336 : index
    %get3A_119 = tpu.vector_load %arg10[%get3A_118] {strides = array<i32>} : memref<1024xf32, #tpu.memory_space<vmem>>, vector<16xf32>,
    tpu.vector_store_idx %arg11[%get3A_117], %get3A_119 : memref<1024xf32, #tpu.memory_space<vmem>>[vector<16xi32>], vector<16xf32>,
    %gather3A_120 = tpu.vector_load_idx %arg9[%get3A_117] : memref<1024xi32, #tpu.memory_space<vmem>>[vector<16xi32>], vector<16xi32>,
    tpu.vector_store_idx %arg12[%gather3A_120], %get3A_119 : memref<1024xf32, #tpu.memory_space<vmem>>[vector<16xi32>], vector<16xf32>,
    %get3A_121 = arith.constant 352 : index
    %get3A_122 = tpu.vector_load %arg8[%get3A_121] {strides = array<i32>} : memref<1024xi32, #tpu.memory_space<vmem>>, vector<16xi32>,
    %get3A_123 = arith.constant 352 : index
    %get3A_124 = tpu.vector_load %arg10[%get3A_123] {strides = array<i32>} : memref<1024xf32, #tpu.memory_space<vmem>>, vector<16xf32>,
    tpu.vector_store_idx %arg11[%get3A_122], %get3A_124 : memref<1024xf32, #tpu.memory_space<vmem>>[vector<16xi32>], vector<16xf32>,
    %gather3A_125 = tpu.vector_load_idx %arg9[%get3A_122] : memref<1024xi32, #tpu.memory_space<vmem>>[vector<16xi32>], vector<16xi32>,
    tpu.vector_store_idx %arg12[%gather3A_125], %get3A_124 : memref<1024xf32, #tpu.memory_space<vmem>>[vector<16xi32>], vector<16xf32>,
    %get3A_126 = arith.constant 368 : index
    %get3A_127 = tpu.vector_load %arg8[%get3A_126] {strides = array<i32>} : memref<1024xi32, #tpu.memory_space<vmem>>, vector<16xi32>,
    %get3A_128 = arith.constant 368 : index
    %get3A_129 = tpu.vector_load %arg10[%get3A_128] {strides = array<i32>} : memref<1024xf32, #tpu.memory_space<vmem>>, vector<16xf32>,
    tpu.vector_store_idx %arg11[%get3A_127], %get3A_129 : memref<1024xf32, #tpu.memory_space<vmem>>[vector<16xi32>], vector<16xf32>,
    %gather3A_130 = tpu.vector_load_idx %arg9[%get3A_127] : memref<1024xi32, #tpu.memory_space<vmem>>[vector<16xi32>], vector<16xi32>,
    tpu.vector_store_idx %arg12[%gather3A_130], %get3A_129 : memref<1024xf32, #tpu.memory_space<vmem>>[vector<16xi32>], vector<16xf32>,
    %get3A_131 = arith.constant 384 : index
    %get3A_132 = tpu.vector_load %arg8[%get3A_131] {strides = array<i32>} : memref<1024xi32, #tpu.memory_space<vmem>>, vector<16xi32>,
    %get3A_133 = arith.constant 384 : index
    %get3A_134 = tpu.vector_load %arg10[%get3A_133] {strides = array<i32>} : memref<1024xf32, #tpu.memory_space<vmem>>, vector<16xf32>,
    tpu.vector_store_idx %arg11[%get3A_132], %get3A_134 : memref<1024xf32, #tpu.memory_space<vmem>>[vector<16xi32>], vector<16xf32>,
    %gather3A_135 = tpu.vector_load_idx %arg9[%get3A_132] : memref<1024xi32, #tpu.memory_space<vmem>>[vector<16xi32>], vector<16xi32>,
    tpu.vector_store_idx %arg12[%gather3A_135], %get3A_134 : memref<1024xf32, #tpu.memory_space<vmem>>[vector<16xi32>], vector<16xf32>,
    %get3A_136 = arith.constant 400 : index
    %get3A_137 = tpu.vector_load %arg8[%get3A_136] {strides = array<i32>} : memref<1024xi32, #tpu.memory_space<vmem>>, vector<16xi32>,
    %get3A_138 = arith.constant 400 : index
    %get3A_139 = tpu.vector_load %arg10[%get3A_138] {strides = array<i32>} : memref<1024xf32, #tpu.memory_space<vmem>>, vector<16xf32>,
    tpu.vector_store_idx %arg11[%get3A_137], %get3A_139 : memref<1024xf32, #tpu.memory_space<vmem>>[vector<16xi32>], vector<16xf32>,
    %gather3A_140 = tpu.vector_load_idx %arg9[%get3A_137] : memref<1024xi32, #tpu.memory_space<vmem>>[vector<16xi32>], vector<16xi32>,
    tpu.vector_store_idx %arg12[%gather3A_140], %get3A_139 : memref<1024xf32, #tpu.memory_space<vmem>>[vector<16xi32>], vector<16xf32>,
    %get3A_141 = arith.constant 416 : index
    %get3A_142 = tpu.vector_load %arg8[%get3A_141] {strides = array<i32>} : memref<1024xi32, #tpu.memory_space<vmem>>, vector<16xi32>,
    %get3A_143 = arith.constant 416 : index
    %get3A_144 = tpu.vector_load %arg10[%get3A_143] {strides = array<i32>} : memref<1024xf32, #tpu.memory_space<vmem>>, vector<16xf32>,
    tpu.vector_store_idx %arg11[%get3A_142], %get3A_144 : memref<1024xf32, #tpu.memory_space<vmem>>[vector<16xi32>], vector<16xf32>,
    %gather3A_145 = tpu.vector_load_idx %arg9[%get3A_142] : memref<1024xi32, #tpu.memory_space<vmem>>[vector<16xi32>], vector<16xi32>,
    tpu.vector_store_idx %arg12[%gather3A_145], %get3A_144 : memref<1024xf32, #tpu.memory_space<vmem>>[vector<16xi32>], vector<16xf32>,
    %get3A_146 = arith.constant 432 : index
    %get3A_147 = tpu.vector_load %arg8[%get3A_146] {strides = array<i32>} : memref<1024xi32, #tpu.memory_space<vmem>>, vector<16xi32>,
    %get3A_148 = arith.constant 432 : index
    %get3A_149 = tpu.vector_load %arg10[%get3A_148] {strides = array<i32>} : memref<1024xf32, #tpu.memory_space<vmem>>, vector<16xf32>,
    tpu.vector_store_idx %arg11[%get3A_147], %get3A_149 : memref<1024xf32, #tpu.memory_space<vmem>>[vector<16xi32>], vector<16xf32>,
    %gather3A_150 = tpu.vector_load_idx %arg9[%get3A_147] : memref<1024xi32, #tpu.memory_space<vmem>>[vector<16xi32>], vector<16xi32>,
    tpu.vector_store_idx %arg12[%gather3A_150], %get3A_149 : memref<1024xf32, #tpu.memory_space<vmem>>[vector<16xi32>], vector<16xf32>,
    %get3A_151 = arith.constant 448 : index
    %get3A_152 = tpu.vector_load %arg8[%get3A_151] {strides = array<i32>} : memref<1024xi32, #tpu.memory_space<vmem>>, vector<16xi32>,
    %get3A_153 = arith.constant 448 : index
    %get3A_154 = tpu.vector_load %arg10[%get3A_153] {strides = array<i32>} : memref<1024xf32, #tpu.memory_space<vmem>>, vector<16xf32>,
    tpu.vector_store_idx %arg11[%get3A_152], %get3A_154 : memref<1024xf32, #tpu.memory_space<vmem>>[vector<16xi32>], vector<16xf32>,
    %gather3A_155 = tpu.vector_load_idx %arg9[%get3A_152] : memref<1024xi32, #tpu.memory_space<vmem>>[vector<16xi32>], vector<16xi32>,
    tpu.vector_store_idx %arg12[%gather3A_155], %get3A_154 : memref<1024xf32, #tpu.memory_space<vmem>>[vector<16xi32>], vector<16xf32>,
    %get3A_156 = arith.constant 464 : index
    %get3A_157 = tpu.vector_load %arg8[%get3A_156] {strides = array<i32>} : memref<1024xi32, #tpu.memory_space<vmem>>, vector<16xi32>,
    %get3A_158 = arith.constant 464 : index
    %get3A_159 = tpu.vector_load %arg10[%get3A_158] {strides = array<i32>} : memref<1024xf32, #tpu.memory_space<vmem>>, vector<16xf32>,
    tpu.vector_store_idx %arg11[%get3A_157], %get3A_159 : memref<1024xf32, #tpu.memory_space<vmem>>[vector<16xi32>], vector<16xf32>,
    %gather3A_160 = tpu.vector_load_idx %arg9[%get3A_157] : memref<1024xi32, #tpu.memory_space<vmem>>[vector<16xi32>], vector<16xi32>,
    tpu.vector_store_idx %arg12[%gather3A_160], %get3A_159 : memref<1024xf32, #tpu.memory_space<vmem>>[vector<16xi32>], vector<16xf32>,
    %get3A_161 = arith.constant 480 : index
    %get3A_162 = tpu.vector_load %arg8[%get3A_161] {strides = array<i32>} : memref<1024xi32, #tpu.memory_space<vmem>>, vector<16xi32>,
    %get3A_163 = arith.constant 480 : index
    %get3A_164 = tpu.vector_load %arg10[%get3A_163] {strides = array<i32>} : memref<1024xf32, #tpu.memory_space<vmem>>, vector<16xf32>,
    tpu.vector_store_idx %arg11[%get3A_162], %get3A_164 : memref<1024xf32, #tpu.memory_space<vmem>>[vector<16xi32>], vector<16xf32>,
    %gather3A_165 = tpu.vector_load_idx %arg9[%get3A_162] : memref<1024xi32, #tpu.memory_space<vmem>>[vector<16xi32>], vector<16xi32>,
    tpu.vector_store_idx %arg12[%gather3A_165], %get3A_164 : memref<1024xf32, #tpu.memory_space<vmem>>[vector<16xi32>], vector<16xf32>,
    %get3A_166 = arith.constant 496 : index
    %get3A_167 = tpu.vector_load %arg8[%get3A_166] {strides = array<i32>} : memref<1024xi32, #tpu.memory_space<vmem>>, vector<16xi32>,
    %get3A_168 = arith.constant 496 : index
    %get3A_169 = tpu.vector_load %arg10[%get3A_168] {strides = array<i32>} : memref<1024xf32, #tpu.memory_space<vmem>>, vector<16xf32>,
    tpu.vector_store_idx %arg11[%get3A_167], %get3A_169 : memref<1024xf32, #tpu.memory_space<vmem>>[vector<16xi32>], vector<16xf32>,
    %gather3A_170 = tpu.vector_load_idx %arg9[%get3A_167] : memref<1024xi32, #tpu.memory_space<vmem>>[vector<16xi32>], vector<16xi32>,
    tpu.vector_store_idx %arg12[%gather3A_170], %get3A_169 : memref<1024xf32, #tpu.memory_space<vmem>>[vector<16xi32>], vector<16xf32>,
    %get3A_171 = arith.constant 512 : index
    %get3A_172 = tpu.vector_load %arg8[%get3A_171] {strides = array<i32>} : memref<1024xi32, #tpu.memory_space<vmem>>, vector<16xi32>,
    %get3A_173 = arith.constant 512 : index
    %get3A_174 = tpu.vector_load %arg10[%get3A_173] {strides = array<i32>} : memref<1024xf32, #tpu.memory_space<vmem>>, vector<16xf32>,
    tpu.vector_store_idx %arg11[%get3A_172], %get3A_174 : memref<1024xf32, #tpu.memory_space<vmem>>[vector<16xi32>], vector<16xf32>,
    %gather3A_175 = tpu.vector_load_idx %arg9[%get3A_172] : memref<1024xi32, #tpu.memory_space<vmem>>[vector<16xi32>], vector<16xi32>,
    tpu.vector_store_idx %arg12[%gather3A_175], %get3A_174 : memref<1024xf32, #tpu.memory_space<vmem>>[vector<16xi32>], vector<16xf32>,
    %get3A_176 = arith.constant 528 : index
    %get3A_177 = tpu.vector_load %arg8[%get3A_176] {strides = array<i32>} : memref<1024xi32, #tpu.memory_space<vmem>>, vector<16xi32>,
    %get3A_178 = arith.constant 528 : index
    %get3A_179 = tpu.vector_load %arg10[%get3A_178] {strides = array<i32>} : memref<1024xf32, #tpu.memory_space<vmem>>, vector<16xf32>,
    tpu.vector_store_idx %arg11[%get3A_177], %get3A_179 : memref<1024xf32, #tpu.memory_space<vmem>>[vector<16xi32>], vector<16xf32>,
    %gather3A_180 = tpu.vector_load_idx %arg9[%get3A_177] : memref<1024xi32, #tpu.memory_space<vmem>>[vector<16xi32>], vector<16xi32>,
    tpu.vector_store_idx %arg12[%gather3A_180], %get3A_179 : memref<1024xf32, #tpu.memory_space<vmem>>[vector<16xi32>], vector<16xf32>,
    %get3A_181 = arith.constant 544 : index
    %get3A_182 = tpu.vector_load %arg8[%get3A_181] {strides = array<i32>} : memref<1024xi32, #tpu.memory_space<vmem>>, vector<16xi32>,
    %get3A_183 = arith.constant 544 : index
    %get3A_184 = tpu.vector_load %arg10[%get3A_183] {strides = array<i32>} : memref<1024xf32, #tpu.memory_space<vmem>>, vector<16xf32>,
    tpu.vector_store_idx %arg11[%get3A_182], %get3A_184 : memref<1024xf32, #tpu.memory_space<vmem>>[vector<16xi32>], vector<16xf32>,
    %gather3A_185 = tpu.vector_load_idx %arg9[%get3A_182] : memref<1024xi32, #tpu.memory_space<vmem>>[vector<16xi32>], vector<16xi32>,
    tpu.vector_store_idx %arg12[%gather3A_185], %get3A_184 : memref<1024xf32, #tpu.memory_space<vmem>>[vector<16xi32>], vector<16xf32>,
    %get3A_186 = arith.constant 560 : index
    %get3A_187 = tpu.vector_load %arg8[%get3A_186] {strides = array<i32>} : memref<1024xi32, #tpu.memory_space<vmem>>, vector<16xi32>,
    %get3A_188 = arith.constant 560 : index
    %get3A_189 = tpu.vector_load %arg10[%get3A_188] {strides = array<i32>} : memref<1024xf32, #tpu.memory_space<vmem>>, vector<16xf32>,
    tpu.vector_store_idx %arg11[%get3A_187], %get3A_189 : memref<1024xf32, #tpu.memory_space<vmem>>[vector<16xi32>], vector<16xf32>,
    %gather3A_190 = tpu.vector_load_idx %arg9[%get3A_187] : memref<1024xi32, #tpu.memory_space<vmem>>[vector<16xi32>], vector<16xi32>,
    tpu.vector_store_idx %arg12[%gather3A_190], %get3A_189 : memref<1024xf32, #tpu.memory_space<vmem>>[vector<16xi32>], vector<16xf32>,
    %get3A_191 = arith.constant 576 : index
    %get3A_192 = tpu.vector_load %arg8[%get3A_191] {strides = array<i32>} : memref<1024xi32, #tpu.memory_space<vmem>>, vector<16xi32>,
    %get3A_193 = arith.constant 576 : index
    %get3A_194 = tpu.vector_load %arg10[%get3A_193] {strides = array<i32>} : memref<1024xf32, #tpu.memory_space<vmem>>, vector<16xf32>,
    tpu.vector_store_idx %arg11[%get3A_192], %get3A_194 : memref<1024xf32, #tpu.memory_space<vmem>>[vector<16xi32>], vector<16xf32>,
    %gather3A_195 = tpu.vector_load_idx %arg9[%get3A_192] : memref<1024xi32, #tpu.memory_space<vmem>>[vector<16xi32>], vector<16xi32>,
    tpu.vector_store_idx %arg12[%gather3A_195], %get3A_194 : memref<1024xf32, #tpu.memory_space<vmem>>[vector<16xi32>], vector<16xf32>,
    %get3A_196 = arith.constant 592 : index
    %get3A_197 = tpu.vector_load %arg8[%get3A_196] {strides = array<i32>} : memref<1024xi32, #tpu.memory_space<vmem>>, vector<16xi32>,
    %get3A_198 = arith.constant 592 : index
    %get3A_199 = tpu.vector_load %arg10[%get3A_198] {strides = array<i32>} : memref<1024xf32, #tpu.memory_space<vmem>>, vector<16xf32>,
    tpu.vector_store_idx %arg11[%get3A_197], %get3A_199 : memref<1024xf32, #tpu.memory_space<vmem>>[vector<16xi32>], vector<16xf32>,
    %gather3A_200 = tpu.vector_load_idx %arg9[%get3A_197] : memref<1024xi32, #tpu.memory_space<vmem>>[vector<16xi32>], vector<16xi32>,
    tpu.vector_store_idx %arg12[%gather3A_200], %get3A_199 : memref<1024xf32, #tpu.memory_space<vmem>>[vector<16xi32>], vector<16xf32>,
    %get3A_201 = arith.constant 608 : index
    %get3A_202 = tpu.vector_load %arg8[%get3A_201] {strides = array<i32>} : memref<1024xi32, #tpu.memory_space<vmem>>, vector<16xi32>,
    %get3A_203 = arith.constant 608 : index
    %get3A_204 = tpu.vector_load %arg10[%get3A_203] {strides = array<i32>} : memref<1024xf32, #tpu.memory_space<vmem>>, vector<16xf32>,
    tpu.vector_store_idx %arg11[%get3A_202], %get3A_204 : memref<1024xf32, #tpu.memory_space<vmem>>[vector<16xi32>], vector<16xf32>,
    %gather3A_205 = tpu.vector_load_idx %arg9[%get3A_202] : memref<1024xi32, #tpu.memory_space<vmem>>[vector<16xi32>], vector<16xi32>,
    tpu.vector_store_idx %arg12[%gather3A_205], %get3A_204 : memref<1024xf32, #tpu.memory_space<vmem>>[vector<16xi32>], vector<16xf32>,
    %get3A_206 = arith.constant 624 : index
    %get3A_207 = tpu.vector_load %arg8[%get3A_206] {strides = array<i32>} : memref<1024xi32, #tpu.memory_space<vmem>>, vector<16xi32>,
    %get3A_208 = arith.constant 624 : index
    %get3A_209 = tpu.vector_load %arg10[%get3A_208] {strides = array<i32>} : memref<1024xf32, #tpu.memory_space<vmem>>, vector<16xf32>,
    tpu.vector_store_idx %arg11[%get3A_207], %get3A_209 : memref<1024xf32, #tpu.memory_space<vmem>>[vector<16xi32>], vector<16xf32>,
    %gather3A_210 = tpu.vector_load_idx %arg9[%get3A_207] : memref<1024xi32, #tpu.memory_space<vmem>>[vector<16xi32>], vector<16xi32>,
    tpu.vector_store_idx %arg12[%gather3A_210], %get3A_209 : memref<1024xf32, #tpu.memory_space<vmem>>[vector<16xi32>], vector<16xf32>,
    %get3A_211 = arith.constant 640 : index
    %get3A_212 = tpu.vector_load %arg8[%get3A_211] {strides = array<i32>} : memref<1024xi32, #tpu.memory_space<vmem>>, vector<16xi32>,
    %get3A_213 = arith.constant 640 : index
    %get3A_214 = tpu.vector_load %arg10[%get3A_213] {strides = array<i32>} : memref<1024xf32, #tpu.memory_space<vmem>>, vector<16xf32>,
    tpu.vector_store_idx %arg11[%get3A_212], %get3A_214 : memref<1024xf32, #tpu.memory_space<vmem>>[vector<16xi32>], vector<16xf32>,
    %gather3A_215 = tpu.vector_load_idx %arg9[%get3A_212] : memref<1024xi32, #tpu.memory_space<vmem>>[vector<16xi32>], vector<16xi32>,
    tpu.vector_store_idx %arg12[%gather3A_215], %get3A_214 : memref<1024xf32, #tpu.memory_space<vmem>>[vector<16xi32>], vector<16xf32>,
    %get3A_216 = arith.constant 656 : index
    %get3A_217 = tpu.vector_load %arg8[%get3A_216] {strides = array<i32>} : memref<1024xi32, #tpu.memory_space<vmem>>, vector<16xi32>,
    %get3A_218 = arith.constant 656 : index
    %get3A_219 = tpu.vector_load %arg10[%get3A_218] {strides = array<i32>} : memref<1024xf32, #tpu.memory_space<vmem>>, vector<16xf32>,
    tpu.vector_store_idx %arg11[%get3A_217], %get3A_219 : memref<1024xf32, #tpu.memory_space<vmem>>[vector<16xi32>], vector<16xf32>,
    %gather3A_220 = tpu.vector_load_idx %arg9[%get3A_217] : memref<1024xi32, #tpu.memory_space<vmem>>[vector<16xi32>], vector<16xi32>,
    tpu.vector_store_idx %arg12[%gather3A_220], %get3A_219 : memref<1024xf32, #tpu.memory_space<vmem>>[vector<16xi32>], vector<16xf32>,
    %get3A_221 = arith.constant 672 : index
    %get3A_222 = tpu.vector_load %arg8[%get3A_221] {strides = array<i32>} : memref<1024xi32, #tpu.memory_space<vmem>>, vector<16xi32>,
    %get3A_223 = arith.constant 672 : index
    %get3A_224 = tpu.vector_load %arg10[%get3A_223] {strides = array<i32>} : memref<1024xf32, #tpu.memory_space<vmem>>, vector<16xf32>,
    tpu.vector_store_idx %arg11[%get3A_222], %get3A_224 : memref<1024xf32, #tpu.memory_space<vmem>>[vector<16xi32>], vector<16xf32>,
    %gather3A_225 = tpu.vector_load_idx %arg9[%get3A_222] : memref<1024xi32, #tpu.memory_space<vmem>>[vector<16xi32>], vector<16xi32>,
    tpu.vector_store_idx %arg12[%gather3A_225], %get3A_224 : memref<1024xf32, #tpu.memory_space<vmem>>[vector<16xi32>], vector<16xf32>,
    %get3A_226 = arith.constant 688 : index
    %get3A_227 = tpu.vector_load %arg8[%get3A_226] {strides = array<i32>} : memref<1024xi32, #tpu.memory_space<vmem>>, vector<16xi32>,
    %get3A_228 = arith.constant 688 : index
    %get3A_229 = tpu.vector_load %arg10[%get3A_228] {strides = array<i32>} : memref<1024xf32, #tpu.memory_space<vmem>>, vector<16xf32>,
    tpu.vector_store_idx %arg11[%get3A_227], %get3A_229 : memref<1024xf32, #tpu.memory_space<vmem>>[vector<16xi32>], vector<16xf32>,
    %gather3A_230 = tpu.vector_load_idx %arg9[%get3A_227] : memref<1024xi32, #tpu.memory_space<vmem>>[vector<16xi32>], vector<16xi32>,
    tpu.vector_store_idx %arg12[%gather3A_230], %get3A_229 : memref<1024xf32, #tpu.memory_space<vmem>>[vector<16xi32>], vector<16xf32>,
    %get3A_231 = arith.constant 704 : index
    %get3A_232 = tpu.vector_load %arg8[%get3A_231] {strides = array<i32>} : memref<1024xi32, #tpu.memory_space<vmem>>, vector<16xi32>,
    %get3A_233 = arith.constant 704 : index
    %get3A_234 = tpu.vector_load %arg10[%get3A_233] {strides = array<i32>} : memref<1024xf32, #tpu.memory_space<vmem>>, vector<16xf32>,
    tpu.vector_store_idx %arg11[%get3A_232], %get3A_234 : memref<1024xf32, #tpu.memory_space<vmem>>[vector<16xi32>], vector<16xf32>,
    %gather3A_235 = tpu.vector_load_idx %arg9[%get3A_232] : memref<1024xi32, #tpu.memory_space<vmem>>[vector<16xi32>], vector<16xi32>,
    tpu.vector_store_idx %arg12[%gather3A_235], %get3A_234 : memref<1024xf32, #tpu.memory_space<vmem>>[vector<16xi32>], vector<16xf32>,
    %get3A_236 = arith.constant 720 : index
    %get3A_237 = tpu.vector_load %arg8[%get3A_236] {strides = array<i32>} : memref<1024xi32, #tpu.memory_space<vmem>>, vector<16xi32>,
    %get3A_238 = arith.constant 720 : index
    %get3A_239 = tpu.vector_load %arg10[%get3A_238] {strides = array<i32>} : memref<1024xf32, #tpu.memory_space<vmem>>, vector<16xf32>,
    tpu.vector_store_idx %arg11[%get3A_237], %get3A_239 : memref<1024xf32, #tpu.memory_space<vmem>>[vector<16xi32>], vector<16xf32>,
    %gather3A_240 = tpu.vector_load_idx %arg9[%get3A_237] : memref<1024xi32, #tpu.memory_space<vmem>>[vector<16xi32>], vector<16xi32>,
    tpu.vector_store_idx %arg12[%gather3A_240], %get3A_239 : memref<1024xf32, #tpu.memory_space<vmem>>[vector<16xi32>], vector<16xf32>,
    %get3A_241 = arith.constant 736 : index
    %get3A_242 = tpu.vector_load %arg8[%get3A_241] {strides = array<i32>} : memref<1024xi32, #tpu.memory_space<vmem>>, vector<16xi32>,
    %get3A_243 = arith.constant 736 : index
    %get3A_244 = tpu.vector_load %arg10[%get3A_243] {strides = array<i32>} : memref<1024xf32, #tpu.memory_space<vmem>>, vector<16xf32>,
    tpu.vector_store_idx %arg11[%get3A_242], %get3A_244 : memref<1024xf32, #tpu.memory_space<vmem>>[vector<16xi32>], vector<16xf32>,
    %gather3A_245 = tpu.vector_load_idx %arg9[%get3A_242] : memref<1024xi32, #tpu.memory_space<vmem>>[vector<16xi32>], vector<16xi32>,
    tpu.vector_store_idx %arg12[%gather3A_245], %get3A_244 : memref<1024xf32, #tpu.memory_space<vmem>>[vector<16xi32>], vector<16xf32>,
    %get3A_246 = arith.constant 752 : index
    %get3A_247 = tpu.vector_load %arg8[%get3A_246] {strides = array<i32>} : memref<1024xi32, #tpu.memory_space<vmem>>, vector<16xi32>,
    %get3A_248 = arith.constant 752 : index
    %get3A_249 = tpu.vector_load %arg10[%get3A_248] {strides = array<i32>} : memref<1024xf32, #tpu.memory_space<vmem>>, vector<16xf32>,
    tpu.vector_store_idx %arg11[%get3A_247], %get3A_249 : memref<1024xf32, #tpu.memory_space<vmem>>[vector<16xi32>], vector<16xf32>,
    %gather3A_250 = tpu.vector_load_idx %arg9[%get3A_247] : memref<1024xi32, #tpu.memory_space<vmem>>[vector<16xi32>], vector<16xi32>,
    tpu.vector_store_idx %arg12[%gather3A_250], %get3A_249 : memref<1024xf32, #tpu.memory_space<vmem>>[vector<16xi32>], vector<16xf32>,
    %get3A_251 = arith.constant 768 : index
    %get3A_252 = tpu.vector_load %arg8[%get3A_251] {strides = array<i32>} : memref<1024xi32, #tpu.memory_space<vmem>>, vector<16xi32>,
    %get3A_253 = arith.constant 768 : index
    %get3A_254 = tpu.vector_load %arg10[%get3A_253] {strides = array<i32>} : memref<1024xf32, #tpu.memory_space<vmem>>, vector<16xf32>,
    tpu.vector_store_idx %arg11[%get3A_252], %get3A_254 : memref<1024xf32, #tpu.memory_space<vmem>>[vector<16xi32>], vector<16xf32>,
    %gather3A_255 = tpu.vector_load_idx %arg9[%get3A_252] : memref<1024xi32, #tpu.memory_space<vmem>>[vector<16xi32>], vector<16xi32>,
    tpu.vector_store_idx %arg12[%gather3A_255], %get3A_254 : memref<1024xf32, #tpu.memory_space<vmem>>[vector<16xi32>], vector<16xf32>,
    %get3A_256 = arith.constant 784 : index
    %get3A_257 = tpu.vector_load %arg8[%get3A_256] {strides = array<i32>} : memref<1024xi32, #tpu.memory_space<vmem>>, vector<16xi32>,
    %get3A_258 = arith.constant 784 : index
    %get3A_259 = tpu.vector_load %arg10[%get3A_258] {strides = array<i32>} : memref<1024xf32, #tpu.memory_space<vmem>>, vector<16xf32>,
    tpu.vector_store_idx %arg11[%get3A_257], %get3A_259 : memref<1024xf32, #tpu.memory_space<vmem>>[vector<16xi32>], vector<16xf32>,
    %gather3A_260 = tpu.vector_load_idx %arg9[%get3A_257] : memref<1024xi32, #tpu.memory_space<vmem>>[vector<16xi32>], vector<16xi32>,
    tpu.vector_store_idx %arg12[%gather3A_260], %get3A_259 : memref<1024xf32, #tpu.memory_space<vmem>>[vector<16xi32>], vector<16xf32>,
    %get3A_261 = arith.constant 800 : index
    %get3A_262 = tpu.vector_load %arg8[%get3A_261] {strides = array<i32>} : memref<1024xi32, #tpu.memory_space<vmem>>, vector<16xi32>,
    %get3A_263 = arith.constant 800 : index
    %get3A_264 = tpu.vector_load %arg10[%get3A_263] {strides = array<i32>} : memref<1024xf32, #tpu.memory_space<vmem>>, vector<16xf32>,
    tpu.vector_store_idx %arg11[%get3A_262], %get3A_264 : memref<1024xf32, #tpu.memory_space<vmem>>[vector<16xi32>], vector<16xf32>,
    %gather3A_265 = tpu.vector_load_idx %arg9[%get3A_262] : memref<1024xi32, #tpu.memory_space<vmem>>[vector<16xi32>], vector<16xi32>,
    tpu.vector_store_idx %arg12[%gather3A_265], %get3A_264 : memref<1024xf32, #tpu.memory_space<vmem>>[vector<16xi32>], vector<16xf32>,
    %get3A_266 = arith.constant 816 : index
    %get3A_267 = tpu.vector_load %arg8[%get3A_266] {strides = array<i32>} : memref<1024xi32, #tpu.memory_space<vmem>>, vector<16xi32>,
    %get3A_268 = arith.constant 816 : index
    %get3A_269 = tpu.vector_load %arg10[%get3A_268] {strides = array<i32>} : memref<1024xf32, #tpu.memory_space<vmem>>, vector<16xf32>,
    tpu.vector_store_idx %arg11[%get3A_267], %get3A_269 : memref<1024xf32, #tpu.memory_space<vmem>>[vector<16xi32>], vector<16xf32>,
    %gather3A_270 = tpu.vector_load_idx %arg9[%get3A_267] : memref<1024xi32, #tpu.memory_space<vmem>>[vector<16xi32>], vector<16xi32>,
    tpu.vector_store_idx %arg12[%gather3A_270], %get3A_269 : memref<1024xf32, #tpu.memory_space<vmem>>[vector<16xi32>], vector<16xf32>,
    %get3A_271 = arith.constant 832 : index
    %get3A_272 = tpu.vector_load %arg8[%get3A_271] {strides = array<i32>} : memref<1024xi32, #tpu.memory_space<vmem>>, vector<16xi32>,
    %get3A_273 = arith.constant 832 : index
    %get3A_274 = tpu.vector_load %arg10[%get3A_273] {strides = array<i32>} : memref<1024xf32, #tpu.memory_space<vmem>>, vector<16xf32>,
    tpu.vector_store_idx %arg11[%get3A_272], %get3A_274 : memref<1024xf32, #tpu.memory_space<vmem>>[vector<16xi32>], vector<16xf32>,
    %gather3A_275 = tpu.vector_load_idx %arg9[%get3A_272] : memref<1024xi32, #tpu.memory_space<vmem>>[vector<16xi32>], vector<16xi32>,
    tpu.vector_store_idx %arg12[%gather3A_275], %get3A_274 : memref<1024xf32, #tpu.memory_space<vmem>>[vector<16xi32>], vector<16xf32>,
    %get3A_276 = arith.constant 848 : index
    %get3A_277 = tpu.vector_load %arg8[%get3A_276] {strides = array<i32>} : memref<1024xi32, #tpu.memory_space<vmem>>, vector<16xi32>,
    %get3A_278 = arith.constant 848 : index
    %get3A_279 = tpu.vector_load %arg10[%get3A_278] {strides = array<i32>} : memref<1024xf32, #tpu.memory_space<vmem>>, vector<16xf32>,
    tpu.vector_store_idx %arg11[%get3A_277], %get3A_279 : memref<1024xf32, #tpu.memory_space<vmem>>[vector<16xi32>], vector<16xf32>,
    %gather3A_280 = tpu.vector_load_idx %arg9[%get3A_277] : memref<1024xi32, #tpu.memory_space<vmem>>[vector<16xi32>], vector<16xi32>,
    tpu.vector_store_idx %arg12[%gather3A_280], %get3A_279 : memref<1024xf32, #tpu.memory_space<vmem>>[vector<16xi32>], vector<16xf32>,
    %get3A_281 = arith.constant 864 : index
    %get3A_282 = tpu.vector_load %arg8[%get3A_281] {strides = array<i32>} : memref<1024xi32, #tpu.memory_space<vmem>>, vector<16xi32>,
    %get3A_283 = arith.constant 864 : index
    %get3A_284 = tpu.vector_load %arg10[%get3A_283] {strides = array<i32>} : memref<1024xf32, #tpu.memory_space<vmem>>, vector<16xf32>,
    tpu.vector_store_idx %arg11[%get3A_282], %get3A_284 : memref<1024xf32, #tpu.memory_space<vmem>>[vector<16xi32>], vector<16xf32>,
    %gather3A_285 = tpu.vector_load_idx %arg9[%get3A_282] : memref<1024xi32, #tpu.memory_space<vmem>>[vector<16xi32>], vector<16xi32>,
    tpu.vector_store_idx %arg12[%gather3A_285], %get3A_284 : memref<1024xf32, #tpu.memory_space<vmem>>[vector<16xi32>], vector<16xf32>,
    %get3A_286 = arith.constant 880 : index
    %get3A_287 = tpu.vector_load %arg8[%get3A_286] {strides = array<i32>} : memref<1024xi32, #tpu.memory_space<vmem>>, vector<16xi32>,
    %get3A_288 = arith.constant 880 : index
    %get3A_289 = tpu.vector_load %arg10[%get3A_288] {strides = array<i32>} : memref<1024xf32, #tpu.memory_space<vmem>>, vector<16xf32>,
    tpu.vector_store_idx %arg11[%get3A_287], %get3A_289 : memref<1024xf32, #tpu.memory_space<vmem>>[vector<16xi32>], vector<16xf32>,
    %gather3A_290 = tpu.vector_load_idx %arg9[%get3A_287] : memref<1024xi32, #tpu.memory_space<vmem>>[vector<16xi32>], vector<16xi32>,
    tpu.vector_store_idx %arg12[%gather3A_290], %get3A_289 : memref<1024xf32, #tpu.memory_space<vmem>>[vector<16xi32>], vector<16xf32>,
    %get3A_291 = arith.constant 896 : index
    %get3A_292 = tpu.vector_load %arg8[%get3A_291] {strides = array<i32>} : memref<1024xi32, #tpu.memory_space<vmem>>, vector<16xi32>,
    %get3A_293 = arith.constant 896 : index
    %get3A_294 = tpu.vector_load %arg10[%get3A_293] {strides = array<i32>} : memref<1024xf32, #tpu.memory_space<vmem>>, vector<16xf32>,
    tpu.vector_store_idx %arg11[%get3A_292], %get3A_294 : memref<1024xf32, #tpu.memory_space<vmem>>[vector<16xi32>], vector<16xf32>,
    %gather3A_295 = tpu.vector_load_idx %arg9[%get3A_292] : memref<1024xi32, #tpu.memory_space<vmem>>[vector<16xi32>], vector<16xi32>,
    tpu.vector_store_idx %arg12[%gather3A_295], %get3A_294 : memref<1024xf32, #tpu.memory_space<vmem>>[vector<16xi32>], vector<16xf32>,
    %get3A_296 = arith.constant 912 : index
    %get3A_297 = tpu.vector_load %arg8[%get3A_296] {strides = array<i32>} : memref<1024xi32, #tpu.memory_space<vmem>>, vector<16xi32>,
    %get3A_298 = arith.constant 912 : index
    %get3A_299 = tpu.vector_load %arg10[%get3A_298] {strides = array<i32>} : memref<1024xf32, #tpu.memory_space<vmem>>, vector<16xf32>,
    tpu.vector_store_idx %arg11[%get3A_297], %get3A_299 : memref<1024xf32, #tpu.memory_space<vmem>>[vector<16xi32>], vector<16xf32>,
    %gather3A_300 = tpu.vector_load_idx %arg9[%get3A_297] : memref<1024xi32, #tpu.memory_space<vmem>>[vector<16xi32>], vector<16xi32>,
    tpu.vector_store_idx %arg12[%gather3A_300], %get3A_299 : memref<1024xf32, #tpu.memory_space<vmem>>[vector<16xi32>], vector<16xf32>,
    %get3A_301 = arith.constant 928 : index
    %get3A_302 = tpu.vector_load %arg8[%get3A_301] {strides = array<i32>} : memref<1024xi32, #tpu.memory_space<vmem>>, vector<16xi32>,
    %get3A_303 = arith.constant 928 : index
    %get3A_304 = tpu.vector_load %arg10[%get3A_303] {strides = array<i32>} : memref<1024xf32, #tpu.memory_space<vmem>>, vector<16xf32>,
    tpu.vector_store_idx %arg11[%get3A_302], %get3A_304 : memref<1024xf32, #tpu.memory_space<vmem>>[vector<16xi32>], vector<16xf32>,
    %gather3A_305 = tpu.vector_load_idx %arg9[%get3A_302] : memref<1024xi32, #tpu.memory_space<vmem>>[vector<16xi32>], vector<16xi32>,
    tpu.vector_store_idx %arg12[%gather3A_305], %get3A_304 : memref<1024xf32, #tpu.memory_space<vmem>>[vector<16xi32>], vector<16xf32>,
    %get3A_306 = arith.constant 944 : index
    %get3A_307 = tpu.vector_load %arg8[%get3A_306] {strides = array<i32>} : memref<1024xi32, #tpu.memory_space<vmem>>, vector<16xi32>,
    %get3A_308 = arith.constant 944 : index
    %get3A_309 = tpu.vector_load %arg10[%get3A_308] {strides = array<i32>} : memref<1024xf32, #tpu.memory_space<vmem>>, vector<16xf32>,
    tpu.vector_store_idx %arg11[%get3A_307], %get3A_309 : memref<1024xf32, #tpu.memory_space<vmem>>[vector<16xi32>], vector<16xf32>,
    %gather3A_310 = tpu.vector_load_idx %arg9[%get3A_307] : memref<1024xi32, #tpu.memory_space<vmem>>[vector<16xi32>], vector<16xi32>,
    tpu.vector_store_idx %arg12[%gather3A_310], %get3A_309 : memref<1024xf32, #tpu.memory_space<vmem>>[vector<16xi32>], vector<16xf32>,
    %get3A_311 = arith.constant 960 : index
    %get3A_312 = tpu.vector_load %arg8[%get3A_311] {strides = array<i32>} : memref<1024xi32, #tpu.memory_space<vmem>>, vector<16xi32>,
    %get3A_313 = arith.constant 960 : index
    %get3A_314 = tpu.vector_load %arg10[%get3A_313] {strides = array<i32>} : memref<1024xf32, #tpu.memory_space<vmem>>, vector<16xf32>,
    tpu.vector_store_idx %arg11[%get3A_312], %get3A_314 : memref<1024xf32, #tpu.memory_space<vmem>>[vector<16xi32>], vector<16xf32>,
    %gather3A_315 = tpu.vector_load_idx %arg9[%get3A_312] : memref<1024xi32, #tpu.memory_space<vmem>>[vector<16xi32>], vector<16xi32>,
    tpu.vector_store_idx %arg12[%gather3A_315], %get3A_314 : memref<1024xf32, #tpu.memory_space<vmem>>[vector<16xi32>], vector<16xf32>,
    %get3A_316 = arith.constant 976 : index
    %get3A_317 = tpu.vector_load %arg8[%get3A_316] {strides = array<i32>} : memref<1024xi32, #tpu.memory_space<vmem>>, vector<16xi32>,
    %get3A_318 = arith.constant 976 : index
    %get3A_319 = tpu.vector_load %arg10[%get3A_318] {strides = array<i32>} : memref<1024xf32, #tpu.memory_space<vmem>>, vector<16xf32>,
    tpu.vector_store_idx %arg11[%get3A_317], %get3A_319 : memref<1024xf32, #tpu.memory_space<vmem>>[vector<16xi32>], vector<16xf32>,
    %gather3A_320 = tpu.vector_load_idx %arg9[%get3A_317] : memref<1024xi32, #tpu.memory_space<vmem>>[vector<16xi32>], vector<16xi32>,
    tpu.vector_store_idx %arg12[%gather3A_320], %get3A_319 : memref<1024xf32, #tpu.memory_space<vmem>>[vector<16xi32>], vector<16xf32>,
    %get3A_321 = arith.constant 992 : index
    %get3A_322 = tpu.vector_load %arg8[%get3A_321] {strides = array<i32>} : memref<1024xi32, #tpu.memory_space<vmem>>, vector<16xi32>,
    %get3A_323 = arith.constant 992 : index
    %get3A_324 = tpu.vector_load %arg10[%get3A_323] {strides = array<i32>} : memref<1024xf32, #tpu.memory_space<vmem>>, vector<16xf32>,
    tpu.vector_store_idx %arg11[%get3A_322], %get3A_324 : memref<1024xf32, #tpu.memory_space<vmem>>[vector<16xi32>], vector<16xf32>,
    %gather3A_325 = tpu.vector_load_idx %arg9[%get3A_322] : memref<1024xi32, #tpu.memory_space<vmem>>[vector<16xi32>], vector<16xi32>,
    tpu.vector_store_idx %arg12[%gather3A_325], %get3A_324 : memref<1024xf32, #tpu.memory_space<vmem>>[vector<16xi32>], vector<16xf32>,
    %get3A_326 = arith.constant 1008 : index
    %get3A_327 = tpu.vector_load %arg8[%get3A_326] {strides = array<i32>} : memref<1024xi32, #tpu.memory_space<vmem>>, vector<16xi32>,
    %get3A_328 = arith.constant 1008 : index
    %get3A_329 = tpu.vector_load %arg10[%get3A_328] {strides = array<i32>} : memref<1024xf32, #tpu.memory_space<vmem>>, vector<16xf32>,
    tpu.vector_store_idx %arg11[%get3A_327], %get3A_329 : memref<1024xf32, #tpu.memory_space<vmem>>[vector<16xi32>], vector<16xf32>,
    %gather3A_330 = tpu.vector_load_idx %arg9[%get3A_327] : memref<1024xi32, #tpu.memory_space<vmem>>[vector<16xi32>], vector<16xi32>,
    tpu.vector_store_idx %arg12[%gather3A_330], %get3A_329 : memref<1024xf32, #tpu.memory_space<vmem>>[vector<16xi32>], vector<16xf32>,
    %broadcast_in_dim3A_331 = arith.constant 1022 : i32
    %broadcast_in_dim3A_332 = vector.broadcast %broadcast_in_dim3A_331 : i32 to vector<16xi32>
    %gather3A_333 = tpu.vector_load_idx %arg12[%broadcast_in_dim3A_332] : memref<1024xf32, #tpu.memory_space<vmem>>[vector<16xi32>], vector<16xf32>,
    %broadcast_in_dim3A_334 = arith.constant 1020 : i32
    %broadcast_in_dim3A_335 = vector.broadcast %broadcast_in_dim3A_334 : i32 to vector<16xi32>
    %gather3A_336 = tpu.vector_load_idx %arg12[%broadcast_in_dim3A_335] : memref<1024xf32, #tpu.memory_space<vmem>>[vector<16xi32>], vector<16xf32>,
    %broadcast_in_dim3A_337 = arith.constant 1021 : i32
    %broadcast_in_dim3A_338 = vector.broadcast %broadcast_in_dim3A_337 : i32 to vector<16xi32>
    %gather3A_339 = tpu.vector_load_idx %arg12[%broadcast_in_dim3A_338] : memref<1024xf32, #tpu.memory_space<vmem>>[vector<16xi32>], vector<16xf32>,
    %broadcast_in_dim3A_340 = arith.constant 1016 : i32
    %broadcast_in_dim3A_341 = vector.broadcast %broadcast_in_dim3A_340 : i32 to vector<16xi32>
    %gather3A_342 = tpu.vector_load_idx %arg12[%broadcast_in_dim3A_341] : memref<1024xf32, #tpu.memory_space<vmem>>[vector<16xi32>], vector<16xf32>,
    %broadcast_in_dim3A_343 = arith.constant 1017 : i32
    %broadcast_in_dim3A_344 = vector.broadcast %broadcast_in_dim3A_343 : i32 to vector<16xi32>
    %gather3A_345 = tpu.vector_load_idx %arg12[%broadcast_in_dim3A_344] : memref<1024xf32, #tpu.memory_space<vmem>>[vector<16xi32>], vector<16xf32>,
    %broadcast_in_dim3A_346 = arith.constant 1018 : i32
    %broadcast_in_dim3A_347 = vector.broadcast %broadcast_in_dim3A_346 : i32 to vector<16xi32>
    %gather3A_348 = tpu.vector_load_idx %arg12[%broadcast_in_dim3A_347] : memref<1024xf32, #tpu.memory_space<vmem>>[vector<16xi32>], vector<16xf32>,
    %broadcast_in_dim3A_349 = arith.constant 1019 : i32
    %broadcast_in_dim3A_350 = vector.broadcast %broadcast_in_dim3A_349 : i32 to vector<16xi32>
    %gather3A_351 = tpu.vector_load_idx %arg12[%broadcast_in_dim3A_350] : memref<1024xf32, #tpu.memory_space<vmem>>[vector<16xi32>], vector<16xf32>,
    %broadcast_in_dim3A_352 = arith.constant 0.000000e+00 : f32
    %broadcast_in_dim3A_353 = vector.broadcast %broadcast_in_dim3A_352 : f32 to vector<16xf32>
    %scan3A = arith.constant 0 : i32
    %scan3A_354 = arith.constant 16 : i32
    %scan3A_355 = arith.addi %scan3A, %scan3A_354 : i32
    %scan3A_356 = arith.constant 1 : i32
    %scan3A_357 = scf.for %scan3A_361 = %scan3A to %scan3A_355 step %scan3A_356 iter_args(%scan3A_362 = %broadcast_in_dim3A_353) -> (vector<16xf32>)  : i32 {
      %mul3A_363 = arith.constant 2 : i32
      %mul3A_364 = arith.muli %scan3A_361, %mul3A_363 : i32
      %add3A_365 = arith.constant 0 : i32
      %add3A_366 = arith.addi %mul3A_364, %add3A_365 : i32
      %mul3A_367 = arith.constant 16 : i32
      %mul3A_368 = arith.muli %add3A_366, %mul3A_367 : i32
      %get3A_369 = arith.index_cast %mul3A_368 : i32 to index
      %get3A_370 = tpu.vector_load %arg13[%get3A_369] {strides = array<i32>} : memref<512xf32, #tpu.memory_space<vmem>>, vector<16xf32>,
      %get3A_371 = arith.index_cast %mul3A_368 : i32 to index
      %get3A_372 = tpu.vector_load %arg14[%get3A_371] {strides = array<i32>} : memref<512xi32, #tpu.memory_space<vmem>>, vector<16xi32>,
      %le3A = arith.cmpf ole, %gather3A_333, %get3A_370 : vector<16xf32>
      %convert_element_type3A = arith.extui %le3A : vector<16xi1> to vector<16xi32>
      %select_n3A = arith.select %le3A, %gather3A_339, %gather3A_336 : vector<16xi1>, vector<16xf32>
      %le3A_373 = arith.cmpf ole, %select_n3A, %get3A_370 : vector<16xf32>
      %convert_element_type3A_374 = arith.extui %le3A_373 : vector<16xi1> to vector<16xi32>
      %shift_left3A = arith.constant 1 : i32
      %shift_left3A_375 = vector.broadcast %shift_left3A : i32 to vector<16xi32>
      %shift_left3A_376 = arith.shli %convert_element_type3A_374, %shift_left3A_375 : vector<16xi32>
      %or3A = arith.ori %convert_element_type3A, %shift_left3A_376 : vector<16xi32>
      %select_n3A_377 = arith.select %le3A, %gather3A_351, %gather3A_348 : vector<16xi1>, vector<16xf32>
      %select_n3A_378 = arith.select %le3A, %gather3A_345, %gather3A_342 : vector<16xi1>, vector<16xf32>
      %select_n3A_379 = arith.select %le3A_373, %select_n3A_377, %select_n3A_378 : vector<16xi1>, vector<16xf32>
      %le3A_380 = arith.cmpf ole, %select_n3A_379, %get3A_370 : vector<16xf32>
      %convert_element_type3A_381 = arith.extui %le3A_380 : vector<16xi1> to vector<16xi32>
      %shift_left3A_382 = arith.constant 2 : i32
      %shift_left3A_383 = vector.broadcast %shift_left3A_382 : i32 to vector<16xi32>
      %shift_left3A_384 = arith.shli %convert_element_type3A_381, %shift_left3A_383 : vector<16xi32>
      %or3A_385 = arith.ori %or3A, %shift_left3A_384 : vector<16xi32>
      %add3A_386 = arith.constant 1008 : i32
      %add3A_387 = vector.broadcast %add3A_386 : i32 to vector<16xi32>
      %add3A_388 = arith.addi %or3A_385, %add3A_387 : vector<16xi32>
      %gather3A_389 = tpu.vector_load_idx %arg12[%add3A_388] : memref<1024xf32, #tpu.memory_space<vmem>>[vector<16xi32>], vector<16xf32>,
      %le3A_390 = arith.cmpf ole, %gather3A_389, %get3A_370 : vector<16xf32>
      %convert_element_type3A_391 = arith.extui %le3A_390 : vector<16xi1> to vector<16xi32>
      %shift_left3A_392 = arith.constant 3 : i32
      %shift_left3A_393 = vector.broadcast %shift_left3A_392 : i32 to vector<16xi32>
      %shift_left3A_394 = arith.shli %convert_element_type3A_391, %shift_left3A_393 : vector<16xi32>
      %or3A_395 = arith.ori %or3A_385, %shift_left3A_394 : vector<16xi32>
      %add3A_396 = arith.constant 992 : i32
      %add3A_397 = vector.broadcast %add3A_396 : i32 to vector<16xi32>
      %add3A_398 = arith.addi %or3A_395, %add3A_397 : vector<16xi32>
      %gather3A_399 = tpu.vector_load_idx %arg12[%add3A_398] : memref<1024xf32, #tpu.memory_space<vmem>>[vector<16xi32>], vector<16xf32>,
      %le3A_400 = arith.cmpf ole, %gather3A_399, %get3A_370 : vector<16xf32>
      %convert_element_type3A_401 = arith.extui %le3A_400 : vector<16xi1> to vector<16xi32>
      %shift_left3A_402 = arith.constant 4 : i32
      %shift_left3A_403 = vector.broadcast %shift_left3A_402 : i32 to vector<16xi32>
      %shift_left3A_404 = arith.shli %convert_element_type3A_401, %shift_left3A_403 : vector<16xi32>
      %or3A_405 = arith.ori %or3A_395, %shift_left3A_404 : vector<16xi32>
      %add3A_406 = arith.constant 960 : i32
      %add3A_407 = vector.broadcast %add3A_406 : i32 to vector<16xi32>
      %add3A_408 = arith.addi %or3A_405, %add3A_407 : vector<16xi32>
      %gather3A_409 = tpu.vector_load_idx %arg12[%add3A_408] : memref<1024xf32, #tpu.memory_space<vmem>>[vector<16xi32>], vector<16xf32>,
      %le3A_410 = arith.cmpf ole, %gather3A_409, %get3A_370 : vector<16xf32>
      %convert_element_type3A_411 = arith.extui %le3A_410 : vector<16xi1> to vector<16xi32>
      %shift_left3A_412 = arith.constant 5 : i32
      %shift_left3A_413 = vector.broadcast %shift_left3A_412 : i32 to vector<16xi32>
      %shift_left3A_414 = arith.shli %convert_element_type3A_411, %shift_left3A_413 : vector<16xi32>
      %or3A_415 = arith.ori %or3A_405, %shift_left3A_414 : vector<16xi32>
      %add3A_416 = arith.constant 896 : i32
      %add3A_417 = vector.broadcast %add3A_416 : i32 to vector<16xi32>
      %add3A_418 = arith.addi %or3A_415, %add3A_417 : vector<16xi32>
      %gather3A_419 = tpu.vector_load_idx %arg12[%add3A_418] : memref<1024xf32, #tpu.memory_space<vmem>>[vector<16xi32>], vector<16xf32>,
      %le3A_420 = arith.cmpf ole, %gather3A_419, %get3A_370 : vector<16xf32>
      %convert_element_type3A_421 = arith.extui %le3A_420 : vector<16xi1> to vector<16xi32>
      %shift_left3A_422 = arith.constant 6 : i32
      %shift_left3A_423 = vector.broadcast %shift_left3A_422 : i32 to vector<16xi32>
      %shift_left3A_424 = arith.shli %convert_element_type3A_421, %shift_left3A_423 : vector<16xi32>
      %or3A_425 = arith.ori %or3A_415, %shift_left3A_424 : vector<16xi32>
      %add3A_426 = arith.constant 768 : i32
      %add3A_427 = vector.broadcast %add3A_426 : i32 to vector<16xi32>
      %add3A_428 = arith.addi %or3A_425, %add3A_427 : vector<16xi32>
      %gather3A_429 = tpu.vector_load_idx %arg12[%add3A_428] : memref<1024xf32, #tpu.memory_space<vmem>>[vector<16xi32>], vector<16xf32>,
      %le3A_430 = arith.cmpf ole, %gather3A_429, %get3A_370 : vector<16xf32>
      %convert_element_type3A_431 = arith.extui %le3A_430 : vector<16xi1> to vector<16xi32>
      %shift_left3A_432 = arith.constant 7 : i32
      %shift_left3A_433 = vector.broadcast %shift_left3A_432 : i32 to vector<16xi32>
      %shift_left3A_434 = arith.shli %convert_element_type3A_431, %shift_left3A_433 : vector<16xi32>
      %or3A_435 = arith.ori %or3A_425, %shift_left3A_434 : vector<16xi32>
      %add3A_436 = arith.constant 512 : i32
      %add3A_437 = vector.broadcast %add3A_436 : i32 to vector<16xi32>
      %add3A_438 = arith.addi %or3A_435, %add3A_437 : vector<16xi32>
      %gather3A_439 = tpu.vector_load_idx %arg12[%add3A_438] : memref<1024xf32, #tpu.memory_space<vmem>>[vector<16xi32>], vector<16xf32>,
      %le3A_440 = arith.cmpf ole, %gather3A_439, %get3A_370 : vector<16xf32>
      %convert_element_type3A_441 = arith.extui %le3A_440 : vector<16xi1> to vector<16xi32>
      %shift_left3A_442 = arith.constant 8 : i32
      %shift_left3A_443 = vector.broadcast %shift_left3A_442 : i32 to vector<16xi32>
      %shift_left3A_444 = arith.shli %convert_element_type3A_441, %shift_left3A_443 : vector<16xi32>
      %or3A_445 = arith.ori %or3A_435, %shift_left3A_444 : vector<16xi32>
      %add3A_446 = arith.constant 0 : i32
      %add3A_447 = vector.broadcast %add3A_446 : i32 to vector<16xi32>
      %add3A_448 = arith.addi %or3A_445, %add3A_447 : vector<16xi32>
      %gather3A_449 = tpu.vector_load_idx %arg12[%add3A_448] : memref<1024xf32, #tpu.memory_space<vmem>>[vector<16xi32>], vector<16xf32>,
      %le3A_450 = arith.cmpf ole, %gather3A_449, %get3A_370 : vector<16xf32>
      %convert_element_type3A_451 = arith.extui %le3A_450 : vector<16xi1> to vector<16xi32>
      %shift_left3A_452 = arith.constant 9 : i32
      %shift_left3A_453 = vector.broadcast %shift_left3A_452 : i32 to vector<16xi32>
      %shift_left3A_454 = arith.shli %convert_element_type3A_451, %shift_left3A_453 : vector<16xi32>
      %or3A_455 = arith.ori %or3A_445, %shift_left3A_454 : vector<16xi32>
      %gather3A_456 = tpu.vector_load_idx %arg9[%or3A_455] : memref<1024xi32, #tpu.memory_space<vmem>>[vector<16xi32>], vector<16xi32>,
      %sub3A = arith.constant 2 : i32
      %sub3A_457 = vector.broadcast %sub3A : i32 to vector<16xi32>
      %sub3A_458 = arith.subi %gather3A_456, %sub3A_457 : vector<16xi32>
      %sub3A_459 = arith.constant 1 : i32
      %sub3A_460 = vector.broadcast %sub3A_459 : i32 to vector<16xi32>
      %sub3A_461 = arith.subi %gather3A_456, %sub3A_460 : vector<16xi32>
      %max3A = arith.constant 0 : i32
      %max3A_462 = vector.broadcast %max3A : i32 to vector<16xi32>
      %max3A_463 = arith.maxsi %sub3A_458, %max3A_462 : vector<16xi32>
      %gather3A_464 = tpu.vector_load_idx %arg11[%max3A_463] : memref<1024xf32, #tpu.memory_space<vmem>>[vector<16xi32>], vector<16xf32>,
      %sub3A_465 = arith.subf %get3A_370, %gather3A_464 : vector<16xf32>
      %abs3A = math.absf %sub3A_465 : vector<16xf32>
      %max3A_466 = arith.constant 0 : i32
      %max3A_467 = vector.broadcast %max3A_466 : i32 to vector<16xi32>
      %max3A_468 = arith.maxsi %sub3A_461, %max3A_467 : vector<16xi32>
      %gather3A_469 = tpu.vector_load_idx %arg11[%max3A_468] : memref<1024xf32, #tpu.memory_space<vmem>>[vector<16xi32>], vector<16xf32>,
      %sub3A_470 = arith.subf %get3A_370, %gather3A_469 : vector<16xf32>
      %abs3A_471 = math.absf %sub3A_470 : vector<16xf32>
      %ge3A = arith.constant 0 : i32
      %ge3A_472 = vector.broadcast %ge3A : i32 to vector<16xi32>
      %ge3A_473 = arith.cmpi sge, %sub3A_458, %ge3A_472 : vector<16xi32>
      %jit3A = arith.constant 0x7F800000 : f32
      %broadcast_in_dim3A_474 = vector.broadcast %jit3A : f32 to vector<16xf32>
      %select_n3A_475 = arith.select %ge3A_473, %abs3A, %broadcast_in_dim3A_474 : vector<16xi1>, vector<16xf32>
      %ge3A_476 = arith.constant 0 : i32
      %ge3A_477 = vector.broadcast %ge3A_476 : i32 to vector<16xi32>
      %ge3A_478 = arith.cmpi sge, %sub3A_461, %ge3A_477 : vector<16xi32>
      %jit3A_479 = arith.constant 0x7F800000 : f32
      %broadcast_in_dim3A_480 = vector.broadcast %jit3A_479 : f32 to vector<16xf32>
      %select_n3A_481 = arith.select %ge3A_478, %abs3A_471, %broadcast_in_dim3A_480 : vector<16xi1>, vector<16xf32>
      %gather3A_482 = tpu.vector_load_idx %arg11[%gather3A_456] : memref<1024xf32, #tpu.memory_space<vmem>>[vector<16xi32>], vector<16xf32>,
      %sub3A_483 = arith.subf %get3A_370, %gather3A_482 : vector<16xf32>
      %abs3A_484 = math.absf %sub3A_483 : vector<16xf32>
      %add3A_485 = arith.constant 1 : i32
      %add3A_486 = vector.broadcast %add3A_485 : i32 to vector<16xi32>
      %add3A_487 = arith.addi %gather3A_456, %add3A_486 : vector<16xi32>
      %gather3A_488 = tpu.vector_load_idx %arg11[%add3A_487] : memref<1024xf32, #tpu.memory_space<vmem>>[vector<16xi32>], vector<16xf32>,
      %sub3A_489 = arith.subf %get3A_370, %gather3A_488 : vector<16xf32>
      %abs3A_490 = math.absf %sub3A_489 : vector<16xf32>
      %min3A = arith.minimumf %select_n3A_481, %abs3A_484 : vector<16xf32>
      %max3A_491 = arith.maximumf %select_n3A_481, %abs3A_484 : vector<16xf32>
      %le3A_492 = arith.cmpf ole, %select_n3A_481, %abs3A_484 : vector<16xf32>
      %select_n3A_493 = arith.select %le3A_492, %select_n3A_475, %abs3A_490 : vector<16xi1>, vector<16xf32>
      %min3A_494 = arith.minimumf %max3A_491, %select_n3A_493 : vector<16xf32>
      %gather3A_495 = tpu.vector_load_idx %arg10[%get3A_372] : memref<1024xf32, #tpu.memory_space<vmem>>[vector<16xi32>], vector<16xf32>,
      %sub3A_496 = arith.subf %get3A_370, %gather3A_495 : vector<16xf32>
      %abs3A_497 = math.absf %sub3A_496 : vector<16xf32>
      %gt3A = arith.cmpf ogt, %abs3A_497, %min3A : vector<16xf32>
      %select_n3A_498 = arith.select %gt3A, %min3A, %min3A_494 : vector<16xi1>, vector<16xf32>
      %sub3A_499 = arith.subf %abs3A_497, %select_n3A_498 : vector<16xf32>
      %max3A_500 = arith.constant 0.000000e+00 : f32
      %max3A_501 = vector.broadcast %max3A_500 : f32 to vector<16xf32>
      %max3A_502 = arith.maximumf %sub3A_499, %max3A_501 : vector<16xf32>
      %add3A_503 = arith.addf %scan3A_362, %max3A_502 : vector<16xf32>
      %mul3A_504 = arith.constant 2 : i32
      %mul3A_505 = arith.muli %scan3A_361, %mul3A_504 : i32
      %add3A_506 = arith.constant 1 : i32
      %add3A_507 = arith.addi %mul3A_505, %add3A_506 : i32
      %mul3A_508 = arith.constant 16 : i32
      %mul3A_509 = arith.muli %add3A_507, %mul3A_508 : i32
      %get3A_510 = arith.index_cast %mul3A_509 : i32 to index
      %get3A_511 = tpu.vector_load %arg13[%get3A_510] {strides = array<i32>} : memref<512xf32, #tpu.memory_space<vmem>>, vector<16xf32>,
      %get3A_512 = arith.index_cast %mul3A_509 : i32 to index
      %get3A_513 = tpu.vector_load %arg14[%get3A_512] {strides = array<i32>} : memref<512xi32, #tpu.memory_space<vmem>>, vector<16xi32>,
      %le3A_514 = arith.cmpf ole, %gather3A_333, %get3A_511 : vector<16xf32>
      %convert_element_type3A_515 = arith.extui %le3A_514 : vector<16xi1> to vector<16xi32>
      %select_n3A_516 = arith.select %le3A_514, %gather3A_339, %gather3A_336 : vector<16xi1>, vector<16xf32>
      %le3A_517 = arith.cmpf ole, %select_n3A_516, %get3A_511 : vector<16xf32>
      %convert_element_type3A_518 = arith.extui %le3A_517 : vector<16xi1> to vector<16xi32>
      %shift_left3A_519 = arith.constant 1 : i32
      %shift_left3A_520 = vector.broadcast %shift_left3A_519 : i32 to vector<16xi32>
      %shift_left3A_521 = arith.shli %convert_element_type3A_518, %shift_left3A_520 : vector<16xi32>
      %or3A_522 = arith.ori %convert_element_type3A_515, %shift_left3A_521 : vector<16xi32>
      %select_n3A_523 = arith.select %le3A_514, %gather3A_351, %gather3A_348 : vector<16xi1>, vector<16xf32>
      %select_n3A_524 = arith.select %le3A_514, %gather3A_345, %gather3A_342 : vector<16xi1>, vector<16xf32>
      %select_n3A_525 = arith.select %le3A_517, %select_n3A_523, %select_n3A_524 : vector<16xi1>, vector<16xf32>
      %le3A_526 = arith.cmpf ole, %select_n3A_525, %get3A_511 : vector<16xf32>
      %convert_element_type3A_527 = arith.extui %le3A_526 : vector<16xi1> to vector<16xi32>
      %shift_left3A_528 = arith.constant 2 : i32
      %shift_left3A_529 = vector.broadcast %shift_left3A_528 : i32 to vector<16xi32>
      %shift_left3A_530 = arith.shli %convert_element_type3A_527, %shift_left3A_529 : vector<16xi32>
      %or3A_531 = arith.ori %or3A_522, %shift_left3A_530 : vector<16xi32>
      %add3A_532 = arith.constant 1008 : i32
      %add3A_533 = vector.broadcast %add3A_532 : i32 to vector<16xi32>
      %add3A_534 = arith.addi %or3A_531, %add3A_533 : vector<16xi32>
      %gather3A_535 = tpu.vector_load_idx %arg12[%add3A_534] : memref<1024xf32, #tpu.memory_space<vmem>>[vector<16xi32>], vector<16xf32>,
      %le3A_536 = arith.cmpf ole, %gather3A_535, %get3A_511 : vector<16xf32>
      %convert_element_type3A_537 = arith.extui %le3A_536 : vector<16xi1> to vector<16xi32>
      %shift_left3A_538 = arith.constant 3 : i32
      %shift_left3A_539 = vector.broadcast %shift_left3A_538 : i32 to vector<16xi32>
      %shift_left3A_540 = arith.shli %convert_element_type3A_537, %shift_left3A_539 : vector<16xi32>
      %or3A_541 = arith.ori %or3A_531, %shift_left3A_540 : vector<16xi32>
      %add3A_542 = arith.constant 992 : i32
      %add3A_543 = vector.broadcast %add3A_542 : i32 to vector<16xi32>
      %add3A_544 = arith.addi %or3A_541, %add3A_543 : vector<16xi32>
      %gather3A_545 = tpu.vector_load_idx %arg12[%add3A_544] : memref<1024xf32, #tpu.memory_space<vmem>>[vector<16xi32>], vector<16xf32>,
      %le3A_546 = arith.cmpf ole, %gather3A_545, %get3A_511 : vector<16xf32>
      %convert_element_type3A_547 = arith.extui %le3A_546 : vector<16xi1> to vector<16xi32>
      %shift_left3A_548 = arith.constant 4 : i32
      %shift_left3A_549 = vector.broadcast %shift_left3A_548 : i32 to vector<16xi32>
      %shift_left3A_550 = arith.shli %convert_element_type3A_547, %shift_left3A_549 : vector<16xi32>
      %or3A_551 = arith.ori %or3A_541, %shift_left3A_550 : vector<16xi32>
      %add3A_552 = arith.constant 960 : i32
      %add3A_553 = vector.broadcast %add3A_552 : i32 to vector<16xi32>
      %add3A_554 = arith.addi %or3A_551, %add3A_553 : vector<16xi32>
      %gather3A_555 = tpu.vector_load_idx %arg12[%add3A_554] : memref<1024xf32, #tpu.memory_space<vmem>>[vector<16xi32>], vector<16xf32>,
      %le3A_556 = arith.cmpf ole, %gather3A_555, %get3A_511 : vector<16xf32>
      %convert_element_type3A_557 = arith.extui %le3A_556 : vector<16xi1> to vector<16xi32>
      %shift_left3A_558 = arith.constant 5 : i32
      %shift_left3A_559 = vector.broadcast %shift_left3A_558 : i32 to vector<16xi32>
      %shift_left3A_560 = arith.shli %convert_element_type3A_557, %shift_left3A_559 : vector<16xi32>
      %or3A_561 = arith.ori %or3A_551, %shift_left3A_560 : vector<16xi32>
      %add3A_562 = arith.constant 896 : i32
      %add3A_563 = vector.broadcast %add3A_562 : i32 to vector<16xi32>
      %add3A_564 = arith.addi %or3A_561, %add3A_563 : vector<16xi32>
      %gather3A_565 = tpu.vector_load_idx %arg12[%add3A_564] : memref<1024xf32, #tpu.memory_space<vmem>>[vector<16xi32>], vector<16xf32>,
      %le3A_566 = arith.cmpf ole, %gather3A_565, %get3A_511 : vector<16xf32>
      %convert_element_type3A_567 = arith.extui %le3A_566 : vector<16xi1> to vector<16xi32>
      %shift_left3A_568 = arith.constant 6 : i32
      %shift_left3A_569 = vector.broadcast %shift_left3A_568 : i32 to vector<16xi32>
      %shift_left3A_570 = arith.shli %convert_element_type3A_567, %shift_left3A_569 : vector<16xi32>
      %or3A_571 = arith.ori %or3A_561, %shift_left3A_570 : vector<16xi32>
      %add3A_572 = arith.constant 768 : i32
      %add3A_573 = vector.broadcast %add3A_572 : i32 to vector<16xi32>
      %add3A_574 = arith.addi %or3A_571, %add3A_573 : vector<16xi32>
      %gather3A_575 = tpu.vector_load_idx %arg12[%add3A_574] : memref<1024xf32, #tpu.memory_space<vmem>>[vector<16xi32>], vector<16xf32>,
      %le3A_576 = arith.cmpf ole, %gather3A_575, %get3A_511 : vector<16xf32>
      %convert_element_type3A_577 = arith.extui %le3A_576 : vector<16xi1> to vector<16xi32>
      %shift_left3A_578 = arith.constant 7 : i32
      %shift_left3A_579 = vector.broadcast %shift_left3A_578 : i32 to vector<16xi32>
      %shift_left3A_580 = arith.shli %convert_element_type3A_577, %shift_left3A_579 : vector<16xi32>
      %or3A_581 = arith.ori %or3A_571, %shift_left3A_580 : vector<16xi32>
      %add3A_582 = arith.constant 512 : i32
      %add3A_583 = vector.broadcast %add3A_582 : i32 to vector<16xi32>
      %add3A_584 = arith.addi %or3A_581, %add3A_583 : vector<16xi32>
      %gather3A_585 = tpu.vector_load_idx %arg12[%add3A_584] : memref<1024xf32, #tpu.memory_space<vmem>>[vector<16xi32>], vector<16xf32>,
      %le3A_586 = arith.cmpf ole, %gather3A_585, %get3A_511 : vector<16xf32>
      %convert_element_type3A_587 = arith.extui %le3A_586 : vector<16xi1> to vector<16xi32>
      %shift_left3A_588 = arith.constant 8 : i32
      %shift_left3A_589 = vector.broadcast %shift_left3A_588 : i32 to vector<16xi32>
      %shift_left3A_590 = arith.shli %convert_element_type3A_587, %shift_left3A_589 : vector<16xi32>
      %or3A_591 = arith.ori %or3A_581, %shift_left3A_590 : vector<16xi32>
      %add3A_592 = arith.constant 0 : i32
      %add3A_593 = vector.broadcast %add3A_592 : i32 to vector<16xi32>
      %add3A_594 = arith.addi %or3A_591, %add3A_593 : vector<16xi32>
      %gather3A_595 = tpu.vector_load_idx %arg12[%add3A_594] : memref<1024xf32, #tpu.memory_space<vmem>>[vector<16xi32>], vector<16xf32>,
      %le3A_596 = arith.cmpf ole, %gather3A_595, %get3A_511 : vector<16xf32>
      %convert_element_type3A_597 = arith.extui %le3A_596 : vector<16xi1> to vector<16xi32>
      %shift_left3A_598 = arith.constant 9 : i32
      %shift_left3A_599 = vector.broadcast %shift_left3A_598 : i32 to vector<16xi32>
      %shift_left3A_600 = arith.shli %convert_element_type3A_597, %shift_left3A_599 : vector<16xi32>
      %or3A_601 = arith.ori %or3A_591, %shift_left3A_600 : vector<16xi32>
      %gather3A_602 = tpu.vector_load_idx %arg9[%or3A_601] : memref<1024xi32, #tpu.memory_space<vmem>>[vector<16xi32>], vector<16xi32>,
      %sub3A_603 = arith.constant 2 : i32
      %sub3A_604 = vector.broadcast %sub3A_603 : i32 to vector<16xi32>
      %sub3A_605 = arith.subi %gather3A_602, %sub3A_604 : vector<16xi32>
      %sub3A_606 = arith.constant 1 : i32
      %sub3A_607 = vector.broadcast %sub3A_606 : i32 to vector<16xi32>
      %sub3A_608 = arith.subi %gather3A_602, %sub3A_607 : vector<16xi32>
      %max3A_609 = arith.constant 0 : i32
      %max3A_610 = vector.broadcast %max3A_609 : i32 to vector<16xi32>
      %max3A_611 = arith.maxsi %sub3A_605, %max3A_610 : vector<16xi32>
      %gather3A_612 = tpu.vector_load_idx %arg11[%max3A_611] : memref<1024xf32, #tpu.memory_space<vmem>>[vector<16xi32>], vector<16xf32>,
      %sub3A_613 = arith.subf %get3A_511, %gather3A_612 : vector<16xf32>
      %abs3A_614 = math.absf %sub3A_613 : vector<16xf32>
      %max3A_615 = arith.constant 0 : i32
      %max3A_616 = vector.broadcast %max3A_615 : i32 to vector<16xi32>
      %max3A_617 = arith.maxsi %sub3A_608, %max3A_616 : vector<16xi32>
      %gather3A_618 = tpu.vector_load_idx %arg11[%max3A_617] : memref<1024xf32, #tpu.memory_space<vmem>>[vector<16xi32>], vector<16xf32>,
      %sub3A_619 = arith.subf %get3A_511, %gather3A_618 : vector<16xf32>
      %abs3A_620 = math.absf %sub3A_619 : vector<16xf32>
      %ge3A_621 = arith.constant 0 : i32
      %ge3A_622 = vector.broadcast %ge3A_621 : i32 to vector<16xi32>
      %ge3A_623 = arith.cmpi sge, %sub3A_605, %ge3A_622 : vector<16xi32>
      %jit3A_624 = arith.constant 0x7F800000 : f32
      %broadcast_in_dim3A_625 = vector.broadcast %jit3A_624 : f32 to vector<16xf32>
      %select_n3A_626 = arith.select %ge3A_623, %abs3A_614, %broadcast_in_dim3A_625 : vector<16xi1>, vector<16xf32>
      %ge3A_627 = arith.constant 0 : i32
      %ge3A_628 = vector.broadcast %ge3A_627 : i32 to vector<16xi32>
      %ge3A_629 = arith.cmpi sge, %sub3A_608, %ge3A_628 : vector<16xi32>
      %jit3A_630 = arith.constant 0x7F800000 : f32
      %broadcast_in_dim3A_631 = vector.broadcast %jit3A_630 : f32 to vector<16xf32>
      %select_n3A_632 = arith.select %ge3A_629, %abs3A_620, %broadcast_in_dim3A_631 : vector<16xi1>, vector<16xf32>
      %gather3A_633 = tpu.vector_load_idx %arg11[%gather3A_602] : memref<1024xf32, #tpu.memory_space<vmem>>[vector<16xi32>], vector<16xf32>,
      %sub3A_634 = arith.subf %get3A_511, %gather3A_633 : vector<16xf32>
      %abs3A_635 = math.absf %sub3A_634 : vector<16xf32>
      %add3A_636 = arith.constant 1 : i32
      %add3A_637 = vector.broadcast %add3A_636 : i32 to vector<16xi32>
      %add3A_638 = arith.addi %gather3A_602, %add3A_637 : vector<16xi32>
      %gather3A_639 = tpu.vector_load_idx %arg11[%add3A_638] : memref<1024xf32, #tpu.memory_space<vmem>>[vector<16xi32>], vector<16xf32>,
      %sub3A_640 = arith.subf %get3A_511, %gather3A_639 : vector<16xf32>
      %abs3A_641 = math.absf %sub3A_640 : vector<16xf32>
      %min3A_642 = arith.minimumf %select_n3A_632, %abs3A_635 : vector<16xf32>
      %max3A_643 = arith.maximumf %select_n3A_632, %abs3A_635 : vector<16xf32>
      %le3A_644 = arith.cmpf ole, %select_n3A_632, %abs3A_635 : vector<16xf32>
      %select_n3A_645 = arith.select %le3A_644, %select_n3A_626, %abs3A_641 : vector<16xi1>, vector<16xf32>
      %min3A_646 = arith.minimumf %max3A_643, %select_n3A_645 : vector<16xf32>
      %gather3A_647 = tpu.vector_load_idx %arg10[%get3A_513] : memref<1024xf32, #tpu.memory_space<vmem>>[vector<16xi32>], vector<16xf32>,
      %sub3A_648 = arith.subf %get3A_511, %gather3A_647 : vector<16xf32>
      %abs3A_649 = math.absf %sub3A_648 : vector<16xf32>
      %gt3A_650 = arith.cmpf ogt, %abs3A_649, %min3A_642 : vector<16xf32>
      %select_n3A_651 = arith.select %gt3A_650, %min3A_642, %min3A_646 : vector<16xi1>, vector<16xf32>
      %sub3A_652 = arith.subf %abs3A_649, %select_n3A_651 : vector<16xf32>
      %max3A_653 = arith.constant 0.000000e+00 : f32
      %max3A_654 = vector.broadcast %max3A_653 : f32 to vector<16xf32>
      %max3A_655 = arith.maximumf %sub3A_652, %max3A_654 : vector<16xf32>
      %add3A_656 = arith.addf %add3A_503, %max3A_655 : vector<16xf32>
      scf.yield %add3A_656 : vector<16xf32>
    }
    %scan3A_358 = arith.constant 16 : i32
    %swap3A_359 = arith.constant 0 : index
    %swap3A_360 = tpu.vector_load %arg15[%swap3A_359] {strides = array<i32>} : memref<16xf32, #tpu.memory_space<vmem>>, vector<16xf32>,
    tpu.vector_store %arg15[%swap3A_359], %scan3A_357 {strides = array<i32>} : memref<16xf32, #tpu.memory_space<vmem>>, vector<16xf32>,
    "tpu.region"() ({
      %run_scoped3A = tpu.sem_alloc : memref<!tpu.dma_semaphore, #tpu.memory_space<semaphore_mem>>
      %dma_start3A_361 = arith.constant 0 : i32
      %dma_start3A_362 = tpu.memref_slice %arg7[%add3A, %dma_start3A_361] : memref<32x16xf32, #tpu.memory_space<hbm>> -> memref<1x16xf32, #tpu.memory_space<hbm>>
      %dma_start3A_363 = tpu.memref_squeeze %dma_start3A_362 : memref<1x16xf32, #tpu.memory_space<hbm>> -> memref<16xf32, #tpu.memory_space<hbm>>
      %dma_start3A_364 = arith.constant 0 : i32
      %dma_start3A_365 = tpu.memref_slice %arg7[%add3A, %dma_start3A_364] : memref<32x16xf32, #tpu.memory_space<hbm>> -> memref<1x16xf32, #tpu.memory_space<hbm>>
      %dma_start3A_366 = tpu.memref_squeeze %dma_start3A_365 : memref<1x16xf32, #tpu.memory_space<hbm>> -> memref<16xf32, #tpu.memory_space<hbm>>
      tpu.enqueue_dma source(%arg15 : memref<16xf32, #tpu.memory_space<vmem>>) target(%dma_start3A_366 : memref<16xf32, #tpu.memory_space<hbm>>) target_semaphore(%run_scoped3A : memref<!tpu.dma_semaphore, #tpu.memory_space<semaphore_mem>>)
      %dma_wait3A_367 = arith.constant 0 : i32
      %dma_wait3A_368 = tpu.memref_slice %arg7[%add3A, %dma_wait3A_367] : memref<32x16xf32, #tpu.memory_space<hbm>> -> memref<1x16xf32, #tpu.memory_space<hbm>>
      %dma_wait3A_369 = tpu.memref_squeeze %dma_wait3A_368 : memref<1x16xf32, #tpu.memory_space<hbm>> -> memref<16xf32, #tpu.memory_space<hbm>>
      %dma_wait3A_370 = arith.constant 0 : i32
      %dma_wait3A_371 = tpu.memref_slice %arg7[%add3A, %dma_wait3A_370] : memref<32x16xf32, #tpu.memory_space<hbm>> -> memref<1x16xf32, #tpu.memory_space<hbm>>
      %dma_wait3A_372 = tpu.memref_squeeze %dma_wait3A_371 : memref<1x16xf32, #tpu.memory_space<hbm>> -> memref<16xf32, #tpu.memory_space<hbm>>
      tpu.wait_dma2 semaphore(%run_scoped3A : memref<!tpu.dma_semaphore, #tpu.memory_space<semaphore_mem>>) src(%arg15 : memref<16xf32, #tpu.memory_space<vmem>>) dst(%dma_wait3A_372 : memref<16xf32, #tpu.memory_space<hbm>>)
      tpu.yield
    }) : () -> ()
    return
  }
}

</mosaic_0001>

<sc_bundles>
// kernel: kernel.4.cloned.1.call-start
scs
__scs_entry_jumppad:
0x0: {  	(pc) =	sbr.rel $0x88, $3  }
0x1: {  	(tag) =	ssettag $0x0;
	lr =	simm.s32 $0x1  }
0x2: {  	[smem:$0x3F9E] =	sst lr;
	_ =	strace $0xD0000000  }
0x3: {  	_ = 	snop  }
0x4: {  	_ = 	snop  }
0x5: {  	_ = 	snop  }
0x6: {  	_ = 	snop  }
0x7: {  	_ = 	snop  }
__scs_overlays_trampoline_lowered:
0x8: {  	[smem:$0x3FAD] =	sst s0  }
0x9: {  	[smem:$0x3FAE] =	sst s1  }
0xa: {  	[smem:$0x3FAF] =	sst s2  }
0xb: {  	[smem:$0x3FB0] =	sst s3  }
0xc: {  	[smem:$0x3FB1] =	sst s4  }
0xd: {  	[smem:$0x3FB2] =	sst s5  }
0xe: {  	[smem:$0x3FB3] =	sst s6  }
0xf: {  	[smem:$0x3FB4] =	sst s7  }
0x10: {  	[smem:$0x3FB5] =	sst s8  }
0x11: {  	[smem:$0x3FB6] =	sst s9;
	s0 =	simm.s32 @!p0 $0x0  }
0x12: {  	s1 =	sld [smem:$0x3F9C];
	s0 =	simm.s32 @p0 $0x1  }
0x13: {  	[smem:$0x3FB7] =	sst s0;
	s0 =	simm.s32 @!p1 $0x0  }
0x14: {  	s2 =	sld [smem:$0x3F9B];
	s0 =	simm.s32 @p1 $0x1  }
0x15: {  	[smem:$0x3FB8] =	sst s0;
	s0 =	simm.s32 @!p2 $0x0  }
0x16: {  	s3 =	sld [smem:$0x3FDB];
	s0 =	simm.s32 @p2 $0x1  }
0x17: {  	s4 =	simm.s32 $0x1BF5;
	[smem:$0x3FBA] =	sst s0  }
0x18: {  	s0 =	sld [smem:$0x3F9D];
	_ =	swait.ge [sflag:s4], $0x0  }
0x19: {  	s7 =	sld [smem:$0x3F9E]  }
0x1a: {  	s8 =	sadd.s32 $0xFFFFE003, lr  }
0x1b: {  	s9 =	sadd.s32 $0xFFFFFEF7, lr;
	s5 =	simm.s32 $0xFFFFFFFF;
	p2 =	slt.u32 s8, $0xFFFFF086  }
0x1c: {  	p1 =	slt.u32 s9, $0xF7A;
	s5 =	simm.s32 @!p2 $0x0  }
0x1d: {  	s5 =	simm.s32 @p1 $0x1;
	p0 =	seq.s32 s7, s2  }
0x1e: {  	s7 =	smul.u32 @!p0 $0xF7A, s2;
	p2 =	seq.s32 @!p0 s5, $0x0  }
0x1f: {  	s9 =	smul.u32 $0xF7A, s1;
	s8 =	simm.s32 @!p0 $0x1BF5;
	p2 =	por !p2, p0  }
0x20: {  	[sflag:s8] =	ssyncset.s32 @!p0 $0xFFFFF086;
	s6 =	sadd.s32 @!p0 s3, s7;
	s7 =	simm.s32 @!p0 $0x108  }
0x21: {  	s3 =	sadd.s32 s3, s9;
	s6 =	sadd.s32 @!p0 $0x88, s6;
	s7 =	simm.s32 @p2 $0x1082  }
0x22: {  	[simem:s7], [sflag:s8] =	dma.local @!p0 [hbm:s6], $0xF7A  }
0x23: {  	s9 =	sor.u32 $0xD0000000, s2;
	s6 =	simm.s32 $0x108;
	_ =	swait.ge @!p0 [sflag:s8], $0x0  }
0x24: {  	s3 =	sadd.s32 $0x88, s3;
	s6 =	simm.s32 @!p1 $0x1082;
	[sflag:s4] =	ssyncset.s32 $0xFFFFF086  }
0x25: {  	[simem:s6], [sflag:s4] =	dma.local [hbm:s3], $0xF7A  }
0x26: {  	[smem:$0x3F9E] =	sst s1;
	(tag) =	ssettag s2;
	_ =	strace s9  }
0x27: {  	s1 =	sld [smem:$0x3FAE]  }
0x28: {  	s2 =	sld [smem:$0x3FAF]  }
0x29: {  	s4 =	sld [smem:$0x3FB1]  }
0x2a: {  	p0 =	seq.s32 s5, $0x0;
	s5 =	sld [smem:$0x3FB2]  }
0x2b: {  	s6 =	sld [smem:$0x3FB3]  }
0x2c: {  	s7 =	sld [smem:$0x3FB4]  }
0x2d: {  	s3 =	simm.s32 $0x108;
	s8 =	sld [smem:$0x3FB5]  }
0x2e: {  	s3 =	simm.s32 @!p0 $0x1082;
	s9 =	sld [smem:$0x3FB6]  }
0x2f: {  	lr =	sadd.s32 s0, s3;
	s0 =	sld [smem:$0x3FAD]  }
0x30: {  	s3 =	sld [smem:$0x3FB0]  }
0x31: {  	[smem:$0x3FB9] =	sst s10  }
0x32: {  	s10 =	sld [smem:$0x3FB7];
	_ =	sdelay $0x3  }
0x33: {  	p0 =	seq.s32 s10, $0x1;
	s10 =	sld [smem:$0x3FB9];
	_ =	sdelay $0x3  }
0x34: {  	[smem:$0x3FB9] =	sst s10  }
0x35: {  	s10 =	sld [smem:$0x3FB8];
	_ =	sdelay $0x3  }
0x36: {  	p1 =	seq.s32 s10, $0x1;
	s10 =	sld [smem:$0x3FB9];
	_ =	sdelay $0x3  }
0x37: {  	[smem:$0x3FB9] =	sst s10  }
0x38: {  	s10 =	sld [smem:$0x3FBA]  }
0x39: {  	_ = 	snop;
	(pc) =	sbr.ind lr, $3  }
0x3a: {  	_ = 	snop  }
0x3b: {  	_ = 	snop  }
0x3c: {  	p2 =	seq.s32 s10, $0x1;
	s10 =	sld [smem:$0x3FB9]  }
0x3d: {  	_ =	shalt  }
0x3e: {  	_ =	shalt  }
0x3f: {  	_ =	shalt  }
0x40: {  	_ =	shalt  }
0x41: {  	_ =	shalt  }
0x42: {  	_ =	shalt  }
0x43: {  	_ =	shalt  }
0x44: {  	_ =	shalt  }
0x45: {  	_ =	shalt  }
0x46: {  	_ =	shalt  }
0x47: {  	_ =	shalt  }
0x48: {  	_ =	shalt  }
0x49: {  	_ =	shalt  }
0x4a: {  	_ =	shalt  }
0x4b: {  	_ =	shalt  }
0x4c: {  	_ =	shalt  }
0x4d: {  	_ =	shalt  }
0x4e: {  	_ =	shalt  }
0x4f: {  	_ =	shalt  }
0x50: {  	_ =	shalt  }
0x51: {  	_ =	shalt  }
0x52: {  	_ =	shalt  }
0x53: {  	_ =	shalt  }
0x54: {  	_ =	shalt  }
0x55: {  	_ =	shalt  }
0x56: {  	_ =	shalt  }
0x57: {  	_ =	shalt  }
0x58: {  	_ =	shalt  }
0x59: {  	_ =	shalt  }
0x5a: {  	_ =	shalt  }
0x5b: {  	_ =	shalt  }
0x5c: {  	_ =	shalt  }
0x5d: {  	_ =	shalt  }
0x5e: {  	_ =	shalt  }
0x5f: {  	_ =	shalt  }
0x60: {  	_ =	shalt  }
0x61: {  	_ =	shalt  }
0x62: {  	_ =	shalt  }
0x63: {  	_ =	shalt  }
0x64: {  	_ =	shalt  }
0x65: {  	_ =	shalt  }
0x66: {  	_ =	shalt  }
0x67: {  	_ =	shalt  }
0x68: {  	_ =	shalt  }
0x69: {  	_ =	shalt  }
0x6a: {  	_ =	shalt  }
0x6b: {  	_ =	shalt  }
0x6c: {  	_ =	shalt  }
0x6d: {  	_ =	shalt  }
0x6e: {  	_ =	shalt  }
0x6f: {  	_ =	shalt  }
0x70: {  	_ =	shalt  }
0x71: {  	_ =	shalt  }
0x72: {  	_ =	shalt  }
0x73: {  	_ =	shalt  }
0x74: {  	_ =	shalt  }
0x75: {  	_ =	shalt  }
0x76: {  	_ =	shalt  }
0x77: {  	_ =	shalt  }
0x78: {  	_ =	shalt  }
0x79: {  	_ =	shalt  }
0x7a: {  	_ =	shalt  }
0x7b: {  	_ =	shalt  }
0x7c: {  	_ =	shalt  }
0x7d: {  	_ =	shalt  }
0x7e: {  	_ =	shalt  }
0x7f: {  	_ =	shalt  }
0x80: {  	_ =	shalt  }
0x81: {  	_ =	shalt  }
0x82: {  	_ =	shalt  }
0x83: {  	_ =	shalt  }
0x84: {  	_ =	shalt  }
0x85: {  	_ =	shalt  }
0x86: {  	_ =	shalt  }
0x87: {  	_ =	shalt  }
.Lfunc_end0:
.L_simem_size_0:
called_computation_lowered:
.L_overlay_start_0:
0x88: {  	s2 =	sld [smem:$0x3FD9]  }
0x89: {  	s3 =	sld [smem:$0x3FFE];
	_ =	sdelay $0x1  }
0x8a: {  	s1 =	srdreg.scid  }
0x8b: {  	s0 =	sand.u32 $0x1, s1  }
0x8c: {  	s17 =	sshll.u32 s0, $0xA;
	s2 =	sadd.s32 s3, s2  }
0x8d: {  	s2 =	sadd.s32 s2, s17  }
0x8e: {  	[smem:$0x3FC5] =	sst s2  }
0x8f: {  	_ = 	snop  }
0x90: {  	s2 =	sld [smem:$0x3FC8];
	(tm) =	ssettm $0x1  }
0x91: {  	s18 =	sld [smem:$0x3FFB];
	_ =	sdelay $0x3  }
0x92: {  	_ =	strace s18  }
0x93: {  	s3 =	sld [smem:$0x3FFC];
	_ =	sdelay $0x3  }
0x94: {  	_ =	strace s3  }
0x95: {  	s3 =	sld [smem:$0x3FFD];
	_ =	sdelay $0x3  }
0x96: {  	_ =	strace s3  }
0x97: {  	_ =	strace $0x8FFFFFFF  }
0x98: {  	s19 =	sld [smem:$0x3FDB];
	_ =	sdelay $0x1  }
0x99: {  	s4 =	simm.s32 $_scs_section_size  }
0x9a: {  	s5 =	simm.s32 $_size__tile_overlayer_lowered;
	s6 =	simm.s32 $_tile_overlayer_lowered  }
0x9b: {  	s22 =	simm.s32 $0x1BFF;
	s21 =	sshll.u32 s6, $0x1;
	s3 =	sadd.s32 s4, s19  }
0x9c: {  	s7 =	simm.s32 $0x0;
	s20 =	sshll.u32 s5, $0x1;
	s5 =	sadd.s32 s21, s3  }
0x9d: {  	[timem:s7], [sflag:s22] =	dma.local [hbm:s5], s20  }
0x9e: {  	_ =	swait.ge [sflag:s22], s20  }
0x9f: {  	s4 =	ssub.s32 $0x0, s20;
	[sflag:s22] =	ssyncset.done $0x0  }
0xa0: {  	[sflag:s22] =	ssyncadd.s32 s4;
	_ =	sdelay $0x1  }
0xa1: {  	s23 =	simm.s32 $0x1B8B  }
0xa2: {  	_ =	swait.ge [sflag:s23], $0x1  }
0xa3: {  	[sflag:s23] =	ssyncset.done $0x0  }
0xa4: {  	s25 =	simm.s32 $0x1B8E;
	s24 =	sld [smem:$0x3FFE];
	[sflag:s23] =	ssyncadd.s32 $0xFFFFFFFF  }
0xa5: {  	s26 =	simm.s32 $execute0_lowered;
	[smem:$0x3FD2] =	sst s25  }
0xa6: {  	s5 =	sshll.u32 s26, $0x1;
	_ =	strace $0x80000046;
	[dreg:$0x1] =	wrdreg $0xFFFFFFFF  }
0xa7: {  	s28 =	simm.s32 $_size_execute0_lowered;
	s3 =	sadd.s32 s3, s5;
	[dreg:$0x0] =	wrdreg $0x0  }
0xa8: {  	s5 =	sshll.u32 s28, $0x1;
	[dreg:$0x2] =	wrdreg s3  }
0xa9: {  	[dreg:$0x3] =	wrdreg s5  }
0xaa: {  	[dreg:$0x4] =	wrdreg $0xC0  }
0xab: {  	_ =	task [dreg:s7], $0x5FFFF  }
0xac: {  	[dreg:$0x1] =	wrdreg $0xFFFFFFFF  }
0xad: {  	[dreg:$0x0] =	wrdreg $0x60  }
0xae: {  	[dreg:$0x2] =	wrdreg s2  }
0xaf: {  	[dreg:$0x3] =	wrdreg s24  }
0xb0: {  	[dreg:$0x4] =	wrdreg $0x9  }
0xb1: {  	_ =	task.clear_ibuf [dreg:s7], $0x5FFFF;
	_ =	strace $0x90000046  }
0xb2: {  	s29 =	simm.s32 $0x9;
	_ =	strace $0x80000048  }
0xb3: {  	_ =	swait.ge [sflag:s29], $0x1  }
0xb4: {  	[sflag:s29] =	ssyncadd.s32 $0xFFFFFFFF  }
0xb5: {  	_ =	strace $0x90000048  }
0xb6: {  	_ =	sfence  }
0xb7: {  	s30 =	sld [smem:$0x0];
	_ =	sdelay $0x2  }
0xb8: {  	s31 =	sshll.u32 s1, $0xD;
	s1 =	sshrl.u32 s1, $0x2  }
0xb9: {  	s3 =	sand.u32 $0x4000, s31;
	s1 =	sadd.s32 s1, s30  }
0xba: {  	s0 =	sor.u32 s3, s0;
	s1 =	sshll.u32 s1, $0x11  }
0xbb: {  	s0 =	sor.u32 s1, s0  }
0xbc: {  	s0 =	sadd.s32 $0x8F2B, s0  }
0xbd: {  	[sflag:s0] =	ssyncadd.remote.s32 $0x1  }
0xbe: {  	_ =	sfence.sel $0xFFFF  }
0xbf: {  	[dreg:$0x0] =	wrdreg $0xFFFFFFFF;
	(pc) =	sbr.abs _section_cstart, $3  }
0xc0: {  	[dreg:$0x1] =	wrdreg $0xFFFFFFFF  }
0xc1: {  	_ =	task.clear_ibuf [dreg:s7], $0x2FFFF;
	_ =	strace $0x9FFFFFFF  }
0xc2: {  	(tm) =	ssettm $0x7FFFFFFF  }
0xc3: {  	_ =	shalt  }
tec
execute0_lowered:
.L_overlay_start_1:
0x0: {  	(tag) =	ssettag $0x1  }
0x1: {  	v1 =	vlaneseq.u32  }
0x2: {  	v0 =	vimm.s32 $0xFEDCBA9;
	v3 =	vimm.s32 $0x87654321;
	v4 =	vimm.s32 $0x10FEDCBA  }
0x3: {  	v6 =	vimm.s32 $0x98765432;
	v7 =	vimm.s32 $0x3210FEDC;
	v8 =	vimm.s32 $0xBA987654  }
0x4: {  	v16 =	vimm.s32 $0x6543210F;
	v19 =	vimm.s32 $0xEDCBA987;
	v56 =	vimm.s32 $0x0  }
0x5: {  	v0 =	vunpack.c.l.s4.s8 v0;
	v3 =	vunpack.c.l.s4.s8 v3;
	v5 =	vunpack.c.l.s4.s8 v4  }
0x6: {  	v6 =	vunpack.c.l.s4.s8 v6;
	v7 =	vunpack.c.l.s4.s8 v7;
	v8 =	vunpack.c.l.s4.s8 v8  }
0x7: {  	s1 =	srdreg.scid;
	s0 =	stileid.u32;
	v16 =	vunpack.c.l.s4.s8 v16;
	v0 =	vunpack.c.0.s8.s32 v0;
	v3 =	vunpack.c.0.s8.s32 v3  }
0x8: {  	s6 =	sand.u32 $0x1, s1;
	s28 =	sshll.u32 s0, $0x1;
	v12 =	vunpack.c.0.s8.s32 v5;
	v5 =	vimm.s32 $0x210FEDCB;
	v14 =	vunpack.c.0.s8.s32 v6  }
0x9: {  	s12 =	sor.u32 s6, s28;
	v6 =	vimm.s32 $0xA9876543;
	v21 =	vunpack.c.0.s8.s32 v7;
	v22 =	vunpack.c.0.s8.s32 v8  }
0xa: {  	s1 =	sshll.u32 s12, $0x5;
	v29 =	vunpack.c.0.s8.s32 v16;
	v5 =	vunpack.c.l.s4.s8 v5;
	v9 =	vcombine.low v3, v0  }
0xb: {  	v32 =	vor.u32 s1, v1;
	v6 =	vunpack.c.l.s4.s8 v6;
	v10 =	vcombine.low v14, v12  }
0xc: {  	v17 =	vunpack.c.0.s8.s32 v5;
	v5 =	vand.u32 $0xF, v9;
	v9 =	vimm.s32 $0x43210FED  }
0xd: {  	v7 =	vand.u32 $0xF, v10;
	v10 =	vimm.s32 $0xCBA98765;
	v13 =	vunpack.c.l.s4.s8 v9  }
0xe: {  	v0 =	vcombine.low v0, v3;
	v18 =	vunpack.c.0.s8.s32 v6;
	v15 =	vunpack.c.l.s4.s8 v10  }
0xf: {  	v6 =	vor.u32 s1, v5;
	v25 =	vunpack.c.0.s8.s32 v13;
	v13 =	vimm.s32 $0x543210FE  }
0x10: {  	v26 =	vunpack.c.0.s8.s32 v15;
	v15 =	vimm.s32 $0xDCBA9876;
	v13 =	vunpack.c.l.s4.s8 v13  }
0x11: {  	v8 =	vcombine.low v18, v17;
	v3 =	vcombine.low v17, v18;
	v15 =	vunpack.c.l.s4.s8 v15  }
0x12: {  	[tilespmem:$0x1FC30] =	vst v6;
	v6 =	vor.u32 s1, v7;
	v27 =	vunpack.c.0.s8.s32 v13;
	v13 =	vunpack.c.l.s4.s8 v19  }
0x13: {  	v20 =	vcombine.low v26, v25;
	v28 =	vunpack.c.0.s8.s32 v15;
	v15 =	vimm.s32 $0xFEDCBA98  }
0x14: {  	v15 =	vunpack.c.l.s4.s8 v15;
	v30 =	vunpack.c.0.s8.s32 v13;
	v13 =	vimm.s32 $0x76543210  }
0x15: {  	v24 =	vand.u32 $0xF, v3;
	v16 =	vcombine.low v28, v27;
	v19 =	vunpack.c.l.s4.s8 v13  }
0x16: {  	s2 =	sor.u32 $0x10, s1;
	v13 =	vand.u32 $0xF, v20;
	v23 =	vunpack.c.0.s8.s32 v15;
	v20 =	vcombine.low v30, v29  }
0x17: {  	v8 =	vand.u32 $0xF, v8;
	v42 =	vor.u32 s2, v24;
	v19 =	vunpack.c.0.s8.s32 v19  }
0x18: {  	v15 =	vand.u32 $0xF, v16;
	v16 =	vand.u32 $0xF, v20;
	v20 =	vand.u32 $0xF, v23  }
0x19: {  	[tilespmem:$0x1FC40] =	vst v6;
	v6 =	vor.u32 s1, v8;
	vm4 =	vlt.u32 v42, v32;
	v19 =	vcombine.low v20, v19  }
0x1a: {  	[tilespmem:$0x1FC50] =	vst v6;
	v20 =	vand.u32 $0xF, v0;
	v0 =	vcombine.low v12, v14;
	v12 =	vcombine.low v21, v22  }
0x1b: {  	[tilespmem:$0x1FCE0] =	vst v42;
	v42 =	vsel vm4, $0xFFFFFFFF, v56;
	v3 =	vcombine.low v27, v28;
	v40 =	vor.u32 s2, v20  }
0x1c: {  	[tilespmem:$0x1FCF0] =	vst v42;
	v23 =	vand.u32 $0xF, v0;
	v0 =	vcombine.low v25, v26;
	v25 =	vand.u32 $0xF, v12  }
0x1d: {  	v12 =	vcombine.low v29, v30;
	v30 =	vand.u32 $0xF, v3;
	v39 =	vor.u32 s2, v19;
	[tilespmem:$0x1FD20] =	vst v40  }
0x1e: {  	v45 =	vor.u32 s2, v30;
	[tilespmem:$0x1FD40] =	vst v39  }
0x1f: {  	v43 =	vor.u32 s2, v25;
	[tilespmem:$0x1FC80] =	vst v45  }
0x20: {  	v58 =	vimm.s32 $0x0;
	vm6 =	vlt.u32 v40, v32;
	v41 =	vor.u32 s2, v23;
	[tilespmem:$0x1FCC0] =	vst v43  }
0x21: {  	v59 =	vimm.s32 $0x0;
	v40 =	vsel vm6, $0xFFFFFFFF, v58;
	vm7 =	vlt.u32 v39, v32;
	[tilespmem:$0x1FD00] =	vst v41  }
0x22: {  	v31 =	vand.u32 $0xF, v12;
	[tilespmem:$0x1FD30] =	vst v40;
	v39 =	vsel vm7, $0xFFFFFFFF, v59  }
0x23: {  	v53 =	vimm.s32 $0x0;
	vm13 =	vlt.u32 v45, v32;
	v46 =	vor.u32 s2, v31;
	[tilespmem:$0x1FD50] =	vst v39  }
0x24: {  	v29 =	vand.u32 $0xF, v0;
	v45 =	vsel vm13, $0xFFFFFFFF, v53;
	[tilespmem:$0x1FC60] =	vst v46  }
0x25: {  	v55 =	vimm.s32 $0x0;
	vm15 =	vlt.u32 v43, v32;
	v44 =	vor.u32 s2, v29;
	[tilespmem:$0x1FC90] =	vst v45  }
0x26: {  	v57 =	vimm.s32 $0x0;
	vm5 =	vlt.u32 v41, v32;
	v43 =	vsel vm15, $0xFFFFFFFF, v55;
	[tilespmem:$0x1FCA0] =	vst v44  }
0x27: {  	v52 =	vimm.s32 $0x0;
	v41 =	vsel vm5, $0xFFFFFFFF, v57;
	vm0 =	vlt.u32 v46, v32;
	[tilespmem:$0x1FCD0] =	vst v43  }
0x28: {  	s3 =	rddreg [dreg:$0x0];
	v54 =	vimm.s32 $0x0;
	vm14 =	vlt.u32 v44, v32;
	[tilespmem:$0x1FD10] =	vst v41;
	v46 =	vsel vm0, $0xFFFFFFFF, v52  }
0x29: {  	s7 =	rddreg [dreg:$0x1];
	s5 =	simm.s32 $0x0;
	v44 =	vsel vm14, $0xFFFFFFFF, v54;
	[tilespmem:$0x1FC70] =	vst v46  }
0x2a: {  	[smem:$0x7FF] =	sst s5;
	v11 =	vcombine.low v22, v21;
	v38 =	vor.u32 s2, v16;
	[tilespmem:$0x1FCB0] =	vst v44  }
0x2b: {  	s4 =	rddreg [dreg:$0x2];
	v37 =	vor.u32 s2, v15;
	_ =	strace $0x80000047;
	[tilespmem:$0x1FD60] =	vst v38  }
0x2c: {  	v11 =	vand.u32 $0xF, v11;
	v36 =	vor.u32 s2, v13;
	[tilespmem:$0x1FD80] =	vst v37  }
0x2d: {  	v35 =	vor.u32 s2, v11;
	[tilespmem:$0x1FDA0] =	vst v36  }
0x2e: {  	v28 =	vor.u32 s2, v8;
	[tilespmem:$0x1FDC0] =	vst v35  }
0x2f: {  	v27 =	vor.u32 s2, v7;
	[tilespmem:$0x1FDE0] =	vst v28  }
0x30: {  	[tilespmem:$0x1FE00] =	vst v27  }
0x31: {  	v26 =	vor.u32 s2, v5;
	[tilespmem:$0x1FE20] =	vst v32  }
0x32: {  	v2 =	vmov s1;
	[tilespmem:$0x1FE30] =	vst v26  }
0x33: {  	v33 =	vmov s2;
	[tilespmem:$0x1FE50] =	vst v2  }
0x34: {  	v12 =	vor.u32 s1, v31;
	[tilespmem:$0x1FE60] =	vst v33  }
0x35: {  	v3 =	vor.u32 s1, v30;
	[tilespmem:$0x1FE80] =	vst v12  }
0x36: {  	v0 =	vor.u32 s1, v29;
	[tilespmem:$0x1FEA0] =	vst v3  }
0x37: {  	v22 =	vor.u32 s1, v25;
	[tilespmem:$0x1FEC0] =	vst v0  }
0x38: {  	v21 =	vor.u32 s1, v24;
	[tilespmem:$0x1FEE0] =	vst v22  }
0x39: {  	v18 =	vor.u32 s1, v23;
	[tilespmem:$0x1FF00] =	vst v21  }
0x3a: {  	v17 =	vor.u32 s1, v20;
	[tilespmem:$0x1FF20] =	vst v18  }
0x3b: {  	v14 =	vor.u32 s1, v19;
	[tilespmem:$0x1FF40] =	vst v17  }
0x3c: {  	v34 =	vor.u32 s1, v16;
	[tilespmem:$0x1FF60] =	vst v14  }
0x3d: {  	v10 =	vor.u32 s1, v15;
	[tilespmem:$0x1FF80] =	vst v34  }
0x3e: {  	v60 =	vimm.s32 $0x0;
	v9 =	vor.u32 s1, v13;
	[tilespmem:$0x1FFA0] =	vst v10  }
0x3f: {  	v4 =	vor.u32 s2, v1;
	v6 =	vor.u32 s1, v11;
	vm8 =	vlt.u32 v38, v32;
	[tilespmem:$0x1FFC0] =	vst v9  }
0x40: {  	vm6 =	vlt.u32 v0, v4;
	v38 =	vsel vm8, $0xFFFFFFFF, v60;
	v0 =	vimm.s32 $0x0;
	[tilespmem:$0x1FFE0] =	vst v6  }
0x41: {  	v61 =	vimm.s32 $0x0;
	vm9 =	vlt.u32 v37, v32;
	[tilespmem:$0x1FD70] =	vst v38;
	v0 =	vsel vm6, $0xFFFFFFFF, v0  }
0x42: {  	vm7 =	vlt.u32 v22, v4;
	v37 =	vsel vm9, $0xFFFFFFFF, v61;
	[tilespmem:$0x1FED0] =	vst v0;
	v0 =	vimm.s32 $0x0  }
0x43: {  	v62 =	vimm.s32 $0x0;
	vm10 =	vlt.u32 v36, v32;
	[tilespmem:$0x1FD90] =	vst v37;
	v0 =	vsel vm7, $0xFFFFFFFF, v0  }
0x44: {  	v36 =	vsel vm10, $0xFFFFFFFF, v62;
	vm8 =	vlt.u32 v21, v4;
	[tilespmem:$0x1FEF0] =	vst v0;
	v0 =	vimm.s32 $0x0  }
0x45: {  	v63 =	vimm.s32 $0x0;
	vm11 =	vlt.u32 v35, v32;
	[tilespmem:$0x1FDB0] =	vst v36;
	v0 =	vsel vm8, $0xFFFFFFFF, v0  }
0x46: {  	v35 =	vsel vm11, $0xFFFFFFFF, v63;
	vm9 =	vlt.u32 v18, v4;
	[tilespmem:$0x1FF10] =	vst v0;
	v0 =	vimm.s32 $0x0  }
0x47: {  	vm12 =	vlt.u32 v28, v32;
	v28 =	vimm.s32 $0x0;
	[tilespmem:$0x1FDD0] =	vst v35;
	v0 =	vsel vm9, $0xFFFFFFFF, v0  }
0x48: {  	vm10 =	vlt.u32 v17, v4;
	v28 =	vsel vm12, $0xFFFFFFFF, v28;
	[tilespmem:$0x1FF30] =	vst v0;
	v0 =	vimm.s32 $0x0  }
0x49: {  	vm13 =	vlt.u32 v27, v32;
	v27 =	vimm.s32 $0x0;
	[tilespmem:$0x1FDF0] =	vst v28;
	v0 =	vsel vm10, $0xFFFFFFFF, v0  }
0x4a: {  	vm11 =	vlt.u32 v14, v4;
	v27 =	vsel vm13, $0xFFFFFFFF, v27;
	[tilespmem:$0x1FF50] =	vst v0;
	v0 =	vimm.s32 $0x0  }
0x4b: {  	vm14 =	vlt.u32 v26, v32;
	v26 =	vimm.s32 $0x0;
	[tilespmem:$0x1FE10] =	vst v27;
	v0 =	vsel vm11, $0xFFFFFFFF, v0  }
0x4c: {  	v26 =	vsel vm14, $0xFFFFFFFF, v26;
	vm12 =	vlt.u32 v34, v4;
	[tilespmem:$0x1FF70] =	vst v0;
	v0 =	vimm.s32 $0x0  }
0x4d: {  	vm15 =	vlt.u32 v33, v2;
	v2 =	vimm.s32 $0x0;
	[tilespmem:$0x1FE40] =	vst v26;
	v0 =	vsel vm12, $0xFFFFFFFF, v0  }
0x4e: {  	s13 =	simm.s32 $0x0;
	s11 =	sshll.u32 s0, $0x2;
	s9 =	ssub.s32 $0x2, s6;
	v2 =	vsel vm15, $0xFFFFFFFF, v2;
	vm13 =	vlt.u32 v10, v4;
	[tilespmem:$0x1FF90] =	vst v0;
	v0 =	vimm.s32 $0x0  }
0x4f: {  	s6 =	sshll.u32 s6, $0x1;
	s8 =	sshll.u32 s12, $0x2;
	s10 =	sshrl.u32 s9, $0x1;
	vm4 =	vlt.u32 v12, v4;
	[tilespmem:$0x1FE70] =	vst v2;
	v2 =	vimm.s32 $0x0;
	v0 =	vsel vm13, $0xFFFFFFFF, v0  }
.Ltmp0:
0x50: {  	s30 =	sor.u32 s6, s11;
	p0 =	seq.s32 s12, $0x0;
	vm14 =	vlt.u32 v9, v4;
	v2 =	vsel vm4, $0xFFFFFFFF, v2;
	[tilespmem:$0x1FFB0] =	vst v0;
	v0 =	vimm.s32 $0x0;
	(pc) =	sbr.rel .LBB2_1-.Ltmp0, $4  }
0x51: {  	s11 =	simm.s32 $0x1;
	p1 =	seq.s32 s12, $0x1F;
	s12 =	simm.s32 $0x400;
	vm5 =	vlt.u32 v3, v4;
	[tilespmem:$0x1FE90] =	vst v2;
	v2 =	vimm.s32 $0x0;
	v0 =	vsel vm14, $0xFFFFFFFF, v0  }
0x52: {  	s7 =	sadd.s32 s8, s7;
	s29 =	ssub.s32 s9, s10;
	s31 =	smax.u32 s30, $0x1;
	vm15 =	vlt.u32 v6, v4;
	v2 =	vsel vm5, $0xFFFFFFFF, v2;
	[tilespmem:$0x1FFD0] =	vst v0;
	v0 =	vimm.s32 $0x0  }
0x53: {  	s9 =	sor.u32 $0x1, s30;
	s10 =	sshll.u32 s30, $0x4;
	s6 =	sadd.s32 $0x600, s7;
	[tilespmem:$0x1FEB0] =	vst v2;
	v0 =	vsel vm15, $0xFFFFFFFF, v0  }
0x54: {  	v51 =	vimm.s32 $0x0;
	s7 =	smax.u32 s29, $0x1;
	s8 =	sshll.u32 s31, $0x4;
	s10 =	sadd.s32 $0x20, s10;
	[tilespmem:$0x1FFF0] =	vst v0  }
.LBB2_8:
0x55: {  	v2 =	vadd.s32 v32, v34;
	vm5 =	vlt.f32 v28, v53;
	vm6 =	vlt.f32 v28, v52  }
0x56: {  	vm7 =	vlt.f32 v22, v53;
	v6 =	vsel vm3, $0x1, v51;
	v3 =	vadd.s32 v3, v33  }
0x57: {  	vm12 =	vlt.f32 v18, v53;
	vm13 =	vlt.f32 v17, v52;
	vm14 =	vlt.f32 v22, v52  }
0x58: {  	v18 =	vsel vm2, $0x1, v51;
	vm15 =	vlt.f32 v0, v52;
	v9 =	vsel vm6, $0x1, v51  }
0x59: {  	v10 =	vsel vm5, $0x1, v51;
	v2 =	vadd.s32 v6, v2;
	v3 =	vadd.s32 v26, v3  }
0x5a: {  	v17 =	vsel vm7, $0x1, v51;
	v22 =	vsel vm14, $0x1, v51;
	v3 =	vadd.s32 v27, v3  }
0x5b: {  	v6 =	vsel vm4, $0x1, v51;
	v2 =	vadd.s32 v17, v2;
	v3 =	vadd.s32 v22, v3  }
0x5c: {  	v26 =	vsel vm12, $0x1, v51;
	v2 =	vadd.s32 v10, v2;
	v3 =	vadd.s32 v9, v3  }
0x5d: {  	v17 =	vsel vm13, $0x1, v51;
	v2 =	vadd.s32 v26, v2;
	v3 =	vadd.s32 v6, v3  }
0x5e: {  	v9 =	vsel vm1, $0x1, v51;
	v0 =	vadd.s32 v18, v2;
	v2 =	vadd.s32 v17, v3  }
0x5f: {  	v3 =	vsel vm15, $0x1, v51;
	v0 =	vadd.s32 v9, v0;
	v2 =	vadd.s32 v21, v2  }
0x60: {  	v0 =	vadd.s32 v14, v0;
	v2 =	vadd.s32 v3, v2;
	v3 =	vsel vm0, $0x1, v51  }
0x61: {  	v14 =	vadd.s32 v12, v2;
	v12 =	vadd.s32 v3, v0  }
.LBB2_9:
0x62: {  	s13 =	sadd.s32 $0x1, s13  }
0x63: {  	[tilespmem:$0x400] =	vst v14;
	p2 =	sne.s32 s13, s7  }
.Ltmp1:
0x64: {  	[tilespmem:$0x410] =	vst v12;
	(pc) =	sbr.rel @!p2 .LBB2_10-.Ltmp1, $4  }
0x65: {  	[hbm4b:s6+s5] =	stream.linear.scatter [tilespmem:s12], [sflag:$0x1], $0x20, $0x38;
	[tilespmem:$0x480] =	vst v63  }
0x66: {  	_ =	swait.ge [sflag:s11], $0x20  }
0x67: {  	[sflag:s11] =	ssyncset.done $0x0  }
0x68: {  	[sflag:s11] =	ssyncadd.s32 $0xFFFFFFE0  }
.LBB2_1:
0x69: {  	[tilespmem:s5], [sflag:$0x1] =	stream.linear.gather [hbm4b:s3+s5], $0x3E8, $0x38;
	[tilespmem:$0x480] =	vst v63  }
0x6a: {  	_ =	swait.ge [sflag:s11], $0x3E8  }
0x6b: {  	[sflag:s11] =	ssyncset.done $0x0  }
0x6c: {  	v0 =	vimm.f32 $+Inf;
	[sflag:s11] =	ssyncadd.s32 $0xFFFFFC18  }
0x6d: {  	[tilespmem:$0x3E8] =	vst v0  }
0x6e: {  	[tilespmem:$0x3F0] =	vst v0  }
.Ltmp2:
0x6f: {  	v53 =	vld [tilespmem:s2+$0x0];
	(pc) =	sbr.rel @p0 .LBB2_5-.Ltmp2, $2  }
0x70: {  	v52 =	vld [tilespmem:s1+$0x0];
	_ =	sdelay $0x2  }
0x71: {  	v54 =	vimm.s32 $0x0;
	v55 =	vimm.s32 $0x0  }
0x72: {  	v0 =	vor.u32 s5, v11  }
0x73: {  	v3 =	vor.u32 s5, v15  }
0x74: {  	v12 =	vor.u32 s5, v1  }
0x75: {  	v27 =	vor.u32 s5, v29  }
0x76: {  	v14 =	vor.u32 s5, v5  }
0x77: {  	v34 =	vor.u32 s5, v16;
	v0 =	vld.idx.msk [tilespmem:v0+s5+$0x0], $0xffff  }
0x78: {  	v3 =	vld.idx.msk [tilespmem:v3+s5+$0x0], $0xffff  }
0x79: {  	v17 =	vor.u32 s5, v7;
	v12 =	vld.idx.msk [tilespmem:v12+s5+$0x0], $0xffff  }
0x7a: {  	v18 =	vor.u32 s5, v8;
	v27 =	vld.idx.msk [tilespmem:v27+s5+$0x0], $0xffff  }
0x7b: {  	v21 =	vor.u32 s5, v30;
	v22 =	vor.u32 s5, v31;
	v26 =	vor.u32 s5, v13;
	v14 =	vld.idx.msk [tilespmem:v14+s5+$0x0], $0xffff  }
0x7c: {  	v28 =	vor.u32 s5, v23;
	v32 =	vor.u32 s5, v24;
	v33 =	vor.u32 s5, v25;
	v59 =	vld.idx.msk [tilespmem:v34+s5+$0x0], $0xffff  }
0x7d: {  	v35 =	vor.u32 s5, v19;
	v36 =	vor.u32 s5, v20;
	vm0 =	vle.f32 v0, v52  }
0x7e: {  	v17 =	vld.idx.msk [tilespmem:v17+s5+$0x0], $0xffff;
	vm1 =	vle.f32 v3, v52;
	vm2 =	vle.f32 v3, v53;
	vm3 =	vle.f32 v0, v53  }
0x7f: {  	vm5 =	vle.f32 v27, v52;
	v37 =	vsel vm3, $0x1, v51;
	v3 =	vsel vm1, $0x1, v51  }
0x80: {  	v18 =	vld.idx.msk [tilespmem:v18+s5+$0x0], $0xffff;
	v38 =	vsel vm2, $0x1, v51;
	vm1 =	vle.f32 v12, v52;
	vm2 =	vle.f32 v12, v53  }
0x81: {  	v39 =	vsel vm0, $0x1, v51;
	vm0 =	vle.f32 v14, v52;
	vm3 =	vle.f32 v59, v53  }
0x82: {  	v0 =	vld.idx.msk [tilespmem:v21+s5+$0x0], $0xffff;
	v12 =	vsel vm1, $0x1, v51;
	v21 =	vsel vm2, $0x1, v51;
	vm1 =	vle.f32 v14, v53  }
0x83: {  	v22 =	vld.idx.msk [tilespmem:v22+s5+$0x0], $0xffff;
	vm2 =	vle.f32 v17, v53;
	v12 =	vadd.s32 v12, v51;
	v14 =	vadd.s32 v21, v51  }
0x84: {  	v50 =	vld.idx.msk [tilespmem:v26+s5+$0x0], $0xffff;
	v21 =	vsel vm0, $0x1, v51;
	v26 =	vsel vm2, $0x1, v51;
	vm0 =	vle.f32 v17, v52  }
0x85: {  	vm2 =	vle.f32 v18, v53;
	v12 =	vadd.s32 v21, v12;
	v21 =	vsel vm1, $0x1, v51  }
0x86: {  	v14 =	vadd.s32 v21, v14;
	v21 =	vsel vm0, $0x1, v51;
	vm0 =	vle.f32 v18, v52  }
0x87: {  	vm1 =	vle.f32 v0, v53;
	v12 =	vadd.s32 v21, v12;
	v18 =	vsel vm0, $0x1, v51  }
0x88: {  	v17 =	vld.idx.msk [tilespmem:v33+s5+$0x0], $0xffff;
	v14 =	vadd.s32 v26, v14;
	vm0 =	vle.f32 v22, v52;
	v60 =	vadd.s32 v18, v12  }
0x89: {  	v12 =	vsel vm2, $0x1, v51;
	vm2 =	vle.f32 v50, v52;
	v18 =	vld.idx.msk [tilespmem:v32+s5+$0x0], $0xffff;
	v32 =	vsel vm3, $0x1, v51  }
0x8a: {  	v21 =	vld.idx.msk [tilespmem:v35+s5+$0x0], $0xffff;
	vm3 =	vle.f32 v50, v53;
	v14 =	vadd.s32 v12, v14;
	v61 =	vsel vm2, $0x1, v51  }
0x8b: {  	p2 =	sne.s32 s8, $0x10;
	v12 =	vsel vm0, $0x1, v51;
	vm0 =	vle.f32 v59, v52;
	v37 =	vadd.s32 v37, v14  }
.Ltmp3:
0x8c: {  	v28 =	vld.idx.msk [tilespmem:v28+s5+$0x0], $0xffff;
	v26 =	vsel vm0, $0x1, v51;
	vm0 =	vle.f32 v22, v53;
	v22 =	vsel vm3, $0x1, v51;
	(pc) =	sbr.rel @!p2 .LBB2_4-.Ltmp3, $4  }
0x8d: {  	vm2 =	vle.f32 v17, v53;
	v62 =	vadd.s32 v39, v60;
	v63 =	vadd.s32 v22, v37;
	v22 =	vld.idx.msk [tilespmem:v36+s5+$0x0], $0xffff  }
0x8e: {  	v14 =	vsel vm1, $0x1, v51;
	vm1 =	vle.f32 v27, v53;
	v33 =	vadd.s32 v61, v62  }
0x8f: {  	vm4 =	vle.f32 v21, v52;
	vm3 =	vle.f32 v21, v53;
	v21 =	vsel vm5, $0x1, v51  }
0x90: {  	s14 =	simm.s32 $0x10;
	v34 =	vadd.s32 v38, v63;
	v27 =	vsel vm4, $0x1, v51;
	vm4 =	vle.f32 v18, v52  }
.LBB2_3:
0x91: {  	v35 =	vor.u32 s14, v11;
	v32 =	vadd.s32 v32, v34;
	vm5 =	vle.f32 v28, v53;
	s15 =	smov.u32 s14;
	s14 =	sadd.s32 $0x10, s14  }
0x92: {  	vm6 =	vle.f32 v22, v53;
	vm7 =	vle.f32 v28, v52;
	v34 =	vor.u32 s15, v15;
	p2 =	sne.s32 s8, s14  }
0x93: {  	v28 =	vsel vm3, $0x1, v51;
	v36 =	vsel vm7, $0x1, v51;
	v37 =	vsel vm5, $0x1, v51  }
0x94: {  	v3 =	vadd.s32 v3, v33;
	v28 =	vadd.s32 v28, v32;
	v32 =	vsel vm4, $0x1, v51  }
0x95: {  	vm3 =	vle.f32 v18, v53;
	v3 =	vadd.s32 v26, v3;
	vm4 =	vle.f32 v17, v52  }
0x96: {  	vm5 =	vle.f32 v22, v52;
	v18 =	vsel vm6, $0x1, v51;
	v22 =	vsel vm2, $0x1, v51;
	v17 =	vld.idx.msk [tilespmem:v35+s5+$0x0], $0xffff  }
0x97: {  	v3 =	vadd.s32 v27, v3;
	v27 =	vsel vm3, $0x1, v51;
	v33 =	vsel vm4, $0x1, v51;
	v26 =	vld.idx.msk [tilespmem:v34+s5+$0x0], $0xffff  }
0x98: {  	v18 =	vadd.s32 v18, v28;
	v28 =	vsel vm1, $0x1, v51;
	v34 =	vsel vm5, $0x1, v51  }
0x99: {  	vm1 =	vle.f32 v0, v52;
	v18 =	vadd.s32 v37, v18;
	v3 =	vadd.s32 v34, v3  }
0x9a: {  	v0 =	vadd.s32 v36, v3;
	v3 =	vadd.s32 v27, v18;
	v18 =	vsel vm1, $0x1, v51  }
0x9b: {  	v27 =	vor.u32 s15, v1;
	v0 =	vadd.s32 v32, v0;
	v3 =	vadd.s32 v22, v3  }
0x9c: {  	v22 =	vor.u32 s15, v5;
	vm1 =	vle.f32 v17, v52;
	v0 =	vadd.s32 v33, v0  }
0x9d: {  	v32 =	vor.u32 s15, v7;
	vm2 =	vle.f32 v26, v52;
	v0 =	vadd.s32 v21, v0  }
0x9e: {  	v3 =	vadd.s32 v28, v3;
	v0 =	vadd.s32 v18, v0;
	v18 =	vsel vm0, $0x1, v51  }
0x9f: {  	v3 =	vadd.s32 v14, v3;
	v12 =	vadd.s32 v12, v0  }
0xa0: {  	v14 =	vor.u32 s15, v8;
	v18 =	vadd.s32 v18, v3;
	v0 =	vld.idx.msk [tilespmem:v27+s5+$0x0], $0xffff  }
0xa1: {  	vm0 =	vle.f32 v26, v53;
	v26 =	vor.u32 s15, v31;
	v21 =	vld.idx.msk [tilespmem:v22+s5+$0x0], $0xffff;
	v22 =	vor.u32 s15, v30  }
0xa2: {  	vm3 =	vle.f32 v17, v53;
	v17 =	vor.u32 s15, v13;
	v28 =	vor.u32 s15, v29;
	v27 =	vld.idx.msk [tilespmem:v32+s5+$0x0], $0xffff  }
0xa3: {  	v34 =	vor.u32 s15, v25;
	v33 =	vor.u32 s15, v24;
	v32 =	vor.u32 s15, v23  }
0xa4: {  	v37 =	vor.u32 s15, v20;
	v35 =	vor.u32 s15, v16;
	v36 =	vor.u32 s15, v19  }
0xa5: {  	v38 =	vsel vm3, $0x1, v51;
	v3 =	vsel vm2, $0x1, v51;
	v39 =	vsel vm0, $0x1, v51;
	v14 =	vld.idx.msk [tilespmem:v14+s5+$0x0], $0xffff  }
0xa6: {  	v50 =	vsel vm1, $0x1, v51;
	vm0 =	vle.f32 v0, v52;
	vm2 =	vle.f32 v0, v53;
	v0 =	vld.idx.msk [tilespmem:v22+s5+$0x0], $0xffff  }
0xa7: {  	v22 =	vsel vm0, $0x1, v51;
	v54 =	vsel vm2, $0x1, v51;
	vm0 =	vle.f32 v21, v52;
	v55 =	vld.idx.msk [tilespmem:v26+s5+$0x0], $0xffff  }
0xa8: {  	vm1 =	vle.f32 v21, v53;
	v12 =	vadd.s32 v22, v12;
	vm2 =	vle.f32 v27, v53;
	v21 =	vld.idx.msk [tilespmem:v17+s5+$0x0], $0xffff  }
0xa9: {  	v18 =	vadd.s32 v54, v18;
	v17 =	vsel vm0, $0x1, v51;
	v22 =	vsel vm2, $0x1, v51;
	v54 =	vld.idx.msk [tilespmem:v28+s5+$0x0], $0xffff  }
0xaa: {  	v26 =	vsel vm1, $0x1, v51;
	vm0 =	vle.f32 v27, v52;
	v12 =	vadd.s32 v17, v12;
	v17 =	vld.idx.msk [tilespmem:v34+s5+$0x0], $0xffff  }
0xab: {  	v18 =	vadd.s32 v26, v18;
	v26 =	vsel vm0, $0x1, v51;
	vm0 =	vle.f32 v14, v52;
	v27 =	vld.idx.msk [tilespmem:v35+s5+$0x0], $0xffff  }
0xac: {  	v22 =	vadd.s32 v22, v18;
	v12 =	vadd.s32 v26, v12;
	vm1 =	vle.f32 v0, v53;
	v18 =	vld.idx.msk [tilespmem:v33+s5+$0x0], $0xffff  }
0xad: {  	vm2 =	vle.f32 v14, v53;
	v14 =	vsel vm0, $0x1, v51;
	vm0 =	vle.f32 v55, v52;
	v33 =	vld.idx.msk [tilespmem:v36+s5+$0x0], $0xffff  }
0xae: {  	v34 =	vadd.s32 v14, v12;
	v12 =	vsel vm2, $0x1, v51;
	vm2 =	vle.f32 v21, v52;
	v28 =	vld.idx.msk [tilespmem:v32+s5+$0x0], $0xffff  }
0xaf: {  	v14 =	vadd.s32 v12, v22;
	v12 =	vsel vm0, $0x1, v51;
	v35 =	vsel vm2, $0x1, v51;
	v22 =	vld.idx.msk [tilespmem:v37+s5+$0x0], $0xffff  }
0xb0: {  	v36 =	vadd.s32 v38, v14;
	v14 =	vsel vm1, $0x1, v51;
	vm2 =	vle.f32 v17, v53  }
0xb1: {  	vm1 =	vle.f32 v54, v53;
	vm0 =	vle.f32 v27, v52;
	vm3 =	vle.f32 v27, v53  }
.Ltmp4:
0xb2: {  	v26 =	vsel vm0, $0x1, v51;
	v32 =	vsel vm3, $0x1, v51;
	vm0 =	vle.f32 v55, v53;
	(pc) =	sbr.rel @p2 .LBB2_3-.Ltmp4, $4  }
0xb3: {  	v34 =	vadd.s32 v50, v34;
	vm3 =	vle.f32 v21, v53;
	vm4 =	vle.f32 v33, v52  }
0xb4: {  	vm5 =	vle.f32 v54, v52;
	v21 =	vsel vm3, $0x1, v51;
	vm3 =	vle.f32 v33, v53  }
0xb5: {  	v36 =	vadd.s32 v21, v36;
	v27 =	vsel vm4, $0x1, v51;
	v21 =	vsel vm5, $0x1, v51  }
0xb6: {  	v33 =	vadd.s32 v35, v34;
	vm4 =	vle.f32 v18, v52;
	v34 =	vadd.s32 v39, v36  }
.LBB2_4:
0xb7: {  	v32 =	vadd.s32 v32, v34;
	vm5 =	vle.f32 v28, v53;
	vm6 =	vle.f32 v28, v52  }
0xb8: {  	v28 =	vsel vm3, $0x1, v51;
	v3 =	vadd.s32 v3, v33;
	v63 =	vsel vm4, $0x1, v51  }
0xb9: {  	vm12 =	vle.f32 v18, v53;
	vm13 =	vle.f32 v17, v52;
	v18 =	vsel vm2, $0x1, v51  }
0xba: {  	vm15 =	vle.f32 v0, v52;
	vm7 =	vle.f32 v22, v53;
	v62 =	vsel vm6, $0x1, v51  }
0xbb: {  	v28 =	vadd.s32 v28, v32;
	v3 =	vadd.s32 v26, v3;
	vm14 =	vle.f32 v22, v52  }
0xbc: {  	v17 =	vsel vm7, $0x1, v51;
	v3 =	vadd.s32 v27, v3;
	v22 =	vsel vm14, $0x1, v51  }
0xbd: {  	v35 =	vsel vm5, $0x1, v51;
	v17 =	vadd.s32 v17, v28;
	v3 =	vadd.s32 v22, v3  }
0xbe: {  	v26 =	vsel vm12, $0x1, v51;
	v17 =	vadd.s32 v35, v17;
	v3 =	vadd.s32 v62, v3  }
0xbf: {  	v22 =	vsel vm13, $0x1, v51;
	v17 =	vadd.s32 v26, v17;
	v3 =	vadd.s32 v63, v3  }
0xc0: {  	v27 =	vsel vm1, $0x1, v51;
	v0 =	vadd.s32 v18, v17;
	v3 =	vadd.s32 v22, v3  }
0xc1: {  	v17 =	vsel vm15, $0x1, v51;
	v3 =	vadd.s32 v21, v3;
	v0 =	vadd.s32 v27, v0  }
0xc2: {  	v3 =	vadd.s32 v17, v3;
	v17 =	vsel vm0, $0x1, v51;
	v0 =	vadd.s32 v14, v0  }
0xc3: {  	v54 =	vadd.s32 v12, v3;
	v55 =	vadd.s32 v17, v0  }
.LBB2_5:
0xc4: {  	v0 =	vld [tilespmem:$0x1FE20];
	_ =	sdelay $0x5  }
0xc5: {  	v9 =	vld [tilespmem:$0x1FC30]  }
0xc6: {  	v10 =	vld [tilespmem:$0x1FC40]  }
0xc7: {  	v0 =	vld.idx.msk [tilespmem:v0+s5+$0x0], $0xffff  }
0xc8: {  	v2 =	vld [tilespmem:$0x1FE50]  }
0xc9: {  	v6 =	vld [tilespmem:$0x1FE60];
	_ =	sdelay $0x2  }
0xca: {  	vm8 =	vmmov $0x7fff;
	vm9 =	vmmov $0x3fff;
	vm3 =	vle.f32 v0, v53  }
0xcb: {  	v3 =	vld.idx.msk [tilespmem:v9+s5+$0x0], $0xffff;
	vm4 =	vlt.f32 v0, v53;
	vm15 =	vlt.f32 v0, v52;
	v0 =	vimm.s32 $0x0  }
0xcc: {  	vm2 =	vlt.u32 v2, v6;
	v2 =	vimm.s32 $0x0;
	v0 =	vsel vm8, $0xFFFFFFFF, v0  }
0xcd: {  	vm11 =	vmneg vm8;
	v2 =	vsel vm9, $0xFFFFFFFF, v2;
	[tilespmem:$0x1F980] =	vst v0;
	v0 =	vimm.s32 $0x0  }
0xce: {  	vm6 =	vlt.u32 v9, v4;
	[tilespmem:$0x1F9A0] =	vst v2;
	v0 =	vsel vm11, $0xFFFFFFFF, v0  }
0xcf: {  	vm5 =	vmneg vm2;
	vm7 =	vmneg vm6;
	v2 =	vimm.s32 $0x0;
	[tilespmem:$0x1F970] =	vst v0;
	v0 =	vld.idx.msk [tilespmem:v10+s5+$0x0], $0xffff  }
0xd0: {  	vm10 =	vle.f32 v3, v52;
	vm12 =	vlt.f32 v3, v52;
	vm13 =	vle.f32 v3, v53  }
0xd1: {  	v12 =	vld [tilespmem:$0x1FC50];
	vm14 =	vlt.f32 v3, v53;
	vm4 =	vmand vm5, vm4;
	vm2 =	vmand vm2, vm3  }
0xd2: {  	vm3 =	vmand vm11, vm10;
	vm5 =	vmand vm7, vm14;
	vm2 =	vmor vm2, vm4  }
0xd3: {  	vm4 =	vmand vm6, vm13;
	v57 =	vsel vm2, $0x1, v51;
	vm2 =	vmand vm12, vm8  }
0xd4: {  	vm11 =	vmneg vm9;
	vm2 =	vmor vm2, vm3;
	vm10 =	vle.f32 v0, v52  }
0xd5: {  	vm12 =	vlt.f32 v0, v52;
	vm13 =	vle.f32 v0, v53;
	vm14 =	vlt.f32 v0, v53  }
0xd6: {  	v0 =	vimm.s32 $0x0;
	vm3 =	vmand vm12, vm9;
	vm9 =	vmmov $0x1fff  }
0xd7: {  	v2 =	vsel vm11, $0xFFFFFFFF, v2;
	v58 =	vsel vm2, $0x1, v51;
	v0 =	vsel vm9, $0xFFFFFFFF, v0  }
0xd8: {  	vm2 =	vmand vm11, vm10;
	vm11 =	vmneg vm9;
	[tilespmem:$0x1F9C0] =	vst v0;
	v0 =	vimm.s32 $0x0  }
0xd9: {  	v3 =	vld.idx.msk [tilespmem:v12+s5+$0x0], $0xffff;
	v0 =	vsel vm11, $0xFFFFFFFF, v0  }
0xda: {  	[tilespmem:$0x1F9B0] =	vst v0;
	v0 =	vld [tilespmem:$0x1FFE0];
	_ =	sdelay $0x1  }
0xdb: {  	vm1 =	vlt.u32 v10, v4  }
0xdc: {  	[tilespmem:$0x1F990] =	vst v2;
	v2 =	vimm.s32 $0x0;
	vm2 =	vmor vm3, vm2;
	vm3 =	vmmov $0xfff  }
0xdd: {  	vm10 =	vle.f32 v3, v52;
	v60 =	vsel vm2, $0x1, v51;
	v2 =	vsel vm3, $0xFFFFFFFF, v2  }
0xde: {  	vm2 =	vmand vm11, vm10;
	vm10 =	vmneg vm3;
	[tilespmem:$0x1F9E0] =	vst v2;
	v2 =	vimm.s32 $0x0  }
0xdf: {  	v56 =	vsel vm15, $0x1, v51;
	vm15 =	vmor vm4, vm5;
	v2 =	vsel vm10, $0xFFFFFFFF, v2  }
0xe0: {  	v59 =	vsel vm15, $0x1, v51;
	vm15 =	vmneg vm1;
	[tilespmem:$0x1F9D0] =	vst v2;
	v2 =	vld [tilespmem:$0x1FFC0]  }
0xe1: {  	vm0 =	vlt.u32 v12, v4;
	vm5 =	vmand vm15, vm14;
	vm1 =	vmand vm1, vm13;
	v0 =	vld.idx.msk [tilespmem:v0+s5+$0x0], $0xffff  }
0xe2: {  	vm12 =	vlt.f32 v3, v52;
	vm14 =	vlt.f32 v3, v53;
	vm15 =	vmneg vm0  }
0xe3: {  	vm13 =	vle.f32 v3, v53;
	vm1 =	vmor vm1, vm5;
	vm5 =	vmand vm15, vm14  }
0xe4: {  	vm0 =	vmand vm0, vm13;
	v61 =	vsel vm1, $0x1, v51;
	vm1 =	vmand vm12, vm9  }
0xe5: {  	vm0 =	vmor vm0, vm5;
	vm1 =	vmor vm1, vm2  }
0xe6: {  	v63 =	vsel vm0, $0x1, v51;
	v62 =	vsel vm1, $0x1, v51;
	vm9 =	vle.f32 v0, v52  }
0xe7: {  	vm11 =	vlt.f32 v0, v52;
	vm1 =	vmand vm10, vm9;
	vm10 =	vmmov $0x7ff  }
0xe8: {  	v12 =	vld.idx.msk [tilespmem:v2+s5+$0x0], $0xffff;
	v2 =	vimm.s32 $0x0;
	vm0 =	vmand vm11, vm3;
	vm11 =	vmneg vm10  }
0xe9: {  	v2 =	vsel vm11, $0xFFFFFFFF, v2  }
0xea: {  	[tilespmem:$0x1F9F0] =	vst v2;
	v2 =	vld [tilespmem:$0x1FFA0];
	_ =	sdelay $0x6  }
0xeb: {  	vm12 =	vle.f32 v0, v53;
	vm13 =	vlt.f32 v0, v53;
	v0 =	vld [tilespmem:$0x1FFF0]  }
0xec: {  	v14 =	vld.idx.msk [tilespmem:v2+s5+$0x0], $0xffff  }
0xed: {  	v2 =	vld [tilespmem:$0x1FFD0];
	_ =	sdelay $0x1  }
0xee: {  	vm9 =	vle.f32 v12, v52;
	vm0 =	vmor vm0, vm1  }
0xef: {  	vm14 =	vnez.u8 v0;
	v0 =	vsel vm0, $0x1, v51;
	vm0 =	vmand vm11, vm9  }
0xf0: {  	vm11 =	vmmov $0x3ff;
	vm15 =	vmneg vm14;
	vm4 =	vmand vm14, vm12  }
0xf1: {  	vm5 =	vmand vm15, vm13;
	vm15 =	vnez.u8 v2;
	v2 =	vimm.s32 $0x0  }
0xf2: {  	vm14 =	vlt.f32 v12, v53;
	vm9 =	vmneg vm15;
	v2 =	vsel vm11, $0xFFFFFFFF, v2  }
0xf3: {  	vm6 =	vmand vm9, vm14;
	[tilespmem:$0x1FA10] =	vst v2;
	vm14 =	vmneg vm11;
	v2 =	vimm.s32 $0x0  }
0xf4: {  	v2 =	vsel vm14, $0xFFFFFFFF, v2  }
0xf5: {  	[tilespmem:$0x1FA00] =	vst v2;
	v2 =	vld [tilespmem:$0x1FF80];
	_ =	sdelay $0x7  }
0xf6: {  	v18 =	vld.idx.msk [tilespmem:v2+s5+$0x0], $0xffff  }
0xf7: {  	v2 =	vld [tilespmem:$0x1FFB0];
	_ =	sdelay $0x1  }
0xf8: {  	vm12 =	vlt.f32 v12, v52  }
0xf9: {  	vm1 =	vmand vm12, vm10  }
0xfa: {  	vm0 =	vmor vm1, vm0;
	vm12 =	vle.f32 v14, v52  }
0xfb: {  	v50 =	vsel vm0, $0x1, v51;
	vm0 =	vmand vm14, vm12;
	vm14 =	vnez.u8 v2;
	v2 =	vld [tilespmem:$0x1FF90]  }
0xfc: {  	vm13 =	vle.f32 v12, v53  }
0xfd: {  	vm7 =	vmor vm4, vm5;
	vm5 =	vmand vm15, vm13;
	vm13 =	vlt.f32 v14, v52  }
0xfe: {  	vm15 =	vmand vm13, vm11  }
0xff: {  	vm13 =	vlt.f32 v14, v53;
	vm0 =	vmor vm15, vm0  }
0x100: {  	vm12 =	vle.f32 v14, v53;
	v14 =	vsel vm0, $0x1, v51;
	vm0 =	vnez.u8 v2;
	v2 =	vld [tilespmem:$0x1FF60];
	_ =	sdelay $0x6  }
0x101: {  	vm9 =	vmneg vm14  }
0x102: {  	vm15 =	vmand vm9, vm13;
	vm13 =	vmmov $0x1ff;
	v21 =	vld.idx.msk [tilespmem:v2+s5+$0x0], $0xffff;
	v2 =	vimm.s32 $0x0  }
0x103: {  	v3 =	vsel vm7, $0x1, v51;
	vm7 =	vmand vm14, vm12;
	v2 =	vsel vm13, $0xFFFFFFFF, v2  }
0x104: {  	vm9 =	vmor vm7, vm15;
	vm15 =	vmneg vm13;
	[tilespmem:$0x1FA30] =	vst v2;
	v2 =	vimm.s32 $0x0  }
0x105: {  	vm1 =	vmor vm5, vm6;
	vm14 =	vlt.f32 v18, v52;
	v2 =	vsel vm15, $0xFFFFFFFF, v2  }
0x106: {  	vm5 =	vmand vm14, vm13;
	vm13 =	vmmov $0xff;
	[tilespmem:$0x1FA20] =	vst v2;
	v2 =	vimm.s32 $0x0  }
0x107: {  	v2 =	vsel vm13, $0xFFFFFFFF, v2  }
0x108: {  	[tilespmem:$0x1FA60] =	vst v2;
	v2 =	vld [tilespmem:$0x1FF40];
	_ =	sdelay $0x7  }
0x109: {  	v17 =	vsel vm9, $0x1, v51;
	vm9 =	vmneg vm13;
	v27 =	vld.idx.msk [tilespmem:v2+s5+$0x0], $0xffff;
	v2 =	vimm.s32 $0x0  }
0x10a: {  	v2 =	vsel vm9, $0xFFFFFFFF, v2  }
0x10b: {  	[tilespmem:$0x1FA40] =	vst v2;
	v2 =	vld [tilespmem:$0x1FF70];
	_ =	sdelay $0x3  }
0x10c: {  	vm11 =	vlt.f32 v18, v53;
	vm12 =	vmneg vm0  }
0x10d: {  	v12 =	vsel vm1, $0x1, v51;
	vm1 =	vmand vm12, vm11;
	vm11 =	vnez.u8 v2;
	v2 =	vld [tilespmem:$0x1FF20];
	_ =	sdelay $0x7  }
0x10e: {  	vm7 =	vle.f32 v18, v52;
	v28 =	vld.idx.msk [tilespmem:v2+s5+$0x0], $0xffff  }
0x10f: {  	vm7 =	vmand vm15, vm7;
	v2 =	vld [tilespmem:$0x1FF50]  }
0x110: {  	vm5 =	vmor vm5, vm7;
	vm12 =	vle.f32 v18, v53  }
0x111: {  	v18 =	vsel vm5, $0x1, v51;
	vm8 =	vmand vm0, vm12  }
0x112: {  	vm1 =	vmor vm8, vm1;
	vm14 =	vle.f32 v21, v52;
	vm15 =	vlt.f32 v21, v52  }
0x113: {  	vm8 =	vle.f32 v21, v53;
	vm5 =	vmand vm9, vm14;
	vm7 =	vmand vm15, vm13  }
0x114: {  	vm5 =	vmor vm7, vm5;
	vm13 =	vmneg vm11;
	vm0 =	vnez.u8 v2  }
0x115: {  	vm8 =	vmand vm11, vm8;
	vm11 =	vlt.f32 v27, v53;
	vm12 =	vmneg vm0  }
0x116: {  	v22 =	vsel vm5, $0x1, v51;
	vm5 =	vmand vm12, vm11;
	vm11 =	vmmov $0x7f  }
0x117: {  	v2 =	vimm.s32 $0x0;
	vm15 =	vmneg vm11  }
0x118: {  	v2 =	vsel vm15, $0xFFFFFFFF, v2  }
0x119: {  	[tilespmem:$0x1FA70] =	vst v2;
	v2 =	vld [tilespmem:$0x1FF00];
	_ =	sdelay $0x3  }
0x11a: {  	vm9 =	vlt.f32 v21, v53  }
0x11b: {  	vm14 =	vlt.f32 v27, v52;
	vm3 =	vmand vm13, vm9;
	vm13 =	vle.f32 v27, v52  }
0x11c: {  	vm9 =	vmor vm8, vm3;
	vm8 =	vmand vm14, vm11;
	vm7 =	vmand vm15, vm13  }
0x11d: {  	vm8 =	vmor vm8, vm7;
	vm7 =	vmmov $0x3f  }
0x11e: {  	vm4 =	vmneg vm7;
	v34 =	vld.idx.msk [tilespmem:v2+s5+$0x0], $0xffff;
	v2 =	vimm.s32 $0x0  }
0x11f: {  	v2 =	vsel vm4, $0xFFFFFFFF, v2  }
0x120: {  	[tilespmem:$0x1FA80] =	vst v2;
	v2 =	vld [tilespmem:$0x1FF30];
	_ =	sdelay $0x3  }
0x121: {  	vm3 =	vle.f32 v27, v53;
	vm6 =	vle.f32 v28, v52  }
0x122: {  	v27 =	vsel vm8, $0x1, v51;
	vm8 =	vmand vm4, vm6;
	vm4 =	vnez.u8 v2;
	v2 =	vld [tilespmem:$0x1FEE0];
	_ =	sdelay $0x7  }
0x123: {  	v35 =	vld.idx.msk [tilespmem:v2+s5+$0x0], $0xffff  }
0x124: {  	v26 =	vsel vm9, $0x1, v51;
	vm9 =	vmand vm0, vm3;
	v2 =	vld [tilespmem:$0x1FF10]  }
0x125: {  	vm5 =	vmor vm9, vm5;
	vm14 =	vlt.f32 v28, v53;
	vm13 =	vlt.f32 v28, v52  }
0x126: {  	vm6 =	vmand vm13, vm7;
	vm13 =	vle.f32 v28, v53;
	vm15 =	vmneg vm4  }
0x127: {  	vm8 =	vmor vm6, vm8;
	vm13 =	vmand vm4, vm13;
	vm6 =	vmand vm15, vm14  }
0x128: {  	v28 =	vsel vm5, $0x1, v51;
	vm5 =	vmmov $0x1f;
	vm14 =	vmor vm13, vm6  }
0x129: {  	vm6 =	vmneg vm5;
	vm0 =	vnez.u8 v2;
	v2 =	vimm.s32 $0x0  }
0x12a: {  	v2 =	vsel vm6, $0xFFFFFFFF, v2  }
0x12b: {  	[tilespmem:$0x1FA90] =	vst v2;
	v2 =	vld [tilespmem:$0x1FEC0];
	_ =	sdelay $0x2  }
0x12c: {  	v32 =	vsel vm8, $0x1, v51;
	vm9 =	vle.f32 v34, v52  }
0x12d: {  	vm4 =	vlt.f32 v34, v52;
	vm15 =	vlt.f32 v34, v53;
	vm3 =	vmneg vm0  }
0x12e: {  	vm13 =	vmand vm4, vm5;
	vm8 =	vmand vm3, vm15;
	vm3 =	vle.f32 v34, v53  }
0x12f: {  	v33 =	vsel vm14, $0x1, v51;
	vm9 =	vmand vm6, vm9;
	vm14 =	vmand vm0, vm3  }
0x130: {  	vm9 =	vmor vm13, vm9;
	vm13 =	vmor vm14, vm8;
	vm8 =	vmmov $0xf  }
0x131: {  	vm12 =	vmneg vm8;
	v38 =	vld.idx.msk [tilespmem:v2+s5+$0x0], $0xffff;
	v2 =	vimm.s32 $0x0  }
0x132: {  	v2 =	vsel vm12, $0xFFFFFFFF, v2  }
0x133: {  	[tilespmem:$0x1FAC0] =	vst v2;
	v2 =	vld [tilespmem:$0x1FEF0];
	_ =	sdelay $0x3  }
0x134: {  	vm6 =	vlt.f32 v35, v52  }
0x135: {  	vm14 =	vmand vm6, vm8;
	vm6 =	vnez.u8 v2;
	v2 =	vld [tilespmem:$0x1FEA0];
	_ =	sdelay $0x2  }
0x136: {  	vm4 =	vle.f32 v35, v52  }
0x137: {  	v34 =	vsel vm9, $0x1, v51;
	vm9 =	vmand vm12, vm4  }
0x138: {  	vm15 =	vle.f32 v35, v53;
	vm9 =	vmor vm14, vm9  }
0x139: {  	vm4 =	vlt.f32 v35, v53;
	v36 =	vsel vm9, $0x1, v51;
	vm12 =	vmneg vm6  }
0x13a: {  	vm9 =	vmmov $0x7;
	vm0 =	vmand vm12, vm4;
	vm4 =	vmand vm6, vm15  }
0x13b: {  	vm0 =	vmor vm4, vm0;
	vm4 =	vmneg vm9;
	v39 =	vld.idx.msk [tilespmem:v2+s5+$0x0], $0xffff;
	v2 =	vimm.s32 $0x0  }
0x13c: {  	v2 =	vsel vm4, $0xFFFFFFFF, v2  }
0x13d: {  	[tilespmem:$0x1FAD0] =	vst v2;
	v2 =	vld [tilespmem:$0x1FED0];
	_ =	sdelay $0x1  }
0x13e: {  	v37 =	vsel vm0, $0x1, v51;
	vm0 =	vle.f32 v38, v52  }
0x13f: {  	v21 =	vsel vm1, $0x1, v51;
	vm1 =	vmand vm4, vm0;
	vm4 =	vlt.f32 v38, v52  }
0x140: {  	v35 =	vsel vm13, $0x1, v51;
	vm13 =	vmand vm4, vm9  }
0x141: {  	vm4 =	vmmov $0x3;
	vm3 =	vnez.u8 v2;
	v2 =	vimm.s32 $0x0  }
0x142: {  	v2 =	vsel vm4, $0xFFFFFFFF, v2  }
0x143: {  	[tilespmem:$0x1FC00] =	vst v2;
	v2 =	vld [tilespmem:$0x1FE80];
	_ =	sdelay $0x6  }
0x144: {  	vm14 =	vle.f32 v38, v53;
	vm6 =	vlt.f32 v38, v53;
	vm12 =	vmneg vm4  }
0x145: {  	vm15 =	vle.f32 v39, v52;
	vm2 =	vmneg vm3;
	v40 =	vld.idx.msk [tilespmem:v2+s5+$0x0], $0xffff;
	v2 =	vimm.s32 $0x0  }
0x146: {  	vm14 =	vmand vm3, vm14;
	vm2 =	vmand vm2, vm6;
	v2 =	vsel vm12, $0xFFFFFFFF, v2  }
0x147: {  	vm6 =	vlt.f32 v39, v52;
	vm14 =	vmor vm14, vm2;
	[tilespmem:$0x1FBF0] =	vst v2;
	v2 =	vimm.s32 $0x0  }
0x148: {  	vm15 =	vmand vm12, vm15;
	vm0 =	vmand vm6, vm4;
	v2 =	vsel vm14, $0xFFFFFFFF, v2  }
0x149: {  	vm0 =	vmor vm0, vm15;
	[tilespmem:$0x1FA50] =	vst v2;
	v2 =	vimm.s32 $0x0  }
0x14a: {  	v2 =	vsel vm0, $0xFFFFFFFF, v2  }
0x14b: {  	[tilespmem:$0x1FAA0] =	vst v2;
	v2 =	vld [tilespmem:$0x1FEB0];
	_ =	sdelay $0x4  }
0x14c: {  	vm3 =	vmmov $0x1;
	vm12 =	vnez.u8 v2;
	v2 =	vimm.s32 $0x0  }
0x14d: {  	v2 =	vsel vm3, $0xFFFFFFFF, v2  }
0x14e: {  	[tilespmem:$0x1FC20] =	vst v2;
	v2 =	vld [tilespmem:$0x1FE30];
	_ =	sdelay $0x6  }
0x14f: {  	vm6 =	vlt.f32 v39, v53;
	vm15 =	vle.f32 v39, v53;
	vm14 =	vmneg vm12  }
0x150: {  	vm0 =	vmand vm12, vm15;
	vm15 =	vmneg vm3;
	v45 =	vld.idx.msk [tilespmem:v2+s5+$0x0], $0xffff;
	v2 =	vimm.s32 $0x0  }
0x151: {  	vm13 =	vmor vm13, vm1;
	vm1 =	vmand vm14, vm6;
	v2 =	vsel vm15, $0xFFFFFFFF, v2  }
0x152: {  	vm0 =	vmor vm0, vm1;
	[tilespmem:$0x1FC10] =	vst v2;
	v2 =	vimm.s32 $0x0  }
0x153: {  	v2 =	vsel vm0, $0xFFFFFFFF, v2  }
0x154: {  	[tilespmem:$0x1FAB0] =	vst v2;
	v2 =	vld [tilespmem:$0x1FE90];
	_ =	sdelay $0x2  }
0x155: {  	vm14 =	vlt.f32 v40, v52  }
0x156: {  	vm2 =	vle.f32 v40, v52;
	vm1 =	vmand vm14, vm3;
	vm14 =	vlt.f32 v40, v53  }
0x157: {  	vm0 =	vmand vm15, vm2;
	vm2 =	vle.f32 v40, v53;
	vm3 =	vnez.u8 v2  }
0x158: {  	vm0 =	vmor vm1, vm0;
	v2 =	vimm.s32 $0x0;
	vm6 =	vmneg vm3  }
0x159: {  	v2 =	vsel vm0, $0xFFFFFFFF, v2;
	vm4 =	vmand vm3, vm2;
	vm15 =	vmand vm6, vm14  }
0x15a: {  	[tilespmem:$0x1FAE0] =	vst v2;
	v2 =	vimm.s32 $0x0;
	vm0 =	vmor vm4, vm15  }
0x15b: {  	v2 =	vsel vm0, $0xFFFFFFFF, v2  }
0x15c: {  	[tilespmem:$0x1FAF0] =	vst v2;
	v2 =	vld [tilespmem:$0x1FE70];
	_ =	sdelay $0x4  }
0x15d: {  	vm1 =	vnez.u8 v2;
	v2 =	vld [tilespmem:$0x1FE00];
	_ =	sdelay $0x7  }
0x15e: {  	v46 =	vld.idx.msk [tilespmem:v2+s5+$0x0], $0xffff  }
0x15f: {  	v2 =	vld [tilespmem:$0x1FE40];
	_ =	sdelay $0x3  }
0x160: {  	v38 =	vld.idx.msk [tilespmem:v4+s5+$0x0], $0xffff  }
0x161: {  	vm0 =	vnez.u8 v2;
	v2 =	vld [tilespmem:$0x1F970];
	_ =	sdelay $0x3  }
0x162: {  	vm12 =	vlt.f32 v38, v52;
	vm3 =	vmneg vm1  }
0x163: {  	vm3 =	vmand vm3, vm12;
	vm12 =	vnez.u8 v2;
	v2 =	vld [tilespmem:$0x1F980];
	_ =	sdelay $0x3  }
0x164: {  	vm2 =	vlt.f32 v45, v52;
	vm6 =	vmneg vm0  }
0x165: {  	vm4 =	vmand vm6, vm2;
	vm6 =	vnez.u8 v2;
	v2 =	vld [tilespmem:$0x1FDE0];
	_ =	sdelay $0x4  }
0x166: {  	vm14 =	vle.f32 v38, v52  }
0x167: {  	vm14 =	vmand vm1, vm14  }
0x168: {  	vm15 =	vle.f32 v45, v53;
	vm14 =	vmor vm14, vm3  }
0x169: {  	vm2 =	vmand vm12, vm15;
	vm15 =	vle.f32 v45, v52;
	v47 =	vld.idx.msk [tilespmem:v2+s5+$0x0], $0xffff;
	v2 =	vimm.s32 $0x0  }
0x16a: {  	vm15 =	vmand vm0, vm15;
	v2 =	vsel vm14, $0xFFFFFFFF, v2  }
0x16b: {  	vm12 =	vlt.f32 v45, v53;
	vm15 =	vmor vm15, vm4;
	[tilespmem:$0x1FB00] =	vst v2;
	v2 =	vimm.s32 $0x0  }
0x16c: {  	vm12 =	vmand vm12, vm6;
	v2 =	vsel vm15, $0xFFFFFFFF, v2  }
0x16d: {  	vm4 =	vmor vm12, vm2;
	[tilespmem:$0x1FB10] =	vst v2;
	v2 =	vimm.s32 $0x0  }
0x16e: {  	v2 =	vsel vm4, $0xFFFFFFFF, v2  }
0x16f: {  	[tilespmem:$0x1FB20] =	vst v2;
	v2 =	vld [tilespmem:$0x1FE10];
	_ =	sdelay $0x4  }
0x170: {  	vm6 =	vnez.u8 v2  }
0x171: {  	vm1 =	vlt.f32 v46, v52;
	vm0 =	vle.f32 v46, v52;
	vm4 =	vmneg vm6  }
0x172: {  	vm0 =	vmand vm6, vm0;
	vm1 =	vmand vm4, vm1  }
0x173: {  	v2 =	vimm.s32 $0x0;
	vm0 =	vmor vm0, vm1  }
0x174: {  	v2 =	vsel vm0, $0xFFFFFFFF, v2  }
0x175: {  	[tilespmem:$0x1FB30] =	vst v2;
	v2 =	vld [tilespmem:$0x1F990];
	_ =	sdelay $0x4  }
0x176: {  	vm12 =	vnez.u8 v2;
	v2 =	vld [tilespmem:$0x1FDC0];
	_ =	sdelay $0x7  }
0x177: {  	v41 =	vld.idx.msk [tilespmem:v2+s5+$0x0], $0xffff  }
0x178: {  	v2 =	vld [tilespmem:$0x1F9A0];
	_ =	sdelay $0x4  }
0x179: {  	vm15 =	vnez.u8 v2;
	v2 =	vld [tilespmem:$0x1FDF0];
	_ =	sdelay $0x2  }
0x17a: {  	vm14 =	vlt.f32 v46, v53;
	vm6 =	vle.f32 v46, v53  }
0x17b: {  	vm0 =	vmand vm12, vm6;
	vm1 =	vmand vm14, vm15  }
0x17c: {  	vm0 =	vmor vm1, vm0;
	vm4 =	vnez.u8 v2;
	v2 =	vimm.s32 $0x0  }
0x17d: {  	v2 =	vsel vm0, $0xFFFFFFFF, v2  }
0x17e: {  	[tilespmem:$0x1FB40] =	vst v2;
	v2 =	vld [tilespmem:$0x1FDA0];
	_ =	sdelay $0x5  }
0x17f: {  	vm2 =	vlt.f32 v47, v52;
	vm15 =	vle.f32 v47, v52;
	vm6 =	vmneg vm4  }
0x180: {  	vm1 =	vmand vm4, vm15;
	vm0 =	vmand vm6, vm2  }
0x181: {  	vm0 =	vmor vm1, vm0;
	v48 =	vld.idx.msk [tilespmem:v2+s5+$0x0], $0xffff;
	v2 =	vimm.s32 $0x0  }
0x182: {  	v2 =	vsel vm0, $0xFFFFFFFF, v2  }
0x183: {  	[tilespmem:$0x1FB50] =	vst v2;
	v2 =	vld [tilespmem:$0x1F9B0];
	_ =	sdelay $0x4  }
0x184: {  	vm15 =	vnez.u8 v2;
	v2 =	vld [tilespmem:$0x1F9C0];
	_ =	sdelay $0x3  }
0x185: {  	vm4 =	vle.f32 v47, v53  }
0x186: {  	vm0 =	vmand vm15, vm4;
	vm4 =	vnez.u8 v2;
	v2 =	vld [tilespmem:$0x1FDD0];
	_ =	sdelay $0x3  }
0x187: {  	vm6 =	vlt.f32 v47, v53;
	vm2 =	vle.f32 v41, v52  }
0x188: {  	vm1 =	vmand vm6, vm4;
	vm6 =	vlt.f32 v41, v52;
	vm3 =	vnez.u8 v2  }
0x189: {  	vm0 =	vmor vm1, vm0;
	v2 =	vimm.s32 $0x0;
	vm4 =	vmneg vm3  }
0x18a: {  	vm2 =	vmand vm3, vm2;
	v2 =	vsel vm0, $0xFFFFFFFF, v2;
	vm12 =	vmand vm4, vm6  }
0x18b: {  	[tilespmem:$0x1FB60] =	vst v2;
	v2 =	vimm.s32 $0x0;
	vm15 =	vmor vm2, vm12  }
0x18c: {  	v2 =	vsel vm15, $0xFFFFFFFF, v2  }
0x18d: {  	[tilespmem:$0x1FB70] =	vst v2;
	v2 =	vld [tilespmem:$0x1F9D0];
	_ =	sdelay $0x4  }
0x18e: {  	vm4 =	vnez.u8 v2;
	v2 =	vld [tilespmem:$0x1FD80];
	_ =	sdelay $0x7  }
0x18f: {  	v42 =	vld.idx.msk [tilespmem:v2+s5+$0x0], $0xffff  }
0x190: {  	v2 =	vld [tilespmem:$0x1FDB0];
	_ =	sdelay $0x4  }
0x191: {  	vm15 =	vnez.u8 v2;
	v2 =	vld [tilespmem:$0x1F9E0];
	_ =	sdelay $0x4  }
0x192: {  	vm14 =	vnez.u8 v2;
	v2 =	vld [tilespmem:$0x1F9F0];
	_ =	sdelay $0x2  }
0x193: {  	vm6 =	vle.f32 v41, v53  }
0x194: {  	vm2 =	vlt.f32 v48, v52;
	vm0 =	vmand vm4, vm6;
	vm6 =	vmneg vm15  }
0x195: {  	vm2 =	vmand vm6, vm2;
	vm6 =	vnez.u8 v2;
	v2 =	vld [tilespmem:$0x1FD60];
	_ =	sdelay $0x5  }
0x196: {  	vm1 =	vlt.f32 v41, v53  }
0x197: {  	v39 =	vsel vm13, $0x1, v51;
	vm13 =	vle.f32 v48, v53;
	vm1 =	vmand vm1, vm14  }
0x198: {  	vm12 =	vle.f32 v48, v52;
	vm0 =	vmor vm1, vm0;
	v49 =	vld.idx.msk [tilespmem:v2+s5+$0x0], $0xffff;
	v2 =	vimm.s32 $0x0  }
0x199: {  	vm12 =	vmand vm15, vm12;
	vm14 =	vlt.f32 v48, v53;
	v2 =	vsel vm0, $0xFFFFFFFF, v2  }
0x19a: {  	vm13 =	vmand vm6, vm13;
	vm6 =	vmor vm12, vm2;
	[tilespmem:$0x1FB80] =	vst v2;
	v2 =	vimm.s32 $0x0  }
0x19b: {  	vm10 =	vmand vm14, vm10;
	v2 =	vsel vm6, $0xFFFFFFFF, v2  }
0x19c: {  	vm10 =	vmor vm10, vm13;
	[tilespmem:$0x1FB90] =	vst v2;
	v2 =	vimm.s32 $0x0  }
0x19d: {  	v2 =	vsel vm10, $0xFFFFFFFF, v2  }
0x19e: {  	[tilespmem:$0x1FBA0] =	vst v2;
	v2 =	vld [tilespmem:$0x1FD90];
	_ =	sdelay $0x4  }
0x19f: {  	vm14 =	vnez.u8 v2  }
0x1a0: {  	vm12 =	vle.f32 v42, v52;
	vm13 =	vlt.f32 v42, v52;
	vm15 =	vmneg vm14  }
0x1a1: {  	vm0 =	vmand vm14, vm12;
	vm1 =	vmand vm15, vm13  }
0x1a2: {  	v2 =	vimm.s32 $0x0;
	vm0 =	vmor vm0, vm1  }
0x1a3: {  	v2 =	vsel vm0, $0xFFFFFFFF, v2  }
0x1a4: {  	[tilespmem:$0x1FBB0] =	vst v2;
	v2 =	vld [tilespmem:$0x1FA00];
	_ =	sdelay $0x4  }
0x1a5: {  	vm6 =	vnez.u8 v2;
	v2 =	vld [tilespmem:$0x1FD40];
	_ =	sdelay $0x7  }
0x1a6: {  	v45 =	vld.idx.msk [tilespmem:v2+s5+$0x0], $0xffff  }
0x1a7: {  	v2 =	vld [tilespmem:$0x1FA10];
	_ =	sdelay $0x4  }
0x1a8: {  	vm12 =	vnez.u8 v2;
	v2 =	vld [tilespmem:$0x1FD70];
	_ =	sdelay $0x2  }
0x1a9: {  	vm4 =	vle.f32 v42, v53;
	vm10 =	vlt.f32 v42, v53  }
0x1aa: {  	vm0 =	vmand vm6, vm4;
	vm1 =	vmand vm10, vm12  }
0x1ab: {  	vm0 =	vmor vm1, vm0;
	vm14 =	vnez.u8 v2;
	v2 =	vimm.s32 $0x0  }
0x1ac: {  	v2 =	vsel vm0, $0xFFFFFFFF, v2  }
0x1ad: {  	[tilespmem:$0x1FBC0] =	vst v2;
	v2 =	vld [tilespmem:$0x1FD20];
	_ =	sdelay $0x4  }
0x1ae: {  	vm13 =	vlt.f32 v49, v52;
	vm15 =	vmneg vm14  }
0x1af: {  	vm12 =	vmand vm15, vm13;
	vm13 =	vle.f32 v49, v52  }
0x1b0: {  	vm1 =	vmand vm14, vm13  }
0x1b1: {  	vm0 =	vmor vm1, vm12;
	v46 =	vld.idx.msk [tilespmem:v2+s5+$0x0], $0xffff;
	v2 =	vimm.s32 $0x0  }
0x1b2: {  	v2 =	vsel vm0, $0xFFFFFFFF, v2  }
0x1b3: {  	[tilespmem:$0x1FBD0] =	vst v2;
	v2 =	vld [tilespmem:$0x1FA20];
	_ =	sdelay $0x4  }
0x1b4: {  	vm10 =	vnez.u8 v2;
	v2 =	vld [tilespmem:$0x1FA30];
	_ =	sdelay $0x4  }
0x1b5: {  	vm12 =	vnez.u8 v2;
	v2 =	vld [tilespmem:$0x1FD50];
	_ =	sdelay $0x3  }
0x1b6: {  	vm15 =	vlt.f32 v49, v53;
	vm14 =	vle.f32 v49, v53  }
0x1b7: {  	vm13 =	vle.f32 v45, v52;
	vm1 =	vmand vm15, vm12;
	vm15 =	vnez.u8 v2  }
0x1b8: {  	vm0 =	vmand vm10, vm14;
	vm14 =	vlt.f32 v45, v52;
	vm3 =	vmneg vm15  }
0x1b9: {  	vm2 =	vmand vm15, vm13;
	vm4 =	vmand vm3, vm14  }
0x1ba: {  	v2 =	vimm.s32 $0x0;
	vm12 =	vmor vm2, vm4  }
0x1bb: {  	v2 =	vsel vm12, $0xFFFFFFFF, v2  }
0x1bc: {  	[tilespmem:$0x1FBE0] =	vst v2;
	v2 =	vld [tilespmem:$0x1FA40];
	_ =	sdelay $0x4  }
0x1bd: {  	vm13 =	vnez.u8 v2;
	v2 =	vld [tilespmem:$0x1FD00];
	_ =	sdelay $0x7  }
0x1be: {  	v47 =	vld.idx.msk [tilespmem:v2+s5+$0x0], $0xffff  }
0x1bf: {  	v2 =	vld [tilespmem:$0x1FD30];
	_ =	sdelay $0x4  }
0x1c0: {  	vm12 =	vnez.u8 v2;
	v2 =	vld [tilespmem:$0x1FA50];
	_ =	sdelay $0x4  }
0x1c1: {  	vm6 =	vnez.u8 v2;
	v2 =	vld [tilespmem:$0x1FA60];
	_ =	sdelay $0x3  }
0x1c2: {  	vm10 =	vle.f32 v45, v53  }
0x1c3: {  	vm15 =	vmor vm1, vm0;
	vm0 =	vmand vm13, vm10;
	vm10 =	vnez.u8 v2;
	v2 =	vld [tilespmem:$0x1FA70];
	_ =	sdelay $0x3  }
0x1c4: {  	vm2 =	vlt.f32 v46, v52;
	vm14 =	vmneg vm12  }
0x1c5: {  	vm2 =	vmand vm14, vm2;
	vm14 =	vnez.u8 v2;
	v2 =	vld [tilespmem:$0x1FCE0];
	_ =	sdelay $0x7  }
0x1c6: {  	v48 =	vld.idx.msk [tilespmem:v2+s5+$0x0], $0xffff  }
0x1c7: {  	v2 =	vld [tilespmem:$0x1FD10];
	_ =	sdelay $0x3  }
0x1c8: {  	vm4 =	vle.f32 v46, v52  }
0x1c9: {  	vm4 =	vmand vm12, vm4;
	vm12 =	vnez.u8 v2;
	v2 =	vld [tilespmem:$0x1FA80];
	_ =	sdelay $0x1  }
0x1ca: {  	vm13 =	vlt.f32 v46, v53  }
0x1cb: {  	vm1 =	vlt.f32 v45, v53;
	vm3 =	vmand vm13, vm11;
	vm13 =	vmor vm4, vm2  }
0x1cc: {  	vm1 =	vmand vm1, vm10;
	vm10 =	vlt.f32 v47, v52;
	vm4 =	vmneg vm12  }
0x1cd: {  	vm11 =	vmor vm1, vm0;
	vm1 =	vmand vm4, vm10;
	vm10 =	vnez.u8 v2;
	v2 =	vld [tilespmem:$0x1FCC0];
	_ =	sdelay $0x7  }
0x1ce: {  	v43 =	vld.idx.msk [tilespmem:v2+s5+$0x0], $0xffff  }
0x1cf: {  	v2 =	vld [tilespmem:$0x1FCF0]  }
0x1d0: {  	v41 =	vsel vm6, $0x1, v51;
	vm6 =	vle.f32 v46, v53  }
0x1d1: {  	vm6 =	vmand vm14, vm6  }
0x1d2: {  	vm14 =	vmor vm3, vm6;
	vm6 =	vle.f32 v47, v52  }
0x1d3: {  	vm0 =	vmand vm12, vm6;
	vm4 =	vlt.f32 v47, v53  }
0x1d4: {  	vm12 =	vmor vm0, vm1;
	vm1 =	vmand vm4, vm7;
	vm4 =	vnez.u8 v2;
	v2 =	vld [tilespmem:$0x1FA90];
	_ =	sdelay $0x2  }
0x1d5: {  	vm6 =	vle.f32 v47, v53  }
0x1d6: {  	vm2 =	vlt.f32 v48, v52;
	vm0 =	vmand vm10, vm6;
	vm6 =	vmneg vm4  }
0x1d7: {  	vm3 =	vmand vm6, vm2;
	vm6 =	vnez.u8 v2;
	v2 =	vld [tilespmem:$0x1FCA0];
	_ =	sdelay $0x7  }
0x1d8: {  	v49 =	vld.idx.msk [tilespmem:v2+s5+$0x0], $0xffff  }
0x1d9: {  	v2 =	vld [tilespmem:$0x1FCD0];
	_ =	sdelay $0x3  }
0x1da: {  	vm7 =	vle.f32 v48, v52  }
0x1db: {  	vm10 =	vmor vm1, vm0;
	vm1 =	vmand vm4, vm7;
	vm4 =	vnez.u8 v2;
	v2 =	vld [tilespmem:$0x1FAA0];
	_ =	sdelay $0x2  }
0x1dc: {  	vm0 =	vlt.f32 v48, v53;
	vm2 =	vle.f32 v48, v53  }
0x1dd: {  	vm5 =	vmand vm0, vm5;
	vm7 =	vmor vm1, vm3;
	vm3 =	vmand vm6, vm2  }
0x1de: {  	vm6 =	vmor vm5, vm3;
	vm5 =	vnez.u8 v2;
	v2 =	vld [tilespmem:$0x1FAB0];
	_ =	sdelay $0x2  }
0x1df: {  	vm1 =	vlt.f32 v43, v52;
	vm2 =	vle.f32 v43, v52;
	vm0 =	vmneg vm4  }
0x1e0: {  	vm4 =	vmand vm4, vm2;
	vm0 =	vmand vm0, vm1  }
0x1e1: {  	v42 =	vsel vm5, $0x1, v51;
	vm5 =	vmor vm4, vm0;
	vm4 =	vnez.u8 v2;
	v2 =	vld [tilespmem:$0x1FAC0];
	_ =	sdelay $0x4  }
0x1e2: {  	v44 =	vsel vm4, $0x1, v51;
	vm4 =	vnez.u8 v2;
	v2 =	vld [tilespmem:$0x1FCB0];
	_ =	sdelay $0x3  }
0x1e3: {  	vm0 =	vle.f32 v43, v53  }
0x1e4: {  	vm2 =	vmand vm4, vm0;
	vm0 =	vnez.u8 v2;
	v2 =	vld [tilespmem:$0x1FAD0];
	_ =	sdelay $0x1  }
0x1e5: {  	vm3 =	vlt.f32 v49, v52;
	vm4 =	vlt.f32 v43, v53  }
0x1e6: {  	vm1 =	vle.f32 v49, v52;
	vm8 =	vmand vm4, vm8;
	vm4 =	vmneg vm0  }
0x1e7: {  	vm1 =	vmand vm0, vm1;
	vm4 =	vmand vm4, vm3  }
0x1e8: {  	vm1 =	vmor vm1, vm4;
	vm4 =	vnez.u8 v2;
	v2 =	vld [tilespmem:$0x1FAE0];
	_ =	sdelay $0x3  }
0x1e9: {  	vm8 =	vmor vm8, vm2;
	vm2 =	vle.f32 v49, v53  }
0x1ea: {  	vm0 =	vmand vm4, vm2;
	vm4 =	vnez.u8 v2;
	v2 =	vld [tilespmem:$0x1FAF0];
	_ =	sdelay $0x3  }
0x1eb: {  	v55 =	vadd.s32 v57, v55  }
0x1ec: {  	v55 =	vadd.s32 v59, v55;
	v40 =	vsel vm4, $0x1, v51;
	vm4 =	vnez.u8 v2;
	v2 =	vld [tilespmem:$0x1FB00]  }
0x1ed: {  	v55 =	vadd.s32 v61, v55  }
0x1ee: {  	v55 =	vadd.s32 v63, v55  }
0x1ef: {  	v3 =	vadd.s32 v3, v55  }
0x1f0: {  	v3 =	vadd.s32 v12, v3;
	vm3 =	vlt.f32 v49, v53  }
0x1f1: {  	v3 =	vadd.s32 v17, v3;
	vm9 =	vmand vm3, vm9;
	vm3 =	vnez.u8 v2;
	v2 =	vld [tilespmem:$0x1FB10]  }
0x1f2: {  	v54 =	vadd.s32 v56, v54;
	v3 =	vadd.s32 v21, v3  }
0x1f3: {  	v54 =	vadd.s32 v58, v54;
	v3 =	vadd.s32 v26, v3  }
0x1f4: {  	v54 =	vadd.s32 v60, v54;
	v3 =	vadd.s32 v28, v3;
	v28 =	vld [tilespmem:$0x1FC80]  }
0x1f5: {  	v54 =	vadd.s32 v62, v54  }
0x1f6: {  	v0 =	vadd.s32 v0, v54;
	v43 =	vsel vm4, $0x1, v51;
	vm4 =	vnez.u8 v2;
	v2 =	vld [tilespmem:$0x1FB20]  }
0x1f7: {  	v0 =	vadd.s32 v50, v0  }
0x1f8: {  	v0 =	vadd.s32 v14, v0  }
0x1f9: {  	v0 =	vadd.s32 v18, v0  }
0x1fa: {  	v0 =	vadd.s32 v22, v0  }
0x1fb: {  	v0 =	vadd.s32 v27, v0;
	v46 =	vsel vm4, $0x1, v51;
	vm4 =	vnez.u8 v2;
	v2 =	vld [tilespmem:$0x1FB30]  }
0x1fc: {  	v0 =	vadd.s32 v32, v0;
	v28 =	vld.idx.msk [tilespmem:v28+s5+$0x0], $0xffff  }
0x1fd: {  	v3 =	vadd.s32 v33, v3;
	v0 =	vadd.s32 v34, v0  }
0x1fe: {  	v3 =	vadd.s32 v35, v3;
	v0 =	vadd.s32 v36, v0  }
0x1ff: {  	v3 =	vadd.s32 v37, v3;
	v0 =	vadd.s32 v39, v0  }
0x200: {  	v12 =	vsel vm15, $0x1, v51;
	v47 =	vsel vm4, $0x1, v51;
	vm4 =	vnez.u8 v2;
	v2 =	vld [tilespmem:$0x1FB40]  }
0x201: {  	v18 =	vsel vm13, $0x1, v51;
	vm13 =	vle.f32 v28, v52;
	v3 =	vadd.s32 v41, v3  }
0x202: {  	v17 =	vsel vm11, $0x1, v51;
	v21 =	vsel vm14, $0x1, v51;
	vm14 =	vle.f32 v28, v53  }
0x203: {  	v22 =	vsel vm12, $0x1, v51;
	v26 =	vsel vm10, $0x1, v51;
	vm10 =	vlt.f32 v28, v52  }
0x204: {  	v6 =	vld [tilespmem:$0x1FB60];
	v27 =	vsel vm7, $0x1, v51;
	v55 =	vsel vm6, $0x1, v51;
	vm6 =	vlt.f32 v28, v53  }
0x205: {  	vm2 =	vlt.f32 v38, v53;
	v48 =	vsel vm4, $0x1, v51;
	vm4 =	vnez.u8 v2;
	v2 =	vld [tilespmem:$0x1FB50]  }
0x206: {  	v9 =	vld [tilespmem:$0x1FB70];
	v0 =	vadd.s32 v42, v0;
	v3 =	vadd.s32 v44, v3;
	v45 =	vsel vm2, $0x1, v51  }
0x207: {  	v10 =	vld [tilespmem:$0x1FB80];
	v0 =	vadd.s32 v40, v0;
	v3 =	vadd.s32 v43, v3;
	v38 =	vsel vm3, $0x1, v51  }
0x208: {  	v56 =	vld [tilespmem:$0x1FB90];
	v60 =	vsel vm5, $0x1, v51;
	v3 =	vadd.s32 v45, v3;
	v0 =	vadd.s32 v38, v0  }
0x209: {  	v57 =	vld [tilespmem:$0x1FBA0];
	vm0 =	vmor vm9, vm0;
	v0 =	vadd.s32 v46, v0;
	v3 =	vadd.s32 v47, v3  }
0x20a: {  	v61 =	vld [tilespmem:$0x1FBB0];
	v0 =	vadd.s32 v48, v0;
	v49 =	vsel vm4, $0x1, v51;
	vm4 =	vnez.u8 v2  }
0x20b: {  	v62 =	vld [tilespmem:$0x1FBC0];
	v3 =	vadd.s32 v49, v3;
	v2 =	vsel vm4, $0x1, v51;
	vm4 =	vnez.u8 v6  }
0x20c: {  	v63 =	vld [tilespmem:$0x1FBD0];
	v6 =	vsel vm4, $0x1, v51;
	vm4 =	vnez.u8 v9;
	v0 =	vadd.s32 v2, v0  }
0x20d: {  	v9 =	vsel vm4, $0x1, v51;
	vm4 =	vnez.u8 v10;
	v2 =	vadd.s32 v6, v3;
	v3 =	vld [tilespmem:$0x1FC60]  }
0x20e: {  	v6 =	vld [tilespmem:$0x1FBF0];
	v10 =	vsel vm4, $0x1, v51;
	vm4 =	vnez.u8 v56;
	v0 =	vadd.s32 v9, v0  }
0x20f: {  	v14 =	vld [tilespmem:$0x1FBE0];
	v56 =	vsel vm4, $0x1, v51;
	vm4 =	vnez.u8 v57;
	v2 =	vadd.s32 v10, v2  }
0x210: {  	v9 =	vld [tilespmem:$0x1FC00];
	v57 =	vsel vm4, $0x1, v51;
	vm4 =	vnez.u8 v61;
	v61 =	vsel vm8, $0x1, v51  }
0x211: {  	v10 =	vld [tilespmem:$0x1FC70];
	v0 =	vadd.s32 v56, v0;
	v58 =	vsel vm4, $0x1, v51;
	vm4 =	vnez.u8 v62  }
0x212: {  	v62 =	vsel vm1, $0x1, v51;
	v59 =	vsel vm4, $0x1, v51;
	vm4 =	vnez.u8 v63;
	v63 =	vld [tilespmem:$0x1FC90]  }
0x213: {  	v2 =	vadd.s32 v57, v2;
	vm15 =	vnez.u8 v6;
	v6 =	vsel vm0, $0x1, v51  }
0x214: {  	v0 =	vadd.s32 v58, v0;
	v54 =	vsel vm4, $0x1, v51;
	vm4 =	vnez.u8 v14  }
0x215: {  	vm7 =	vnez.u8 v9;
	v2 =	vadd.s32 v59, v2;
	v14 =	vsel vm4, $0x1, v51;
	v3 =	vld.idx.msk [tilespmem:v3+s5+$0x0], $0xffff  }
0x216: {  	v0 =	vadd.s32 v54, v0;
	vm9 =	vnez.u8 v10;
	v2 =	vadd.s32 v12, v2  }
0x217: {  	v0 =	vadd.s32 v14, v0;
	v2 =	vadd.s32 v17, v2;
	vm11 =	vnez.u8 v63  }
0x218: {  	v10 =	vld [tilespmem:$0x1FC10];
	v0 =	vadd.s32 v18, v0;
	v2 =	vadd.s32 v21, v2;
	vm12 =	vmneg vm11  }
0x219: {  	v0 =	vadd.s32 v22, v0;
	vm2 =	vmand vm11, vm13;
	vm1 =	vmand vm12, vm10  }
0x21a: {  	vm1 =	vmor vm2, vm1;
	vm2 =	vmand vm15, vm14;
	vm8 =	vlt.f32 v3, v52  }
0x21b: {  	vm11 =	vle.f32 v3, v52;
	vm12 =	vle.f32 v3, v53;
	vm14 =	vlt.f32 v3, v53;
	v3 =	vld [tilespmem:$0x1FC20]  }
0x21c: {  	vm0 =	vmand vm6, vm7;
	v2 =	vadd.s32 v26, v2;
	v0 =	vadd.s32 v27, v0  }
0x21d: {  	v2 =	vadd.s32 v55, v2;
	vm10 =	vmneg vm9;
	vm13 =	vnez.u8 v10  }
0x21e: {  	v0 =	vadd.s32 v60, v0;
	v2 =	vadd.s32 v61, v2;
	vm0 =	vmor vm0, vm2  }
0x21f: {  	v9 =	vsel vm1, $0x1, v51;
	vm1 =	vmand vm10, vm8;
	vm2 =	vmand vm9, vm11  }
.Ltmp5:
0x220: {  	v0 =	vadd.s32 v62, v0;
	vm1 =	vmor vm2, vm1;
	vm15 =	vnez.u8 v3;
	(pc) =	sbr.rel @p1 .LBB2_9-.Ltmp5, $4  }
0x221: {  	vm2 =	vmand vm13, vm12;
	v10 =	vsel vm0, $0x1, v51;
	vm0 =	vmand vm14, vm15  }
0x222: {  	v2 =	vadd.s32 v6, v2;
	v0 =	vadd.s32 v9, v0;
	vm0 =	vmor vm0, vm2  }
0x223: {  	v2 =	vadd.s32 v10, v2;
	v3 =	vsel vm1, $0x1, v51;
	v6 =	vsel vm0, $0x1, v51  }
0x224: {  	v14 =	vadd.s32 v3, v0;
	v12 =	vadd.s32 v6, v2  }
0x225: {  	v2 =	vor.u32 s10, v15  }
0x226: {  	v3 =	vor.u32 s10, v1;
	_ =	sdelay $0x1  }
0x227: {  	v0 =	vor.u32 s10, v11  }
0x228: {  	v6 =	vor.u32 s10, v5  }
0x229: {  	v9 =	vor.u32 s10, v7;
	v2 =	vld.idx.msk [tilespmem:v2+s5+$0x0], $0xffff  }
0x22a: {  	v10 =	vor.u32 s10, v8;
	v17 =	vld.idx.msk [tilespmem:v3+s5+$0x0], $0xffff  }
0x22b: {  	v18 =	vor.u32 s10, v31  }
0x22c: {  	v28 =	vor.u32 s10, v25;
	v0 =	vld.idx.msk [tilespmem:v0+s5+$0x0], $0xffff  }
0x22d: {  	v21 =	vor.u32 s10, v13;
	v22 =	vor.u32 s10, v29;
	v33 =	vor.u32 s10, v19;
	v6 =	vld.idx.msk [tilespmem:v6+s5+$0x0], $0xffff  }
0x22e: {  	v9 =	vld.idx.msk [tilespmem:v9+s5+$0x0], $0xffff;
	vm1 =	vlt.f32 v2, v52;
	vm2 =	vlt.f32 v2, v53;
	v2 =	vor.u32 s10, v30  }
0x22f: {  	v27 =	vor.u32 s10, v23;
	v10 =	vld.idx.msk [tilespmem:v10+s5+$0x0], $0xffff;
	v36 =	vsel vm2, $0x1, v51;
	vm2 =	vlt.f32 v17, v53  }
0x230: {  	v38 =	vld.idx.msk [tilespmem:v18+s5+$0x0], $0xffff;
	v3 =	vsel vm1, $0x1, v51;
	vm1 =	vlt.f32 v17, v52;
	v17 =	vsel vm2, $0x1, v51  }
0x231: {  	v26 =	vor.u32 s10, v24;
	v32 =	vor.u32 s10, v16;
	v12 =	vadd.s32 v17, v12;
	v17 =	vld.idx.msk [tilespmem:v28+s5+$0x0], $0xffff  }
0x232: {  	v34 =	vor.u32 s10, v20;
	vm0 =	vlt.f32 v0, v52;
	vm3 =	vlt.f32 v0, v53;
	v28 =	vld.idx.msk [tilespmem:v33+s5+$0x0], $0xffff  }
0x233: {  	v35 =	vsel vm3, $0x1, v51;
	v37 =	vsel vm0, $0x1, v51;
	vm0 =	vlt.f32 v6, v52;
	v0 =	vld.idx.msk [tilespmem:v2+s5+$0x0], $0xffff  }
0x234: {  	vm2 =	vlt.f32 v9, v53;
	v2 =	vsel vm1, $0x1, v51;
	vm1 =	vlt.f32 v6, v53;
	v6 =	vld.idx.msk [tilespmem:v21+s5+$0x0], $0xffff  }
0x235: {  	v18 =	vsel vm2, $0x1, v51;
	v21 =	vld.idx.msk [tilespmem:v22+s5+$0x0], $0xffff;
	v2 =	vadd.s32 v2, v14;
	v14 =	vsel vm0, $0x1, v51  }
0x236: {  	v22 =	vld.idx.msk [tilespmem:v32+s5+$0x0], $0xffff;
	vm0 =	vlt.f32 v9, v52;
	v2 =	vadd.s32 v14, v2;
	v14 =	vsel vm1, $0x1, v51  }
0x237: {  	vm2 =	vlt.f32 v10, v53;
	v9 =	vadd.s32 v14, v12;
	v12 =	vsel vm0, $0x1, v51  }
0x238: {  	vm0 =	vlt.f32 v10, v52;
	vm4 =	vlt.f32 v28, v52;
	v2 =	vadd.s32 v12, v2  }
0x239: {  	v9 =	vadd.s32 v18, v9;
	v10 =	vsel vm0, $0x1, v51;
	vm0 =	vlt.f32 v38, v52  }
0x23a: {  	vm1 =	vlt.f32 v0, v53;
	v2 =	vadd.s32 v10, v2;
	v10 =	vsel vm2, $0x1, v51  }
0x23b: {  	vm2 =	vlt.f32 v6, v52;
	v12 =	vsel vm0, $0x1, v51;
	vm0 =	vlt.f32 v22, v52  }
0x23c: {  	s14 =	sadd.s32 $0x1, s9;
	vm3 =	vlt.f32 v22, v53;
	vm5 =	vlt.f32 v21, v52;
	v9 =	vadd.s32 v10, v9  }
0x23d: {  	p2 =	slt.u32 s14, $0x3F;
	v18 =	vld.idx.msk [tilespmem:v26+s5+$0x0], $0xffff;
	v10 =	vsel vm2, $0x1, v51;
	v32 =	vsel vm3, $0x1, v51;
	vm3 =	vlt.f32 v6, v53  }
.Ltmp6:
0x23e: {  	vm2 =	vlt.f32 v17, v53;
	v6 =	vsel vm3, $0x1, v51;
	vm3 =	vlt.f32 v28, v53;
	v28 =	vld.idx.msk [tilespmem:v27+s5+$0x0], $0xffff;
	(pc) =	sbr.rel @!p2 .LBB2_8-.Ltmp6, $4  }
0x23f: {  	v22 =	vld.idx.msk [tilespmem:v34+s5+$0x0], $0xffff;
	v14 =	vsel vm1, $0x1, v51;
	vm1 =	vlt.f32 v21, v53;
	v26 =	vsel vm0, $0x1, v51  }
0x240: {  	vm0 =	vlt.f32 v38, v53;
	v2 =	vadd.s32 v37, v2;
	v9 =	vadd.s32 v35, v9  }
0x241: {  	v21 =	vsel vm5, $0x1, v51;
	v27 =	vsel vm4, $0x1, v51;
	v6 =	vadd.s32 v6, v9  }
0x242: {  	s15 =	sadd.s32 $0x10, s10;
	v33 =	vadd.s32 v10, v2;
	v34 =	vadd.s32 v36, v6;
	vm4 =	vlt.f32 v18, v52  }
.LBB2_7:
0x243: {  	v2 =	vor.u32 s15, v11;
	s14 =	sadd.s32 $0x1, s14;
	v6 =	vadd.s32 v32, v34;
	vm5 =	vlt.f32 v28, v53  }
0x244: {  	v9 =	vor.u32 s15, v15;
	vm6 =	vlt.f32 v22, v53;
	vm7 =	vlt.f32 v28, v52;
	p2 =	slt.u32 s14, $0x3F  }
0x245: {  	v10 =	vsel vm3, $0x1, v51;
	v28 =	vsel vm7, $0x1, v51;
	v32 =	vsel vm5, $0x1, v51  }
0x246: {  	v3 =	vadd.s32 v3, v33;
	v6 =	vadd.s32 v10, v6;
	v10 =	vsel vm4, $0x1, v51  }
0x247: {  	vm3 =	vlt.f32 v18, v53;
	v3 =	vadd.s32 v26, v3;
	vm4 =	vlt.f32 v17, v52  }
0x248: {  	v18 =	vsel vm2, $0x1, v51;
	vm5 =	vlt.f32 v22, v52;
	v17 =	vsel vm6, $0x1, v51;
	v2 =	vld.idx.msk [tilespmem:v2+s5+$0x0], $0xffff  }
0x249: {  	v22 =	vsel vm3, $0x1, v51;
	v3 =	vadd.s32 v27, v3;
	v26 =	vsel vm4, $0x1, v51;
	v9 =	vld.idx.msk [tilespmem:v9+s5+$0x0], $0xffff  }
0x24a: {  	v27 =	vsel vm5, $0x1, v51;
	v6 =	vadd.s32 v17, v6;
	v17 =	vsel vm1, $0x1, v51  }
0x24b: {  	vm1 =	vlt.f32 v0, v52;
	v3 =	vadd.s32 v27, v3;
	v6 =	vadd.s32 v32, v6  }
0x24c: {  	v0 =	vadd.s32 v28, v3;
	v3 =	vadd.s32 v22, v6;
	v6 =	vsel vm1, $0x1, v51  }
0x24d: {  	v22 =	vor.u32 s15, v1;
	v0 =	vadd.s32 v10, v0;
	v3 =	vadd.s32 v18, v3  }
0x24e: {  	v10 =	vor.u32 s15, v5;
	v0 =	vadd.s32 v26, v0;
	vm1 =	vlt.f32 v2, v52  }
0x24f: {  	v18 =	vor.u32 s15, v7;
	v0 =	vadd.s32 v21, v0;
	vm2 =	vlt.f32 v9, v52  }
0x250: {  	v3 =	vadd.s32 v17, v3;
	v0 =	vadd.s32 v6, v0;
	v6 =	vsel vm0, $0x1, v51  }
0x251: {  	v3 =	vadd.s32 v14, v3;
	v12 =	vadd.s32 v12, v0  }
0x252: {  	v14 =	vor.u32 s15, v8;
	v6 =	vadd.s32 v6, v3;
	v0 =	vld.idx.msk [tilespmem:v22+s5+$0x0], $0xffff  }
0x253: {  	v17 =	vor.u32 s15, v31;
	vm0 =	vlt.f32 v9, v53;
	v9 =	vor.u32 s15, v30;
	v10 =	vld.idx.msk [tilespmem:v10+s5+$0x0], $0xffff  }
0x254: {  	v21 =	vor.u32 s15, v29;
	vm3 =	vlt.f32 v2, v53;
	v2 =	vor.u32 s15, v13;
	v18 =	vld.idx.msk [tilespmem:v18+s5+$0x0], $0xffff  }
0x255: {  	v27 =	vor.u32 s15, v25;
	v26 =	vor.u32 s15, v24;
	v22 =	vor.u32 s15, v23  }
0x256: {  	v33 =	vor.u32 s15, v20;
	v32 =	vor.u32 s15, v19;
	v28 =	vor.u32 s15, v16  }
0x257: {  	v34 =	vsel vm3, $0x1, v51;
	v3 =	vsel vm2, $0x1, v51;
	v35 =	vsel vm0, $0x1, v51;
	v14 =	vld.idx.msk [tilespmem:v14+s5+$0x0], $0xffff  }
0x258: {  	v36 =	vsel vm1, $0x1, v51;
	vm0 =	vlt.f32 v0, v52;
	vm2 =	vlt.f32 v0, v53;
	v0 =	vld.idx.msk [tilespmem:v9+s5+$0x0], $0xffff  }
0x259: {  	v9 =	vsel vm0, $0x1, v51;
	v37 =	vsel vm2, $0x1, v51;
	vm0 =	vlt.f32 v10, v52;
	v38 =	vld.idx.msk [tilespmem:v17+s5+$0x0], $0xffff  }
0x25a: {  	vm1 =	vlt.f32 v10, v53;
	v9 =	vadd.s32 v9, v12;
	vm2 =	vlt.f32 v18, v53;
	v2 =	vld.idx.msk [tilespmem:v2+s5+$0x0], $0xffff  }
0x25b: {  	v6 =	vadd.s32 v37, v6;
	v10 =	vsel vm0, $0x1, v51;
	v12 =	vsel vm2, $0x1, v51;
	v21 =	vld.idx.msk [tilespmem:v21+s5+$0x0], $0xffff  }
0x25c: {  	vm0 =	vlt.f32 v18, v52;
	v9 =	vadd.s32 v10, v9;
	v10 =	vsel vm1, $0x1, v51;
	v17 =	vld.idx.msk [tilespmem:v27+s5+$0x0], $0xffff  }
0x25d: {  	v6 =	vadd.s32 v10, v6;
	v10 =	vsel vm0, $0x1, v51;
	vm0 =	vlt.f32 v14, v52;
	v27 =	vld.idx.msk [tilespmem:v28+s5+$0x0], $0xffff  }
0x25e: {  	v9 =	vadd.s32 v10, v9;
	v6 =	vadd.s32 v12, v6;
	vm1 =	vlt.f32 v0, v53;
	v18 =	vld.idx.msk [tilespmem:v26+s5+$0x0], $0xffff  }
0x25f: {  	vm2 =	vlt.f32 v14, v53;
	v10 =	vsel vm0, $0x1, v51;
	vm0 =	vlt.f32 v38, v52;
	v37 =	vld.idx.msk [tilespmem:v32+s5+$0x0], $0xffff  }
0x260: {  	v9 =	vadd.s32 v10, v9;
	v10 =	vsel vm2, $0x1, v51;
	vm2 =	vlt.f32 v2, v52;
	v28 =	vld.idx.msk [tilespmem:v22+s5+$0x0], $0xffff  }
0x261: {  	v6 =	vadd.s32 v10, v6;
	v12 =	vsel vm0, $0x1, v51;
	v10 =	vsel vm2, $0x1, v51;
	v22 =	vld.idx.msk [tilespmem:v33+s5+$0x0], $0xffff  }
0x262: {  	v14 =	vsel vm1, $0x1, v51;
	v6 =	vadd.s32 v34, v6;
	vm2 =	vlt.f32 v17, v53  }
0x263: {  	vm1 =	vlt.f32 v21, v53;
	vm0 =	vlt.f32 v27, v52;
	vm3 =	vlt.f32 v27, v53  }
.Ltmp7:
0x264: {  	v26 =	vsel vm0, $0x1, v51;
	v32 =	vsel vm3, $0x1, v51;
	vm0 =	vlt.f32 v38, v53;
	(pc) =	sbr.rel @p2 .LBB2_7-.Ltmp7, $4  }
0x265: {  	v9 =	vadd.s32 v36, v9;
	vm3 =	vlt.f32 v2, v53;
	vm4 =	vlt.f32 v37, v52  }
0x266: {  	vm5 =	vlt.f32 v21, v52;
	v2 =	vsel vm3, $0x1, v51;
	vm3 =	vlt.f32 v37, v53  }
0x267: {  	v21 =	vsel vm5, $0x1, v51;
	v2 =	vadd.s32 v2, v6;
	v27 =	vsel vm4, $0x1, v51  }
0x268: {  	s15 =	sadd.s32 $0x10, s15;
	v33 =	vadd.s32 v10, v9;
	vm4 =	vlt.f32 v18, v52;
	v34 =	vadd.s32 v35, v2  }
.Ltmp8:
0x269: {  	_ = 	snop;
	(pc) =	sbr.rel .LBB2_8-.Ltmp8, $1  }
0x26a: {  	_ =	sdelay $0x3  }
.LBB2_10:
0x26b: {  	_ =	sfence.sel $0x180000  }
0x26c: {  	[bflag:$0x0] =	sbarrier.arrive $0xFFFF  }
0x26d: {  	p0 =	sne.s32 s0, $0x0;
	_ =	strace $0x90000047  }
0x26e: {  	s0 =	sadd.s32 @!p0 $0x100000, s4;
	[bflag:$0x2] =	sbarrier.arrive $0xFFFF  }
0x26f: {  	[sflag:s0] =	ssyncadd.tile.s32 @!p0 $0x1;
	_ =	shalt  }
.Lfunc_end2:
_tile_overlayer_lowered:
.L_overlay_start_2:
0x270: {  	(tag) =	ssettag $0x2  }
0x271: {  	s0 =	rddreg [dreg:$0x0];
	s2 =	stileid.u32  }
0x272: {  	s1 =	rddreg [dreg:$0x1];
	p0 =	sne.s32 s2, $0x0  }
0x273: {  	s3 =	rddreg [dreg:$0x2];
	[bflag:$0x3] =	sbarrier.arrive $0xFFFF;
	s2 =	simm.s32 @!p0 $0x1C01  }
0x274: {  	[timem:s3], [sflag:s2] =	dma.local @!p0 [hbm:s0], s1  }
0x275: {  	s0 =	simm.s32 @!p0 $0x1  }
0x276: {  	_ =	swait.ge @!p0 [sflag:s0], s1  }
0x277: {  	s1 =	ssub.s32 @!p0 $0x0, s1;
	[sflag:s0] =	ssyncset.done @!p0 $0x0  }
0x278: {  	[sflag:s0] =	ssyncadd.s32 @!p0 s1  }
0x279: {  	[bflag:$0x3] =	sbarrier.arrive $0xFFFF  }
0x27a: {  	_ =	shalt  }

// kernel: kernel.7.cloned.1.call-start
scs
__scs_entry_jumppad:
0x0: {  	(pc) =	sbr.rel $0x88, $3  }
0x1: {  	(tag) =	ssettag $0x0;
	lr =	simm.s32 $0x1  }
0x2: {  	[smem:$0x3F9E] =	sst lr;
	_ =	strace $0xD0000000  }
0x3: {  	_ = 	snop  }
0x4: {  	_ = 	snop  }
0x5: {  	_ = 	snop  }
0x6: {  	_ = 	snop  }
0x7: {  	_ = 	snop  }
__scs_overlays_trampoline_lowered:
0x8: {  	[smem:$0x3FAD] =	sst s0  }
0x9: {  	[smem:$0x3FAE] =	sst s1  }
0xa: {  	[smem:$0x3FAF] =	sst s2  }
0xb: {  	[smem:$0x3FB0] =	sst s3  }
0xc: {  	[smem:$0x3FB1] =	sst s4  }
0xd: {  	[smem:$0x3FB2] =	sst s5  }
0xe: {  	[smem:$0x3FB3] =	sst s6  }
0xf: {  	[smem:$0x3FB4] =	sst s7  }
0x10: {  	[smem:$0x3FB5] =	sst s8  }
0x11: {  	[smem:$0x3FB6] =	sst s9;
	s0 =	simm.s32 @!p0 $0x0  }
0x12: {  	s1 =	sld [smem:$0x3F9C];
	s0 =	simm.s32 @p0 $0x1  }
0x13: {  	[smem:$0x3FB7] =	sst s0;
	s0 =	simm.s32 @!p1 $0x0  }
0x14: {  	s2 =	sld [smem:$0x3F9B];
	s0 =	simm.s32 @p1 $0x1  }
0x15: {  	[smem:$0x3FB8] =	sst s0;
	s0 =	simm.s32 @!p2 $0x0  }
0x16: {  	s3 =	sld [smem:$0x3FDB];
	s0 =	simm.s32 @p2 $0x1  }
0x17: {  	s4 =	simm.s32 $0x1BF5;
	[smem:$0x3FBA] =	sst s0  }
0x18: {  	s0 =	sld [smem:$0x3F9D];
	_ =	swait.ge [sflag:s4], $0x0  }
0x19: {  	s7 =	sld [smem:$0x3F9E]  }
0x1a: {  	s8 =	sadd.s32 $0xFFFFE003, lr  }
0x1b: {  	s9 =	sadd.s32 $0xFFFFFEF7, lr;
	s5 =	simm.s32 $0xFFFFFFFF;
	p2 =	slt.u32 s8, $0xFFFFF086  }
0x1c: {  	p1 =	slt.u32 s9, $0xF7A;
	s5 =	simm.s32 @!p2 $0x0  }
0x1d: {  	s5 =	simm.s32 @p1 $0x1;
	p0 =	seq.s32 s7, s2  }
0x1e: {  	s7 =	smul.u32 @!p0 $0xF7A, s2;
	p2 =	seq.s32 @!p0 s5, $0x0  }
0x1f: {  	s9 =	smul.u32 $0xF7A, s1;
	s8 =	simm.s32 @!p0 $0x1BF5;
	p2 =	por !p2, p0  }
0x20: {  	[sflag:s8] =	ssyncset.s32 @!p0 $0xFFFFF086;
	s6 =	sadd.s32 @!p0 s3, s7;
	s7 =	simm.s32 @!p0 $0x108  }
0x21: {  	s3 =	sadd.s32 s3, s9;
	s6 =	sadd.s32 @!p0 $0x88, s6;
	s7 =	simm.s32 @p2 $0x1082  }
0x22: {  	[simem:s7], [sflag:s8] =	dma.local @!p0 [hbm:s6], $0xF7A  }
0x23: {  	s9 =	sor.u32 $0xD0000000, s2;
	s6 =	simm.s32 $0x108;
	_ =	swait.ge @!p0 [sflag:s8], $0x0  }
0x24: {  	s3 =	sadd.s32 $0x88, s3;
	s6 =	simm.s32 @!p1 $0x1082;
	[sflag:s4] =	ssyncset.s32 $0xFFFFF086  }
0x25: {  	[simem:s6], [sflag:s4] =	dma.local [hbm:s3], $0xF7A  }
0x26: {  	[smem:$0x3F9E] =	sst s1;
	(tag) =	ssettag s2;
	_ =	strace s9  }
0x27: {  	s1 =	sld [smem:$0x3FAE]  }
0x28: {  	s2 =	sld [smem:$0x3FAF]  }
0x29: {  	s4 =	sld [smem:$0x3FB1]  }
0x2a: {  	p0 =	seq.s32 s5, $0x0;
	s5 =	sld [smem:$0x3FB2]  }
0x2b: {  	s6 =	sld [smem:$0x3FB3]  }
0x2c: {  	s7 =	sld [smem:$0x3FB4]  }
0x2d: {  	s3 =	simm.s32 $0x108;
	s8 =	sld [smem:$0x3FB5]  }
0x2e: {  	s3 =	simm.s32 @!p0 $0x1082;
	s9 =	sld [smem:$0x3FB6]  }
0x2f: {  	lr =	sadd.s32 s0, s3;
	s0 =	sld [smem:$0x3FAD]  }
0x30: {  	s3 =	sld [smem:$0x3FB0]  }
0x31: {  	[smem:$0x3FB9] =	sst s10  }
0x32: {  	s10 =	sld [smem:$0x3FB7];
	_ =	sdelay $0x3  }
0x33: {  	p0 =	seq.s32 s10, $0x1;
	s10 =	sld [smem:$0x3FB9];
	_ =	sdelay $0x3  }
0x34: {  	[smem:$0x3FB9] =	sst s10  }
0x35: {  	s10 =	sld [smem:$0x3FB8];
	_ =	sdelay $0x3  }
0x36: {  	p1 =	seq.s32 s10, $0x1;
	s10 =	sld [smem:$0x3FB9];
	_ =	sdelay $0x3  }
0x37: {  	[smem:$0x3FB9] =	sst s10  }
0x38: {  	s10 =	sld [smem:$0x3FBA]  }
0x39: {  	_ = 	snop;
	(pc) =	sbr.ind lr, $3  }
0x3a: {  	_ = 	snop  }
0x3b: {  	_ = 	snop  }
0x3c: {  	p2 =	seq.s32 s10, $0x1;
	s10 =	sld [smem:$0x3FB9]  }
0x3d: {  	_ =	shalt  }
0x3e: {  	_ =	shalt  }
0x3f: {  	_ =	shalt  }
0x40: {  	_ =	shalt  }
0x41: {  	_ =	shalt  }
0x42: {  	_ =	shalt  }
0x43: {  	_ =	shalt  }
0x44: {  	_ =	shalt  }
0x45: {  	_ =	shalt  }
0x46: {  	_ =	shalt  }
0x47: {  	_ =	shalt  }
0x48: {  	_ =	shalt  }
0x49: {  	_ =	shalt  }
0x4a: {  	_ =	shalt  }
0x4b: {  	_ =	shalt  }
0x4c: {  	_ =	shalt  }
0x4d: {  	_ =	shalt  }
0x4e: {  	_ =	shalt  }
0x4f: {  	_ =	shalt  }
0x50: {  	_ =	shalt  }
0x51: {  	_ =	shalt  }
0x52: {  	_ =	shalt  }
0x53: {  	_ =	shalt  }
0x54: {  	_ =	shalt  }
0x55: {  	_ =	shalt  }
0x56: {  	_ =	shalt  }
0x57: {  	_ =	shalt  }
0x58: {  	_ =	shalt  }
0x59: {  	_ =	shalt  }
0x5a: {  	_ =	shalt  }
0x5b: {  	_ =	shalt  }
0x5c: {  	_ =	shalt  }
0x5d: {  	_ =	shalt  }
0x5e: {  	_ =	shalt  }
0x5f: {  	_ =	shalt  }
0x60: {  	_ =	shalt  }
0x61: {  	_ =	shalt  }
0x62: {  	_ =	shalt  }
0x63: {  	_ =	shalt  }
0x64: {  	_ =	shalt  }
0x65: {  	_ =	shalt  }
0x66: {  	_ =	shalt  }
0x67: {  	_ =	shalt  }
0x68: {  	_ =	shalt  }
0x69: {  	_ =	shalt  }
0x6a: {  	_ =	shalt  }
0x6b: {  	_ =	shalt  }
0x6c: {  	_ =	shalt  }
0x6d: {  	_ =	shalt  }
0x6e: {  	_ =	shalt  }
0x6f: {  	_ =	shalt  }
0x70: {  	_ =	shalt  }
0x71: {  	_ =	shalt  }
0x72: {  	_ =	shalt  }
0x73: {  	_ =	shalt  }
0x74: {  	_ =	shalt  }
0x75: {  	_ =	shalt  }
0x76: {  	_ =	shalt  }
0x77: {  	_ =	shalt  }
0x78: {  	_ =	shalt  }
0x79: {  	_ =	shalt  }
0x7a: {  	_ =	shalt  }
0x7b: {  	_ =	shalt  }
0x7c: {  	_ =	shalt  }
0x7d: {  	_ =	shalt  }
0x7e: {  	_ =	shalt  }
0x7f: {  	_ =	shalt  }
0x80: {  	_ =	shalt  }
0x81: {  	_ =	shalt  }
0x82: {  	_ =	shalt  }
0x83: {  	_ =	shalt  }
0x84: {  	_ =	shalt  }
0x85: {  	_ =	shalt  }
0x86: {  	_ =	shalt  }
0x87: {  	_ =	shalt  }
.Lfunc_end0:
.L_simem_size_0:
called_computation.1_lowered:
.L_overlay_start_0:
0x88: {  	s2 =	sld [smem:$0x3FD9]  }
0x89: {  	s3 =	sld [smem:$0x3FFE];
	_ =	sdelay $0x1  }
0x8a: {  	s1 =	srdreg.scid  }
0x8b: {  	s0 =	sand.u32 $0x1, s1  }
0x8c: {  	s17 =	sshll.u32 s0, $0xA;
	s2 =	sadd.s32 s3, s2  }
0x8d: {  	s2 =	sadd.s32 s2, s17  }
0x8e: {  	[smem:$0x3FC5] =	sst s2  }
0x8f: {  	_ = 	snop  }
0x90: {  	s2 =	sld [smem:$0x3FC9]  }
0x91: {  	s18 =	sld [smem:$0x3FC8]  }
0x92: {  	s4 =	sld [smem:$0x3FC7];
	(tm) =	ssettm $0x1  }
0x93: {  	s5 =	sld [smem:$0x3FFB];
	_ =	sdelay $0x3  }
0x94: {  	_ =	strace s5  }
0x95: {  	s5 =	sld [smem:$0x3FFC];
	_ =	sdelay $0x3  }
0x96: {  	_ =	strace s5  }
0x97: {  	s5 =	sld [smem:$0x3FFD];
	_ =	sdelay $0x3  }
0x98: {  	_ =	strace s5  }
0x99: {  	_ =	strace $0x8FFFFFFF  }
0x9a: {  	s19 =	sld [smem:$0x3FDB];
	_ =	sdelay $0x1  }
0x9b: {  	s6 =	simm.s32 $_scs_section_size  }
0x9c: {  	s7 =	simm.s32 $_size__tile_overlayer_lowered;
	s8 =	simm.s32 $_tile_overlayer_lowered  }
0x9d: {  	s22 =	simm.s32 $0x1BFF;
	s21 =	sshll.u32 s8, $0x1;
	s5 =	sadd.s32 s6, s19  }
0x9e: {  	s9 =	simm.s32 $0x0;
	s20 =	sshll.u32 s7, $0x1;
	s7 =	sadd.s32 s21, s5  }
0x9f: {  	[timem:s9], [sflag:s22] =	dma.local [hbm:s7], s20  }
0xa0: {  	_ =	swait.ge [sflag:s22], s20  }
0xa1: {  	s6 =	ssub.s32 $0x0, s20;
	[sflag:s22] =	ssyncset.done $0x0  }
0xa2: {  	[sflag:s22] =	ssyncadd.s32 s6;
	_ =	sdelay $0x1  }
0xa3: {  	s23 =	simm.s32 $0x1B8B  }
0xa4: {  	_ =	swait.ge [sflag:s23], $0x1  }
0xa5: {  	[sflag:s23] =	ssyncset.done $0x0  }
0xa6: {  	s25 =	simm.s32 $0x1B8E;
	s24 =	sld [smem:$0x3FFE];
	[sflag:s23] =	ssyncadd.s32 $0xFFFFFFFF  }
0xa7: {  	s26 =	simm.s32 $execute0_lowered;
	[smem:$0x3FD2] =	sst s25  }
0xa8: {  	s7 =	sshll.u32 s26, $0x1;
	_ =	strace $0x80000049;
	[dreg:$0x1] =	wrdreg $0xFFFFFFFF  }
0xa9: {  	s28 =	simm.s32 $_size_execute0_lowered;
	s5 =	sadd.s32 s5, s7;
	[dreg:$0x0] =	wrdreg $0x0  }
0xaa: {  	s7 =	sshll.u32 s28, $0x1;
	[dreg:$0x2] =	wrdreg s5  }
0xab: {  	[dreg:$0x3] =	wrdreg s7  }
0xac: {  	[dreg:$0x4] =	wrdreg $0xC0  }
0xad: {  	_ =	task [dreg:s9], $0x5FFFF  }
0xae: {  	[dreg:$0x1] =	wrdreg $0xFFFFFFFF  }
0xaf: {  	[dreg:$0x0] =	wrdreg $0x60  }
0xb0: {  	[dreg:$0x2] =	wrdreg s24  }
0xb1: {  	[dreg:$0x3] =	wrdreg s18  }
0xb2: {  	[dreg:$0x4] =	wrdreg s2  }
0xb3: {  	[dreg:$0x5] =	wrdreg s4  }
0xb4: {  	[dreg:$0x6] =	wrdreg $0x9  }
0xb5: {  	_ =	task.clear_ibuf [dreg:s9], $0x7FFFF;
	_ =	strace $0x90000049  }
0xb6: {  	s29 =	simm.s32 $0x9;
	_ =	strace $0x8000004B  }
0xb7: {  	_ =	swait.ge [sflag:s29], $0x1  }
0xb8: {  	[sflag:s29] =	ssyncadd.s32 $0xFFFFFFFF  }
0xb9: {  	_ =	strace $0x9000004B  }
0xba: {  	_ =	sfence  }
0xbb: {  	s30 =	sld [smem:$0x0];
	_ =	sdelay $0x2  }
0xbc: {  	s31 =	sshll.u32 s1, $0xD;
	s1 =	sshrl.u32 s1, $0x2  }
0xbd: {  	s3 =	sand.u32 $0x4000, s31;
	s1 =	sadd.s32 s1, s30  }
0xbe: {  	s0 =	sor.u32 s3, s0;
	s1 =	sshll.u32 s1, $0x11  }
0xbf: {  	s0 =	sor.u32 s1, s0  }
0xc0: {  	s0 =	sadd.s32 $0x8F2B, s0  }
0xc1: {  	[sflag:s0] =	ssyncadd.remote.s32 $0x1  }
0xc2: {  	_ =	sfence.sel $0xFFFF  }
0xc3: {  	[dreg:$0x0] =	wrdreg $0xFFFFFFFF;
	(pc) =	sbr.abs _section_cstart, $3  }
0xc4: {  	[dreg:$0x1] =	wrdreg $0xFFFFFFFF  }
0xc5: {  	_ =	task.clear_ibuf [dreg:s9], $0x2FFFF;
	_ =	strace $0x9FFFFFFF  }
0xc6: {  	(tm) =	ssettm $0x7FFFFFFF  }
0xc7: {  	_ =	shalt  }
tec
execute0_lowered:
.L_overlay_start_1:
0x0: {  	(tag) =	ssettag $0x1  }
0x1: {  	s6 =	rddreg [dreg:$0x0]  }
0x2: {  	s1 =	rddreg [dreg:$0x1]  }
0x3: {  	s7 =	rddreg [dreg:$0x2]  }
0x4: {  	s8 =	rddreg [dreg:$0x3]  }
0x5: {  	s0 =	rddreg [dreg:$0x4];
	s3 =	simm.s32 $0x0  }
0x6: {  	s4 =	srdreg.scid;
	s2 =	stileid.u32;
	s12 =	simm.s32 $0x1600  }
0x7: {  	s13 =	simm.s32 $0x800;
	s14 =	simm.s32 $0x2;
	s15 =	simm.s32 $0x1  }
0x8: {  	s16 =	simm.s32 $0xC00;
	s17 =	simm.s32 $0x1000;
	s18 =	simm.s32 $0x1800  }
0x9: {  	s19 =	simm.s32 $0x0;
	s22 =	simm.s32 $0x20;
	[smem:$0x7FF] =	sst s3  }
0xa: {  	s9 =	sand.u32 $0x1, s4;
	s5 =	sshll.u32 s2, $0x1;
	s4 =	sadd.s32 $0x600, s6  }
0xb: {  	_ =	strace $0x8000004A;
	s10 =	sor.u32 s9, s5;
	s9 =	ssub.s32 $0x2, s9  }
0xc: {  	s5 =	sadd.s32 $0x800, s6;
	s11 =	sshll.u32 s10, $0x4;
	s31 =	sshrl.u32 s9, $0x1  }
0xd: {  	v0 =	vimm.f32 $+Inf;
	v1 =	vimm.s32 $0x3FE;
	v2 =	vimm.s32 $0x3FC;
	s10 =	sshll.u32 s10, $0x6;
	s11 =	sadd.s32 s11, s6;
	s9 =	ssub.s32 s9, s31  }
0xe: {  	v3 =	vimm.s32 $0x3FD;
	v4 =	vimm.s32 $0x3F8;
	v5 =	vimm.s32 $0x3F9;
	s6 =	sadd.s32 s7, s10;
	s7 =	sadd.s32 s8, s10;
	s10 =	simm.s32 $0x400  }
0xf: {  	v6 =	vimm.s32 $0x3FA;
	v7 =	vimm.s32 $0x3FB;
	v8 =	vimm.s32 $0x0;
	s8 =	sadd.s32 $0xA00, s11;
	s9 =	smax.u32 s9, $0x1;
	s11 =	simm.s32 $0x1400  }
.LBB2_1:
0x10: {  	[tilespmem:s3], [sflag:$0x1] =	stream.linear.gather [hbm4b:s4+s3], $0x400, $0x38;
	[tilespmem:$0x1880] =	vst v63  }
0x11: {  	_ = 	snop  }
0x12: {  	[tilespmem:s10], [sflag:$0x1] =	stream.linear.gather [hbm4b:s5+s3], $0x400, $0x38;
	[tilespmem:$0x1880] =	vst v63  }
0x13: {  	_ = 	snop  }
0x14: {  	[tilespmem:s11], [sflag:$0x1] =	stream.linear.gather [hbm4b:s6+s3], $0x200, $0x38;
	[tilespmem:$0x1880] =	vst v63  }
0x15: {  	_ = 	snop  }
0x16: {  	[tilespmem:s12], [sflag:$0x1] =	stream.linear.gather [hbm4b:s7+s3], $0x200, $0x38;
	[tilespmem:$0x1880] =	vst v63  }
0x17: {  	_ = 	snop  }
0x18: {  	[tilespmem:s13], [sflag:$0x2] =	stream.linear.gather [hbm4b:s1+s3], $0x3E8, $0x38;
	[tilespmem:$0x1880] =	vst v63  }
0x19: {  	_ =	swait.ge [sflag:s14], $0x3E8  }
0x1a: {  	[sflag:s14] =	ssyncset.done $0x0  }
0x1b: {  	[sflag:s14] =	ssyncadd.s32 $0xFFFFFC18  }
0x1c: {  	[tilespmem:$0xBE8] =	vst v0  }
0x1d: {  	[tilespmem:$0xBF0] =	vst v0  }
0x1e: {  	_ =	swait.ge [sflag:s15], $0x400  }
0x1f: {  	[sflag:s15] =	ssyncset.done $0x0  }
0x20: {  	[sflag:s15] =	ssyncadd.s32 $0xFFFFFC00  }
0x21: {  	_ =	swait.ge [sflag:s15], $0x400  }
0x22: {  	[sflag:s15] =	ssyncset.done $0x0  }
0x23: {  	[sflag:s15] =	ssyncadd.s32 $0xFFFFFC00  }
0x24: {  	_ =	swait.ge [sflag:s15], $0x200  }
0x25: {  	[sflag:s15] =	ssyncset.done $0x0  }
0x26: {  	[sflag:s15] =	ssyncadd.s32 $0xFFFFFE00  }
0x27: {  	_ =	swait.ge [sflag:s15], $0x200  }
0x28: {  	[sflag:s15] =	ssyncset.done $0x0  }
0x29: {  	[sflag:s15] =	ssyncadd.s32 $0xFFFFFE00  }
0x2a: {  	v9 =	vld [tilespmem:$0x0];
	_ =	sdelay $0x2  }
0x2b: {  	v10 =	vld [tilespmem:$0x800];
	_ =	sdelay $0x4  }
0x2c: {  	[tilespmem:v9+s16+$0x0] =	vst.idx.msk $0xffff, v10  }
0x2d: {  	v9 =	vld.idx.msk [tilespmem:v9+s10+$0x0], $0xffff;
	_ =	sdelay $0x7  }
0x2e: {  	[tilespmem:v9+s17+$0x0] =	vst.idx.msk $0xffff, v10  }
0x2f: {  	v9 =	vld [tilespmem:$0x10];
	_ =	sdelay $0x2  }
0x30: {  	v10 =	vld [tilespmem:$0x810];
	_ =	sdelay $0x4  }
0x31: {  	[tilespmem:v9+s16+$0x0] =	vst.idx.msk $0xffff, v10  }
0x32: {  	v9 =	vld.idx.msk [tilespmem:v9+s10+$0x0], $0xffff;
	_ =	sdelay $0x7  }
0x33: {  	[tilespmem:v9+s17+$0x0] =	vst.idx.msk $0xffff, v10  }
0x34: {  	v9 =	vld [tilespmem:$0x20];
	_ =	sdelay $0x2  }
0x35: {  	v10 =	vld [tilespmem:$0x820];
	_ =	sdelay $0x4  }
0x36: {  	[tilespmem:v9+s16+$0x0] =	vst.idx.msk $0xffff, v10  }
0x37: {  	v9 =	vld.idx.msk [tilespmem:v9+s10+$0x0], $0xffff;
	_ =	sdelay $0x7  }
0x38: {  	[tilespmem:v9+s17+$0x0] =	vst.idx.msk $0xffff, v10  }
0x39: {  	v9 =	vld [tilespmem:$0x30];
	_ =	sdelay $0x2  }
0x3a: {  	v10 =	vld [tilespmem:$0x830];
	_ =	sdelay $0x4  }
0x3b: {  	[tilespmem:v9+s16+$0x0] =	vst.idx.msk $0xffff, v10  }
0x3c: {  	v9 =	vld.idx.msk [tilespmem:v9+s10+$0x0], $0xffff;
	_ =	sdelay $0x7  }
0x3d: {  	[tilespmem:v9+s17+$0x0] =	vst.idx.msk $0xffff, v10  }
0x3e: {  	v9 =	vld [tilespmem:$0x40];
	_ =	sdelay $0x2  }
0x3f: {  	v10 =	vld [tilespmem:$0x840];
	_ =	sdelay $0x4  }
0x40: {  	[tilespmem:v9+s16+$0x0] =	vst.idx.msk $0xffff, v10  }
0x41: {  	v9 =	vld.idx.msk [tilespmem:v9+s10+$0x0], $0xffff;
	_ =	sdelay $0x7  }
0x42: {  	[tilespmem:v9+s17+$0x0] =	vst.idx.msk $0xffff, v10  }
0x43: {  	v9 =	vld [tilespmem:$0x50];
	_ =	sdelay $0x2  }
0x44: {  	v10 =	vld [tilespmem:$0x850];
	_ =	sdelay $0x4  }
0x45: {  	[tilespmem:v9+s16+$0x0] =	vst.idx.msk $0xffff, v10  }
0x46: {  	v9 =	vld.idx.msk [tilespmem:v9+s10+$0x0], $0xffff;
	_ =	sdelay $0x7  }
0x47: {  	[tilespmem:v9+s17+$0x0] =	vst.idx.msk $0xffff, v10  }
0x48: {  	v9 =	vld [tilespmem:$0x60];
	_ =	sdelay $0x2  }
0x49: {  	v10 =	vld [tilespmem:$0x860];
	_ =	sdelay $0x4  }
0x4a: {  	[tilespmem:v9+s16+$0x0] =	vst.idx.msk $0xffff, v10  }
0x4b: {  	v9 =	vld.idx.msk [tilespmem:v9+s10+$0x0], $0xffff;
	_ =	sdelay $0x7  }
0x4c: {  	[tilespmem:v9+s17+$0x0] =	vst.idx.msk $0xffff, v10  }
0x4d: {  	v9 =	vld [tilespmem:$0x70];
	_ =	sdelay $0x2  }
0x4e: {  	v10 =	vld [tilespmem:$0x870];
	_ =	sdelay $0x4  }
0x4f: {  	[tilespmem:v9+s16+$0x0] =	vst.idx.msk $0xffff, v10  }
0x50: {  	v9 =	vld.idx.msk [tilespmem:v9+s10+$0x0], $0xffff;
	_ =	sdelay $0x7  }
0x51: {  	[tilespmem:v9+s17+$0x0] =	vst.idx.msk $0xffff, v10  }
0x52: {  	v9 =	vld [tilespmem:$0x80];
	_ =	sdelay $0x2  }
0x53: {  	v10 =	vld [tilespmem:$0x880];
	_ =	sdelay $0x4  }
0x54: {  	[tilespmem:v9+s16+$0x0] =	vst.idx.msk $0xffff, v10  }
0x55: {  	v9 =	vld.idx.msk [tilespmem:v9+s10+$0x0], $0xffff;
	_ =	sdelay $0x7  }
0x56: {  	[tilespmem:v9+s17+$0x0] =	vst.idx.msk $0xffff, v10  }
0x57: {  	v9 =	vld [tilespmem:$0x90];
	_ =	sdelay $0x2  }
0x58: {  	v10 =	vld [tilespmem:$0x890];
	_ =	sdelay $0x4  }
0x59: {  	[tilespmem:v9+s16+$0x0] =	vst.idx.msk $0xffff, v10  }
0x5a: {  	v9 =	vld.idx.msk [tilespmem:v9+s10+$0x0], $0xffff;
	_ =	sdelay $0x7  }
0x5b: {  	[tilespmem:v9+s17+$0x0] =	vst.idx.msk $0xffff, v10  }
0x5c: {  	v9 =	vld [tilespmem:$0xA0];
	_ =	sdelay $0x2  }
0x5d: {  	v10 =	vld [tilespmem:$0x8A0];
	_ =	sdelay $0x4  }
0x5e: {  	[tilespmem:v9+s16+$0x0] =	vst.idx.msk $0xffff, v10  }
0x5f: {  	v9 =	vld.idx.msk [tilespmem:v9+s10+$0x0], $0xffff;
	_ =	sdelay $0x7  }
0x60: {  	[tilespmem:v9+s17+$0x0] =	vst.idx.msk $0xffff, v10  }
0x61: {  	v9 =	vld [tilespmem:$0xB0];
	_ =	sdelay $0x2  }
0x62: {  	v10 =	vld [tilespmem:$0x8B0];
	_ =	sdelay $0x4  }
0x63: {  	[tilespmem:v9+s16+$0x0] =	vst.idx.msk $0xffff, v10  }
0x64: {  	v9 =	vld.idx.msk [tilespmem:v9+s10+$0x0], $0xffff;
	_ =	sdelay $0x7  }
0x65: {  	[tilespmem:v9+s17+$0x0] =	vst.idx.msk $0xffff, v10  }
0x66: {  	v9 =	vld [tilespmem:$0xC0];
	_ =	sdelay $0x2  }
0x67: {  	v10 =	vld [tilespmem:$0x8C0];
	_ =	sdelay $0x4  }
0x68: {  	[tilespmem:v9+s16+$0x0] =	vst.idx.msk $0xffff, v10  }
0x69: {  	v9 =	vld.idx.msk [tilespmem:v9+s10+$0x0], $0xffff;
	_ =	sdelay $0x7  }
0x6a: {  	[tilespmem:v9+s17+$0x0] =	vst.idx.msk $0xffff, v10  }
0x6b: {  	v9 =	vld [tilespmem:$0xD0];
	_ =	sdelay $0x2  }
0x6c: {  	v10 =	vld [tilespmem:$0x8D0];
	_ =	sdelay $0x4  }
0x6d: {  	[tilespmem:v9+s16+$0x0] =	vst.idx.msk $0xffff, v10  }
0x6e: {  	v9 =	vld.idx.msk [tilespmem:v9+s10+$0x0], $0xffff;
	_ =	sdelay $0x7  }
0x6f: {  	[tilespmem:v9+s17+$0x0] =	vst.idx.msk $0xffff, v10  }
0x70: {  	v9 =	vld [tilespmem:$0xE0];
	_ =	sdelay $0x2  }
0x71: {  	v10 =	vld [tilespmem:$0x8E0];
	_ =	sdelay $0x4  }
0x72: {  	[tilespmem:v9+s16+$0x0] =	vst.idx.msk $0xffff, v10  }
0x73: {  	v9 =	vld.idx.msk [tilespmem:v9+s10+$0x0], $0xffff;
	_ =	sdelay $0x7  }
0x74: {  	[tilespmem:v9+s17+$0x0] =	vst.idx.msk $0xffff, v10  }
0x75: {  	v9 =	vld [tilespmem:$0xF0];
	_ =	sdelay $0x2  }
0x76: {  	v10 =	vld [tilespmem:$0x8F0];
	_ =	sdelay $0x4  }
0x77: {  	[tilespmem:v9+s16+$0x0] =	vst.idx.msk $0xffff, v10  }
0x78: {  	v9 =	vld.idx.msk [tilespmem:v9+s10+$0x0], $0xffff;
	_ =	sdelay $0x7  }
0x79: {  	[tilespmem:v9+s17+$0x0] =	vst.idx.msk $0xffff, v10  }
0x7a: {  	v9 =	vld [tilespmem:$0x100];
	_ =	sdelay $0x2  }
0x7b: {  	v10 =	vld [tilespmem:$0x900];
	_ =	sdelay $0x4  }
0x7c: {  	[tilespmem:v9+s16+$0x0] =	vst.idx.msk $0xffff, v10  }
0x7d: {  	v9 =	vld.idx.msk [tilespmem:v9+s10+$0x0], $0xffff;
	_ =	sdelay $0x7  }
0x7e: {  	[tilespmem:v9+s17+$0x0] =	vst.idx.msk $0xffff, v10  }
0x7f: {  	v9 =	vld [tilespmem:$0x110];
	_ =	sdelay $0x2  }
0x80: {  	v10 =	vld [tilespmem:$0x910];
	_ =	sdelay $0x4  }
0x81: {  	[tilespmem:v9+s16+$0x0] =	vst.idx.msk $0xffff, v10  }
0x82: {  	v9 =	vld.idx.msk [tilespmem:v9+s10+$0x0], $0xffff;
	_ =	sdelay $0x7  }
0x83: {  	[tilespmem:v9+s17+$0x0] =	vst.idx.msk $0xffff, v10  }
0x84: {  	v9 =	vld [tilespmem:$0x120];
	_ =	sdelay $0x2  }
0x85: {  	v10 =	vld [tilespmem:$0x920];
	_ =	sdelay $0x4  }
0x86: {  	[tilespmem:v9+s16+$0x0] =	vst.idx.msk $0xffff, v10  }
0x87: {  	v9 =	vld.idx.msk [tilespmem:v9+s10+$0x0], $0xffff;
	_ =	sdelay $0x7  }
0x88: {  	[tilespmem:v9+s17+$0x0] =	vst.idx.msk $0xffff, v10  }
0x89: {  	v9 =	vld [tilespmem:$0x130];
	_ =	sdelay $0x2  }
0x8a: {  	v10 =	vld [tilespmem:$0x930];
	_ =	sdelay $0x4  }
0x8b: {  	[tilespmem:v9+s16+$0x0] =	vst.idx.msk $0xffff, v10  }
0x8c: {  	v9 =	vld.idx.msk [tilespmem:v9+s10+$0x0], $0xffff;
	_ =	sdelay $0x7  }
0x8d: {  	[tilespmem:v9+s17+$0x0] =	vst.idx.msk $0xffff, v10  }
0x8e: {  	v9 =	vld [tilespmem:$0x140];
	_ =	sdelay $0x2  }
0x8f: {  	v10 =	vld [tilespmem:$0x940];
	_ =	sdelay $0x4  }
0x90: {  	[tilespmem:v9+s16+$0x0] =	vst.idx.msk $0xffff, v10  }
0x91: {  	v9 =	vld.idx.msk [tilespmem:v9+s10+$0x0], $0xffff;
	_ =	sdelay $0x7  }
0x92: {  	[tilespmem:v9+s17+$0x0] =	vst.idx.msk $0xffff, v10  }
0x93: {  	v9 =	vld [tilespmem:$0x150];
	_ =	sdelay $0x2  }
0x94: {  	v10 =	vld [tilespmem:$0x950];
	_ =	sdelay $0x4  }
0x95: {  	[tilespmem:v9+s16+$0x0] =	vst.idx.msk $0xffff, v10  }
0x96: {  	v9 =	vld.idx.msk [tilespmem:v9+s10+$0x0], $0xffff;
	_ =	sdelay $0x7  }
0x97: {  	[tilespmem:v9+s17+$0x0] =	vst.idx.msk $0xffff, v10  }
0x98: {  	v9 =	vld [tilespmem:$0x160];
	_ =	sdelay $0x2  }
0x99: {  	v10 =	vld [tilespmem:$0x960];
	_ =	sdelay $0x4  }
0x9a: {  	[tilespmem:v9+s16+$0x0] =	vst.idx.msk $0xffff, v10  }
0x9b: {  	v9 =	vld.idx.msk [tilespmem:v9+s10+$0x0], $0xffff;
	_ =	sdelay $0x7  }
0x9c: {  	[tilespmem:v9+s17+$0x0] =	vst.idx.msk $0xffff, v10  }
0x9d: {  	v9 =	vld [tilespmem:$0x170];
	_ =	sdelay $0x2  }
0x9e: {  	v10 =	vld [tilespmem:$0x970];
	_ =	sdelay $0x4  }
0x9f: {  	[tilespmem:v9+s16+$0x0] =	vst.idx.msk $0xffff, v10  }
0xa0: {  	v9 =	vld.idx.msk [tilespmem:v9+s10+$0x0], $0xffff;
	_ =	sdelay $0x7  }
0xa1: {  	[tilespmem:v9+s17+$0x0] =	vst.idx.msk $0xffff, v10  }
0xa2: {  	v9 =	vld [tilespmem:$0x180];
	_ =	sdelay $0x2  }
0xa3: {  	v10 =	vld [tilespmem:$0x980];
	_ =	sdelay $0x4  }
0xa4: {  	[tilespmem:v9+s16+$0x0] =	vst.idx.msk $0xffff, v10  }
0xa5: {  	v9 =	vld.idx.msk [tilespmem:v9+s10+$0x0], $0xffff;
	_ =	sdelay $0x7  }
0xa6: {  	[tilespmem:v9+s17+$0x0] =	vst.idx.msk $0xffff, v10  }
0xa7: {  	v9 =	vld [tilespmem:$0x190];
	_ =	sdelay $0x2  }
0xa8: {  	v10 =	vld [tilespmem:$0x990];
	_ =	sdelay $0x4  }
0xa9: {  	[tilespmem:v9+s16+$0x0] =	vst.idx.msk $0xffff, v10  }
0xaa: {  	v9 =	vld.idx.msk [tilespmem:v9+s10+$0x0], $0xffff;
	_ =	sdelay $0x7  }
0xab: {  	[tilespmem:v9+s17+$0x0] =	vst.idx.msk $0xffff, v10  }
0xac: {  	v9 =	vld [tilespmem:$0x1A0];
	_ =	sdelay $0x2  }
0xad: {  	v10 =	vld [tilespmem:$0x9A0];
	_ =	sdelay $0x4  }
0xae: {  	[tilespmem:v9+s16+$0x0] =	vst.idx.msk $0xffff, v10  }
0xaf: {  	v9 =	vld.idx.msk [tilespmem:v9+s10+$0x0], $0xffff;
	_ =	sdelay $0x7  }
0xb0: {  	[tilespmem:v9+s17+$0x0] =	vst.idx.msk $0xffff, v10  }
0xb1: {  	v9 =	vld [tilespmem:$0x1B0];
	_ =	sdelay $0x2  }
0xb2: {  	v10 =	vld [tilespmem:$0x9B0];
	_ =	sdelay $0x4  }
0xb3: {  	[tilespmem:v9+s16+$0x0] =	vst.idx.msk $0xffff, v10  }
0xb4: {  	v9 =	vld.idx.msk [tilespmem:v9+s10+$0x0], $0xffff;
	_ =	sdelay $0x7  }
0xb5: {  	[tilespmem:v9+s17+$0x0] =	vst.idx.msk $0xffff, v10  }
0xb6: {  	v9 =	vld [tilespmem:$0x1C0];
	_ =	sdelay $0x2  }
0xb7: {  	v10 =	vld [tilespmem:$0x9C0];
	_ =	sdelay $0x4  }
0xb8: {  	[tilespmem:v9+s16+$0x0] =	vst.idx.msk $0xffff, v10  }
0xb9: {  	v9 =	vld.idx.msk [tilespmem:v9+s10+$0x0], $0xffff;
	_ =	sdelay $0x7  }
0xba: {  	[tilespmem:v9+s17+$0x0] =	vst.idx.msk $0xffff, v10  }
0xbb: {  	v9 =	vld [tilespmem:$0x1D0];
	_ =	sdelay $0x2  }
0xbc: {  	v10 =	vld [tilespmem:$0x9D0];
	_ =	sdelay $0x4  }
0xbd: {  	[tilespmem:v9+s16+$0x0] =	vst.idx.msk $0xffff, v10  }
0xbe: {  	v9 =	vld.idx.msk [tilespmem:v9+s10+$0x0], $0xffff;
	_ =	sdelay $0x7  }
0xbf: {  	[tilespmem:v9+s17+$0x0] =	vst.idx.msk $0xffff, v10  }
0xc0: {  	v9 =	vld [tilespmem:$0x1E0];
	_ =	sdelay $0x2  }
0xc1: {  	v10 =	vld [tilespmem:$0x9E0];
	_ =	sdelay $0x4  }
0xc2: {  	[tilespmem:v9+s16+$0x0] =	vst.idx.msk $0xffff, v10  }
0xc3: {  	v9 =	vld.idx.msk [tilespmem:v9+s10+$0x0], $0xffff;
	_ =	sdelay $0x7  }
0xc4: {  	[tilespmem:v9+s17+$0x0] =	vst.idx.msk $0xffff, v10  }
0xc5: {  	v9 =	vld [tilespmem:$0x1F0];
	_ =	sdelay $0x2  }
0xc6: {  	v10 =	vld [tilespmem:$0x9F0];
	_ =	sdelay $0x4  }
0xc7: {  	[tilespmem:v9+s16+$0x0] =	vst.idx.msk $0xffff, v10  }
0xc8: {  	v9 =	vld.idx.msk [tilespmem:v9+s10+$0x0], $0xffff;
	_ =	sdelay $0x7  }
0xc9: {  	[tilespmem:v9+s17+$0x0] =	vst.idx.msk $0xffff, v10  }
0xca: {  	v9 =	vld [tilespmem:$0x200];
	_ =	sdelay $0x2  }
0xcb: {  	v10 =	vld [tilespmem:$0xA00];
	_ =	sdelay $0x4  }
0xcc: {  	[tilespmem:v9+s16+$0x0] =	vst.idx.msk $0xffff, v10  }
0xcd: {  	v9 =	vld.idx.msk [tilespmem:v9+s10+$0x0], $0xffff;
	_ =	sdelay $0x7  }
0xce: {  	[tilespmem:v9+s17+$0x0] =	vst.idx.msk $0xffff, v10  }
0xcf: {  	v9 =	vld [tilespmem:$0x210];
	_ =	sdelay $0x2  }
0xd0: {  	v10 =	vld [tilespmem:$0xA10];
	_ =	sdelay $0x4  }
0xd1: {  	[tilespmem:v9+s16+$0x0] =	vst.idx.msk $0xffff, v10  }
0xd2: {  	v9 =	vld.idx.msk [tilespmem:v9+s10+$0x0], $0xffff;
	_ =	sdelay $0x7  }
0xd3: {  	[tilespmem:v9+s17+$0x0] =	vst.idx.msk $0xffff, v10  }
0xd4: {  	v9 =	vld [tilespmem:$0x220];
	_ =	sdelay $0x2  }
0xd5: {  	v10 =	vld [tilespmem:$0xA20];
	_ =	sdelay $0x4  }
0xd6: {  	[tilespmem:v9+s16+$0x0] =	vst.idx.msk $0xffff, v10  }
0xd7: {  	v9 =	vld.idx.msk [tilespmem:v9+s10+$0x0], $0xffff;
	_ =	sdelay $0x7  }
0xd8: {  	[tilespmem:v9+s17+$0x0] =	vst.idx.msk $0xffff, v10  }
0xd9: {  	v9 =	vld [tilespmem:$0x230];
	_ =	sdelay $0x2  }
0xda: {  	v10 =	vld [tilespmem:$0xA30];
	_ =	sdelay $0x4  }
0xdb: {  	[tilespmem:v9+s16+$0x0] =	vst.idx.msk $0xffff, v10  }
0xdc: {  	v9 =	vld.idx.msk [tilespmem:v9+s10+$0x0], $0xffff;
	_ =	sdelay $0x7  }
0xdd: {  	[tilespmem:v9+s17+$0x0] =	vst.idx.msk $0xffff, v10  }
0xde: {  	v9 =	vld [tilespmem:$0x240];
	_ =	sdelay $0x2  }
0xdf: {  	v10 =	vld [tilespmem:$0xA40];
	_ =	sdelay $0x4  }
0xe0: {  	[tilespmem:v9+s16+$0x0] =	vst.idx.msk $0xffff, v10  }
0xe1: {  	v9 =	vld.idx.msk [tilespmem:v9+s10+$0x0], $0xffff;
	_ =	sdelay $0x7  }
0xe2: {  	[tilespmem:v9+s17+$0x0] =	vst.idx.msk $0xffff, v10  }
0xe3: {  	v9 =	vld [tilespmem:$0x250];
	_ =	sdelay $0x2  }
0xe4: {  	v10 =	vld [tilespmem:$0xA50];
	_ =	sdelay $0x4  }
0xe5: {  	[tilespmem:v9+s16+$0x0] =	vst.idx.msk $0xffff, v10  }
0xe6: {  	v9 =	vld.idx.msk [tilespmem:v9+s10+$0x0], $0xffff;
	_ =	sdelay $0x7  }
0xe7: {  	[tilespmem:v9+s17+$0x0] =	vst.idx.msk $0xffff, v10  }
0xe8: {  	v9 =	vld [tilespmem:$0x260];
	_ =	sdelay $0x2  }
0xe9: {  	v10 =	vld [tilespmem:$0xA60];
	_ =	sdelay $0x4  }
0xea: {  	[tilespmem:v9+s16+$0x0] =	vst.idx.msk $0xffff, v10  }
0xeb: {  	v9 =	vld.idx.msk [tilespmem:v9+s10+$0x0], $0xffff;
	_ =	sdelay $0x7  }
0xec: {  	[tilespmem:v9+s17+$0x0] =	vst.idx.msk $0xffff, v10  }
0xed: {  	v9 =	vld [tilespmem:$0x270];
	_ =	sdelay $0x2  }
0xee: {  	v10 =	vld [tilespmem:$0xA70];
	_ =	sdelay $0x4  }
0xef: {  	[tilespmem:v9+s16+$0x0] =	vst.idx.msk $0xffff, v10  }
0xf0: {  	v9 =	vld.idx.msk [tilespmem:v9+s10+$0x0], $0xffff;
	_ =	sdelay $0x7  }
0xf1: {  	[tilespmem:v9+s17+$0x0] =	vst.idx.msk $0xffff, v10  }
0xf2: {  	v9 =	vld [tilespmem:$0x280];
	_ =	sdelay $0x2  }
0xf3: {  	v10 =	vld [tilespmem:$0xA80];
	_ =	sdelay $0x4  }
0xf4: {  	[tilespmem:v9+s16+$0x0] =	vst.idx.msk $0xffff, v10  }
0xf5: {  	v9 =	vld.idx.msk [tilespmem:v9+s10+$0x0], $0xffff;
	_ =	sdelay $0x7  }
0xf6: {  	[tilespmem:v9+s17+$0x0] =	vst.idx.msk $0xffff, v10  }
0xf7: {  	v9 =	vld [tilespmem:$0x290];
	_ =	sdelay $0x2  }
0xf8: {  	v10 =	vld [tilespmem:$0xA90];
	_ =	sdelay $0x4  }
0xf9: {  	[tilespmem:v9+s16+$0x0] =	vst.idx.msk $0xffff, v10  }
0xfa: {  	v9 =	vld.idx.msk [tilespmem:v9+s10+$0x0], $0xffff;
	_ =	sdelay $0x7  }
0xfb: {  	[tilespmem:v9+s17+$0x0] =	vst.idx.msk $0xffff, v10  }
0xfc: {  	v9 =	vld [tilespmem:$0x2A0];
	_ =	sdelay $0x2  }
0xfd: {  	v10 =	vld [tilespmem:$0xAA0];
	_ =	sdelay $0x4  }
0xfe: {  	[tilespmem:v9+s16+$0x0] =	vst.idx.msk $0xffff, v10  }
0xff: {  	v9 =	vld.idx.msk [tilespmem:v9+s10+$0x0], $0xffff;
	_ =	sdelay $0x7  }
0x100: {  	[tilespmem:v9+s17+$0x0] =	vst.idx.msk $0xffff, v10  }
0x101: {  	v9 =	vld [tilespmem:$0x2B0];
	_ =	sdelay $0x2  }
0x102: {  	v10 =	vld [tilespmem:$0xAB0];
	_ =	sdelay $0x4  }
0x103: {  	[tilespmem:v9+s16+$0x0] =	vst.idx.msk $0xffff, v10  }
0x104: {  	v9 =	vld.idx.msk [tilespmem:v9+s10+$0x0], $0xffff;
	_ =	sdelay $0x7  }
0x105: {  	[tilespmem:v9+s17+$0x0] =	vst.idx.msk $0xffff, v10  }
0x106: {  	v9 =	vld [tilespmem:$0x2C0];
	_ =	sdelay $0x2  }
0x107: {  	v10 =	vld [tilespmem:$0xAC0];
	_ =	sdelay $0x4  }
0x108: {  	[tilespmem:v9+s16+$0x0] =	vst.idx.msk $0xffff, v10  }
0x109: {  	v9 =	vld.idx.msk [tilespmem:v9+s10+$0x0], $0xffff;
	_ =	sdelay $0x7  }
0x10a: {  	[tilespmem:v9+s17+$0x0] =	vst.idx.msk $0xffff, v10  }
0x10b: {  	v9 =	vld [tilespmem:$0x2D0];
	_ =	sdelay $0x2  }
0x10c: {  	v10 =	vld [tilespmem:$0xAD0];
	_ =	sdelay $0x4  }
0x10d: {  	[tilespmem:v9+s16+$0x0] =	vst.idx.msk $0xffff, v10  }
0x10e: {  	v9 =	vld.idx.msk [tilespmem:v9+s10+$0x0], $0xffff;
	_ =	sdelay $0x7  }
0x10f: {  	[tilespmem:v9+s17+$0x0] =	vst.idx.msk $0xffff, v10  }
0x110: {  	v9 =	vld [tilespmem:$0x2E0];
	_ =	sdelay $0x2  }
0x111: {  	v10 =	vld [tilespmem:$0xAE0];
	_ =	sdelay $0x4  }
0x112: {  	[tilespmem:v9+s16+$0x0] =	vst.idx.msk $0xffff, v10  }
0x113: {  	v9 =	vld.idx.msk [tilespmem:v9+s10+$0x0], $0xffff;
	_ =	sdelay $0x7  }
0x114: {  	[tilespmem:v9+s17+$0x0] =	vst.idx.msk $0xffff, v10  }
0x115: {  	v9 =	vld [tilespmem:$0x2F0];
	_ =	sdelay $0x2  }
0x116: {  	v10 =	vld [tilespmem:$0xAF0];
	_ =	sdelay $0x4  }
0x117: {  	[tilespmem:v9+s16+$0x0] =	vst.idx.msk $0xffff, v10  }
0x118: {  	v9 =	vld.idx.msk [tilespmem:v9+s10+$0x0], $0xffff;
	_ =	sdelay $0x7  }
0x119: {  	[tilespmem:v9+s17+$0x0] =	vst.idx.msk $0xffff, v10  }
0x11a: {  	v9 =	vld [tilespmem:$0x300];
	_ =	sdelay $0x2  }
0x11b: {  	v10 =	vld [tilespmem:$0xB00];
	_ =	sdelay $0x4  }
0x11c: {  	[tilespmem:v9+s16+$0x0] =	vst.idx.msk $0xffff, v10  }
0x11d: {  	v9 =	vld.idx.msk [tilespmem:v9+s10+$0x0], $0xffff;
	_ =	sdelay $0x7  }
0x11e: {  	[tilespmem:v9+s17+$0x0] =	vst.idx.msk $0xffff, v10  }
0x11f: {  	v9 =	vld [tilespmem:$0x310];
	_ =	sdelay $0x2  }
0x120: {  	v10 =	vld [tilespmem:$0xB10];
	_ =	sdelay $0x4  }
0x121: {  	[tilespmem:v9+s16+$0x0] =	vst.idx.msk $0xffff, v10  }
0x122: {  	v9 =	vld.idx.msk [tilespmem:v9+s10+$0x0], $0xffff;
	_ =	sdelay $0x7  }
0x123: {  	[tilespmem:v9+s17+$0x0] =	vst.idx.msk $0xffff, v10  }
0x124: {  	v9 =	vld [tilespmem:$0x320];
	_ =	sdelay $0x2  }
0x125: {  	v10 =	vld [tilespmem:$0xB20];
	_ =	sdelay $0x4  }
0x126: {  	[tilespmem:v9+s16+$0x0] =	vst.idx.msk $0xffff, v10  }
0x127: {  	v9 =	vld.idx.msk [tilespmem:v9+s10+$0x0], $0xffff;
	_ =	sdelay $0x7  }
0x128: {  	[tilespmem:v9+s17+$0x0] =	vst.idx.msk $0xffff, v10  }
0x129: {  	v9 =	vld [tilespmem:$0x330];
	_ =	sdelay $0x2  }
0x12a: {  	v10 =	vld [tilespmem:$0xB30];
	_ =	sdelay $0x4  }
0x12b: {  	[tilespmem:v9+s16+$0x0] =	vst.idx.msk $0xffff, v10  }
0x12c: {  	v9 =	vld.idx.msk [tilespmem:v9+s10+$0x0], $0xffff;
	_ =	sdelay $0x7  }
0x12d: {  	[tilespmem:v9+s17+$0x0] =	vst.idx.msk $0xffff, v10  }
0x12e: {  	v9 =	vld [tilespmem:$0x340];
	_ =	sdelay $0x2  }
0x12f: {  	v10 =	vld [tilespmem:$0xB40];
	_ =	sdelay $0x4  }
0x130: {  	[tilespmem:v9+s16+$0x0] =	vst.idx.msk $0xffff, v10  }
0x131: {  	v9 =	vld.idx.msk [tilespmem:v9+s10+$0x0], $0xffff;
	_ =	sdelay $0x7  }
0x132: {  	[tilespmem:v9+s17+$0x0] =	vst.idx.msk $0xffff, v10  }
0x133: {  	v9 =	vld [tilespmem:$0x350];
	_ =	sdelay $0x2  }
0x134: {  	v10 =	vld [tilespmem:$0xB50];
	_ =	sdelay $0x4  }
0x135: {  	[tilespmem:v9+s16+$0x0] =	vst.idx.msk $0xffff, v10  }
0x136: {  	v9 =	vld.idx.msk [tilespmem:v9+s10+$0x0], $0xffff;
	_ =	sdelay $0x7  }
0x137: {  	[tilespmem:v9+s17+$0x0] =	vst.idx.msk $0xffff, v10  }
0x138: {  	v9 =	vld [tilespmem:$0x360];
	_ =	sdelay $0x2  }
0x139: {  	v10 =	vld [tilespmem:$0xB60];
	_ =	sdelay $0x4  }
0x13a: {  	[tilespmem:v9+s16+$0x0] =	vst.idx.msk $0xffff, v10  }
0x13b: {  	v9 =	vld.idx.msk [tilespmem:v9+s10+$0x0], $0xffff;
	_ =	sdelay $0x7  }
0x13c: {  	[tilespmem:v9+s17+$0x0] =	vst.idx.msk $0xffff, v10  }
0x13d: {  	v9 =	vld [tilespmem:$0x370];
	_ =	sdelay $0x2  }
0x13e: {  	v10 =	vld [tilespmem:$0xB70];
	_ =	sdelay $0x4  }
0x13f: {  	[tilespmem:v9+s16+$0x0] =	vst.idx.msk $0xffff, v10  }
0x140: {  	v9 =	vld.idx.msk [tilespmem:v9+s10+$0x0], $0xffff;
	_ =	sdelay $0x7  }
0x141: {  	[tilespmem:v9+s17+$0x0] =	vst.idx.msk $0xffff, v10  }
0x142: {  	v9 =	vld [tilespmem:$0x380];
	_ =	sdelay $0x2  }
0x143: {  	v10 =	vld [tilespmem:$0xB80];
	_ =	sdelay $0x4  }
0x144: {  	[tilespmem:v9+s16+$0x0] =	vst.idx.msk $0xffff, v10  }
0x145: {  	v9 =	vld.idx.msk [tilespmem:v9+s10+$0x0], $0xffff;
	_ =	sdelay $0x7  }
0x146: {  	[tilespmem:v9+s17+$0x0] =	vst.idx.msk $0xffff, v10  }
0x147: {  	v9 =	vld [tilespmem:$0x390];
	_ =	sdelay $0x2  }
0x148: {  	v10 =	vld [tilespmem:$0xB90];
	_ =	sdelay $0x4  }
0x149: {  	[tilespmem:v9+s16+$0x0] =	vst.idx.msk $0xffff, v10  }
0x14a: {  	v9 =	vld.idx.msk [tilespmem:v9+s10+$0x0], $0xffff;
	_ =	sdelay $0x7  }
0x14b: {  	[tilespmem:v9+s17+$0x0] =	vst.idx.msk $0xffff, v10  }
0x14c: {  	v9 =	vld [tilespmem:$0x3A0];
	_ =	sdelay $0x2  }
0x14d: {  	v10 =	vld [tilespmem:$0xBA0];
	_ =	sdelay $0x4  }
0x14e: {  	[tilespmem:v9+s16+$0x0] =	vst.idx.msk $0xffff, v10  }
0x14f: {  	v9 =	vld.idx.msk [tilespmem:v9+s10+$0x0], $0xffff;
	_ =	sdelay $0x7  }
0x150: {  	[tilespmem:v9+s17+$0x0] =	vst.idx.msk $0xffff, v10  }
0x151: {  	v9 =	vld [tilespmem:$0x3B0];
	_ =	sdelay $0x2  }
0x152: {  	v10 =	vld [tilespmem:$0xBB0];
	_ =	sdelay $0x4  }
0x153: {  	[tilespmem:v9+s16+$0x0] =	vst.idx.msk $0xffff, v10  }
0x154: {  	v9 =	vld.idx.msk [tilespmem:v9+s10+$0x0], $0xffff;
	_ =	sdelay $0x7  }
0x155: {  	[tilespmem:v9+s17+$0x0] =	vst.idx.msk $0xffff, v10  }
0x156: {  	v9 =	vld [tilespmem:$0x3C0];
	_ =	sdelay $0x2  }
0x157: {  	v10 =	vld [tilespmem:$0xBC0];
	_ =	sdelay $0x4  }
0x158: {  	[tilespmem:v9+s16+$0x0] =	vst.idx.msk $0xffff, v10  }
0x159: {  	v9 =	vld.idx.msk [tilespmem:v9+s10+$0x0], $0xffff;
	_ =	sdelay $0x7  }
0x15a: {  	[tilespmem:v9+s17+$0x0] =	vst.idx.msk $0xffff, v10  }
0x15b: {  	v9 =	vld [tilespmem:$0x3D0];
	_ =	sdelay $0x2  }
0x15c: {  	v10 =	vld [tilespmem:$0xBD0];
	_ =	sdelay $0x4  }
0x15d: {  	[tilespmem:v9+s16+$0x0] =	vst.idx.msk $0xffff, v10  }
0x15e: {  	v9 =	vld.idx.msk [tilespmem:v9+s10+$0x0], $0xffff;
	_ =	sdelay $0x7  }
0x15f: {  	[tilespmem:v9+s17+$0x0] =	vst.idx.msk $0xffff, v10  }
0x160: {  	v9 =	vld [tilespmem:$0x3E0];
	_ =	sdelay $0x2  }
0x161: {  	v10 =	vld [tilespmem:$0xBE0];
	_ =	sdelay $0x4  }
0x162: {  	[tilespmem:v9+s16+$0x0] =	vst.idx.msk $0xffff, v10  }
0x163: {  	v9 =	vld.idx.msk [tilespmem:v9+s10+$0x0], $0xffff;
	_ =	sdelay $0x7  }
0x164: {  	[tilespmem:v9+s17+$0x0] =	vst.idx.msk $0xffff, v10  }
0x165: {  	v9 =	vld [tilespmem:$0x3F0];
	_ =	sdelay $0x2  }
0x166: {  	v10 =	vld [tilespmem:$0xBF0];
	_ =	sdelay $0x4  }
0x167: {  	[tilespmem:v9+s16+$0x0] =	vst.idx.msk $0xffff, v10  }
0x168: {  	v9 =	vld.idx.msk [tilespmem:v9+s10+$0x0], $0xffff;
	_ =	sdelay $0x7  }
0x169: {  	[tilespmem:v9+s17+$0x0] =	vst.idx.msk $0xffff, v10  }
0x16a: {  	v19 =	vld.idx.msk [tilespmem:v1+s17+$0x0], $0xffff  }
0x16b: {  	v20 =	vld.idx.msk [tilespmem:v2+s17+$0x0], $0xffff  }
0x16c: {  	v21 =	vld.idx.msk [tilespmem:v3+s17+$0x0], $0xffff  }
0x16d: {  	v22 =	vld.idx.msk [tilespmem:v4+s17+$0x0], $0xffff  }
0x16e: {  	s21 =	simm.s32 $0x0;
	v23 =	vld.idx.msk [tilespmem:v5+s17+$0x0], $0xffff  }
0x16f: {  	v34 =	vld [tilespmem:s21+$0x1400]  }
0x170: {  	v24 =	vld.idx.msk [tilespmem:v6+s17+$0x0], $0xffff  }
0x171: {  	v25 =	vld.idx.msk [tilespmem:v7+s17+$0x0], $0xffff;
	_ =	sdelay $0x2  }
0x172: {  	vm0 =	vle.f32 v19, v34  }
0x173: {  	v9 =	vsel vm0, v21, v20  }
0x174: {  	v10 =	vsel vm0, v25, v24;
	v11 =	vsel vm0, v23, v22;
	vm1 =	vle.f32 v9, v34  }
0x175: {  	v35 =	vld [tilespmem:s21+$0x1410];
	v9 =	vsel vm1, v10, v11  }
0x176: {  	v10 =	vsel vm0, $0x1, v8;
	v11 =	vsel vm1, $0x2, v8;
	vm0 =	vle.f32 v9, v34  }
0x177: {  	v9 =	vor.u32 v10, v11;
	v10 =	vsel vm0, $0x4, v8  }
0x178: {  	v9 =	vor.u32 v10, v9  }
0x179: {  	v10 =	vor.u32 $0x3F0, v9  }
0x17a: {  	vm0 =	vle.f32 v19, v35  }
0x17b: {  	v11 =	vsel vm0, v21, v20  }
0x17c: {  	v12 =	vsel vm0, v23, v22;
	vm1 =	vle.f32 v11, v35;
	v11 =	vsel vm0, v25, v24  }
0x17d: {  	v11 =	vsel vm1, v11, v12  }
0x17e: {  	v13 =	vsel vm0, $0x1, v8;
	v12 =	vsel vm1, $0x2, v8;
	vm0 =	vle.f32 v11, v35;
	v10 =	vld.idx.msk [tilespmem:v10+s17+$0x0], $0xffff  }
0x17f: {  	v11 =	vor.u32 v13, v12;
	v12 =	vsel vm0, $0x4, v8  }
0x180: {  	v11 =	vor.u32 v12, v11  }
0x181: {  	v12 =	vor.u32 $0x3F0, v11;
	_ =	sdelay $0x1  }
0x182: {  	vm0 =	vle.f32 v10, v34  }
0x183: {  	v10 =	vsel vm0, $0x8, v8  }
0x184: {  	v9 =	vor.u32 v10, v9  }
0x185: {  	v10 =	vld.idx.msk [tilespmem:v12+s17+$0x0], $0xffff;
	v12 =	vor.u32 $0x3E0, v9;
	_ =	sdelay $0x4  }
0x186: {  	vm0 =	vle.f32 v10, v35;
	v10 =	vld.idx.msk [tilespmem:v12+s17+$0x0], $0xffff  }
0x187: {  	v13 =	vld [tilespmem:s22+$0x1400]  }
0x188: {  	v12 =	vsel vm0, $0x8, v8  }
0x189: {  	v11 =	vor.u32 v12, v11  }
0x18a: {  	v12 =	vor.u32 $0x3E0, v11  }
0x18b: {  	vm0 =	vle.f32 v10, v34  }
0x18c: {  	v10 =	vsel vm0, $0x10, v8;
	vm0 =	vle.f32 v19, v13  }
0x18d: {  	v10 =	vor.u32 v10, v9;
	v9 =	vsel vm0, v21, v20  }
0x18e: {  	v16 =	vld [tilespmem:s22+$0x1410];
	v14 =	vsel vm0, v25, v24;
	v15 =	vsel vm0, v23, v22;
	vm1 =	vle.f32 v9, v13  }
0x18f: {  	v12 =	vld.idx.msk [tilespmem:v12+s17+$0x0], $0xffff;
	v9 =	vor.u32 $0x3C0, v10;
	v14 =	vsel vm1, v14, v15  }
0x190: {  	v15 =	vsel vm0, $0x1, v8;
	v17 =	vsel vm1, $0x2, v8;
	vm0 =	vle.f32 v14, v13  }
0x191: {  	v14 =	vor.u32 v15, v17;
	v15 =	vsel vm0, $0x4, v8  }
0x192: {  	v14 =	vor.u32 v15, v14  }
0x193: {  	v15 =	vor.u32 $0x3F0, v14  }
0x194: {  	vm1 =	vle.f32 v19, v16;
	vm0 =	vle.f32 v12, v35;
	v12 =	vld.idx.msk [tilespmem:v9+s17+$0x0], $0xffff  }
0x195: {  	v17 =	vsel vm1, v21, v20;
	v18 =	vsel vm1, v23, v22  }
0x196: {  	s20 =	simm.s32 $0x40;
	v9 =	vsel vm0, $0x10, v8;
	vm0 =	vle.f32 v17, v16;
	v17 =	vsel vm1, v25, v24  }
0x197: {  	v11 =	vor.u32 v9, v11;
	v26 =	vsel vm0, $0x2, v8;
	v17 =	vsel vm0, v17, v18;
	v9 =	vld [tilespmem:s20+$0x1400]  }
0x198: {  	v18 =	vsel vm1, $0x1, v8;
	vm0 =	vle.f32 v17, v16;
	v17 =	vor.u32 $0x3C0, v11;
	v15 =	vld.idx.msk [tilespmem:v15+s17+$0x0], $0xffff  }
0x199: {  	v18 =	vor.u32 v18, v26;
	v26 =	vsel vm0, $0x4, v8;
	vm0 =	vle.f32 v12, v34  }
0x19a: {  	v12 =	vor.u32 v26, v18;
	v18 =	vsel vm0, $0x20, v8  }
0x19b: {  	v26 =	vor.u32 $0x3F0, v12;
	v10 =	vor.u32 v18, v10  }
0x19c: {  	v18 =	vor.u32 $0x380, v10  }
0x19d: {  	vm0 =	vle.f32 v19, v9;
	vm1 =	vle.f32 v15, v13;
	v15 =	vld.idx.msk [tilespmem:v17+s17+$0x0], $0xffff  }
0x19e: {  	v27 =	vsel vm0, v25, v24;
	v17 =	vsel vm0, v21, v20  }
0x19f: {  	v28 =	vsel vm0, v23, v22;
	vm2 =	vle.f32 v17, v9;
	v17 =	vsel vm1, $0x8, v8  }
0x1a0: {  	v26 =	vld.idx.msk [tilespmem:v26+s17+$0x0], $0xffff;
	v27 =	vsel vm2, v27, v28;
	v28 =	vsel vm0, $0x1, v8;
	v29 =	vsel vm2, $0x2, v8  }
0x1a1: {  	v14 =	vor.u32 v17, v14;
	vm0 =	vle.f32 v27, v9;
	v18 =	vld.idx.msk [tilespmem:v18+s17+$0x0], $0xffff;
	v17 =	vor.u32 v28, v29  }
0x1a2: {  	v28 =	vor.u32 $0x3E0, v14;
	v27 =	vsel vm0, $0x4, v8;
	vm0 =	vle.f32 v15, v35  }
0x1a3: {  	v17 =	vor.u32 v27, v17;
	v15 =	vsel vm0, $0x20, v8  }
0x1a4: {  	v27 =	vor.u32 $0x3F0, v17;
	v11 =	vor.u32 v15, v11  }
0x1a5: {  	vm0 =	vle.f32 v26, v16;
	v26 =	vor.u32 $0x380, v11  }
0x1a6: {  	v15 =	vsel vm0, $0x8, v8;
	vm0 =	vle.f32 v18, v34  }
0x1a7: {  	v18 =	vor.u32 v15, v12;
	v28 =	vld.idx.msk [tilespmem:v28+s17+$0x0], $0xffff;
	v12 =	vsel vm0, $0x40, v8  }
0x1a8: {  	v29 =	vor.u32 $0x3E0, v18;
	v15 =	vor.u32 v12, v10  }
0x1a9: {  	v10 =	vld.idx.msk [tilespmem:v27+s17+$0x0], $0xffff;
	v12 =	vor.u32 $0x300, v15  }
0x1aa: {  	v26 =	vld.idx.msk [tilespmem:v26+s17+$0x0], $0xffff;
	_ =	sdelay $0x1  }
0x1ab: {  	vm0 =	vle.f32 v28, v13  }
0x1ac: {  	v27 =	vld.idx.msk [tilespmem:v29+s17+$0x0], $0xffff;
	v28 =	vsel vm0, $0x10, v8  }
0x1ad: {  	v28 =	vor.u32 v28, v14;
	vm0 =	vle.f32 v10, v9;
	v10 =	vld.idx.msk [tilespmem:v12+s17+$0x0], $0xffff  }
0x1ae: {  	v12 =	vld [tilespmem:s20+$0x1410];
	v29 =	vor.u32 $0x3C0, v28;
	v14 =	vsel vm0, $0x8, v8;
	vm0 =	vle.f32 v26, v35  }
0x1af: {  	v17 =	vor.u32 v14, v17;
	v14 =	vsel vm0, $0x40, v8  }
0x1b0: {  	v26 =	vor.u32 $0x3E0, v17;
	v14 =	vor.u32 v14, v11  }
0x1b1: {  	v11 =	vor.u32 $0x300, v14  }
0x1b2: {  	vm0 =	vle.f32 v10, v34  }
0x1b3: {  	vm1 =	vle.f32 v27, v16;
	vm2 =	vle.f32 v19, v12;
	v27 =	vld.idx.msk [tilespmem:v29+s17+$0x0], $0xffff;
	v29 =	vsel vm0, $0x80, v8  }
0x1b4: {  	v33 =	vld [tilespmem:s21+$0x1600];
	v10 =	vsel vm2, v21, v20;
	v31 =	vsel vm2, v23, v22;
	v32 =	vadd.s32 v29, v15  }
0x1b5: {  	vm0 =	vle.f32 v10, v12;
	v10 =	vsel vm2, v25, v24;
	v26 =	vld.idx.msk [tilespmem:v26+s17+$0x0], $0xffff;
	v32 =	vadd.s32 $0x200, v32  }
0x1b6: {  	v36 =	vsel vm1, $0x10, v8;
	v10 =	vsel vm0, v10, v31;
	v31 =	vld.idx.msk [tilespmem:v11+s17+$0x0], $0xffff  }
0x1b7: {  	s30 =	simm.s32 $0x60;
	v37 =	vld [tilespmem:s22+$0x1600];
	v38 =	vsel vm2, $0x1, v8;
	v11 =	vsel vm0, $0x2, v8;
	vm0 =	vle.f32 v10, v12  }
0x1b8: {  	v18 =	vor.u32 v36, v18;
	v10 =	vld [tilespmem:s30+$0x1400];
	v11 =	vor.u32 v38, v11;
	v58 =	vsel vm0, $0x4, v8  }
0x1b9: {  	v41 =	vor.u32 $0x3C0, v18;
	vm0 =	vle.f32 v27, v13;
	v36 =	vor.u32 v58, v11;
	v11 =	vld [tilespmem:s30+$0x1410]  }
0x1ba: {  	v27 =	vsel vm0, $0x20, v8;
	vm1 =	vle.f32 v26, v9;
	v26 =	vor.u32 $0x3F0, v36;
	v32 =	vld.idx.msk [tilespmem:v32+s17+$0x0], $0xffff  }
0x1bb: {  	v27 =	vor.u32 v27, v28;
	v59 =	vsel vm1, $0x10, v8;
	vm0 =	vle.f32 v31, v35  }
0x1bc: {  	v28 =	vor.u32 $0x380, v27;
	v17 =	vor.u32 v59, v17;
	v38 =	vsel vm0, $0x80, v8  }
0x1bd: {  	v39 =	vld [tilespmem:s22+$0x1610];
	v31 =	vor.u32 $0x3C0, v17;
	vm0 =	vle.f32 v19, v10;
	v40 =	vadd.s32 v38, v14  }
0x1be: {  	v30 =	vld [tilespmem:s21+$0x1610];
	v42 =	vsel vm0, $0x1, v8;
	v43 =	vsel vm0, v25, v24;
	vm1 =	vle.f32 v19, v11  }
0x1bf: {  	v57 =	vld [tilespmem:s20+$0x1600];
	v60 =	vsel vm0, v23, v22;
	v47 =	vsel vm0, v21, v20;
	vm2 =	vle.f32 v32, v34  }
0x1c0: {  	v44 =	vld.idx.msk [tilespmem:v33+s13+$0x0], $0xffff;
	v61 =	vsel vm1, v21, v20;
	v45 =	vsel vm1, v23, v22;
	v62 =	vadd.s32 $0x200, v40  }
0x1c1: {  	v46 =	vld.idx.msk [tilespmem:v37+s13+$0x0], $0xffff;
	v52 =	vsel vm1, v25, v24;
	vm0 =	vle.f32 v47, v10;
	vm3 =	vle.f32 v61, v11  }
0x1c2: {  	v41 =	vld.idx.msk [tilespmem:v41+s17+$0x0], $0xffff;
	v48 =	vsel vm1, $0x1, v8;
	v33 =	vsel vm0, v43, v60;
	v40 =	vsel vm3, v52, v45  }
0x1c3: {  	v54 =	vsel vm0, $0x2, v8;
	v63 =	vsel vm3, $0x2, v8;
	vm1 =	vle.f32 v40, v11;
	v31 =	vld.idx.msk [tilespmem:v31+s17+$0x0], $0xffff  }
0x1c4: {  	v28 =	vld.idx.msk [tilespmem:v28+s17+$0x0], $0xffff;
	vm0 =	vle.f32 v33, v10;
	v37 =	vor.u32 v48, v63;
	v53 =	vsel vm1, $0x4, v8  }
0x1c5: {  	v45 =	vld.idx.msk [tilespmem:v39+s13+$0x0], $0xffff;
	v55 =	vor.u32 v42, v54;
	v56 =	vsel vm0, $0x4, v8;
	v39 =	vor.u32 v53, v37  }
0x1c6: {  	v51 =	vsel vm2, $0x100, v8;
	v47 =	vor.u32 v56, v55;
	v32 =	vld.idx.msk [tilespmem:v62+s17+$0x0], $0xffff;
	v52 =	vor.u32 $0x3F0, v39  }
0x1c7: {  	v26 =	vld.idx.msk [tilespmem:v26+s17+$0x0], $0xffff;
	v29 =	vor.u32 v51, v29;
	vm0 =	vle.f32 v41, v16;
	v33 =	vor.u32 $0x3F0, v47  }
0x1c8: {  	v49 =	vld [tilespmem:s30+$0x1600];
	v54 =	vsel vm0, $0x20, v8;
	v53 =	vor.u32 v15, v29;
	vm0 =	vle.f32 v31, v9  }
0x1c9: {  	v30 =	vld.idx.msk [tilespmem:v30+s13+$0x0], $0xffff;
	v18 =	vor.u32 v54, v18;
	vm1 =	vle.f32 v28, v13;
	v58 =	vsel vm0, $0x20, v8  }
0x1ca: {  	v55 =	vld [tilespmem:s20+$0x1610];
	v59 =	vsel vm1, $0x40, v8;
	v31 =	vor.u32 $0x380, v18;
	v17 =	vor.u32 v58, v17  }
0x1cb: {  	v37 =	vor.u32 v59, v27;
	vm0 =	vle.f32 v32, v35;
	v43 =	vld.idx.msk [tilespmem:v52+s17+$0x0], $0xffff;
	v27 =	vor.u32 $0x380, v17  }
0x1cc: {  	vm1 =	vle.f32 v26, v12;
	v60 =	vld.idx.msk [tilespmem:v33+s17+$0x0], $0xffff;
	v61 =	vsel vm0, $0x100, v8  }
0x1cd: {  	v62 =	vsel vm1, $0x8, v8;
	v26 =	vor.u32 $0x300, v37;
	v41 =	vld.idx.msk [tilespmem:v53+s17+$0x0], $0xffff;
	v38 =	vor.u32 v61, v38  }
0x1ce: {  	v40 =	vsub.f32 v35, v30;
	v28 =	vld [tilespmem:s30+$0x1610];
	v36 =	vor.u32 v62, v36;
	v63 =	vor.u32 v14, v38  }
0x1cf: {  	v51 =	vor.u32 $0x3E0, v36;
	v31 =	vld.idx.msk [tilespmem:v31+s17+$0x0], $0xffff  }
0x1d0: {  	v40 =	vand.u32 $0x7FFFFFFF, v40;
	v30 =	vsub.f32 v16, v45;
	vm0 =	vle.f32 v43, v11;
	v27 =	vld.idx.msk [tilespmem:v27+s17+$0x0], $0xffff  }
0x1d1: {  	v50 =	vld.idx.msk [tilespmem:v57+s13+$0x0], $0xffff;
	v33 =	vimm.f32 $0.0e+00;
	v56 =	vsel vm0, $0x8, v8;
	vm0 =	vle.f32 v60, v10  }
0x1d2: {  	v26 =	vld.idx.msk [tilespmem:v26+s17+$0x0], $0xffff;
	vm1 =	vle.f32 v41, v34;
	v57 =	vor.u32 v56, v39;
	v32 =	vsel vm0, $0x8, v8  }
0x1d3: {  	v58 =	vsel vm1, $0x200, v8;
	v48 =	vld.idx.msk [tilespmem:v63+s17+$0x0], $0xffff;
	v52 =	vor.u32 $0x3E0, v57;
	v47 =	vor.u32 v32, v47  }
0x1d4: {  	v51 =	vld.idx.msk [tilespmem:v51+s17+$0x0], $0xffff;
	v15 =	vor.u32 v58, v15;
	vm0 =	vle.f32 v31, v16;
	v31 =	vor.u32 $0x3E0, v47  }
0x1d5: {  	v59 =	vld.idx.msk [tilespmem:v49+s13+$0x0], $0xffff;
	v15 =	vor.u32 v29, v15;
	v29 =	vsel vm0, $0x40, v8;
	vm0 =	vle.f32 v27, v9  }
0x1d6: {  	v42 =	vld.idx.msk [tilespmem:v55+s13+$0x0], $0xffff;
	v41 =	vsub.f32 v34, v44;
	v39 =	vor.u32 v29, v18;
	v27 =	vsel vm0, $0x40, v8  }
0x1d7: {  	vm1 =	vle.f32 v26, v13;
	v18 =	vld.idx.msk [tilespmem:v28+s13+$0x0], $0xffff;
	v26 =	vor.u32 $0x300, v39;
	v32 =	vor.u32 v27, v17  }
0x1d8: {  	v27 =	vsel vm1, $0x80, v8;
	vm0 =	vle.f32 v48, v35;
	v60 =	vld.idx.msk [tilespmem:v52+s17+$0x0], $0xffff;
	v61 =	vor.u32 $0x300, v32  }
0x1d9: {  	v17 =	vadd.s32 v27, v37;
	v29 =	vsel vm0, $0x200, v8;
	vm0 =	vle.f32 v51, v12;
	v62 =	vld.idx.msk [tilespmem:v31+s17+$0x0], $0xffff  }
0x1da: {  	s31 =	simm.s32 $0x80;
	v31 =	vsub.f32 v13, v46;
	v46 =	vld.idx.msk [tilespmem:v15+s10+$0x0], $0xffff;
	v63 =	vadd.s32 $0x200, v17;
	v15 =	vsel vm0, $0x10, v8  }
0x1db: {  	v41 =	vand.u32 $0x7FFFFFFF, v41;
	v28 =	vsub.f32 v12, v42;
	v42 =	vor.u32 v15, v36;
	v15 =	vld [tilespmem:s31+$0x1400]  }
0x1dc: {  	v14 =	vor.u32 v29, v14;
	v29 =	vsub.f32 v9, v50;
	v17 =	vsub.f32 v11, v18  }
0x1dd: {  	v18 =	vsub.f32 v10, v59;
	v26 =	vld.idx.msk [tilespmem:v26+s17+$0x0], $0xffff;
	v38 =	vor.u32 v38, v14;
	vm0 =	vle.f32 v60, v11  }
0x1de: {  	v54 =	vor.u32 $0x3C0, v42;
	v56 =	vld.idx.msk [tilespmem:v61+s17+$0x0], $0xffff;
	v14 =	vsel vm0, $0x10, v8;
	vm0 =	vle.f32 v62, v10  }
0x1df: {  	v58 =	vld.idx.msk [tilespmem:v63+s17+$0x0], $0xffff;
	v48 =	vadd.s32 $0xFFFFFFFF, v46;
	v36 =	vor.u32 v14, v57;
	v14 =	vsel vm0, $0x10, v8  }
0x1e0: {  	v57 =	vadd.s32 $0xFFFFFFFE, v46;
	vm1 =	vle.f32 v19, v15;
	v47 =	vor.u32 v14, v47;
	v14 =	vld [tilespmem:s31+$0x1410]  }
0x1e1: {  	v43 =	vadd.s32 $0x1, v46;
	vm0 =	vgt.s32 v57, $0x0;
	v52 =	vsel vm1, $0x1, v8  }
0x1e2: {  	v53 =	vsel vm1, v25, v24;
	v59 =	vnsel vm0, $0x0, v57;
	vm0 =	vle.f32 v26, v16;
	v26 =	vld.idx.msk [tilespmem:v38+s10+$0x0], $0xffff  }
0x1e3: {  	v44 =	vsel vm1, v23, v22;
	v38 =	vor.u32 $0x3C0, v47;
	v50 =	vsel vm0, $0x80, v8  }
0x1e4: {  	vm0 =	vgt.s32 v57, $0xFFFFFFFF;
	vm2 =	vle.f32 v56, v9;
	vm3 =	vle.f32 v58, v13  }
0x1e5: {  	v60 =	vadd.s32 v50, v39;
	v45 =	vsel vm3, $0x100, v8;
	vm4 =	vle.f32 v19, v14  }
0x1e6: {  	v43 =	vld.idx.msk [tilespmem:v43+s16+$0x0], $0xffff;
	v51 =	vadd.s32 $0x200, v60;
	v45 =	vor.u32 v45, v27;
	v55 =	vsel vm4, v21, v20  }
0x1e7: {  	v49 =	vld.idx.msk [tilespmem:v59+s16+$0x0], $0xffff;
	v56 =	vsel vm4, v23, v22;
	v58 =	vadd.s32 $0xFFFFFFFE, v26;
	v59 =	vadd.s32 $0xFFFFFFFF, v26  }
0x1e8: {  	v57 =	vld [tilespmem:s31+$0x1610];
	v61 =	vsel vm4, v25, v24;
	v63 =	vsel vm4, $0x1, v8;
	vm3 =	vle.f32 v55, v14  }
0x1e9: {  	v55 =	vld [tilespmem:s31+$0x1600];
	vm8 =	vgt.s32 v59, $0x0;
	vm9 =	vgt.s32 v59, $0xFFFFFFFF;
	vm13 =	vgt.s32 v58, $0xFFFFFFFF  }
0x1ea: {  	v54 =	vld.idx.msk [tilespmem:v54+s17+$0x0], $0xffff;
	v60 =	vsel vm3, $0x2, v8;
	v56 =	vsel vm3, v61, v56;
	v61 =	vsel vm1, v21, v20  }
0x1eb: {  	v43 =	vsub.f32 v34, v43;
	v62 =	vld.idx.msk [tilespmem:v26+s16+$0x0], $0xffff;
	v27 =	vor.u32 v63, v60;
	vm3 =	vle.f32 v56, v14  }
0x1ec: {  	v60 =	vadd.s32 $0x1, v26;
	v51 =	vld.idx.msk [tilespmem:v51+s17+$0x0], $0xffff;
	vm1 =	vle.f32 v61, v15;
	v61 =	vnsel vm8, $0x0, v59  }
0x1ed: {  	v63 =	vld.idx.msk [tilespmem:v38+s17+$0x0], $0xffff;
	v56 =	vsel vm3, $0x4, v8;
	v38 =	vsel vm1, $0x2, v8;
	v44 =	vsel vm1, v53, v44  }
0x1ee: {  	v26 =	vld.idx.msk [tilespmem:v46+s16+$0x0], $0xffff;
	v49 =	vsub.f32 v34, v49;
	v56 =	vor.u32 v56, v27;
	v27 =	vor.u32 v37, v45  }
0x1ef: {  	v52 =	vor.u32 v52, v38;
	vm1 =	vle.f32 v44, v15;
	v46 =	vor.u32 $0x3F0, v56  }
0x1f0: {  	v53 =	vsub.f32 v35, v62;
	v62 =	vsel vm1, $0x4, v8;
	vm1 =	vle.f32 v54, v12;
	v54 =	vld.idx.msk [tilespmem:v57+s13+$0x0], $0xffff  }
0x1f1: {  	vm3 =	vgt.s32 v58, $0x0;
	v38 =	vand.u32 $0x7FFFFFFF, v49;
	v44 =	vld.idx.msk [tilespmem:v55+s13+$0x0], $0xffff;
	v49 =	vor.u32 v62, v52  }
0x1f2: {  	v52 =	vsel vm1, $0x20, v8;
	v55 =	vnsel vm3, $0x0, v58;
	vm1 =	vle.f32 v51, v16;
	v51 =	vld.idx.msk [tilespmem:v61+s16+$0x0], $0xffff  }
0x1f3: {  	v59 =	vsub.f32 v34, v26;
	v57 =	vld.idx.msk [tilespmem:v27+s17+$0x0], $0xffff;
	v62 =	vor.u32 $0x3F0, v49;
	v52 =	vor.u32 v52, v42  }
0x1f4: {  	v27 =	vsel vm1, $0x100, v8;
	vm1 =	vle.f32 v63, v10;
	v61 =	vor.u32 $0x380, v52;
	v46 =	vld.idx.msk [tilespmem:v46+s17+$0x0], $0xffff  }
0x1f5: {  	vm3 =	vgt.s32 v48, $0x0;
	v42 =	vor.u32 v27, v50;
	v27 =	vsel vm1, $0x20, v8  }
0x1f6: {  	v60 =	vld.idx.msk [tilespmem:v60+s16+$0x0], $0xffff;
	vm1 =	vgt.s32 v48, $0xFFFFFFFF;
	v50 =	vor.u32 v39, v42;
	v26 =	vsub.f32 v14, v54  }
0x1f7: {  	v54 =	vor.u32 v27, v47;
	v47 =	vnsel vm3, $0x0, v48;
	v48 =	vld.idx.msk [tilespmem:v55+s16+$0x0], $0xffff;
	v27 =	vsub.f32 v15, v44  }
0x1f8: {  	v44 =	vor.u32 $0x380, v54;
	v51 =	vsub.f32 v35, v51;
	vm5 =	vle.f32 v57, v13;
	v57 =	vld.idx.msk [tilespmem:v62+s17+$0x0], $0xffff  }
0x1f9: {  	v53 =	vand.u32 $0x7FFFFFFF, v53;
	v55 =	vld.idx.msk [tilespmem:v61+s17+$0x0], $0xffff;
	vm3 =	vle.f32 v46, v14;
	v61 =	vsel vm5, $0x200, v8  }
0x1fa: {  	v63 =	vand.u32 $0x7FFFFFFF, v51;
	v46 =	vsel vm3, $0x8, v8;
	v37 =	vor.u32 v61, v37  }
0x1fb: {  	v56 =	vor.u32 v46, v56;
	v45 =	vor.u32 v45, v37;
	v37 =	vnsel vm9, $0x7F800000, v63  }
0x1fc: {  	v50 =	vld.idx.msk [tilespmem:v50+s17+$0x0], $0xffff;
	v46 =	vand.u32 $0x7FFFFFFF, v59;
	v51 =	vor.u32 $0x3E0, v56;
	v61 =	vsub.f32 v35, v48  }
0x1fd: {  	v62 =	vmin.f32 v37, v53;
	vm3 =	vle.f32 v37, v53;
	v44 =	vld.idx.msk [tilespmem:v44+s17+$0x0], $0xffff;
	v48 =	vand.u32 $0x7FFFFFFF, v43  }
0x1fe: {  	v43 =	vld.idx.msk [tilespmem:v47+s16+$0x0], $0xffff;
	v35 =	vsub.f32 v35, v60;
	vm11 =	vle.f32 v57, v15;
	vm10 =	vle.f32 v55, v12  }
0x1ff: {  	v55 =	vmax.f32 v37, v53;
	v59 =	vsel vm11, $0x8, v8;
	v61 =	vand.u32 $0x7FFFFFFF, v61  }
0x200: {  	v60 =	vand.u32 $0x7FFFFFFF, v35;
	v57 =	vsel vm10, $0x40, v8;
	v47 =	vor.u32 v59, v49  }
0x201: {  	vm12 =	vle.f32 v50, v16;
	v37 =	vor.u32 v57, v52;
	v63 =	vor.u32 $0x3E0, v47;
	v49 =	vld.idx.msk [tilespmem:v51+s17+$0x0], $0xffff  }
0x202: {  	v50 =	vsel vm12, $0x200, v8;
	v52 =	vnsel vm13, $0x7F800000, v61;
	vm14 =	vle.f32 v44, v10  }
0x203: {  	v57 =	vor.u32 $0x300, v37;
	v44 =	vld.idx.msk [tilespmem:v45+s10+$0x0], $0xffff;
	v50 =	vor.u32 v50, v39;
	v53 =	vsub.f32 v34, v43  }
0x204: {  	v61 =	vsel vm3, v52, v60;
	vm3 =	vgt.f32 v40, v62;
	v59 =	vsel vm14, $0x40, v8  }
0x205: {  	v45 =	vsel vm2, $0x80, v8;
	v34 =	vmin.f32 v55, v61;
	v35 =	vor.u32 v59, v54  }
0x206: {  	v34 =	vsel vm3, v62, v34;
	v43 =	vor.u32 $0x300, v35;
	vm15 =	vle.f32 v49, v14  }
0x207: {  	v51 =	vld.idx.msk [tilespmem:v63+s17+$0x0], $0xffff;
	v63 =	vadd.s32 v45, v32;
	v49 =	vsub.f32 v40, v34;
	v62 =	vsel vm15, $0x10, v8  }
0x208: {  	s20 =	simm.s32 $0x280;
	v52 =	vld.idx.msk [tilespmem:v57+s17+$0x0], $0xffff;
	v54 =	vadd.s32 $0x200, v63;
	v39 =	vadd.s32 $0xFFFFFFFF, v44;
	v34 =	vor.u32 v62, v56  }
.LBB2_2:
0x209: {  	v55 =	vadd.s32 $0xFFFFFFFE, v44;
	v42 =	vor.u32 v42, v50  }
0x20a: {  	s21 =	sshra.s32 s20, $0x2;
	p0 =	sne.s32 s20, $0x780;
	s20 =	sadd.s32 $0x80, s20;
	v50 =	vand.u32 $0x7FFFFFFF, v53;
	v38 =	vnsel vm0, $0x7F800000, v38;
	v49 =	vmax.f32 v49, $0.0e+00  }
0x20b: {  	v59 =	vor.u32 $0x3C0, v36;
	v40 =	vld [tilespmem:s21+$0x1400];
	vm2 =	vgt.s32 v55, $0x0;
	v50 =	vnsel vm1, $0x7F800000, v50  }
0x20c: {  	v53 =	vld.idx.msk [tilespmem:v43+s17+$0x0], $0xffff;
	v43 =	vmin.f32 v50, v46;
	v56 =	vmax.f32 v50, v46;
	vm0 =	vle.f32 v50, v46  }
0x20d: {  	vm1 =	vle.f32 v51, v15;
	v46 =	vnsel vm2, $0x0, v55;
	v50 =	vld.idx.msk [tilespmem:v44+s16+$0x0], $0xffff;
	v38 =	vsel vm0, v38, v48  }
0x20e: {  	v48 =	vsel vm1, $0x10, v8;
	vm0 =	vgt.f32 v41, v43;
	v51 =	vld.idx.msk [tilespmem:v54+s17+$0x0], $0xffff;
	v38 =	vmin.f32 v56, v38  }
0x20f: {  	vm1 =	vle.f32 v52, v12;
	v47 =	vor.u32 v48, v47;
	v42 =	vld.idx.msk [tilespmem:v42+s10+$0x0], $0xffff;
	v38 =	vsel vm0, v43, v38  }
0x210: {  	v52 =	vsel vm1, $0x80, v8;
	v48 =	vor.u32 $0x3C0, v47;
	v43 =	vld [tilespmem:s21+$0x1410];
	v38 =	vsub.f32 v41, v38  }
0x211: {  	v54 =	vadd.s32 $0x1, v44;
	vm0 =	vgt.s32 v55, $0xFFFFFFFF;
	vm1 =	vle.f32 v19, v40;
	v41 =	vld [tilespmem:s21+$0x1610]  }
0x212: {  	v56 =	vadd.s32 v52, v37;
	v57 =	vsel vm1, $0x1, v8;
	v55 =	vld [tilespmem:s21+$0x1600];
	v38 =	vmax.f32 v38, $0.0e+00  }
0x213: {  	v58 =	vsel vm1, v25, v24;
	vm2 =	vle.f32 v53, v10;
	v53 =	vsel vm1, v23, v22  }
0x214: {  	v50 =	vsub.f32 v13, v50;
	vm3 =	vle.f32 v51, v9;
	v33 =	vadd.f32 v38, v33  }
0x215: {  	v51 =	vsel vm3, $0x100, v8;
	v44 =	vadd.s32 $0xFFFFFFFE, v42;
	vm4 =	vle.f32 v19, v43;
	v46 =	vld.idx.msk [tilespmem:v46+s16+$0x0], $0xffff  }
0x216: {  	v33 =	vadd.f32 v49, v33;
	v38 =	vsel vm4, v21, v20;
	v60 =	vsel vm4, v23, v22  }
0x217: {  	vm3 =	vle.f32 v38, v43;
	v38 =	vadd.s32 $0x200, v56;
	v56 =	vadd.s32 $0xFFFFFFFF, v42  }
0x218: {  	v45 =	vor.u32 v51, v45;
	v62 =	vsel vm4, v25, v24;
	v61 =	vsel vm3, $0x2, v8;
	v63 =	vld.idx.msk [tilespmem:v42+s16+$0x0], $0xffff  }
0x219: {  	v49 =	vsel vm4, $0x1, v8;
	v60 =	vsel vm3, v62, v60;
	vm4 =	vgt.s32 v56, $0x0;
	v48 =	vld.idx.msk [tilespmem:v48+s17+$0x0], $0xffff  }
0x21a: {  	v49 =	vor.u32 v49, v61;
	vm3 =	vle.f32 v60, v43;
	v60 =	vadd.s32 $0x1, v42;
	v51 =	vld.idx.msk [tilespmem:v59+s17+$0x0], $0xffff  }
0x21b: {  	v42 =	vsel vm1, v21, v20;
	v59 =	vsel vm3, $0x4, v8;
	v46 =	vsub.f32 v13, v46  }
0x21c: {  	v62 =	vnsel vm4, $0x0, v56;
	v49 =	vor.u32 v59, v49;
	v59 =	vor.u32 v32, v45;
	v61 =	vld.idx.msk [tilespmem:v38+s17+$0x0], $0xffff  }
0x21d: {  	vm4 =	vgt.s32 v39, $0x0;
	vm1 =	vle.f32 v42, v40;
	v42 =	vor.u32 $0x3F0, v49  }
0x21e: {  	v53 =	vsel vm1, v58, v53;
	v38 =	vsel vm1, $0x2, v8;
	v58 =	vsub.f32 v16, v63;
	v54 =	vld.idx.msk [tilespmem:v54+s16+$0x0], $0xffff  }
0x21f: {  	vm1 =	vle.f32 v53, v40;
	v57 =	vor.u32 v57, v38;
	v38 =	vand.u32 $0x7FFFFFFF, v46;
	v53 =	vld.idx.msk [tilespmem:v55+s13+$0x0], $0xffff  }
0x220: {  	vm3 =	vgt.s32 v44, $0x0;
	v46 =	vsel vm1, $0x4, v8;
	vm1 =	vle.f32 v51, v11;
	v41 =	vld.idx.msk [tilespmem:v41+s13+$0x0], $0xffff  }
0x221: {  	v51 =	vor.u32 v46, v57;
	v57 =	vnsel vm3, $0x0, v44;
	v46 =	vsel vm1, $0x20, v8;
	v55 =	vld.idx.msk [tilespmem:v59+s17+$0x0], $0xffff  }
0x222: {  	v59 =	vor.u32 $0x3F0, v51;
	v63 =	vor.u32 v46, v36;
	vm1 =	vle.f32 v61, v12;
	v36 =	vmovc v34;
	v46 =	vld.idx.msk [tilespmem:v62+s16+$0x0], $0xffff  }
0x223: {  	v58 =	vand.u32 $0x7FFFFFFF, v58;
	vm3 =	vgt.s32 v56, $0xFFFFFFFF;
	v61 =	vor.u32 $0x380, v63;
	v34 =	vld.idx.msk [tilespmem:v42+s17+$0x0], $0xffff  }
0x224: {  	v42 =	vsel vm1, $0x100, v8;
	vm1 =	vle.f32 v48, v15;
	v48 =	vsub.f32 v13, v54  }
0x225: {  	v42 =	vor.u32 v42, v52;
	v54 =	vsel vm1, $0x20, v8;
	vm1 =	vgt.s32 v39, $0xFFFFFFFF  }
0x226: {  	v39 =	vnsel vm4, $0x0, v39;
	v53 =	vsub.f32 v40, v53;
	v52 =	vor.u32 v37, v42  }
0x227: {  	v56 =	vsub.f32 v43, v41;
	v54 =	vor.u32 v54, v47;
	v41 =	vand.u32 $0x7FFFFFFF, v31  }
0x228: {  	vm5 =	vle.f32 v55, v9;
	v47 =	vld.idx.msk [tilespmem:v57+s16+$0x0], $0xffff;
	v57 =	vor.u32 $0x380, v54;
	vm4 =	vle.f32 v34, v43  }
0x229: {  	v31 =	vmovc v29;
	v46 =	vsub.f32 v16, v46;
	v61 =	vld.idx.msk [tilespmem:v61+s17+$0x0], $0xffff;
	v34 =	vsel vm5, $0x200, v8;
	v29 =	vsel vm4, $0x8, v8  }
0x22a: {  	v59 =	vld.idx.msk [tilespmem:v59+s17+$0x0], $0xffff;
	v62 =	vor.u32 v29, v49;
	v29 =	vor.u32 v34, v32  }
0x22b: {  	v55 =	vand.u32 $0x7FFFFFFF, v30;
	v30 =	vmovc v28;
	v28 =	vmov v17;
	v52 =	vld.idx.msk [tilespmem:v52+s17+$0x0], $0xffff;
	v32 =	vand.u32 $0x7FFFFFFF, v46  }
0x22c: {  	v17 =	vmov v26;
	v26 =	vmov v56;
	v32 =	vnsel vm3, $0x7F800000, v32  }
0x22d: {  	v34 =	vor.u32 $0x3E0, v62;
	v45 =	vor.u32 v45, v29;
	v49 =	vld.idx.msk [tilespmem:v60+s16+$0x0], $0xffff;
	v29 =	vmovc v18;
	v18 =	vmov v27  }
0x22e: {  	v47 =	vsub.f32 v16, v47;
	vm3 =	vle.f32 v32, v58;
	v56 =	vld.idx.msk [tilespmem:v57+s17+$0x0], $0xffff;
	v57 =	vmin.f32 v32, v58  }
0x22f: {  	v46 =	vand.u32 $0x7FFFFFFF, v50;
	vm4 =	vle.f32 v61, v11;
	v27 =	vmovc v53;
	v58 =	vmax.f32 v32, v58;
	v32 =	vmovc v35  }
0x230: {  	v48 =	vand.u32 $0x7FFFFFFF, v48;
	vm5 =	vle.f32 v59, v40;
	v35 =	vsel vm4, $0x40, v8;
	v39 =	vld.idx.msk [tilespmem:v39+s16+$0x0], $0xffff  }
0x231: {  	v53 =	vand.u32 $0x7FFFFFFF, v47;
	v50 =	vsel vm5, $0x8, v8;
	v35 =	vor.u32 v35, v63  }
0x232: {  	vm4 =	vle.f32 v52, v12;
	vm5 =	vgt.s32 v44, $0xFFFFFFFF;
	v47 =	vor.u32 v50, v51;
	v34 =	vld.idx.msk [tilespmem:v34+s17+$0x0], $0xffff  }
0x233: {  	v50 =	vsel vm4, $0x200, v8;
	v51 =	vor.u32 $0x3E0, v47;
	v49 =	vsub.f32 v16, v49;
	v16 =	vmovc v12;
	v12 =	vmovc v11  }
0x234: {  	v52 =	vor.u32 $0x300, v35;
	v11 =	vmovc v14;
	v14 =	vmovc v43;
	vm4 =	vle.f32 v56, v15;
	v44 =	vld.idx.msk [tilespmem:v45+s10+$0x0], $0xffff;
	v45 =	vnsel vm5, $0x7F800000, v53  }
0x235: {  	v50 =	vor.u32 v50, v37;
	v37 =	vmovc v35;
	v49 =	vand.u32 $0x7FFFFFFF, v49;
	v43 =	vsel vm4, $0x40, v8  }
.Ltmp0:
0x236: {  	v35 =	vor.u32 v43, v54;
	v53 =	vsub.f32 v13, v39;
	v39 =	vsel vm3, v45, v49;
	v13 =	vmovc v9;
	(pc) =	sbr.rel @p0 .LBB2_2-.Ltmp0, $4  }
0x237: {  	vm3 =	vgt.f32 v55, v57;
	v9 =	vmovc v10;
	v10 =	vmovc v15;
	v43 =	vor.u32 $0x300, v35;
	v39 =	vmin.f32 v58, v39  }
0x238: {  	v45 =	vsel vm2, $0x80, v8;
	v15 =	vmovc v40;
	vm4 =	vle.f32 v34, v14;
	v34 =	vsel vm3, v57, v39;
	v51 =	vld.idx.msk [tilespmem:v51+s17+$0x0], $0xffff  }
0x239: {  	v40 =	vadd.s32 v45, v32;
	v39 =	vsel vm4, $0x10, v8;
	v49 =	vsub.f32 v55, v34;
	v52 =	vld.idx.msk [tilespmem:v52+s17+$0x0], $0xffff  }
0x23a: {  	v54 =	vadd.s32 $0x200, v40;
	v34 =	vor.u32 v39, v62;
	v39 =	vadd.s32 $0xFFFFFFFF, v44  }
0x23b: {  	v19 =	vor.u32 $0x3C0, v36;
	v20 =	vor.u32 v42, v50  }
0x23c: {  	v21 =	vadd.s32 $0xFFFFFFFE, v44;
	v22 =	vand.u32 $0x7FFFFFFF, v53;
	v23 =	vnsel vm0, $0x7F800000, v38  }
0x23d: {  	v60 =	vadd.s32 $0x1, v44;
	v31 =	vand.u32 $0x7FFFFFFF, v31;
	v22 =	vnsel vm1, $0x7F800000, v22  }
0x23e: {  	v30 =	vand.u32 $0x7FFFFFFF, v30;
	vm2 =	vgt.s32 v21, $0x0;
	v24 =	vmin.f32 v22, v46  }
0x23f: {  	vm14 =	vle.f32 v22, v46;
	v22 =	vmax.f32 v22, v46;
	vm15 =	vle.f32 v51, v15  }
0x240: {  	v56 =	vld.idx.msk [tilespmem:v54+s17+$0x0], $0xffff;
	v25 =	vnsel vm2, $0x0, v21;
	vm3 =	vle.f32 v52, v12;
	v23 =	vsel vm14, v23, v48  }
0x241: {  	v40 =	vsel vm15, $0x10, v8;
	vm7 =	vgt.f32 v41, v24;
	v22 =	vmin.f32 v22, v23;
	v19 =	vld.idx.msk [tilespmem:v19+s17+$0x0], $0xffff  }
0x242: {  	v38 =	vsel vm3, $0x80, v8;
	v40 =	vor.u32 v40, v47;
	v20 =	vld.idx.msk [tilespmem:v20+s10+$0x0], $0xffff;
	v22 =	vsel vm7, v24, v22  }
0x243: {  	v57 =	vadd.s32 v38, v37;
	v58 =	vor.u32 $0x3C0, v40;
	v22 =	vsub.f32 v41, v22  }
0x244: {  	vm0 =	vgt.s32 v21, $0xFFFFFFFF;
	v51 =	vmax.f32 v49, $0.0e+00;
	v23 =	vadd.s32 $0x200, v57  }
0x245: {  	v43 =	vld.idx.msk [tilespmem:v43+s17+$0x0], $0xffff;
	vm8 =	vle.f32 v56, v9;
	v57 =	vor.u32 $0x3C0, v34;
	v22 =	vmax.f32 v22, $0.0e+00  }
0x246: {  	vm14 =	vgt.s32 v39, $0x0;
	v24 =	vld.idx.msk [tilespmem:v60+s16+$0x0], $0xffff;
	v48 =	vsel vm8, $0x100, v8;
	v22 =	vadd.f32 v22, v33  }
0x247: {  	v25 =	vld.idx.msk [tilespmem:v25+s16+$0x0], $0xffff;
	v33 =	vor.u32 v48, v45;
	vm6 =	vle.f32 v19, v11;
	v62 =	vadd.s32 $0xFFFFFFFF, v20  }
0x248: {  	v19 =	vld.idx.msk [tilespmem:v58+s17+$0x0], $0xffff;
	v52 =	vor.u32 v32, v33;
	v47 =	vadd.s32 $0xFFFFFFFE, v20;
	vm9 =	vgt.s32 v62, $0x0  }
0x249: {  	v59 =	vsel vm6, $0x20, v8;
	v23 =	vld.idx.msk [tilespmem:v23+s17+$0x0], $0xffff;
	vm10 =	vgt.s32 v47, $0x0;
	v50 =	vnsel vm9, $0x0, v62  }
0x24a: {  	vm15 =	vgt.s32 v39, $0xFFFFFFFF;
	v48 =	vld.idx.msk [tilespmem:v57+s17+$0x0], $0xffff;
	v36 =	vor.u32 v59, v36;
	v54 =	vnsel vm10, $0x0, v47  }
0x24b: {  	v53 =	vld.idx.msk [tilespmem:v44+s16+$0x0], $0xffff;
	vm1 =	vle.f32 v43, v10;
	v24 =	vsub.f32 v13, v24;
	v61 =	vor.u32 $0x380, v36  }
0x24c: {  	v22 =	vadd.f32 v51, v22;
	vm4 =	vgt.s32 v62, $0xFFFFFFFF;
	vm5 =	vgt.s32 v47, $0xFFFFFFFF;
	v63 =	vld.idx.msk [tilespmem:v20+s16+$0x0], $0xffff  }
0x24d: {  	v25 =	vsub.f32 v13, v25;
	v20 =	vadd.s32 $0x1, v20;
	v43 =	vld.idx.msk [tilespmem:v52+s17+$0x0], $0xffff;
	vm12 =	vle.f32 v19, v15  }
0x24e: {  	v24 =	vand.u32 $0x7FFFFFFF, v24;
	vm11 =	vle.f32 v23, v12;
	v19 =	vsel vm12, $0x20, v8;
	v55 =	vld.idx.msk [tilespmem:v50+s16+$0x0], $0xffff  }
0x24f: {  	vm9 =	vle.f32 v48, v14;
	v56 =	vsel vm11, $0x100, v8;
	v40 =	vor.u32 v19, v40;
	v59 =	vld.idx.msk [tilespmem:v54+s16+$0x0], $0xffff  }
0x250: {  	v54 =	vsel vm9, $0x20, v8;
	v41 =	vld.idx.msk [tilespmem:v61+s17+$0x0], $0xffff;
	v38 =	vor.u32 v56, v38;
	v60 =	vor.u32 $0x380, v40  }
0x251: {  	v25 =	vand.u32 $0x7FFFFFFF, v25;
	v34 =	vor.u32 v54, v34;
	v45 =	vor.u32 v37, v38  }
0x252: {  	v42 =	vsub.f32 v16, v63;
	v63 =	vsub.f32 v13, v53;
	v20 =	vld.idx.msk [tilespmem:v20+s16+$0x0], $0xffff;
	v57 =	vor.u32 $0x380, v34  }
0x253: {  	v25 =	vnsel vm0, $0x7F800000, v25;
	v61 =	vnsel vm14, $0x0, v39;
	vm7 =	vle.f32 v43, v9  }
0x254: {  	v42 =	vand.u32 $0x7FFFFFFF, v42;
	v39 =	vand.u32 $0x7FFFFFFF, v63;
	v43 =	vsel vm7, $0x200, v8  }
0x255: {  	v23 =	vsub.f32 v16, v55;
	v50 =	vor.u32 v43, v32;
	vm13 =	vle.f32 v41, v11;
	v51 =	vld.idx.msk [tilespmem:v60+s17+$0x0], $0xffff  }
0x256: {  	v21 =	vsub.f32 v16, v59;
	v32 =	vor.u32 v33, v50;
	v58 =	vsel vm13, $0x40, v8;
	v49 =	vld.idx.msk [tilespmem:v45+s17+$0x0], $0xffff  }
0x257: {  	v56 =	vsub.f32 v16, v20;
	v33 =	vsel vm1, $0x80, v8;
	v20 =	vld.idx.msk [tilespmem:v57+s17+$0x0], $0xffff;
	v19 =	vor.u32 v58, v36  }
0x258: {  	v23 =	vand.u32 $0x7FFFFFFF, v23;
	v21 =	vand.u32 $0x7FFFFFFF, v21;
	v36 =	vld.idx.msk [tilespmem:v61+s16+$0x0], $0xffff;
	v62 =	vor.u32 $0x300, v19  }
0x259: {  	v59 =	vadd.s32 v33, v35;
	v23 =	vnsel vm4, $0x7F800000, v23;
	v21 =	vnsel vm5, $0x7F800000, v21  }
0x25a: {  	v61 =	vadd.s32 $0x200, v59;
	v52 =	vmin.f32 v23, v42;
	vm8 =	vle.f32 v23, v42  }
0x25b: {  	v23 =	vmax.f32 v23, v42;
	vm13 =	vgt.f32 v30, v52;
	vm11 =	vle.f32 v51, v15  }
0x25c: {  	vm10 =	vle.f32 v49, v12;
	v58 =	vsel vm11, $0x40, v8;
	vm4 =	vle.f32 v20, v14  }
0x25d: {  	v55 =	vsel vm10, $0x200, v8;
	v16 =	vor.u32 v58, v40;
	v46 =	vsub.f32 v13, v36;
	v53 =	vld.idx.msk [tilespmem:v62+s17+$0x0], $0xffff  }
0x25e: {  	v54 =	vsel vm4, $0x40, v8;
	v60 =	vor.u32 v55, v37;
	v62 =	vand.u32 $0x7FFFFFFF, v56  }
0x25f: {  	v48 =	vor.u32 $0x300, v16;
	v21 =	vsel vm8, v21, v62;
	v13 =	vand.u32 $0x7FFFFFFF, v46  }
0x260: {  	v32 =	vld.idx.msk [tilespmem:v32+s10+$0x0], $0xffff;
	v37 =	vor.u32 v38, v60;
	v21 =	vmin.f32 v23, v21;
	v13 =	vnsel vm15, $0x7F800000, v13  }
0x261: {  	v50 =	vld.idx.msk [tilespmem:v61+s17+$0x0], $0xffff;
	v21 =	vsel vm13, v52, v21;
	v51 =	vmin.f32 v13, v39;
	vm15 =	vle.f32 v13, v39  }
0x262: {  	v52 =	vmax.f32 v13, v39;
	v13 =	vsel vm15, v25, v24;
	vm12 =	vle.f32 v53, v11  }
0x263: {  	v25 =	vmin.f32 v52, v13;
	v13 =	vor.u32 v54, v34;
	v43 =	vsel vm12, $0x80, v8  }
0x264: {  	v29 =	vand.u32 $0x7FFFFFFF, v29;
	v56 =	vor.u32 $0x300, v13;
	v63 =	vadd.s32 v43, v19  }
0x265: {  	v28 =	vand.u32 $0x7FFFFFFF, v28;
	v49 =	vadd.s32 $0xFFFFFFFE, v32;
	v37 =	vld.idx.msk [tilespmem:v37+s10+$0x0], $0xffff;
	v47 =	vadd.s32 $0x200, v63  }
0x266: {  	v57 =	vadd.s32 $0x1, v32;
	v62 =	vadd.s32 $0xFFFFFFFF, v32;
	vm6 =	vle.f32 v50, v10;
	v38 =	vld.idx.msk [tilespmem:v48+s17+$0x0], $0xffff  }
0x267: {  	vm14 =	vgt.s32 v49, $0x0;
	vm5 =	vgt.f32 v31, v51;
	v58 =	vsel vm6, $0x100, v8  }
0x268: {  	v21 =	vsub.f32 v30, v21;
	v53 =	vnsel vm14, $0x0, v49;
	v33 =	vor.u32 v58, v33  }
0x269: {  	vm0 =	vgt.s32 v49, $0xFFFFFFFF;
	v55 =	vsel vm5, v51, v25;
	v34 =	vor.u32 v35, v33;
	v25 =	vld.idx.msk [tilespmem:v56+s17+$0x0], $0xffff  }
0x26a: {  	vm15 =	vgt.s32 v62, $0xFFFFFFFF;
	v21 =	vmax.f32 v21, $0.0e+00;
	v59 =	vadd.s32 $0xFFFFFFFF, v37;
	v36 =	vld.idx.msk [tilespmem:v47+s17+$0x0], $0xffff  }
0x26b: {  	v52 =	vld.idx.msk [tilespmem:v32+s16+$0x0], $0xffff;
	vm9 =	vle.f32 v38, v15;
	v45 =	vadd.s32 $0xFFFFFFFE, v37;
	vm8 =	vgt.s32 v59, $0x0  }
0x26c: {  	v46 =	vld.idx.msk [tilespmem:v57+s16+$0x0], $0xffff;
	v49 =	vsel vm9, $0x80, v8;
	vm10 =	vgt.s32 v45, $0x0;
	v61 =	vnsel vm8, $0x0, v59  }
0x26d: {  	vm12 =	vgt.s32 v62, $0x0;
	v20 =	vld.idx.msk [tilespmem:v53+s16+$0x0], $0xffff;
	v51 =	vadd.s32 v49, v16;
	v48 =	vnsel vm10, $0x0, v45  }
0x26e: {  	v24 =	vsub.f32 v31, v55;
	v47 =	vld.idx.msk [tilespmem:v34+s17+$0x0], $0xffff;
	v40 =	vadd.s32 $0x200, v51;
	vm11 =	vle.f32 v25, v14  }
0x26f: {  	v60 =	vld.idx.msk [tilespmem:v37+s16+$0x0], $0xffff;
	v37 =	vadd.s32 $0x1, v37;
	v53 =	vsel vm11, $0x80, v8;
	vm7 =	vle.f32 v36, v11  }
0x270: {  	v24 =	vmax.f32 v24, $0.0e+00;
	v54 =	vadd.s32 v53, v13;
	v36 =	vsel vm7, $0x100, v8  }
0x271: {  	v22 =	vadd.f32 v24, v22;
	v50 =	vld.idx.msk [tilespmem:v61+s16+$0x0], $0xffff;
	v55 =	vadd.s32 $0x200, v54;
	v36 =	vor.u32 v36, v43  }
0x272: {  	v56 =	vnsel vm12, $0x0, v62;
	v24 =	vsub.f32 v9, v46;
	v31 =	vld.idx.msk [tilespmem:v48+s16+$0x0], $0xffff;
	v63 =	vor.u32 v19, v36  }
0x273: {  	v21 =	vadd.f32 v21, v22;
	vm13 =	vgt.s32 v59, $0xFFFFFFFF;
	v20 =	vsub.f32 v9, v20;
	v40 =	vld.idx.msk [tilespmem:v40+s17+$0x0], $0xffff  }
0x274: {  	v44 =	vand.u32 $0x7FFFFFFF, v24;
	v25 =	vsub.f32 v9, v52;
	vm14 =	vle.f32 v47, v10;
	v59 =	vld.idx.msk [tilespmem:v37+s16+$0x0], $0xffff  }
0x275: {  	v20 =	vand.u32 $0x7FFFFFFF, v20;
	vm11 =	vgt.s32 v45, $0xFFFFFFFF;
	v57 =	vsel vm14, $0x200, v8  }
0x276: {  	v25 =	vand.u32 $0x7FFFFFFF, v25;
	v30 =	vsub.f32 v12, v60;
	v58 =	vor.u32 v57, v35;
	v22 =	vld.idx.msk [tilespmem:v55+s17+$0x0], $0xffff  }
0x277: {  	v33 =	vor.u32 v33, v58;
	v38 =	vsub.f32 v12, v50;
	v31 =	vsub.f32 v12, v31;
	v42 =	vld.idx.msk [tilespmem:v63+s17+$0x0], $0xffff  }
0x278: {  	v20 =	vnsel vm0, $0x7F800000, v20;
	v30 =	vand.u32 $0x7FFFFFFF, v30;
	vm10 =	vle.f32 v40, v15;
	v63 =	vld.idx.msk [tilespmem:v56+s16+$0x0], $0xffff  }
0x279: {  	v41 =	vsub.f32 v12, v59;
	v38 =	vand.u32 $0x7FFFFFFF, v38;
	v31 =	vand.u32 $0x7FFFFFFF, v31  }
0x27a: {  	v43 =	vsel vm10, $0x100, v8;
	v61 =	vnsel vm13, $0x7F800000, v38;
	v31 =	vnsel vm11, $0x7F800000, v31  }
0x27b: {  	v12 =	vand.u32 $0x7FFFFFFF, v41;
	v62 =	vmin.f32 v61, v30;
	vm12 =	vle.f32 v22, v14  }
0x27c: {  	v45 =	vsel vm12, $0x100, v8;
	vm8 =	vle.f32 v42, v11;
	v42 =	vld.idx.msk [tilespmem:v33+s10+$0x0], $0xffff;
	v33 =	vor.u32 v43, v49  }
0x27d: {  	v9 =	vsub.f32 v9, v63;
	v24 =	vor.u32 v45, v53;
	v34 =	vor.u32 v16, v33  }
0x27e: {  	vm9 =	vle.f32 v61, v30;
	v60 =	vsel vm8, $0x200, v8;
	v47 =	vor.u32 v13, v24  }
0x27f: {  	v30 =	vmax.f32 v61, v30;
	v19 =	vor.u32 v60, v19;
	v9 =	vand.u32 $0x7FFFFFFF, v9  }
0x280: {  	v12 =	vsel vm9, v31, v12;
	v19 =	vor.u32 v36, v19;
	v9 =	vnsel vm15, $0x7F800000, v9  }
0x281: {  	vm13 =	vgt.f32 v28, v62;
	v12 =	vmin.f32 v30, v12;
	v50 =	vmin.f32 v9, v25  }
0x282: {  	vm15 =	vle.f32 v9, v25;
	v9 =	vmax.f32 v9, v25;
	v46 =	vadd.s32 $0xFFFFFFFE, v42;
	v34 =	vld.idx.msk [tilespmem:v34+s17+$0x0], $0xffff  }
0x283: {  	v20 =	vsel vm15, v20, v44;
	vm5 =	vgt.f32 v29, v50;
	v52 =	vadd.s32 $0x1, v42;
	v53 =	vld.idx.msk [tilespmem:v47+s17+$0x0], $0xffff  }
0x284: {  	v58 =	vadd.s32 $0xFFFFFFFF, v42;
	vm14 =	vgt.s32 v46, $0x0;
	v9 =	vmin.f32 v9, v20  }
0x285: {  	vm9 =	vgt.s32 v58, $0x0;
	v48 =	vnsel vm14, $0x0, v46;
	v9 =	vsel vm5, v50, v9;
	v19 =	vld.idx.msk [tilespmem:v19+s10+$0x0], $0xffff  }
0x286: {  	v12 =	vsel vm13, v62, v12;
	v59 =	vnsel vm9, $0x0, v58;
	v9 =	vsub.f32 v29, v9  }
0x287: {  	v12 =	vsub.f32 v28, v12;
	vm7 =	vle.f32 v34, v15  }
0x288: {  	v23 =	vld.idx.msk [tilespmem:v42+s16+$0x0], $0xffff;
	v9 =	vmax.f32 v9, $0.0e+00;
	vm8 =	vle.f32 v53, v14;
	v34 =	vsel vm7, $0x200, v8  }
0x289: {  	v20 =	vld.idx.msk [tilespmem:v52+s16+$0x0], $0xffff;
	v9 =	vadd.f32 v9, v21;
	v25 =	vsel vm8, $0x200, v8;
	v16 =	vor.u32 v34, v16  }
0x28a: {  	v55 =	vld.idx.msk [tilespmem:v48+s16+$0x0], $0xffff;
	v49 =	vadd.s32 $0xFFFFFFFF, v19;
	v13 =	vor.u32 v25, v13;
	v16 =	vor.u32 v33, v16  }
0x28b: {  	v21 =	vld.idx.msk [tilespmem:v59+s16+$0x0], $0xffff;
	v54 =	vadd.s32 $0xFFFFFFFE, v19;
	vm4 =	vgt.s32 v49, $0x0;
	v13 =	vor.u32 v24, v13  }
0x28c: {  	v18 =	vand.u32 $0x7FFFFFFF, v18;
	vm6 =	vgt.s32 v54, $0x0;
	v51 =	vnsel vm4, $0x0, v49  }
0x28d: {  	v17 =	vand.u32 $0x7FFFFFFF, v17;
	v12 =	vmax.f32 v12, $0.0e+00;
	v57 =	vnsel vm6, $0x0, v54  }
0x28e: {  	vm10 =	vgt.s32 v46, $0xFFFFFFFF;
	vm12 =	vgt.s32 v58, $0xFFFFFFFF;
	v9 =	vadd.f32 v12, v9;
	v56 =	vld.idx.msk [tilespmem:v19+s16+$0x0], $0xffff  }
0x28f: {  	v58 =	vand.u32 $0x7FFFFFFF, v26;
	v23 =	vsub.f32 v10, v23;
	v20 =	vsub.f32 v10, v20;
	v16 =	vld.idx.msk [tilespmem:v16+s10+$0x0], $0xffff  }
0x290: {  	vm11 =	vgt.s32 v49, $0xFFFFFFFF;
	v60 =	vsub.f32 v10, v55;
	v10 =	vsub.f32 v10, v21;
	v13 =	vld.idx.msk [tilespmem:v13+s10+$0x0], $0xffff  }
0x291: {  	vm13 =	vgt.s32 v54, $0xFFFFFFFF;
	v23 =	vand.u32 $0x7FFFFFFF, v23;
	v19 =	vadd.s32 $0x1, v19;
	v22 =	vld.idx.msk [tilespmem:v51+s16+$0x0], $0xffff  }
0x292: {  	v20 =	vand.u32 $0x7FFFFFFF, v20;
	v63 =	vand.u32 $0x7FFFFFFF, v60;
	v10 =	vand.u32 $0x7FFFFFFF, v10;
	v61 =	vld.idx.msk [tilespmem:v57+s16+$0x0], $0xffff  }
0x293: {  	v10 =	vnsel vm12, $0x7F800000, v10;
	v57 =	vand.u32 $0x7FFFFFFF, v27;
	v28 =	vsub.f32 v11, v56  }
0x294: {  	v46 =	vmin.f32 v10, v23;
	vm2 =	vle.f32 v10, v23;
	v10 =	vmax.f32 v10, v23  }
0x295: {  	vm7 =	vgt.f32 v18, v46;
	v34 =	vand.u32 $0x7FFFFFFF, v28;
	v38 =	vadd.s32 $0xFFFFFFFE, v16  }
0x296: {  	v19 =	vld.idx.msk [tilespmem:v19+s16+$0x0], $0xffff;
	v41 =	vadd.s32 $0xFFFFFFFF, v16;
	v42 =	vadd.s32 $0xFFFFFFFF, v13;
	v43 =	vadd.s32 $0x1, v16  }
0x297: {  	v44 =	vadd.s32 $0xFFFFFFFE, v13;
	v62 =	vsub.f32 v11, v22;
	v36 =	vsub.f32 v11, v61  }
0x298: {  	vm14 =	vgt.s32 v38, $0x0;
	vm15 =	vgt.s32 v42, $0x0;
	v22 =	vnsel vm10, $0x7F800000, v63  }
0x299: {  	vm5 =	vgt.s32 v44, $0x0;
	vm6 =	vgt.s32 v41, $0x0;
	v40 =	vnsel vm14, $0x0, v38  }
0x29a: {  	vm9 =	vgt.s32 v38, $0xFFFFFFFF;
	vm10 =	vgt.s32 v42, $0xFFFFFFFF;
	v45 =	vnsel vm15, $0x0, v42  }
0x29b: {  	vm12 =	vgt.s32 v44, $0xFFFFFFFF;
	v11 =	vsub.f32 v11, v19;
	v47 =	vnsel vm5, $0x0, v44;
	v48 =	vld.idx.msk [tilespmem:v13+s16+$0x0], $0xffff  }
0x29c: {  	v20 =	vsel vm2, v22, v20;
	v49 =	vnsel vm6, $0x0, v41;
	v12 =	vand.u32 $0x7FFFFFFF, v62;
	v16 =	vld.idx.msk [tilespmem:v16+s16+$0x0], $0xffff  }
0x29d: {  	v37 =	vand.u32 $0x7FFFFFFF, v36;
	v10 =	vmin.f32 v10, v20;
	v13 =	vadd.s32 $0x1, v13;
	v50 =	vld.idx.msk [tilespmem:v43+s16+$0x0], $0xffff  }
0x29e: {  	v12 =	vnsel vm11, $0x7F800000, v12;
	v39 =	vnsel vm13, $0x7F800000, v37;
	v10 =	vsel vm7, v46, v10;
	v21 =	vld.idx.msk [tilespmem:v40+s16+$0x0], $0xffff  }
0x29f: {  	v11 =	vand.u32 $0x7FFFFFFF, v11;
	vm1 =	vle.f32 v12, v34;
	v10 =	vsub.f32 v18, v10;
	v51 =	vld.idx.msk [tilespmem:v45+s16+$0x0], $0xffff  }
0x2a0: {  	v28 =	vmin.f32 v12, v34;
	v12 =	vmax.f32 v12, v34;
	v11 =	vsel vm1, v39, v11;
	v53 =	vld.idx.msk [tilespmem:v47+s16+$0x0], $0xffff  }
0x2a1: {  	vm8 =	vgt.f32 v17, v28;
	v11 =	vmin.f32 v12, v11;
	v10 =	vmax.f32 v10, $0.0e+00;
	v55 =	vld.idx.msk [tilespmem:v49+s16+$0x0], $0xffff  }
0x2a2: {  	v11 =	vsel vm8, v28, v11;
	v54 =	vsub.f32 v14, v48;
	v16 =	vsub.f32 v15, v16;
	v13 =	vld.idx.msk [tilespmem:v13+s16+$0x0], $0xffff  }
0x2a3: {  	vm11 =	vgt.s32 v41, $0xFFFFFFFF;
	v9 =	vadd.f32 v10, v9;
	v11 =	vsub.f32 v17, v11  }
0x2a4: {  	v56 =	vand.u32 $0x7FFFFFFF, v54;
	v19 =	vsub.f32 v15, v50;
	v16 =	vand.u32 $0x7FFFFFFF, v16  }
0x2a5: {  	v11 =	vmax.f32 v11, $0.0e+00;
	v52 =	vsub.f32 v15, v21;
	v12 =	vsub.f32 v14, v51  }
0x2a6: {  	v18 =	vsub.f32 v14, v53;
	v59 =	vsub.f32 v15, v55;
	v19 =	vand.u32 $0x7FFFFFFF, v19  }
0x2a7: {  	v13 =	vsub.f32 v14, v13;
	v10 =	vand.u32 $0x7FFFFFFF, v52;
	v12 =	vand.u32 $0x7FFFFFFF, v12  }
0x2a8: {  	v18 =	vand.u32 $0x7FFFFFFF, v18;
	v15 =	vand.u32 $0x7FFFFFFF, v59;
	v12 =	vnsel vm10, $0x7F800000, v12  }
0x2a9: {  	v61 =	vnsel vm11, $0x7F800000, v15;
	v62 =	vnsel vm12, $0x7F800000, v18;
	v10 =	vnsel vm9, $0x7F800000, v10  }
0x2aa: {  	v13 =	vand.u32 $0x7FFFFFFF, v13;
	v60 =	vmin.f32 v12, v56;
	vm13 =	vle.f32 v61, v16  }
0x2ab: {  	v63 =	vmin.f32 v61, v16;
	v14 =	vmax.f32 v61, v16;
	v10 =	vsel vm13, v10, v19  }
0x2ac: {  	vm1 =	vle.f32 v12, v56;
	vm14 =	vgt.f32 v57, v63;
	v10 =	vmin.f32 v14, v10  }
0x2ad: {  	v12 =	vmax.f32 v12, v56;
	v13 =	vsel vm1, v62, v13;
	v10 =	vsel vm14, v63, v10  }
0x2ae: {  	vm15 =	vgt.f32 v58, v60;
	v12 =	vmin.f32 v12, v13;
	v10 =	vsub.f32 v57, v10  }
0x2af: {  	v9 =	vadd.f32 v11, v9;
	v11 =	vsel vm15, v60, v12  }
0x2b0: {  	v11 =	vsub.f32 v58, v11;
	v10 =	vmax.f32 v10, $0.0e+00  }
0x2b1: {  	v9 =	vadd.f32 v10, v9  }
0x2b2: {  	v10 =	vmax.f32 v11, $0.0e+00  }
0x2b3: {  	s19 =	sadd.s32 $0x1, s19;
	v9 =	vadd.f32 v10, v9  }
0x2b4: {  	p0 =	sne.s32 s19, s9  }
.Ltmp1:
0x2b5: {  	[tilespmem:$0x1800] =	vst v9;
	(pc) =	sbr.rel @p0 .LBB2_1-.Ltmp1, $4  }
0x2b6: {  	[hbm4b:s8+s3] =	stream.linear.scatter [tilespmem:s18], [sflag:$0x2], $0x80, $0x38;
	[tilespmem:$0x1880] =	vst v63  }
0x2b7: {  	_ =	swait.ge [sflag:s14], $0x80  }
0x2b8: {  	[sflag:s14] =	ssyncset.done $0x0  }
0x2b9: {  	[sflag:s14] =	ssyncadd.s32 $0xFFFFFF80  }
0x2ba: {  	_ =	sfence.sel $0x180000  }
0x2bb: {  	[bflag:$0x0] =	sbarrier.arrive $0xFFFF  }
0x2bc: {  	p0 =	sne.s32 s2, $0x0;
	_ =	strace $0x9000004A  }
0x2bd: {  	s0 =	sadd.s32 @!p0 $0x100000, s0;
	[bflag:$0x2] =	sbarrier.arrive $0xFFFF  }
0x2be: {  	[sflag:s0] =	ssyncadd.tile.s32 @!p0 $0x1;
	_ =	shalt  }
.Lfunc_end2:
_tile_overlayer_lowered:
.L_overlay_start_2:
0x2bf: {  	(tag) =	ssettag $0x2  }
0x2c0: {  	s0 =	rddreg [dreg:$0x0];
	s2 =	stileid.u32  }
0x2c1: {  	s1 =	rddreg [dreg:$0x1];
	p0 =	sne.s32 s2, $0x0  }
0x2c2: {  	s3 =	rddreg [dreg:$0x2];
	[bflag:$0x3] =	sbarrier.arrive $0xFFFF;
	s2 =	simm.s32 @!p0 $0x1C02  }
0x2c3: {  	[timem:s3], [sflag:s2] =	dma.local @!p0 [hbm:s0], s1  }
0x2c4: {  	s0 =	simm.s32 @!p0 $0x2  }
0x2c5: {  	_ =	swait.ge @!p0 [sflag:s0], s1  }
0x2c6: {  	s1 =	ssub.s32 @!p0 $0x0, s1;
	[sflag:s0] =	ssyncset.done @!p0 $0x0  }
0x2c7: {  	[sflag:s0] =	ssyncadd.s32 @!p0 s1  }
0x2c8: {  	[bflag:$0x3] =	sbarrier.arrive $0xFFFF  }
0x2c9: {  	_ =	shalt  }

</sc_bundles>
